<compile_context>
chip_gen: v7x
topology: tpu7x:2x2x1
jax: 0.10.2.dev20260603
libtpu: 0.0.44.dev20260713+nightly
codegen_flags: <defaults>
</compile_context>

<pallas_src>
import jax
import jax.numpy as jnp
from jax import lax
from jax.experimental import pallas as pl
from jax.experimental.pallas import tpu as pltpu
from jax.experimental.pallas import tpu_sc as plsc

N_NODES = 10000
D_FEAT = 128
HID = 128
N_CLS = 64
N_EDGES = 320000

NC = 2
NS = 16
NW = NC * NS
L = 16

CHUNK = 80

EDGES_PER_TILE = N_EDGES // NS
NCHUNKS = EDGES_PER_TILE // CHUNK
NODES_PER_SC = N_NODES // NC
DUMP_ROWS = NS
ACC_ROWS = NODES_PER_SC + DUMP_ROWS
ROWS_MAIN = 312
REM_ROWS = NODES_PER_SC - NS * ROWS_MAIN
REM_BASE = NS * ROWS_MAIN

DEG_EDGES_PER_TILE = N_EDGES // NW
DEG_NCHUNKS = DEG_EDGES_PER_TILE // CHUNK
DEG_W = 16
DROWS_MAIN = 624
DREM_ROWS = N_NODES - NS * DROWS_MAIN
DREM_BASE = NS * DROWS_MAIN

_mesh = plsc.VectorSubcoreMesh(core_axis_name="c", subcore_axis_name="s")


def _zero_fill(buf, nrows, width):
    def row(i, _):
        def col(j, _):
            buf[i, pl.ds(j * L, L)] = jnp.zeros((L,), jnp.float32)
            return 0
        return lax.fori_loop(0, width // L, col, 0)
    lax.fori_loop(0, nrows, row, 0)


def _set_idx(idx_v, base, off, lim):
    iota = lax.iota(jnp.int32, L)

    def one(k, _):
        j = off + k * L
        idx_v[pl.ds(k * L, L)] = base + jnp.minimum(j + iota, lim)
        return 0
    lax.fori_loop(0, CHUNK // L, one, 0)


def _deg_sc_fn(dst_hbm, out0, out1, idx_v, ones_v, zer_v, acc, sem):
    c = lax.axis_index("c")
    s = lax.axis_index("s")
    wid = s * NC + c

    _zero_fill(zer_v, CHUNK, DEG_W)

    def fill_ones(i, _):
        ones_v[i, :] = jnp.full((DEG_W,), 1.0, jnp.float32)
        return 0
    lax.fori_loop(0, CHUNK, fill_ones, 0)

    my_rows = s * DROWS_MAIN

    def zblk(b, _):
        _set_idx(idx_v, my_rows, b * CHUNK, DROWS_MAIN - 1)
        pltpu.sync_copy(zer_v, acc.at[idx_v])
        return 0
    lax.fori_loop(0, (DROWS_MAIN + CHUNK - 1) // CHUNK, zblk, 0)

    @pl.when(s == 0)
    def _():
        _set_idx(idx_v, DREM_BASE, 0, DREM_ROWS - 1)
        pltpu.sync_copy(zer_v, acc.at[idx_v])
    plsc.subcore_barrier()

    base = wid * DEG_EDGES_PER_TILE

    def body(i, _):
        pltpu.sync_copy(dst_hbm.at[pl.ds(base + i * CHUNK, CHUNK)], idx_v)
        pltpu.sync_copy(ones_v, acc.at[idx_v], add=True)
        return 0
    lax.fori_loop(0, DEG_NCHUNKS, body, 0)
    plsc.subcore_barrier()

    def copy_out(dst):
        nfull = DROWS_MAIN // CHUNK
        tail = DROWS_MAIN - nfull * CHUNK
        for b in range(nfull):
            _set_idx(idx_v, my_rows, b * CHUNK, DROWS_MAIN - 1)
            pltpu.async_copy(acc.at[idx_v], zer_v, sem).wait()
            pltpu.sync_copy(zer_v, dst.at[pl.ds(my_rows + b * CHUNK, CHUNK)])
        _set_idx(idx_v, my_rows, nfull * CHUNK, DROWS_MAIN - 1)
        pltpu.async_copy(acc.at[idx_v], zer_v, sem).wait()
        pltpu.sync_copy(zer_v.at[pl.ds(0, tail)],
                        dst.at[pl.ds(my_rows + nfull * CHUNK, tail)])

        @pl.when(s == 0)
        def _():
            _set_idx(idx_v, DREM_BASE, 0, DREM_ROWS - 1)
            pltpu.async_copy(acc.at[idx_v], zer_v, sem).wait()
            pltpu.sync_copy(zer_v.at[pl.ds(0, DREM_ROWS)],
                            dst.at[pl.ds(DREM_BASE, DREM_ROWS)])

    @pl.when(c == 0)
    def _():
        copy_out(out0)

    @pl.when(c == 1)
    def _():
        copy_out(out1)


_deg_sc = pl.kernel(
    _deg_sc_fn,
    out_type=(jax.ShapeDtypeStruct((N_NODES, DEG_W), jnp.float32),
              jax.ShapeDtypeStruct((N_NODES, DEG_W), jnp.float32)),
    mesh=_mesh,
    scratch_types=[
        pltpu.VMEM((CHUNK,), jnp.int32),
        pltpu.VMEM((CHUNK, DEG_W), jnp.float32),
        pltpu.VMEM((CHUNK, DEG_W), jnp.float32),
        pltpu.VMEM_SHARED((N_NODES, DEG_W), jnp.float32),
        pltpu.SemaphoreType.DMA,
    ],
)


def _agg_sc_fn(y_hbm, src_hbm, dst_hbm, out,
               si_v, di_v, rows_v, si_b, di_b, rows_b, zer_v, acc,
               sem, sem_b):
    c = lax.axis_index("c")
    s = lax.axis_index("s")

    _zero_fill(zer_v, CHUNK, D_FEAT)
    my_rows = s * ROWS_MAIN
    lo = c * NODES_PER_SC
    dump = NODES_PER_SC + s

    def zblk(b, _):
        _set_idx(di_v, my_rows, b * CHUNK, ROWS_MAIN - 1)
        pltpu.sync_copy(zer_v, acc.at[di_v])
        return 0
    lax.fori_loop(0, (ROWS_MAIN + CHUNK - 1) // CHUNK, zblk, 0)

    @pl.when(s == 0)
    def _():
        _set_idx(di_v, REM_BASE, 0, REM_ROWS + DUMP_ROWS - 1)
        pltpu.sync_copy(zer_v, acc.at[di_v])
    plsc.subcore_barrier()

    base = s * EDGES_PER_TILE

    def load_idx(e0, si, di):
        pltpu.sync_copy(src_hbm.at[pl.ds(e0, CHUNK)], si)
        pltpu.sync_copy(dst_hbm.at[pl.ds(e0, CHUNK)], di)

    def redirect(di):
        for k in range(CHUNK // L):
            d = di[pl.ds(k * L, L)]
            local = d - lo
            ok = (local >= 0) & (local < NODES_PER_SC)
            di[pl.ds(k * L, L)] = jnp.where(ok, local, dump)

    npairs = NCHUNKS // 2

    def body(g, _):
        e0 = base + 2 * g * CHUNK
        load_idx(e0, si_v, di_v)
        cp_a = pltpu.async_copy(y_hbm.at[si_v], rows_v, sem)
        load_idx(e0 + CHUNK, si_b, di_b)
        cp_b = pltpu.async_copy(y_hbm.at[si_b], rows_b, sem_b)
        cp_a.wait()
        redirect(di_v)
        pltpu.sync_copy(rows_v, acc.at[di_v], add=True)
        cp_b.wait()
        redirect(di_b)
        pltpu.sync_copy(rows_b, acc.at[di_b], add=True)
        return 0
    lax.fori_loop(0, npairs, body, 0)
    plsc.subcore_barrier()

    nfull = ROWS_MAIN // CHUNK
    tail = ROWS_MAIN - nfull * CHUNK
    for b in range(nfull):
        _set_idx(di_v, my_rows, b * CHUNK, ROWS_MAIN - 1)
        pltpu.async_copy(acc.at[di_v], rows_v, sem).wait()
        pltpu.sync_copy(rows_v, out.at[pl.ds(lo + my_rows + b * CHUNK, CHUNK)])
    _set_idx(di_v, my_rows, nfull * CHUNK, ROWS_MAIN - 1)
    pltpu.async_copy(acc.at[di_v], rows_v, sem).wait()
    pltpu.sync_copy(rows_v.at[pl.ds(0, tail)],
                    out.at[pl.ds(lo + my_rows + nfull * CHUNK, tail)])

    @pl.when(s == 0)
    def _():
        _set_idx(di_v, REM_BASE, 0, REM_ROWS - 1)
        pltpu.async_copy(acc.at[di_v], rows_v, sem).wait()
        pltpu.sync_copy(rows_v.at[pl.ds(0, REM_ROWS)],
                        out.at[pl.ds(lo + REM_BASE, REM_ROWS)])


_agg_sc = pl.kernel(
    _agg_sc_fn,
    out_type=jax.ShapeDtypeStruct((N_NODES, D_FEAT), jnp.float32),
    mesh=_mesh,
    scratch_types=[
        pltpu.VMEM((CHUNK,), jnp.int32),
        pltpu.VMEM((CHUNK,), jnp.int32),
        pltpu.VMEM((CHUNK, D_FEAT), jnp.float32),
        pltpu.VMEM((CHUNK,), jnp.int32),
        pltpu.VMEM((CHUNK,), jnp.int32),
        pltpu.VMEM((CHUNK, D_FEAT), jnp.float32),
        pltpu.VMEM((CHUNK, D_FEAT), jnp.float32),
        pltpu.VMEM_SHARED((ACC_ROWS, D_FEAT), jnp.float32),
        pltpu.SemaphoreType.DMA,
        pltpu.SemaphoreType.DMA,
    ],
)



_RB = 1000


def _dinv_of(dsum):
    return lax.rsqrt(dsum[:, 0])


def _t1_body(x_ref, w_ref, xw_ref):
    xw_ref[...] = jnp.dot(x_ref[...], w_ref[...],
                          preferred_element_type=jnp.float32)


def _t2_body(a_ref, xw1_ref, ds_ref, w2_ref, b1_ref,
             h1_ref, xw2_ref):
    dinv = _dinv_of(ds_ref[...])
    h1 = jnp.maximum(
        a_ref[...] * dinv[:, None] + xw1_ref[...] * (dinv * dinv)[:, None]
        + b1_ref[...], 0.0)
    h1_ref[...] = h1
    xw2_ref[...] = jnp.dot(h1, w2_ref[...],
                           preferred_element_type=jnp.float32)


def _t3_body(g_ref, xw2_ref, ds_ref, h1_ref,
             wo1_ref, wo2_ref, b2_ref, bo_ref, out_ref):
    dinv = _dinv_of(ds_ref[...])
    h2 = jnp.maximum(
        g_ref[...] * dinv[:, None] + xw2_ref[...] * (dinv * dinv)[:, None]
        + b2_ref[...], 0.0)
    logits = (jnp.dot(h1_ref[...], wo1_ref[...],
                      preferred_element_type=jnp.float32)
              + jnp.dot(h2, wo2_ref[...],
                        preferred_element_type=jnp.float32)
              + bo_ref[...])
    m = jnp.max(logits, axis=1, keepdims=True)
    lse = m + jnp.log(jnp.sum(jnp.exp(logits - m), axis=1, keepdims=True))
    out_ref[...] = logits - lse


def _row_spec(width):
    return pl.BlockSpec((_RB, width), lambda i: (i, 0))


def _full_spec(shape):
    return pl.BlockSpec(shape, lambda i: (0,) * len(shape))


_GRID = N_NODES // _RB


def _t1(x, w1):
    return pl.pallas_call(
        _t1_body,
        grid=(_GRID,),
        in_specs=[_row_spec(D_FEAT), _full_spec((D_FEAT, HID))],
        out_specs=[_row_spec(HID)],
        out_shape=[jax.ShapeDtypeStruct((N_NODES, HID), jnp.float32)],
    )(x, w1)[0]


def _t2(a, xw1, dsum, w2, b1):
    return pl.pallas_call(
        _t2_body,
        grid=(_GRID,),
        in_specs=[_row_spec(HID), _row_spec(HID), _row_spec(DEG_W),
                  _full_spec((HID, HID)), _full_spec((1, HID))],
        out_specs=[_row_spec(HID)] * 2,
        out_shape=[jax.ShapeDtypeStruct((N_NODES, HID), jnp.float32)] * 2,
    )(a, xw1, dsum, w2, b1)


def _t3(g, xw2, dsum, h1, wo1, wo2, b2, bo):
    return pl.pallas_call(
        _t3_body,
        grid=(_GRID,),
        in_specs=[_row_spec(HID), _row_spec(HID),
                  _row_spec(DEG_W), _row_spec(HID),
                  _full_spec((HID, N_CLS)), _full_spec((HID, N_CLS)),
                  _full_spec((1, HID)), _full_spec((1, N_CLS))],
        out_specs=[_row_spec(N_CLS)],
        out_shape=[jax.ShapeDtypeStruct((N_NODES, N_CLS), jnp.float32)],
    )(g, xw2, dsum, h1, wo1, wo2, b2, bo)[0]


def kernel(x, edge_index, W1, b1, W2, b2, Wo, bo):
    ei = edge_index.astype(jnp.int32)
    src = ei[0]
    dst = ei[1]

    d0, d1 = _deg_sc(dst)
    dsum = d0 + d1 + 1.0
    dinv = lax.rsqrt(dsum[:, 0])
    xw1 = _t1(x, W1)
    a = _agg_sc(xw1 * dinv[:, None], src, dst)
    h1, xw2 = _t2(a, xw1, dsum, W2, b1.reshape(1, HID))
    g = _agg_sc(xw2 * dinv[:, None], src, dst)
    out = _t3(g, xw2, dsum, h1,
              Wo[:HID], Wo[HID:], b2.reshape(1, HID), bo.reshape(1, N_CLS))
    return out

# --- scband reference (transcript-rebuilt; emitter-appended) ---
"""Pipeline reference for scband-gcn-77988016161258 (READ-ONLY COPY).

The authoritative reference and input builder live on the scoring server;
editing this copy changes nothing except your own understanding.
"""

import jax, jax.numpy as jnp
import numpy as np

N_NODES = 10000
D_FEAT = 128
HIDDEN = [128, 128]
NUM_CLASSES = 64


def gcn_conv(x, edge_index, W, b):
    num_nodes = x.shape[0]
    src = edge_index[0]
    dst = edge_index[1]
    # add self loops (PyG GCNConv default)
    loop = jnp.arange(num_nodes, dtype=src.dtype)
    src = jnp.concatenate([src, loop])
    dst = jnp.concatenate([dst, loop])
    # symmetric normalization D^{-1/2} A D^{-1/2}
    deg = jnp.zeros((num_nodes,), dtype=x.dtype).at[dst].add(1.0)
    dinv = jnp.where(deg > 0, deg ** -0.5, 0.0)
    norm = dinv[src] * dinv[dst]
    xw = x @ W
    msgs = xw[src] * norm[:, None]
    out = jax.ops.segment_sum(msgs, dst, num_segments=num_nodes)
    return out + b


def setup_inputs(seed: int = 0) -> dict:
    key = jax.random.key(seed)
    k_x, k_e, k_w1, k_w2, k_wo = jax.random.split(key, 5)
    x = jax.random.normal(k_x, (N_NODES, D_FEAT), dtype=jnp.float32)
    edge_index = jax.random.randint(k_e, (2, 320000), 0, N_NODES, dtype=jnp.int64)
    s1 = 1.0 / np.sqrt(D_FEAT)
    s2 = 1.0 / np.sqrt(HIDDEN[0])
    so = 1.0 / np.sqrt(sum(HIDDEN))
    W1 = jax.random.uniform(k_w1, (D_FEAT, HIDDEN[0]), jnp.float32, -s1, s1)
    b1 = jnp.zeros((HIDDEN[0],), jnp.float32)
    W2 = jax.random.uniform(k_w2, (HIDDEN[0], HIDDEN[1]), jnp.float32, -s2, s2)
    b2 = jnp.zeros((HIDDEN[1],), jnp.float32)
    Wo = jax.random.uniform(k_wo, (sum(HIDDEN), NUM_CLASSES), jnp.float32, -so, so)
    bo = jnp.zeros((NUM_CLASSES,), jnp.float32)
    return {"x": x, "edge_index": edge_index, "W1": W1, "b1": b1, "W2": W2, "b2": b2, "Wo": Wo, "bo": bo}


def reference(x, edge_index, W1, b1, W2, b2, Wo, bo):
    # layer 1
    h1 = jax.nn.relu(gcn_conv(x, edge_index, W1, b1))
    # dropout p=0.0 / eval mode -> identity
    # layer 2
    h2 = jax.nn.relu(gcn_conv(h1, edge_index, W2, b2))
    # concat all layer outputs (jumping-knowledge style)
    cat = jnp.concatenate([h1, h2], axis=1)
    logits = cat @ Wo + bo
    return jax.nn.log_softmax(logits, axis=1)

if __name__ == "__main__":
    import jax
    _d = setup_inputs()
    print(jax.jit(kernel)(*tuple(_d.values())))

</pallas_src>

<mosaic_0001>
#map = affine_map<(d0, d1) -> (0)>
#map1 = affine_map<(d0, d1) -> (0, 0)>
module attributes {stable_mosaic.version = 14 : i64} {
  func.func @_deg_sc_fn(%arg0: i32, %arg1: i32, %arg2: memref<320000xi32, #tpu.memory_space<hbm>>, %arg3: memref<10000x16xf32, #tpu.memory_space<hbm>>, %arg4: memref<10000x16xf32, #tpu.memory_space<hbm>>, %arg5: memref<80xi32, #tpu.memory_space<vmem>>, %arg6: memref<80x16xf32, #tpu.memory_space<vmem>>, %arg7: memref<80x16xf32, #tpu.memory_space<vmem>>, %arg8: memref<10000x16xf32, #tpu.memory_space<vmem_shared>>, %arg9: memref<!tpu.dma_semaphore, #tpu.memory_space<semaphore_mem>>) attributes {dimension_semantics = [#tpu.dimension_semantics<core_parallel>, #tpu.dimension_semantics<subcore_parallel>], iteration_bounds = array<i64: 2, 16>, scalar_prefetch = 0 : i64, scratch_operands = 5 : i64, tpu.core_type = #tpu.core_type<sc_vector_subcore>, window_params = [{transform_indices = #map}, {transform_indices = #map1}, {transform_indices = #map1}]} {
    %mul3A = arith.constant 2 : i32
    %mul3A_0 = arith.muli %arg1, %mul3A : i32
    %add3A = arith.addi %mul3A_0, %arg0 : i32
    %scan3A = arith.constant 0 : i32
    %scan3A_1 = arith.constant 0 : i32
    %scan3A_2 = arith.constant 80 : i32
    %scan3A_3 = arith.addi %scan3A_1, %scan3A_2 : i32
    %scan3A_4 = arith.constant 1 : i32
    %scan3A_5 = scf.for %scan3A_45 = %scan3A_1 to %scan3A_3 step %scan3A_4 iter_args(%scan3A_46 = %scan3A) -> (i32)  : i32 {
      %scan3A_47 = arith.constant 0 : i32
      %scan3A_48 = arith.constant 0 : i32
      %broadcast_in_dim3A = arith.constant 0.000000e+00 : f32
      %broadcast_in_dim3A_49 = vector.broadcast %broadcast_in_dim3A : f32 to vector<16xf32>
      %mul3A_50 = arith.constant 16 : i32
      %mul3A_51 = arith.muli %scan3A_48, %mul3A_50 : i32
      %swap3A = arith.index_cast %scan3A_45 : i32 to index
      %swap3A_52 = arith.index_cast %mul3A_51 : i32 to index
      %swap3A_53 = tpu.vector_load %arg7[%swap3A, %swap3A_52] {strides = array<i32>} : memref<80x16xf32, #tpu.memory_space<vmem>>, vector<1x16xf32>,
      %swap3A_54 = vector.shape_cast %swap3A_53 : vector<1x16xf32> to vector<16xf32>
      %swap3A_55 = vector.shape_cast %broadcast_in_dim3A_49 : vector<16xf32> to vector<1x16xf32>
      tpu.vector_store %arg7[%swap3A, %swap3A_52], %swap3A_55 {strides = array<i32>} : memref<80x16xf32, #tpu.memory_space<vmem>>, vector<1x16xf32>,
      %scan3A_56 = arith.constant 0 : i32
      %scan3A_57 = arith.constant 1 : i32
      scf.yield %scan3A_56 : i32
    }
    %scan3A_6 = arith.constant 80 : i32
    %scan3A_7 = arith.constant 0 : i32
    %scan3A_8 = arith.constant 0 : i32
    %scan3A_9 = arith.constant 80 : i32
    %scan3A_10 = arith.addi %scan3A_8, %scan3A_9 : i32
    %scan3A_11 = arith.constant 1 : i32
    %scan3A_12 = scf.for %scan3A_45 = %scan3A_8 to %scan3A_10 step %scan3A_11 iter_args(%scan3A_46 = %scan3A_7) -> (i32)  : i32 {
      %broadcast_in_dim3A = arith.constant 1.000000e+00 : f32
      %broadcast_in_dim3A_47 = vector.broadcast %broadcast_in_dim3A : f32 to vector<16xf32>
      %swap3A = arith.index_cast %scan3A_45 : i32 to index
      %swap3A_48 = arith.constant 0 : index
      %swap3A_49 = tpu.vector_load %arg6[%swap3A, %swap3A_48] {strides = array<i32>} : memref<80x16xf32, #tpu.memory_space<vmem>>, vector<1x16xf32>,
      %swap3A_50 = vector.shape_cast %swap3A_49 : vector<1x16xf32> to vector<16xf32>
      %swap3A_51 = vector.shape_cast %broadcast_in_dim3A_47 : vector<16xf32> to vector<1x16xf32>
      tpu.vector_store %arg6[%swap3A, %swap3A_48], %swap3A_51 {strides = array<i32>} : memref<80x16xf32, #tpu.memory_space<vmem>>, vector<1x16xf32>,
      %scan3A_52 = arith.constant 0 : i32
      scf.yield %scan3A_52 : i32
    }
    %scan3A_13 = arith.constant 80 : i32
    %mul3A_14 = arith.constant 624 : i32
    %mul3A_15 = arith.muli %arg1, %mul3A_14 : i32
    %scan3A_16 = arith.constant 0 : i32
    %scan3A_17 = arith.constant 0 : i32
    %scan3A_18 = arith.constant 8 : i32
    %scan3A_19 = arith.addi %scan3A_17, %scan3A_18 : i32
    %scan3A_20 = arith.constant 1 : i32
    %scan3A_21 = scf.for %scan3A_45 = %scan3A_17 to %scan3A_19 step %scan3A_20 iter_args(%scan3A_46 = %scan3A_16) -> (i32)  : i32 {
      %mul3A_47 = arith.constant 80 : i32
      %mul3A_48 = arith.muli %scan3A_45, %mul3A_47 : i32
      %iota3A = tpu.iota {dimensions = array<i32: 0>} : vector<16xi32>
      %scan3A_49 = arith.constant 0 : i32
      %scan3A_50 = arith.constant 0 : i32
      %scan3A_51 = arith.constant 5 : i32
      %scan3A_52 = arith.addi %scan3A_50, %scan3A_51 : i32
      %scan3A_53 = arith.constant 1 : i32
      %scan3A_54 = scf.for %scan3A_57 = %scan3A_50 to %scan3A_52 step %scan3A_53 iter_args(%scan3A_58 = %scan3A_49) -> (i32)  : i32 {
        %mul3A_59 = arith.constant 16 : i32
        %mul3A_60 = arith.muli %scan3A_57, %mul3A_59 : i32
        %add3A_61 = arith.addi %mul3A_48, %mul3A_60 : i32
        %add3A_62 = vector.broadcast %add3A_61 : i32 to vector<16xi32>
        %add3A_63 = arith.addi %add3A_62, %iota3A : vector<16xi32>
        %min3A = arith.constant 623 : i32
        %min3A_64 = vector.broadcast %min3A : i32 to vector<16xi32>
        %min3A_65 = arith.minsi %add3A_63, %min3A_64 : vector<16xi32>
        %add3A_66 = vector.broadcast %mul3A_15 : i32 to vector<16xi32>
        %add3A_67 = arith.addi %add3A_66, %min3A_65 : vector<16xi32>
        %mul3A_68 = arith.constant 16 : i32
        %mul3A_69 = arith.muli %scan3A_57, %mul3A_68 : i32
        %swap3A = arith.index_cast %mul3A_69 : i32 to index
        %swap3A_70 = tpu.vector_load %arg5[%swap3A] {strides = array<i32>} : memref<80xi32, #tpu.memory_space<vmem>>, vector<16xi32>,
        %swap3A_71 = vector.shape_cast %swap3A_70 : vector<16xi32> to vector<16xi32>
        %swap3A_72 = vector.shape_cast %add3A_67 : vector<16xi32> to vector<16xi32>
        tpu.vector_store %arg5[%swap3A], %swap3A_72 {strides = array<i32>} : memref<80xi32, #tpu.memory_space<vmem>>, vector<16xi32>,
        %scan3A_73 = arith.constant 0 : i32
        scf.yield %scan3A_73 : i32
      }
      %scan3A_55 = arith.constant 5 : i32
      "tpu.region"() ({
        %run_scoped3A = tpu.sem_alloc : memref<!tpu.dma_semaphore, #tpu.memory_space<semaphore_mem>>
        %dma_start3A = arith.constant 0 : i32
        %dma_start3A_57 = arith.constant 0 : i32
        %dma_start3A_58 = tpu.memref_slice %arg8[%dma_start3A, %dma_start3A_57] : memref<10000x16xf32, #tpu.memory_space<vmem_shared>> -> memref<10000x16xf32, #tpu.memory_space<vmem_shared>>
        tpu.enqueue_indirect_dma source(%arg7 : memref<80x16xf32, #tpu.memory_space<vmem>>) target(%dma_start3A_58 : memref<10000x16xf32, #tpu.memory_space<vmem_shared>>) offsets(%arg5 : memref<80xi32, #tpu.memory_space<vmem>>) semaphore(%run_scoped3A : memref<!tpu.dma_semaphore, #tpu.memory_space<semaphore_mem>>)
        %dma_wait3A = arith.constant 0 : i32
        %dma_wait3A_59 = arith.constant 0 : i32
        %dma_wait3A_60 = tpu.memref_slice %arg8[%dma_wait3A, %dma_wait3A_59] : memref<10000x16xf32, #tpu.memory_space<vmem_shared>> -> memref<10000x16xf32, #tpu.memory_space<vmem_shared>>
        tpu.wait_indirect_dma semaphore(%run_scoped3A : memref<!tpu.dma_semaphore, #tpu.memory_space<semaphore_mem>>) src(%arg7 : memref<80x16xf32, #tpu.memory_space<vmem>>) dst(%dma_wait3A_60 : memref<10000x16xf32, #tpu.memory_space<vmem_shared>>)
        tpu.yield
      }) : () -> ()
      %scan3A_56 = arith.constant 0 : i32
      scf.yield %scan3A_56 : i32
    }
    %scan3A_22 = arith.constant 8 : i32
    %eq3A = arith.constant 0 : i32
    %eq3A_23 = arith.cmpi eq, %arg1, %eq3A : i32
    %convert_element_type3A = arith.extui %eq3A_23 : i1 to i32
    %cond3A = arith.constant 0 : i32
    %cond3A_24 = arith.cmpi ne, %convert_element_type3A, %cond3A : i32
    scf.if %cond3A_24 {
      %iota3A = tpu.iota {dimensions = array<i32: 0>} : vector<16xi32>
      %scan3A_45 = arith.constant 0 : i32
      %scan3A_46 = arith.constant 0 : i32
      %scan3A_47 = arith.constant 5 : i32
      %scan3A_48 = arith.addi %scan3A_46, %scan3A_47 : i32
      %scan3A_49 = arith.constant 1 : i32
      %scan3A_50 = scf.for %scan3A_52 = %scan3A_46 to %scan3A_48 step %scan3A_49 iter_args(%scan3A_53 = %scan3A_45) -> (i32)  : i32 {
        %mul3A_54 = arith.constant 16 : i32
        %mul3A_55 = arith.muli %scan3A_52, %mul3A_54 : i32
        %add3A_56 = arith.constant 0 : i32
        %add3A_57 = arith.addi %add3A_56, %mul3A_55 : i32
        %add3A_58 = vector.broadcast %add3A_57 : i32 to vector<16xi32>
        %add3A_59 = arith.addi %add3A_58, %iota3A : vector<16xi32>
        %min3A = arith.constant 15 : i32
        %min3A_60 = vector.broadcast %min3A : i32 to vector<16xi32>
        %min3A_61 = arith.minsi %add3A_59, %min3A_60 : vector<16xi32>
        %add3A_62 = arith.constant 9984 : i32
        %add3A_63 = vector.broadcast %add3A_62 : i32 to vector<16xi32>
        %add3A_64 = arith.addi %add3A_63, %min3A_61 : vector<16xi32>
        %mul3A_65 = arith.constant 16 : i32
        %mul3A_66 = arith.muli %scan3A_52, %mul3A_65 : i32
        %swap3A = arith.index_cast %mul3A_66 : i32 to index
        %swap3A_67 = tpu.vector_load %arg5[%swap3A] {strides = array<i32>} : memref<80xi32, #tpu.memory_space<vmem>>, vector<16xi32>,
        %swap3A_68 = vector.shape_cast %swap3A_67 : vector<16xi32> to vector<16xi32>
        %swap3A_69 = vector.shape_cast %add3A_64 : vector<16xi32> to vector<16xi32>
        tpu.vector_store %arg5[%swap3A], %swap3A_69 {strides = array<i32>} : memref<80xi32, #tpu.memory_space<vmem>>, vector<16xi32>,
        %scan3A_70 = arith.constant 0 : i32
        scf.yield %scan3A_70 : i32
      }
      %scan3A_51 = arith.constant 5 : i32
      "tpu.region"() ({
        %run_scoped3A = tpu.sem_alloc : memref<!tpu.dma_semaphore, #tpu.memory_space<semaphore_mem>>
        %dma_start3A = arith.constant 0 : i32
        %dma_start3A_52 = arith.constant 0 : i32
        %dma_start3A_53 = tpu.memref_slice %arg8[%dma_start3A, %dma_start3A_52] : memref<10000x16xf32, #tpu.memory_space<vmem_shared>> -> memref<10000x16xf32, #tpu.memory_space<vmem_shared>>
        tpu.enqueue_indirect_dma source(%arg7 : memref<80x16xf32, #tpu.memory_space<vmem>>) target(%dma_start3A_53 : memref<10000x16xf32, #tpu.memory_space<vmem_shared>>) offsets(%arg5 : memref<80xi32, #tpu.memory_space<vmem>>) semaphore(%run_scoped3A : memref<!tpu.dma_semaphore, #tpu.memory_space<semaphore_mem>>)
        %dma_wait3A = arith.constant 0 : i32
        %dma_wait3A_54 = arith.constant 0 : i32
        %dma_wait3A_55 = tpu.memref_slice %arg8[%dma_wait3A, %dma_wait3A_54] : memref<10000x16xf32, #tpu.memory_space<vmem_shared>> -> memref<10000x16xf32, #tpu.memory_space<vmem_shared>>
        tpu.wait_indirect_dma semaphore(%run_scoped3A : memref<!tpu.dma_semaphore, #tpu.memory_space<semaphore_mem>>) src(%arg7 : memref<80x16xf32, #tpu.memory_space<vmem>>) dst(%dma_wait3A_55 : memref<10000x16xf32, #tpu.memory_space<vmem_shared>>)
        tpu.yield
      }) : () -> ()
    } else {
    }
    %barrier3A = arith.constant 0 : index
    tpu.barrier barrier_id(%barrier3A)
    %mul3A_25 = arith.constant 10000 : i32
    %mul3A_26 = arith.muli %add3A, %mul3A_25 : i32
    %scan3A_27 = arith.constant 0 : i32
    %scan3A_28 = arith.constant 0 : i32
    %scan3A_29 = arith.constant 125 : i32
    %scan3A_30 = arith.addi %scan3A_28, %scan3A_29 : i32
    %scan3A_31 = arith.constant 1 : i32
    %scan3A_32 = scf.for %scan3A_45 = %scan3A_28 to %scan3A_30 step %scan3A_31 iter_args(%scan3A_46 = %scan3A_27) -> (i32)  : i32 {
      %mul3A_47 = arith.constant 80 : i32
      %mul3A_48 = arith.muli %scan3A_45, %mul3A_47 : i32
      %add3A_49 = arith.addi %mul3A_26, %mul3A_48 : i32
      "tpu.region"() ({
        %run_scoped3A = tpu.sem_alloc : memref<!tpu.dma_semaphore, #tpu.memory_space<semaphore_mem>>
        %dma_start3A = tpu.memref_slice %arg2[%add3A_49] : memref<320000xi32, #tpu.memory_space<hbm>> -> memref<80xi32, #tpu.memory_space<hbm>>
        %dma_start3A_51 = tpu.memref_slice %arg2[%add3A_49] : memref<320000xi32, #tpu.memory_space<hbm>> -> memref<80xi32, #tpu.memory_space<hbm>>
        tpu.enqueue_dma source(%dma_start3A_51 : memref<80xi32, #tpu.memory_space<hbm>>) target(%arg5 : memref<80xi32, #tpu.memory_space<vmem>>) target_semaphore(%run_scoped3A : memref<!tpu.dma_semaphore, #tpu.memory_space<semaphore_mem>>)
        %dma_wait3A = tpu.memref_slice %arg2[%add3A_49] : memref<320000xi32, #tpu.memory_space<hbm>> -> memref<80xi32, #tpu.memory_space<hbm>>
        %dma_wait3A_52 = tpu.memref_slice %arg2[%add3A_49] : memref<320000xi32, #tpu.memory_space<hbm>> -> memref<80xi32, #tpu.memory_space<hbm>>
        tpu.wait_dma2 semaphore(%run_scoped3A : memref<!tpu.dma_semaphore, #tpu.memory_space<semaphore_mem>>) src(%dma_wait3A_52 : memref<80xi32, #tpu.memory_space<hbm>>) dst(%arg5 : memref<80xi32, #tpu.memory_space<vmem>>)
        tpu.yield
      }) : () -> ()
      "tpu.region"() ({
        %run_scoped3A = tpu.sem_alloc : memref<!tpu.dma_semaphore, #tpu.memory_space<semaphore_mem>>
        %dma_start3A = arith.constant 0 : i32
        %dma_start3A_51 = arith.constant 0 : i32
        %dma_start3A_52 = tpu.memref_slice %arg8[%dma_start3A, %dma_start3A_51] : memref<10000x16xf32, #tpu.memory_space<vmem_shared>> -> memref<10000x16xf32, #tpu.memory_space<vmem_shared>>
        tpu.enqueue_indirect_dma source(%arg6 : memref<80x16xf32, #tpu.memory_space<vmem>>) target(%dma_start3A_52 : memref<10000x16xf32, #tpu.memory_space<vmem_shared>>) offsets(%arg5 : memref<80xi32, #tpu.memory_space<vmem>>) semaphore(%run_scoped3A : memref<!tpu.dma_semaphore, #tpu.memory_space<semaphore_mem>>) {add = true}
        %dma_wait3A = arith.constant 0 : i32
        %dma_wait3A_53 = arith.constant 0 : i32
        %dma_wait3A_54 = tpu.memref_slice %arg8[%dma_wait3A, %dma_wait3A_53] : memref<10000x16xf32, #tpu.memory_space<vmem_shared>> -> memref<10000x16xf32, #tpu.memory_space<vmem_shared>>
        tpu.wait_indirect_dma semaphore(%run_scoped3A : memref<!tpu.dma_semaphore, #tpu.memory_space<semaphore_mem>>) src(%arg6 : memref<80x16xf32, #tpu.memory_space<vmem>>) dst(%dma_wait3A_54 : memref<10000x16xf32, #tpu.memory_space<vmem_shared>>)
        tpu.yield
      }) : () -> ()
      %scan3A_50 = arith.constant 0 : i32
      scf.yield %scan3A_50 : i32
    }
    %scan3A_33 = arith.constant 125 : i32
    %barrier3A_34 = arith.constant 0 : index
    tpu.barrier barrier_id(%barrier3A_34)
    %eq3A_35 = arith.constant 0 : i32
    %eq3A_36 = arith.cmpi eq, %arg0, %eq3A_35 : i32
    %convert_element_type3A_37 = arith.extui %eq3A_36 : i1 to i32
    %cond3A_38 = arith.constant 0 : i32
    %cond3A_39 = arith.cmpi ne, %convert_element_type3A_37, %cond3A_38 : i32
    scf.if %cond3A_39 {
      %iota3A = tpu.iota {dimensions = array<i32: 0>} : vector<16xi32>
      %scan3A_45 = arith.constant 0 : i32
      %scan3A_46 = arith.constant 0 : i32
      %scan3A_47 = arith.constant 5 : i32
      %scan3A_48 = arith.addi %scan3A_46, %scan3A_47 : i32
      %scan3A_49 = arith.constant 1 : i32
      %scan3A_50 = scf.for %scan3A_175 = %scan3A_46 to %scan3A_48 step %scan3A_49 iter_args(%scan3A_176 = %scan3A_45) -> (i32)  : i32 {
        %mul3A_177 = arith.constant 16 : i32
        %mul3A_178 = arith.muli %scan3A_175, %mul3A_177 : i32
        %add3A_179 = arith.constant 0 : i32
        %add3A_180 = arith.addi %add3A_179, %mul3A_178 : i32
        %add3A_181 = vector.broadcast %add3A_180 : i32 to vector<16xi32>
        %add3A_182 = arith.addi %add3A_181, %iota3A : vector<16xi32>
        %min3A = arith.constant 623 : i32
        %min3A_183 = vector.broadcast %min3A : i32 to vector<16xi32>
        %min3A_184 = arith.minsi %add3A_182, %min3A_183 : vector<16xi32>
        %add3A_185 = vector.broadcast %mul3A_15 : i32 to vector<16xi32>
        %add3A_186 = arith.addi %add3A_185, %min3A_184 : vector<16xi32>
        %mul3A_187 = arith.constant 16 : i32
        %mul3A_188 = arith.muli %scan3A_175, %mul3A_187 : i32
        %swap3A = arith.index_cast %mul3A_188 : i32 to index
        %swap3A_189 = tpu.vector_load %arg5[%swap3A] {strides = array<i32>} : memref<80xi32, #tpu.memory_space<vmem>>, vector<16xi32>,
        %swap3A_190 = vector.shape_cast %swap3A_189 : vector<16xi32> to vector<16xi32>
        %swap3A_191 = vector.shape_cast %add3A_186 : vector<16xi32> to vector<16xi32>
        tpu.vector_store %arg5[%swap3A], %swap3A_191 {strides = array<i32>} : memref<80xi32, #tpu.memory_space<vmem>>, vector<16xi32>,
        %scan3A_192 = arith.constant 0 : i32
        scf.yield %scan3A_192 : i32
      }
      %scan3A_51 = arith.constant 5 : i32
      %dma_start3A = arith.constant 0 : i32
      %dma_start3A_52 = arith.constant 0 : i32
      %dma_start3A_53 = tpu.memref_slice %arg8[%dma_start3A, %dma_start3A_52] : memref<10000x16xf32, #tpu.memory_space<vmem_shared>> -> memref<10000x16xf32, #tpu.memory_space<vmem_shared>>
      tpu.enqueue_indirect_dma source(%dma_start3A_53 : memref<10000x16xf32, #tpu.memory_space<vmem_shared>>) target(%arg7 : memref<80x16xf32, #tpu.memory_space<vmem>>) offsets(%arg5 : memref<80xi32, #tpu.memory_space<vmem>>) semaphore(%arg9 : memref<!tpu.dma_semaphore, #tpu.memory_space<semaphore_mem>>)
      %dma_wait3A = arith.constant 0 : i32
      %dma_wait3A_54 = arith.constant 0 : i32
      %dma_wait3A_55 = tpu.memref_slice %arg8[%dma_wait3A, %dma_wait3A_54] : memref<10000x16xf32, #tpu.memory_space<vmem_shared>> -> memref<10000x16xf32, #tpu.memory_space<vmem_shared>>
      tpu.wait_indirect_dma semaphore(%arg9 : memref<!tpu.dma_semaphore, #tpu.memory_space<semaphore_mem>>) src(%dma_wait3A_55 : memref<10000x16xf32, #tpu.memory_space<vmem_shared>>) dst(%arg7 : memref<80x16xf32, #tpu.memory_space<vmem>>)
      %add3A_56 = arith.constant 0 : i32
      %add3A_57 = arith.addi %mul3A_15, %add3A_56 : i32
      "tpu.region"() ({
        %run_scoped3A = tpu.sem_alloc : memref<!tpu.dma_semaphore, #tpu.memory_space<semaphore_mem>>
        %dma_start3A_175 = arith.constant 0 : i32
        %dma_start3A_176 = tpu.memref_slice %arg3[%add3A_57, %dma_start3A_175] : memref<10000x16xf32, #tpu.memory_space<hbm>> -> memref<80x16xf32, #tpu.memory_space<hbm>>
        %dma_start3A_177 = arith.constant 0 : i32
        %dma_start3A_178 = tpu.memref_slice %arg3[%add3A_57, %dma_start3A_177] : memref<10000x16xf32, #tpu.memory_space<hbm>> -> memref<80x16xf32, #tpu.memory_space<hbm>>
        tpu.enqueue_dma source(%arg7 : memref<80x16xf32, #tpu.memory_space<vmem>>) target(%dma_start3A_178 : memref<80x16xf32, #tpu.memory_space<hbm>>) target_semaphore(%run_scoped3A : memref<!tpu.dma_semaphore, #tpu.memory_space<semaphore_mem>>)
        %dma_wait3A_179 = arith.constant 0 : i32
        %dma_wait3A_180 = tpu.memref_slice %arg3[%add3A_57, %dma_wait3A_179] : memref<10000x16xf32, #tpu.memory_space<hbm>> -> memref<80x16xf32, #tpu.memory_space<hbm>>
        %dma_wait3A_181 = arith.constant 0 : i32
        %dma_wait3A_182 = tpu.memref_slice %arg3[%add3A_57, %dma_wait3A_181] : memref<10000x16xf32, #tpu.memory_space<hbm>> -> memref<80x16xf32, #tpu.memory_space<hbm>>
        tpu.wait_dma2 semaphore(%run_scoped3A : memref<!tpu.dma_semaphore, #tpu.memory_space<semaphore_mem>>) src(%arg7 : memref<80x16xf32, #tpu.memory_space<vmem>>) dst(%dma_wait3A_182 : memref<80x16xf32, #tpu.memory_space<hbm>>)
        tpu.yield
      }) : () -> ()
      %iota3A_58 = tpu.iota {dimensions = array<i32: 0>} : vector<16xi32>
      %scan3A_59 = arith.constant 0 : i32
      %scan3A_60 = arith.constant 0 : i32
      %scan3A_61 = arith.constant 5 : i32
      %scan3A_62 = arith.addi %scan3A_60, %scan3A_61 : i32
      %scan3A_63 = arith.constant 1 : i32
      %scan3A_64 = scf.for %scan3A_175 = %scan3A_60 to %scan3A_62 step %scan3A_63 iter_args(%scan3A_176 = %scan3A_59) -> (i32)  : i32 {
        %mul3A_177 = arith.constant 16 : i32
        %mul3A_178 = arith.muli %scan3A_175, %mul3A_177 : i32
        %add3A_179 = arith.constant 80 : i32
        %add3A_180 = arith.addi %add3A_179, %mul3A_178 : i32
        %add3A_181 = vector.broadcast %add3A_180 : i32 to vector<16xi32>
        %add3A_182 = arith.addi %add3A_181, %iota3A_58 : vector<16xi32>
        %min3A = arith.constant 623 : i32
        %min3A_183 = vector.broadcast %min3A : i32 to vector<16xi32>
        %min3A_184 = arith.minsi %add3A_182, %min3A_183 : vector<16xi32>
        %add3A_185 = vector.broadcast %mul3A_15 : i32 to vector<16xi32>
        %add3A_186 = arith.addi %add3A_185, %min3A_184 : vector<16xi32>
        %mul3A_187 = arith.constant 16 : i32
        %mul3A_188 = arith.muli %scan3A_175, %mul3A_187 : i32
        %swap3A = arith.index_cast %mul3A_188 : i32 to index
        %swap3A_189 = tpu.vector_load %arg5[%swap3A] {strides = array<i32>} : memref<80xi32, #tpu.memory_space<vmem>>, vector<16xi32>,
        %swap3A_190 = vector.shape_cast %swap3A_189 : vector<16xi32> to vector<16xi32>
        %swap3A_191 = vector.shape_cast %add3A_186 : vector<16xi32> to vector<16xi32>
        tpu.vector_store %arg5[%swap3A], %swap3A_191 {strides = array<i32>} : memref<80xi32, #tpu.memory_space<vmem>>, vector<16xi32>,
        %scan3A_192 = arith.constant 0 : i32
        scf.yield %scan3A_192 : i32
      }
      %scan3A_65 = arith.constant 5 : i32
      %dma_start3A_66 = arith.constant 0 : i32
      %dma_start3A_67 = arith.constant 0 : i32
      %dma_start3A_68 = tpu.memref_slice %arg8[%dma_start3A_66, %dma_start3A_67] : memref<10000x16xf32, #tpu.memory_space<vmem_shared>> -> memref<10000x16xf32, #tpu.memory_space<vmem_shared>>
      tpu.enqueue_indirect_dma source(%dma_start3A_68 : memref<10000x16xf32, #tpu.memory_space<vmem_shared>>) target(%arg7 : memref<80x16xf32, #tpu.memory_space<vmem>>) offsets(%arg5 : memref<80xi32, #tpu.memory_space<vmem>>) semaphore(%arg9 : memref<!tpu.dma_semaphore, #tpu.memory_space<semaphore_mem>>)
      %dma_wait3A_69 = arith.constant 0 : i32
      %dma_wait3A_70 = arith.constant 0 : i32
      %dma_wait3A_71 = tpu.memref_slice %arg8[%dma_wait3A_69, %dma_wait3A_70] : memref<10000x16xf32, #tpu.memory_space<vmem_shared>> -> memref<10000x16xf32, #tpu.memory_space<vmem_shared>>
      tpu.wait_indirect_dma semaphore(%arg9 : memref<!tpu.dma_semaphore, #tpu.memory_space<semaphore_mem>>) src(%dma_wait3A_71 : memref<10000x16xf32, #tpu.memory_space<vmem_shared>>) dst(%arg7 : memref<80x16xf32, #tpu.memory_space<vmem>>)
      %add3A_72 = arith.constant 80 : i32
      %add3A_73 = arith.addi %mul3A_15, %add3A_72 : i32
      "tpu.region"() ({
        %run_scoped3A = tpu.sem_alloc : memref<!tpu.dma_semaphore, #tpu.memory_space<semaphore_mem>>
        %dma_start3A_175 = arith.constant 0 : i32
        %dma_start3A_176 = tpu.memref_slice %arg3[%add3A_73, %dma_start3A_175] : memref<10000x16xf32, #tpu.memory_space<hbm>> -> memref<80x16xf32, #tpu.memory_space<hbm>>
        %dma_start3A_177 = arith.constant 0 : i32
        %dma_start3A_178 = tpu.memref_slice %arg3[%add3A_73, %dma_start3A_177] : memref<10000x16xf32, #tpu.memory_space<hbm>> -> memref<80x16xf32, #tpu.memory_space<hbm>>
        tpu.enqueue_dma source(%arg7 : memref<80x16xf32, #tpu.memory_space<vmem>>) target(%dma_start3A_178 : memref<80x16xf32, #tpu.memory_space<hbm>>) target_semaphore(%run_scoped3A : memref<!tpu.dma_semaphore, #tpu.memory_space<semaphore_mem>>)
        %dma_wait3A_179 = arith.constant 0 : i32
        %dma_wait3A_180 = tpu.memref_slice %arg3[%add3A_73, %dma_wait3A_179] : memref<10000x16xf32, #tpu.memory_space<hbm>> -> memref<80x16xf32, #tpu.memory_space<hbm>>
        %dma_wait3A_181 = arith.constant 0 : i32
        %dma_wait3A_182 = tpu.memref_slice %arg3[%add3A_73, %dma_wait3A_181] : memref<10000x16xf32, #tpu.memory_space<hbm>> -> memref<80x16xf32, #tpu.memory_space<hbm>>
        tpu.wait_dma2 semaphore(%run_scoped3A : memref<!tpu.dma_semaphore, #tpu.memory_space<semaphore_mem>>) src(%arg7 : memref<80x16xf32, #tpu.memory_space<vmem>>) dst(%dma_wait3A_182 : memref<80x16xf32, #tpu.memory_space<hbm>>)
        tpu.yield
      }) : () -> ()
      %iota3A_74 = tpu.iota {dimensions = array<i32: 0>} : vector<16xi32>
      %scan3A_75 = arith.constant 0 : i32
      %scan3A_76 = arith.constant 0 : i32
      %scan3A_77 = arith.constant 5 : i32
      %scan3A_78 = arith.addi %scan3A_76, %scan3A_77 : i32
      %scan3A_79 = arith.constant 1 : i32
      %scan3A_80 = scf.for %scan3A_175 = %scan3A_76 to %scan3A_78 step %scan3A_79 iter_args(%scan3A_176 = %scan3A_75) -> (i32)  : i32 {
        %mul3A_177 = arith.constant 16 : i32
        %mul3A_178 = arith.muli %scan3A_175, %mul3A_177 : i32
        %add3A_179 = arith.constant 160 : i32
        %add3A_180 = arith.addi %add3A_179, %mul3A_178 : i32
        %add3A_181 = vector.broadcast %add3A_180 : i32 to vector<16xi32>
        %add3A_182 = arith.addi %add3A_181, %iota3A_74 : vector<16xi32>
        %min3A = arith.constant 623 : i32
        %min3A_183 = vector.broadcast %min3A : i32 to vector<16xi32>
        %min3A_184 = arith.minsi %add3A_182, %min3A_183 : vector<16xi32>
        %add3A_185 = vector.broadcast %mul3A_15 : i32 to vector<16xi32>
        %add3A_186 = arith.addi %add3A_185, %min3A_184 : vector<16xi32>
        %mul3A_187 = arith.constant 16 : i32
        %mul3A_188 = arith.muli %scan3A_175, %mul3A_187 : i32
        %swap3A = arith.index_cast %mul3A_188 : i32 to index
        %swap3A_189 = tpu.vector_load %arg5[%swap3A] {strides = array<i32>} : memref<80xi32, #tpu.memory_space<vmem>>, vector<16xi32>,
        %swap3A_190 = vector.shape_cast %swap3A_189 : vector<16xi32> to vector<16xi32>
        %swap3A_191 = vector.shape_cast %add3A_186 : vector<16xi32> to vector<16xi32>
        tpu.vector_store %arg5[%swap3A], %swap3A_191 {strides = array<i32>} : memref<80xi32, #tpu.memory_space<vmem>>, vector<16xi32>,
        %scan3A_192 = arith.constant 0 : i32
        scf.yield %scan3A_192 : i32
      }
      %scan3A_81 = arith.constant 5 : i32
      %dma_start3A_82 = arith.constant 0 : i32
      %dma_start3A_83 = arith.constant 0 : i32
      %dma_start3A_84 = tpu.memref_slice %arg8[%dma_start3A_82, %dma_start3A_83] : memref<10000x16xf32, #tpu.memory_space<vmem_shared>> -> memref<10000x16xf32, #tpu.memory_space<vmem_shared>>
      tpu.enqueue_indirect_dma source(%dma_start3A_84 : memref<10000x16xf32, #tpu.memory_space<vmem_shared>>) target(%arg7 : memref<80x16xf32, #tpu.memory_space<vmem>>) offsets(%arg5 : memref<80xi32, #tpu.memory_space<vmem>>) semaphore(%arg9 : memref<!tpu.dma_semaphore, #tpu.memory_space<semaphore_mem>>)
      %dma_wait3A_85 = arith.constant 0 : i32
      %dma_wait3A_86 = arith.constant 0 : i32
      %dma_wait3A_87 = tpu.memref_slice %arg8[%dma_wait3A_85, %dma_wait3A_86] : memref<10000x16xf32, #tpu.memory_space<vmem_shared>> -> memref<10000x16xf32, #tpu.memory_space<vmem_shared>>
      tpu.wait_indirect_dma semaphore(%arg9 : memref<!tpu.dma_semaphore, #tpu.memory_space<semaphore_mem>>) src(%dma_wait3A_87 : memref<10000x16xf32, #tpu.memory_space<vmem_shared>>) dst(%arg7 : memref<80x16xf32, #tpu.memory_space<vmem>>)
      %add3A_88 = arith.constant 160 : i32
      %add3A_89 = arith.addi %mul3A_15, %add3A_88 : i32
      "tpu.region"() ({
        %run_scoped3A = tpu.sem_alloc : memref<!tpu.dma_semaphore, #tpu.memory_space<semaphore_mem>>
        %dma_start3A_175 = arith.constant 0 : i32
        %dma_start3A_176 = tpu.memref_slice %arg3[%add3A_89, %dma_start3A_175] : memref<10000x16xf32, #tpu.memory_space<hbm>> -> memref<80x16xf32, #tpu.memory_space<hbm>>
        %dma_start3A_177 = arith.constant 0 : i32
        %dma_start3A_178 = tpu.memref_slice %arg3[%add3A_89, %dma_start3A_177] : memref<10000x16xf32, #tpu.memory_space<hbm>> -> memref<80x16xf32, #tpu.memory_space<hbm>>
        tpu.enqueue_dma source(%arg7 : memref<80x16xf32, #tpu.memory_space<vmem>>) target(%dma_start3A_178 : memref<80x16xf32, #tpu.memory_space<hbm>>) target_semaphore(%run_scoped3A : memref<!tpu.dma_semaphore, #tpu.memory_space<semaphore_mem>>)
        %dma_wait3A_179 = arith.constant 0 : i32
        %dma_wait3A_180 = tpu.memref_slice %arg3[%add3A_89, %dma_wait3A_179] : memref<10000x16xf32, #tpu.memory_space<hbm>> -> memref<80x16xf32, #tpu.memory_space<hbm>>
        %dma_wait3A_181 = arith.constant 0 : i32
        %dma_wait3A_182 = tpu.memref_slice %arg3[%add3A_89, %dma_wait3A_181] : memref<10000x16xf32, #tpu.memory_space<hbm>> -> memref<80x16xf32, #tpu.memory_space<hbm>>
        tpu.wait_dma2 semaphore(%run_scoped3A : memref<!tpu.dma_semaphore, #tpu.memory_space<semaphore_mem>>) src(%arg7 : memref<80x16xf32, #tpu.memory_space<vmem>>) dst(%dma_wait3A_182 : memref<80x16xf32, #tpu.memory_space<hbm>>)
        tpu.yield
      }) : () -> ()
      %iota3A_90 = tpu.iota {dimensions = array<i32: 0>} : vector<16xi32>
      %scan3A_91 = arith.constant 0 : i32
      %scan3A_92 = arith.constant 0 : i32
      %scan3A_93 = arith.constant 5 : i32
      %scan3A_94 = arith.addi %scan3A_92, %scan3A_93 : i32
      %scan3A_95 = arith.constant 1 : i32
      %scan3A_96 = scf.for %scan3A_175 = %scan3A_92 to %scan3A_94 step %scan3A_95 iter_args(%scan3A_176 = %scan3A_91) -> (i32)  : i32 {
        %mul3A_177 = arith.constant 16 : i32
        %mul3A_178 = arith.muli %scan3A_175, %mul3A_177 : i32
        %add3A_179 = arith.constant 240 : i32
        %add3A_180 = arith.addi %add3A_179, %mul3A_178 : i32
        %add3A_181 = vector.broadcast %add3A_180 : i32 to vector<16xi32>
        %add3A_182 = arith.addi %add3A_181, %iota3A_90 : vector<16xi32>
        %min3A = arith.constant 623 : i32
        %min3A_183 = vector.broadcast %min3A : i32 to vector<16xi32>
        %min3A_184 = arith.minsi %add3A_182, %min3A_183 : vector<16xi32>
        %add3A_185 = vector.broadcast %mul3A_15 : i32 to vector<16xi32>
        %add3A_186 = arith.addi %add3A_185, %min3A_184 : vector<16xi32>
        %mul3A_187 = arith.constant 16 : i32
        %mul3A_188 = arith.muli %scan3A_175, %mul3A_187 : i32
        %swap3A = arith.index_cast %mul3A_188 : i32 to index
        %swap3A_189 = tpu.vector_load %arg5[%swap3A] {strides = array<i32>} : memref<80xi32, #tpu.memory_space<vmem>>, vector<16xi32>,
        %swap3A_190 = vector.shape_cast %swap3A_189 : vector<16xi32> to vector<16xi32>
        %swap3A_191 = vector.shape_cast %add3A_186 : vector<16xi32> to vector<16xi32>
        tpu.vector_store %arg5[%swap3A], %swap3A_191 {strides = array<i32>} : memref<80xi32, #tpu.memory_space<vmem>>, vector<16xi32>,
        %scan3A_192 = arith.constant 0 : i32
        scf.yield %scan3A_192 : i32
      }
      %scan3A_97 = arith.constant 5 : i32
      %dma_start3A_98 = arith.constant 0 : i32
      %dma_start3A_99 = arith.constant 0 : i32
      %dma_start3A_100 = tpu.memref_slice %arg8[%dma_start3A_98, %dma_start3A_99] : memref<10000x16xf32, #tpu.memory_space<vmem_shared>> -> memref<10000x16xf32, #tpu.memory_space<vmem_shared>>
      tpu.enqueue_indirect_dma source(%dma_start3A_100 : memref<10000x16xf32, #tpu.memory_space<vmem_shared>>) target(%arg7 : memref<80x16xf32, #tpu.memory_space<vmem>>) offsets(%arg5 : memref<80xi32, #tpu.memory_space<vmem>>) semaphore(%arg9 : memref<!tpu.dma_semaphore, #tpu.memory_space<semaphore_mem>>)
      %dma_wait3A_101 = arith.constant 0 : i32
      %dma_wait3A_102 = arith.constant 0 : i32
      %dma_wait3A_103 = tpu.memref_slice %arg8[%dma_wait3A_101, %dma_wait3A_102] : memref<10000x16xf32, #tpu.memory_space<vmem_shared>> -> memref<10000x16xf32, #tpu.memory_space<vmem_shared>>
      tpu.wait_indirect_dma semaphore(%arg9 : memref<!tpu.dma_semaphore, #tpu.memory_space<semaphore_mem>>) src(%dma_wait3A_103 : memref<10000x16xf32, #tpu.memory_space<vmem_shared>>) dst(%arg7 : memref<80x16xf32, #tpu.memory_space<vmem>>)
      %add3A_104 = arith.constant 240 : i32
      %add3A_105 = arith.addi %mul3A_15, %add3A_104 : i32
      "tpu.region"() ({
        %run_scoped3A = tpu.sem_alloc : memref<!tpu.dma_semaphore, #tpu.memory_space<semaphore_mem>>
        %dma_start3A_175 = arith.constant 0 : i32
        %dma_start3A_176 = tpu.memref_slice %arg3[%add3A_105, %dma_start3A_175] : memref<10000x16xf32, #tpu.memory_space<hbm>> -> memref<80x16xf32, #tpu.memory_space<hbm>>
        %dma_start3A_177 = arith.constant 0 : i32
        %dma_start3A_178 = tpu.memref_slice %arg3[%add3A_105, %dma_start3A_177] : memref<10000x16xf32, #tpu.memory_space<hbm>> -> memref<80x16xf32, #tpu.memory_space<hbm>>
        tpu.enqueue_dma source(%arg7 : memref<80x16xf32, #tpu.memory_space<vmem>>) target(%dma_start3A_178 : memref<80x16xf32, #tpu.memory_space<hbm>>) target_semaphore(%run_scoped3A : memref<!tpu.dma_semaphore, #tpu.memory_space<semaphore_mem>>)
        %dma_wait3A_179 = arith.constant 0 : i32
        %dma_wait3A_180 = tpu.memref_slice %arg3[%add3A_105, %dma_wait3A_179] : memref<10000x16xf32, #tpu.memory_space<hbm>> -> memref<80x16xf32, #tpu.memory_space<hbm>>
        %dma_wait3A_181 = arith.constant 0 : i32
        %dma_wait3A_182 = tpu.memref_slice %arg3[%add3A_105, %dma_wait3A_181] : memref<10000x16xf32, #tpu.memory_space<hbm>> -> memref<80x16xf32, #tpu.memory_space<hbm>>
        tpu.wait_dma2 semaphore(%run_scoped3A : memref<!tpu.dma_semaphore, #tpu.memory_space<semaphore_mem>>) src(%arg7 : memref<80x16xf32, #tpu.memory_space<vmem>>) dst(%dma_wait3A_182 : memref<80x16xf32, #tpu.memory_space<hbm>>)
        tpu.yield
      }) : () -> ()
      %iota3A_106 = tpu.iota {dimensions = array<i32: 0>} : vector<16xi32>
      %scan3A_107 = arith.constant 0 : i32
      %scan3A_108 = arith.constant 0 : i32
      %scan3A_109 = arith.constant 5 : i32
      %scan3A_110 = arith.addi %scan3A_108, %scan3A_109 : i32
      %scan3A_111 = arith.constant 1 : i32
      %scan3A_112 = scf.for %scan3A_175 = %scan3A_108 to %scan3A_110 step %scan3A_111 iter_args(%scan3A_176 = %scan3A_107) -> (i32)  : i32 {
        %mul3A_177 = arith.constant 16 : i32
        %mul3A_178 = arith.muli %scan3A_175, %mul3A_177 : i32
        %add3A_179 = arith.constant 320 : i32
        %add3A_180 = arith.addi %add3A_179, %mul3A_178 : i32
        %add3A_181 = vector.broadcast %add3A_180 : i32 to vector<16xi32>
        %add3A_182 = arith.addi %add3A_181, %iota3A_106 : vector<16xi32>
        %min3A = arith.constant 623 : i32
        %min3A_183 = vector.broadcast %min3A : i32 to vector<16xi32>
        %min3A_184 = arith.minsi %add3A_182, %min3A_183 : vector<16xi32>
        %add3A_185 = vector.broadcast %mul3A_15 : i32 to vector<16xi32>
        %add3A_186 = arith.addi %add3A_185, %min3A_184 : vector<16xi32>
        %mul3A_187 = arith.constant 16 : i32
        %mul3A_188 = arith.muli %scan3A_175, %mul3A_187 : i32
        %swap3A = arith.index_cast %mul3A_188 : i32 to index
        %swap3A_189 = tpu.vector_load %arg5[%swap3A] {strides = array<i32>} : memref<80xi32, #tpu.memory_space<vmem>>, vector<16xi32>,
        %swap3A_190 = vector.shape_cast %swap3A_189 : vector<16xi32> to vector<16xi32>
        %swap3A_191 = vector.shape_cast %add3A_186 : vector<16xi32> to vector<16xi32>
        tpu.vector_store %arg5[%swap3A], %swap3A_191 {strides = array<i32>} : memref<80xi32, #tpu.memory_space<vmem>>, vector<16xi32>,
        %scan3A_192 = arith.constant 0 : i32
        scf.yield %scan3A_192 : i32
      }
      %scan3A_113 = arith.constant 5 : i32
      %dma_start3A_114 = arith.constant 0 : i32
      %dma_start3A_115 = arith.constant 0 : i32
      %dma_start3A_116 = tpu.memref_slice %arg8[%dma_start3A_114, %dma_start3A_115] : memref<10000x16xf32, #tpu.memory_space<vmem_shared>> -> memref<10000x16xf32, #tpu.memory_space<vmem_shared>>
      tpu.enqueue_indirect_dma source(%dma_start3A_116 : memref<10000x16xf32, #tpu.memory_space<vmem_shared>>) target(%arg7 : memref<80x16xf32, #tpu.memory_space<vmem>>) offsets(%arg5 : memref<80xi32, #tpu.memory_space<vmem>>) semaphore(%arg9 : memref<!tpu.dma_semaphore, #tpu.memory_space<semaphore_mem>>)
      %dma_wait3A_117 = arith.constant 0 : i32
      %dma_wait3A_118 = arith.constant 0 : i32
      %dma_wait3A_119 = tpu.memref_slice %arg8[%dma_wait3A_117, %dma_wait3A_118] : memref<10000x16xf32, #tpu.memory_space<vmem_shared>> -> memref<10000x16xf32, #tpu.memory_space<vmem_shared>>
      tpu.wait_indirect_dma semaphore(%arg9 : memref<!tpu.dma_semaphore, #tpu.memory_space<semaphore_mem>>) src(%dma_wait3A_119 : memref<10000x16xf32, #tpu.memory_space<vmem_shared>>) dst(%arg7 : memref<80x16xf32, #tpu.memory_space<vmem>>)
      %add3A_120 = arith.constant 320 : i32
      %add3A_121 = arith.addi %mul3A_15, %add3A_120 : i32
      "tpu.region"() ({
        %run_scoped3A = tpu.sem_alloc : memref<!tpu.dma_semaphore, #tpu.memory_space<semaphore_mem>>
        %dma_start3A_175 = arith.constant 0 : i32
        %dma_start3A_176 = tpu.memref_slice %arg3[%add3A_121, %dma_start3A_175] : memref<10000x16xf32, #tpu.memory_space<hbm>> -> memref<80x16xf32, #tpu.memory_space<hbm>>
        %dma_start3A_177 = arith.constant 0 : i32
        %dma_start3A_178 = tpu.memref_slice %arg3[%add3A_121, %dma_start3A_177] : memref<10000x16xf32, #tpu.memory_space<hbm>> -> memref<80x16xf32, #tpu.memory_space<hbm>>
        tpu.enqueue_dma source(%arg7 : memref<80x16xf32, #tpu.memory_space<vmem>>) target(%dma_start3A_178 : memref<80x16xf32, #tpu.memory_space<hbm>>) target_semaphore(%run_scoped3A : memref<!tpu.dma_semaphore, #tpu.memory_space<semaphore_mem>>)
        %dma_wait3A_179 = arith.constant 0 : i32
        %dma_wait3A_180 = tpu.memref_slice %arg3[%add3A_121, %dma_wait3A_179] : memref<10000x16xf32, #tpu.memory_space<hbm>> -> memref<80x16xf32, #tpu.memory_space<hbm>>
        %dma_wait3A_181 = arith.constant 0 : i32
        %dma_wait3A_182 = tpu.memref_slice %arg3[%add3A_121, %dma_wait3A_181] : memref<10000x16xf32, #tpu.memory_space<hbm>> -> memref<80x16xf32, #tpu.memory_space<hbm>>
        tpu.wait_dma2 semaphore(%run_scoped3A : memref<!tpu.dma_semaphore, #tpu.memory_space<semaphore_mem>>) src(%arg7 : memref<80x16xf32, #tpu.memory_space<vmem>>) dst(%dma_wait3A_182 : memref<80x16xf32, #tpu.memory_space<hbm>>)
        tpu.yield
      }) : () -> ()
      %iota3A_122 = tpu.iota {dimensions = array<i32: 0>} : vector<16xi32>
      %scan3A_123 = arith.constant 0 : i32
      %scan3A_124 = arith.constant 0 : i32
      %scan3A_125 = arith.constant 5 : i32
      %scan3A_126 = arith.addi %scan3A_124, %scan3A_125 : i32
      %scan3A_127 = arith.constant 1 : i32
      %scan3A_128 = scf.for %scan3A_175 = %scan3A_124 to %scan3A_126 step %scan3A_127 iter_args(%scan3A_176 = %scan3A_123) -> (i32)  : i32 {
        %mul3A_177 = arith.constant 16 : i32
        %mul3A_178 = arith.muli %scan3A_175, %mul3A_177 : i32
        %add3A_179 = arith.constant 400 : i32
        %add3A_180 = arith.addi %add3A_179, %mul3A_178 : i32
        %add3A_181 = vector.broadcast %add3A_180 : i32 to vector<16xi32>
        %add3A_182 = arith.addi %add3A_181, %iota3A_122 : vector<16xi32>
        %min3A = arith.constant 623 : i32
        %min3A_183 = vector.broadcast %min3A : i32 to vector<16xi32>
        %min3A_184 = arith.minsi %add3A_182, %min3A_183 : vector<16xi32>
        %add3A_185 = vector.broadcast %mul3A_15 : i32 to vector<16xi32>
        %add3A_186 = arith.addi %add3A_185, %min3A_184 : vector<16xi32>
        %mul3A_187 = arith.constant 16 : i32
        %mul3A_188 = arith.muli %scan3A_175, %mul3A_187 : i32
        %swap3A = arith.index_cast %mul3A_188 : i32 to index
        %swap3A_189 = tpu.vector_load %arg5[%swap3A] {strides = array<i32>} : memref<80xi32, #tpu.memory_space<vmem>>, vector<16xi32>,
        %swap3A_190 = vector.shape_cast %swap3A_189 : vector<16xi32> to vector<16xi32>
        %swap3A_191 = vector.shape_cast %add3A_186 : vector<16xi32> to vector<16xi32>
        tpu.vector_store %arg5[%swap3A], %swap3A_191 {strides = array<i32>} : memref<80xi32, #tpu.memory_space<vmem>>, vector<16xi32>,
        %scan3A_192 = arith.constant 0 : i32
        scf.yield %scan3A_192 : i32
      }
      %scan3A_129 = arith.constant 5 : i32
      %dma_start3A_130 = arith.constant 0 : i32
      %dma_start3A_131 = arith.constant 0 : i32
      %dma_start3A_132 = tpu.memref_slice %arg8[%dma_start3A_130, %dma_start3A_131] : memref<10000x16xf32, #tpu.memory_space<vmem_shared>> -> memref<10000x16xf32, #tpu.memory_space<vmem_shared>>
      tpu.enqueue_indirect_dma source(%dma_start3A_132 : memref<10000x16xf32, #tpu.memory_space<vmem_shared>>) target(%arg7 : memref<80x16xf32, #tpu.memory_space<vmem>>) offsets(%arg5 : memref<80xi32, #tpu.memory_space<vmem>>) semaphore(%arg9 : memref<!tpu.dma_semaphore, #tpu.memory_space<semaphore_mem>>)
      %dma_wait3A_133 = arith.constant 0 : i32
      %dma_wait3A_134 = arith.constant 0 : i32
      %dma_wait3A_135 = tpu.memref_slice %arg8[%dma_wait3A_133, %dma_wait3A_134] : memref<10000x16xf32, #tpu.memory_space<vmem_shared>> -> memref<10000x16xf32, #tpu.memory_space<vmem_shared>>
      tpu.wait_indirect_dma semaphore(%arg9 : memref<!tpu.dma_semaphore, #tpu.memory_space<semaphore_mem>>) src(%dma_wait3A_135 : memref<10000x16xf32, #tpu.memory_space<vmem_shared>>) dst(%arg7 : memref<80x16xf32, #tpu.memory_space<vmem>>)
      %add3A_136 = arith.constant 400 : i32
      %add3A_137 = arith.addi %mul3A_15, %add3A_136 : i32
      "tpu.region"() ({
        %run_scoped3A = tpu.sem_alloc : memref<!tpu.dma_semaphore, #tpu.memory_space<semaphore_mem>>
        %dma_start3A_175 = arith.constant 0 : i32
        %dma_start3A_176 = tpu.memref_slice %arg3[%add3A_137, %dma_start3A_175] : memref<10000x16xf32, #tpu.memory_space<hbm>> -> memref<80x16xf32, #tpu.memory_space<hbm>>
        %dma_start3A_177 = arith.constant 0 : i32
        %dma_start3A_178 = tpu.memref_slice %arg3[%add3A_137, %dma_start3A_177] : memref<10000x16xf32, #tpu.memory_space<hbm>> -> memref<80x16xf32, #tpu.memory_space<hbm>>
        tpu.enqueue_dma source(%arg7 : memref<80x16xf32, #tpu.memory_space<vmem>>) target(%dma_start3A_178 : memref<80x16xf32, #tpu.memory_space<hbm>>) target_semaphore(%run_scoped3A : memref<!tpu.dma_semaphore, #tpu.memory_space<semaphore_mem>>)
        %dma_wait3A_179 = arith.constant 0 : i32
        %dma_wait3A_180 = tpu.memref_slice %arg3[%add3A_137, %dma_wait3A_179] : memref<10000x16xf32, #tpu.memory_space<hbm>> -> memref<80x16xf32, #tpu.memory_space<hbm>>
        %dma_wait3A_181 = arith.constant 0 : i32
        %dma_wait3A_182 = tpu.memref_slice %arg3[%add3A_137, %dma_wait3A_181] : memref<10000x16xf32, #tpu.memory_space<hbm>> -> memref<80x16xf32, #tpu.memory_space<hbm>>
        tpu.wait_dma2 semaphore(%run_scoped3A : memref<!tpu.dma_semaphore, #tpu.memory_space<semaphore_mem>>) src(%arg7 : memref<80x16xf32, #tpu.memory_space<vmem>>) dst(%dma_wait3A_182 : memref<80x16xf32, #tpu.memory_space<hbm>>)
        tpu.yield
      }) : () -> ()
      %iota3A_138 = tpu.iota {dimensions = array<i32: 0>} : vector<16xi32>
      %scan3A_139 = arith.constant 0 : i32
      %scan3A_140 = arith.constant 0 : i32
      %scan3A_141 = arith.constant 5 : i32
      %scan3A_142 = arith.addi %scan3A_140, %scan3A_141 : i32
      %scan3A_143 = arith.constant 1 : i32
      %scan3A_144 = scf.for %scan3A_175 = %scan3A_140 to %scan3A_142 step %scan3A_143 iter_args(%scan3A_176 = %scan3A_139) -> (i32)  : i32 {
        %mul3A_177 = arith.constant 16 : i32
        %mul3A_178 = arith.muli %scan3A_175, %mul3A_177 : i32
        %add3A_179 = arith.constant 480 : i32
        %add3A_180 = arith.addi %add3A_179, %mul3A_178 : i32
        %add3A_181 = vector.broadcast %add3A_180 : i32 to vector<16xi32>
        %add3A_182 = arith.addi %add3A_181, %iota3A_138 : vector<16xi32>
        %min3A = arith.constant 623 : i32
        %min3A_183 = vector.broadcast %min3A : i32 to vector<16xi32>
        %min3A_184 = arith.minsi %add3A_182, %min3A_183 : vector<16xi32>
        %add3A_185 = vector.broadcast %mul3A_15 : i32 to vector<16xi32>
        %add3A_186 = arith.addi %add3A_185, %min3A_184 : vector<16xi32>
        %mul3A_187 = arith.constant 16 : i32
        %mul3A_188 = arith.muli %scan3A_175, %mul3A_187 : i32
        %swap3A = arith.index_cast %mul3A_188 : i32 to index
        %swap3A_189 = tpu.vector_load %arg5[%swap3A] {strides = array<i32>} : memref<80xi32, #tpu.memory_space<vmem>>, vector<16xi32>,
        %swap3A_190 = vector.shape_cast %swap3A_189 : vector<16xi32> to vector<16xi32>
        %swap3A_191 = vector.shape_cast %add3A_186 : vector<16xi32> to vector<16xi32>
        tpu.vector_store %arg5[%swap3A], %swap3A_191 {strides = array<i32>} : memref<80xi32, #tpu.memory_space<vmem>>, vector<16xi32>,
        %scan3A_192 = arith.constant 0 : i32
        scf.yield %scan3A_192 : i32
      }
      %scan3A_145 = arith.constant 5 : i32
      %dma_start3A_146 = arith.constant 0 : i32
      %dma_start3A_147 = arith.constant 0 : i32
      %dma_start3A_148 = tpu.memref_slice %arg8[%dma_start3A_146, %dma_start3A_147] : memref<10000x16xf32, #tpu.memory_space<vmem_shared>> -> memref<10000x16xf32, #tpu.memory_space<vmem_shared>>
      tpu.enqueue_indirect_dma source(%dma_start3A_148 : memref<10000x16xf32, #tpu.memory_space<vmem_shared>>) target(%arg7 : memref<80x16xf32, #tpu.memory_space<vmem>>) offsets(%arg5 : memref<80xi32, #tpu.memory_space<vmem>>) semaphore(%arg9 : memref<!tpu.dma_semaphore, #tpu.memory_space<semaphore_mem>>)
      %dma_wait3A_149 = arith.constant 0 : i32
      %dma_wait3A_150 = arith.constant 0 : i32
      %dma_wait3A_151 = tpu.memref_slice %arg8[%dma_wait3A_149, %dma_wait3A_150] : memref<10000x16xf32, #tpu.memory_space<vmem_shared>> -> memref<10000x16xf32, #tpu.memory_space<vmem_shared>>
      tpu.wait_indirect_dma semaphore(%arg9 : memref<!tpu.dma_semaphore, #tpu.memory_space<semaphore_mem>>) src(%dma_wait3A_151 : memref<10000x16xf32, #tpu.memory_space<vmem_shared>>) dst(%arg7 : memref<80x16xf32, #tpu.memory_space<vmem>>)
      %add3A_152 = arith.constant 480 : i32
      %add3A_153 = arith.addi %mul3A_15, %add3A_152 : i32
      "tpu.region"() ({
        %run_scoped3A = tpu.sem_alloc : memref<!tpu.dma_semaphore, #tpu.memory_space<semaphore_mem>>
        %dma_start3A_175 = arith.constant 0 : i32
        %dma_start3A_176 = tpu.memref_slice %arg3[%add3A_153, %dma_start3A_175] : memref<10000x16xf32, #tpu.memory_space<hbm>> -> memref<80x16xf32, #tpu.memory_space<hbm>>
        %dma_start3A_177 = arith.constant 0 : i32
        %dma_start3A_178 = tpu.memref_slice %arg3[%add3A_153, %dma_start3A_177] : memref<10000x16xf32, #tpu.memory_space<hbm>> -> memref<80x16xf32, #tpu.memory_space<hbm>>
        tpu.enqueue_dma source(%arg7 : memref<80x16xf32, #tpu.memory_space<vmem>>) target(%dma_start3A_178 : memref<80x16xf32, #tpu.memory_space<hbm>>) target_semaphore(%run_scoped3A : memref<!tpu.dma_semaphore, #tpu.memory_space<semaphore_mem>>)
        %dma_wait3A_179 = arith.constant 0 : i32
        %dma_wait3A_180 = tpu.memref_slice %arg3[%add3A_153, %dma_wait3A_179] : memref<10000x16xf32, #tpu.memory_space<hbm>> -> memref<80x16xf32, #tpu.memory_space<hbm>>
        %dma_wait3A_181 = arith.constant 0 : i32
        %dma_wait3A_182 = tpu.memref_slice %arg3[%add3A_153, %dma_wait3A_181] : memref<10000x16xf32, #tpu.memory_space<hbm>> -> memref<80x16xf32, #tpu.memory_space<hbm>>
        tpu.wait_dma2 semaphore(%run_scoped3A : memref<!tpu.dma_semaphore, #tpu.memory_space<semaphore_mem>>) src(%arg7 : memref<80x16xf32, #tpu.memory_space<vmem>>) dst(%dma_wait3A_182 : memref<80x16xf32, #tpu.memory_space<hbm>>)
        tpu.yield
      }) : () -> ()
      %iota3A_154 = tpu.iota {dimensions = array<i32: 0>} : vector<16xi32>
      %scan3A_155 = arith.constant 0 : i32
      %scan3A_156 = arith.constant 0 : i32
      %scan3A_157 = arith.constant 5 : i32
      %scan3A_158 = arith.addi %scan3A_156, %scan3A_157 : i32
      %scan3A_159 = arith.constant 1 : i32
      %scan3A_160 = scf.for %scan3A_175 = %scan3A_156 to %scan3A_158 step %scan3A_159 iter_args(%scan3A_176 = %scan3A_155) -> (i32)  : i32 {
        %mul3A_177 = arith.constant 16 : i32
        %mul3A_178 = arith.muli %scan3A_175, %mul3A_177 : i32
        %add3A_179 = arith.constant 560 : i32
        %add3A_180 = arith.addi %add3A_179, %mul3A_178 : i32
        %add3A_181 = vector.broadcast %add3A_180 : i32 to vector<16xi32>
        %add3A_182 = arith.addi %add3A_181, %iota3A_154 : vector<16xi32>
        %min3A = arith.constant 623 : i32
        %min3A_183 = vector.broadcast %min3A : i32 to vector<16xi32>
        %min3A_184 = arith.minsi %add3A_182, %min3A_183 : vector<16xi32>
        %add3A_185 = vector.broadcast %mul3A_15 : i32 to vector<16xi32>
        %add3A_186 = arith.addi %add3A_185, %min3A_184 : vector<16xi32>
        %mul3A_187 = arith.constant 16 : i32
        %mul3A_188 = arith.muli %scan3A_175, %mul3A_187 : i32
        %swap3A = arith.index_cast %mul3A_188 : i32 to index
        %swap3A_189 = tpu.vector_load %arg5[%swap3A] {strides = array<i32>} : memref<80xi32, #tpu.memory_space<vmem>>, vector<16xi32>,
        %swap3A_190 = vector.shape_cast %swap3A_189 : vector<16xi32> to vector<16xi32>
        %swap3A_191 = vector.shape_cast %add3A_186 : vector<16xi32> to vector<16xi32>
        tpu.vector_store %arg5[%swap3A], %swap3A_191 {strides = array<i32>} : memref<80xi32, #tpu.memory_space<vmem>>, vector<16xi32>,
        %scan3A_192 = arith.constant 0 : i32
        scf.yield %scan3A_192 : i32
      }
      %scan3A_161 = arith.constant 5 : i32
      %dma_start3A_162 = arith.constant 0 : i32
      %dma_start3A_163 = arith.constant 0 : i32
      %dma_start3A_164 = tpu.memref_slice %arg8[%dma_start3A_162, %dma_start3A_163] : memref<10000x16xf32, #tpu.memory_space<vmem_shared>> -> memref<10000x16xf32, #tpu.memory_space<vmem_shared>>
      tpu.enqueue_indirect_dma source(%dma_start3A_164 : memref<10000x16xf32, #tpu.memory_space<vmem_shared>>) target(%arg7 : memref<80x16xf32, #tpu.memory_space<vmem>>) offsets(%arg5 : memref<80xi32, #tpu.memory_space<vmem>>) semaphore(%arg9 : memref<!tpu.dma_semaphore, #tpu.memory_space<semaphore_mem>>)
      %dma_wait3A_165 = arith.constant 0 : i32
      %dma_wait3A_166 = arith.constant 0 : i32
      %dma_wait3A_167 = tpu.memref_slice %arg8[%dma_wait3A_165, %dma_wait3A_166] : memref<10000x16xf32, #tpu.memory_space<vmem_shared>> -> memref<10000x16xf32, #tpu.memory_space<vmem_shared>>
      tpu.wait_indirect_dma semaphore(%arg9 : memref<!tpu.dma_semaphore, #tpu.memory_space<semaphore_mem>>) src(%dma_wait3A_167 : memref<10000x16xf32, #tpu.memory_space<vmem_shared>>) dst(%arg7 : memref<80x16xf32, #tpu.memory_space<vmem>>)
      %add3A_168 = arith.constant 560 : i32
      %add3A_169 = arith.addi %mul3A_15, %add3A_168 : i32
      "tpu.region"() ({
        %run_scoped3A = tpu.sem_alloc : memref<!tpu.dma_semaphore, #tpu.memory_space<semaphore_mem>>
        %dma_start3A_175 = arith.constant 0 : i32
        %dma_start3A_176 = arith.constant 0 : i32
        %dma_start3A_177 = tpu.memref_slice %arg7[%dma_start3A_175, %dma_start3A_176] : memref<80x16xf32, #tpu.memory_space<vmem>> -> memref<64x16xf32, #tpu.memory_space<vmem>>
        %dma_start3A_178 = arith.constant 0 : i32
        %dma_start3A_179 = tpu.memref_slice %arg3[%add3A_169, %dma_start3A_178] : memref<10000x16xf32, #tpu.memory_space<hbm>> -> memref<64x16xf32, #tpu.memory_space<hbm>>
        %dma_start3A_180 = arith.constant 0 : i32
        %dma_start3A_181 = tpu.memref_slice %arg3[%add3A_169, %dma_start3A_180] : memref<10000x16xf32, #tpu.memory_space<hbm>> -> memref<64x16xf32, #tpu.memory_space<hbm>>
        %dma_start3A_182 = arith.constant 0 : i32
        %dma_start3A_183 = arith.constant 0 : i32
        %dma_start3A_184 = tpu.memref_slice %arg7[%dma_start3A_182, %dma_start3A_183] : memref<80x16xf32, #tpu.memory_space<vmem>> -> memref<64x16xf32, #tpu.memory_space<vmem>>
        tpu.enqueue_dma source(%dma_start3A_184 : memref<64x16xf32, #tpu.memory_space<vmem>>) target(%dma_start3A_181 : memref<64x16xf32, #tpu.memory_space<hbm>>) target_semaphore(%run_scoped3A : memref<!tpu.dma_semaphore, #tpu.memory_space<semaphore_mem>>)
        %dma_wait3A_185 = arith.constant 0 : i32
        %dma_wait3A_186 = arith.constant 0 : i32
        %dma_wait3A_187 = tpu.memref_slice %arg7[%dma_wait3A_185, %dma_wait3A_186] : memref<80x16xf32, #tpu.memory_space<vmem>> -> memref<64x16xf32, #tpu.memory_space<vmem>>
        %dma_wait3A_188 = arith.constant 0 : i32
        %dma_wait3A_189 = tpu.memref_slice %arg3[%add3A_169, %dma_wait3A_188] : memref<10000x16xf32, #tpu.memory_space<hbm>> -> memref<64x16xf32, #tpu.memory_space<hbm>>
        %dma_wait3A_190 = arith.constant 0 : i32
        %dma_wait3A_191 = tpu.memref_slice %arg3[%add3A_169, %dma_wait3A_190] : memref<10000x16xf32, #tpu.memory_space<hbm>> -> memref<64x16xf32, #tpu.memory_space<hbm>>
        %dma_wait3A_192 = arith.constant 0 : i32
        %dma_wait3A_193 = arith.constant 0 : i32
        %dma_wait3A_194 = tpu.memref_slice %arg7[%dma_wait3A_192, %dma_wait3A_193] : memref<80x16xf32, #tpu.memory_space<vmem>> -> memref<64x16xf32, #tpu.memory_space<vmem>>
        tpu.wait_dma2 semaphore(%run_scoped3A : memref<!tpu.dma_semaphore, #tpu.memory_space<semaphore_mem>>) src(%dma_wait3A_194 : memref<64x16xf32, #tpu.memory_space<vmem>>) dst(%dma_wait3A_191 : memref<64x16xf32, #tpu.memory_space<hbm>>)
        tpu.yield
      }) : () -> ()
      %eq3A_170 = arith.constant 0 : i32
      %eq3A_171 = arith.cmpi eq, %arg1, %eq3A_170 : i32
      %convert_element_type3A_172 = arith.extui %eq3A_171 : i1 to i32
      %cond3A_173 = arith.constant 0 : i32
      %cond3A_174 = arith.cmpi ne, %convert_element_type3A_172, %cond3A_173 : i32
      scf.if %cond3A_174 {
        %iota3A_175 = tpu.iota {dimensions = array<i32: 0>} : vector<16xi32>
        %scan3A_176 = arith.constant 0 : i32
        %scan3A_177 = arith.constant 0 : i32
        %scan3A_178 = arith.constant 5 : i32
        %scan3A_179 = arith.addi %scan3A_177, %scan3A_178 : i32
        %scan3A_180 = arith.constant 1 : i32
        %scan3A_181 = scf.for %scan3A_189 = %scan3A_177 to %scan3A_179 step %scan3A_180 iter_args(%scan3A_190 = %scan3A_176) -> (i32)  : i32 {
          %mul3A_191 = arith.constant 16 : i32
          %mul3A_192 = arith.muli %scan3A_189, %mul3A_191 : i32
          %add3A_193 = arith.constant 0 : i32
          %add3A_194 = arith.addi %add3A_193, %mul3A_192 : i32
          %add3A_195 = vector.broadcast %add3A_194 : i32 to vector<16xi32>
          %add3A_196 = arith.addi %add3A_195, %iota3A_175 : vector<16xi32>
          %min3A = arith.constant 15 : i32
          %min3A_197 = vector.broadcast %min3A : i32 to vector<16xi32>
          %min3A_198 = arith.minsi %add3A_196, %min3A_197 : vector<16xi32>
          %add3A_199 = arith.constant 9984 : i32
          %add3A_200 = vector.broadcast %add3A_199 : i32 to vector<16xi32>
          %add3A_201 = arith.addi %add3A_200, %min3A_198 : vector<16xi32>
          %mul3A_202 = arith.constant 16 : i32
          %mul3A_203 = arith.muli %scan3A_189, %mul3A_202 : i32
          %swap3A = arith.index_cast %mul3A_203 : i32 to index
          %swap3A_204 = tpu.vector_load %arg5[%swap3A] {strides = array<i32>} : memref<80xi32, #tpu.memory_space<vmem>>, vector<16xi32>,
          %swap3A_205 = vector.shape_cast %swap3A_204 : vector<16xi32> to vector<16xi32>
          %swap3A_206 = vector.shape_cast %add3A_201 : vector<16xi32> to vector<16xi32>
          tpu.vector_store %arg5[%swap3A], %swap3A_206 {strides = array<i32>} : memref<80xi32, #tpu.memory_space<vmem>>, vector<16xi32>,
          %scan3A_207 = arith.constant 0 : i32
          scf.yield %scan3A_207 : i32
        }
        %scan3A_182 = arith.constant 5 : i32
        %dma_start3A_183 = arith.constant 0 : i32
        %dma_start3A_184 = arith.constant 0 : i32
        %dma_start3A_185 = tpu.memref_slice %arg8[%dma_start3A_183, %dma_start3A_184] : memref<10000x16xf32, #tpu.memory_space<vmem_shared>> -> memref<10000x16xf32, #tpu.memory_space<vmem_shared>>
        tpu.enqueue_indirect_dma source(%dma_start3A_185 : memref<10000x16xf32, #tpu.memory_space<vmem_shared>>) target(%arg7 : memref<80x16xf32, #tpu.memory_space<vmem>>) offsets(%arg5 : memref<80xi32, #tpu.memory_space<vmem>>) semaphore(%arg9 : memref<!tpu.dma_semaphore, #tpu.memory_space<semaphore_mem>>)
        %dma_wait3A_186 = arith.constant 0 : i32
        %dma_wait3A_187 = arith.constant 0 : i32
        %dma_wait3A_188 = tpu.memref_slice %arg8[%dma_wait3A_186, %dma_wait3A_187] : memref<10000x16xf32, #tpu.memory_space<vmem_shared>> -> memref<10000x16xf32, #tpu.memory_space<vmem_shared>>
        tpu.wait_indirect_dma semaphore(%arg9 : memref<!tpu.dma_semaphore, #tpu.memory_space<semaphore_mem>>) src(%dma_wait3A_188 : memref<10000x16xf32, #tpu.memory_space<vmem_shared>>) dst(%arg7 : memref<80x16xf32, #tpu.memory_space<vmem>>)
        "tpu.region"() ({
          %run_scoped3A = tpu.sem_alloc : memref<!tpu.dma_semaphore, #tpu.memory_space<semaphore_mem>>
          %dma_start3A_189 = arith.constant 0 : i32
          %dma_start3A_190 = arith.constant 0 : i32
          %dma_start3A_191 = tpu.memref_slice %arg7[%dma_start3A_189, %dma_start3A_190] : memref<80x16xf32, #tpu.memory_space<vmem>> -> memref<16x16xf32, #tpu.memory_space<vmem>>
          %dma_start3A_192 = arith.constant 9984 : i32
          %dma_start3A_193 = arith.constant 0 : i32
          %dma_start3A_194 = tpu.memref_slice %arg3[%dma_start3A_192, %dma_start3A_193] : memref<10000x16xf32, #tpu.memory_space<hbm>> -> memref<16x16xf32, #tpu.memory_space<hbm>>
          %dma_start3A_195 = arith.constant 9984 : i32
          %dma_start3A_196 = arith.constant 0 : i32
          %dma_start3A_197 = tpu.memref_slice %arg3[%dma_start3A_195, %dma_start3A_196] : memref<10000x16xf32, #tpu.memory_space<hbm>> -> memref<16x16xf32, #tpu.memory_space<hbm>>
          %dma_start3A_198 = arith.constant 0 : i32
          %dma_start3A_199 = arith.constant 0 : i32
          %dma_start3A_200 = tpu.memref_slice %arg7[%dma_start3A_198, %dma_start3A_199] : memref<80x16xf32, #tpu.memory_space<vmem>> -> memref<16x16xf32, #tpu.memory_space<vmem>>
          tpu.enqueue_dma source(%dma_start3A_200 : memref<16x16xf32, #tpu.memory_space<vmem>>) target(%dma_start3A_197 : memref<16x16xf32, #tpu.memory_space<hbm>>) target_semaphore(%run_scoped3A : memref<!tpu.dma_semaphore, #tpu.memory_space<semaphore_mem>>)
          %dma_wait3A_201 = arith.constant 0 : i32
          %dma_wait3A_202 = arith.constant 0 : i32
          %dma_wait3A_203 = tpu.memref_slice %arg7[%dma_wait3A_201, %dma_wait3A_202] : memref<80x16xf32, #tpu.memory_space<vmem>> -> memref<16x16xf32, #tpu.memory_space<vmem>>
          %dma_wait3A_204 = arith.constant 9984 : i32
          %dma_wait3A_205 = arith.constant 0 : i32
          %dma_wait3A_206 = tpu.memref_slice %arg3[%dma_wait3A_204, %dma_wait3A_205] : memref<10000x16xf32, #tpu.memory_space<hbm>> -> memref<16x16xf32, #tpu.memory_space<hbm>>
          %dma_wait3A_207 = arith.constant 9984 : i32
          %dma_wait3A_208 = arith.constant 0 : i32
          %dma_wait3A_209 = tpu.memref_slice %arg3[%dma_wait3A_207, %dma_wait3A_208] : memref<10000x16xf32, #tpu.memory_space<hbm>> -> memref<16x16xf32, #tpu.memory_space<hbm>>
          %dma_wait3A_210 = arith.constant 0 : i32
          %dma_wait3A_211 = arith.constant 0 : i32
          %dma_wait3A_212 = tpu.memref_slice %arg7[%dma_wait3A_210, %dma_wait3A_211] : memref<80x16xf32, #tpu.memory_space<vmem>> -> memref<16x16xf32, #tpu.memory_space<vmem>>
          tpu.wait_dma2 semaphore(%run_scoped3A : memref<!tpu.dma_semaphore, #tpu.memory_space<semaphore_mem>>) src(%dma_wait3A_212 : memref<16x16xf32, #tpu.memory_space<vmem>>) dst(%dma_wait3A_209 : memref<16x16xf32, #tpu.memory_space<hbm>>)
          tpu.yield
        }) : () -> ()
      } else {
      }
    } else {
    }
    %eq3A_40 = arith.constant 1 : i32
    %eq3A_41 = arith.cmpi eq, %arg0, %eq3A_40 : i32
    %convert_element_type3A_42 = arith.extui %eq3A_41 : i1 to i32
    %cond3A_43 = arith.constant 0 : i32
    %cond3A_44 = arith.cmpi ne, %convert_element_type3A_42, %cond3A_43 : i32
    scf.if %cond3A_44 {
      %iota3A = tpu.iota {dimensions = array<i32: 0>} : vector<16xi32>
      %scan3A_45 = arith.constant 0 : i32
      %scan3A_46 = arith.constant 0 : i32
      %scan3A_47 = arith.constant 5 : i32
      %scan3A_48 = arith.addi %scan3A_46, %scan3A_47 : i32
      %scan3A_49 = arith.constant 1 : i32
      %scan3A_50 = scf.for %scan3A_175 = %scan3A_46 to %scan3A_48 step %scan3A_49 iter_args(%scan3A_176 = %scan3A_45) -> (i32)  : i32 {
        %mul3A_177 = arith.constant 16 : i32
        %mul3A_178 = arith.muli %scan3A_175, %mul3A_177 : i32
        %add3A_179 = arith.constant 0 : i32
        %add3A_180 = arith.addi %add3A_179, %mul3A_178 : i32
        %add3A_181 = vector.broadcast %add3A_180 : i32 to vector<16xi32>
        %add3A_182 = arith.addi %add3A_181, %iota3A : vector<16xi32>
        %min3A = arith.constant 623 : i32
        %min3A_183 = vector.broadcast %min3A : i32 to vector<16xi32>
        %min3A_184 = arith.minsi %add3A_182, %min3A_183 : vector<16xi32>
        %add3A_185 = vector.broadcast %mul3A_15 : i32 to vector<16xi32>
        %add3A_186 = arith.addi %add3A_185, %min3A_184 : vector<16xi32>
        %mul3A_187 = arith.constant 16 : i32
        %mul3A_188 = arith.muli %scan3A_175, %mul3A_187 : i32
        %swap3A = arith.index_cast %mul3A_188 : i32 to index
        %swap3A_189 = tpu.vector_load %arg5[%swap3A] {strides = array<i32>} : memref<80xi32, #tpu.memory_space<vmem>>, vector<16xi32>,
        %swap3A_190 = vector.shape_cast %swap3A_189 : vector<16xi32> to vector<16xi32>
        %swap3A_191 = vector.shape_cast %add3A_186 : vector<16xi32> to vector<16xi32>
        tpu.vector_store %arg5[%swap3A], %swap3A_191 {strides = array<i32>} : memref<80xi32, #tpu.memory_space<vmem>>, vector<16xi32>,
        %scan3A_192 = arith.constant 0 : i32
        scf.yield %scan3A_192 : i32
      }
      %scan3A_51 = arith.constant 5 : i32
      %dma_start3A = arith.constant 0 : i32
      %dma_start3A_52 = arith.constant 0 : i32
      %dma_start3A_53 = tpu.memref_slice %arg8[%dma_start3A, %dma_start3A_52] : memref<10000x16xf32, #tpu.memory_space<vmem_shared>> -> memref<10000x16xf32, #tpu.memory_space<vmem_shared>>
      tpu.enqueue_indirect_dma source(%dma_start3A_53 : memref<10000x16xf32, #tpu.memory_space<vmem_shared>>) target(%arg7 : memref<80x16xf32, #tpu.memory_space<vmem>>) offsets(%arg5 : memref<80xi32, #tpu.memory_space<vmem>>) semaphore(%arg9 : memref<!tpu.dma_semaphore, #tpu.memory_space<semaphore_mem>>)
      %dma_wait3A = arith.constant 0 : i32
      %dma_wait3A_54 = arith.constant 0 : i32
      %dma_wait3A_55 = tpu.memref_slice %arg8[%dma_wait3A, %dma_wait3A_54] : memref<10000x16xf32, #tpu.memory_space<vmem_shared>> -> memref<10000x16xf32, #tpu.memory_space<vmem_shared>>
      tpu.wait_indirect_dma semaphore(%arg9 : memref<!tpu.dma_semaphore, #tpu.memory_space<semaphore_mem>>) src(%dma_wait3A_55 : memref<10000x16xf32, #tpu.memory_space<vmem_shared>>) dst(%arg7 : memref<80x16xf32, #tpu.memory_space<vmem>>)
      %add3A_56 = arith.constant 0 : i32
      %add3A_57 = arith.addi %mul3A_15, %add3A_56 : i32
      "tpu.region"() ({
        %run_scoped3A = tpu.sem_alloc : memref<!tpu.dma_semaphore, #tpu.memory_space<semaphore_mem>>
        %dma_start3A_175 = arith.constant 0 : i32
        %dma_start3A_176 = tpu.memref_slice %arg4[%add3A_57, %dma_start3A_175] : memref<10000x16xf32, #tpu.memory_space<hbm>> -> memref<80x16xf32, #tpu.memory_space<hbm>>
        %dma_start3A_177 = arith.constant 0 : i32
        %dma_start3A_178 = tpu.memref_slice %arg4[%add3A_57, %dma_start3A_177] : memref<10000x16xf32, #tpu.memory_space<hbm>> -> memref<80x16xf32, #tpu.memory_space<hbm>>
        tpu.enqueue_dma source(%arg7 : memref<80x16xf32, #tpu.memory_space<vmem>>) target(%dma_start3A_178 : memref<80x16xf32, #tpu.memory_space<hbm>>) target_semaphore(%run_scoped3A : memref<!tpu.dma_semaphore, #tpu.memory_space<semaphore_mem>>)
        %dma_wait3A_179 = arith.constant 0 : i32
        %dma_wait3A_180 = tpu.memref_slice %arg4[%add3A_57, %dma_wait3A_179] : memref<10000x16xf32, #tpu.memory_space<hbm>> -> memref<80x16xf32, #tpu.memory_space<hbm>>
        %dma_wait3A_181 = arith.constant 0 : i32
        %dma_wait3A_182 = tpu.memref_slice %arg4[%add3A_57, %dma_wait3A_181] : memref<10000x16xf32, #tpu.memory_space<hbm>> -> memref<80x16xf32, #tpu.memory_space<hbm>>
        tpu.wait_dma2 semaphore(%run_scoped3A : memref<!tpu.dma_semaphore, #tpu.memory_space<semaphore_mem>>) src(%arg7 : memref<80x16xf32, #tpu.memory_space<vmem>>) dst(%dma_wait3A_182 : memref<80x16xf32, #tpu.memory_space<hbm>>)
        tpu.yield
      }) : () -> ()
      %iota3A_58 = tpu.iota {dimensions = array<i32: 0>} : vector<16xi32>
      %scan3A_59 = arith.constant 0 : i32
      %scan3A_60 = arith.constant 0 : i32
      %scan3A_61 = arith.constant 5 : i32
      %scan3A_62 = arith.addi %scan3A_60, %scan3A_61 : i32
      %scan3A_63 = arith.constant 1 : i32
      %scan3A_64 = scf.for %scan3A_175 = %scan3A_60 to %scan3A_62 step %scan3A_63 iter_args(%scan3A_176 = %scan3A_59) -> (i32)  : i32 {
        %mul3A_177 = arith.constant 16 : i32
        %mul3A_178 = arith.muli %scan3A_175, %mul3A_177 : i32
        %add3A_179 = arith.constant 80 : i32
        %add3A_180 = arith.addi %add3A_179, %mul3A_178 : i32
        %add3A_181 = vector.broadcast %add3A_180 : i32 to vector<16xi32>
        %add3A_182 = arith.addi %add3A_181, %iota3A_58 : vector<16xi32>
        %min3A = arith.constant 623 : i32
        %min3A_183 = vector.broadcast %min3A : i32 to vector<16xi32>
        %min3A_184 = arith.minsi %add3A_182, %min3A_183 : vector<16xi32>
        %add3A_185 = vector.broadcast %mul3A_15 : i32 to vector<16xi32>
        %add3A_186 = arith.addi %add3A_185, %min3A_184 : vector<16xi32>
        %mul3A_187 = arith.constant 16 : i32
        %mul3A_188 = arith.muli %scan3A_175, %mul3A_187 : i32
        %swap3A = arith.index_cast %mul3A_188 : i32 to index
        %swap3A_189 = tpu.vector_load %arg5[%swap3A] {strides = array<i32>} : memref<80xi32, #tpu.memory_space<vmem>>, vector<16xi32>,
        %swap3A_190 = vector.shape_cast %swap3A_189 : vector<16xi32> to vector<16xi32>
        %swap3A_191 = vector.shape_cast %add3A_186 : vector<16xi32> to vector<16xi32>
        tpu.vector_store %arg5[%swap3A], %swap3A_191 {strides = array<i32>} : memref<80xi32, #tpu.memory_space<vmem>>, vector<16xi32>,
        %scan3A_192 = arith.constant 0 : i32
        scf.yield %scan3A_192 : i32
      }
      %scan3A_65 = arith.constant 5 : i32
      %dma_start3A_66 = arith.constant 0 : i32
      %dma_start3A_67 = arith.constant 0 : i32
      %dma_start3A_68 = tpu.memref_slice %arg8[%dma_start3A_66, %dma_start3A_67] : memref<10000x16xf32, #tpu.memory_space<vmem_shared>> -> memref<10000x16xf32, #tpu.memory_space<vmem_shared>>
      tpu.enqueue_indirect_dma source(%dma_start3A_68 : memref<10000x16xf32, #tpu.memory_space<vmem_shared>>) target(%arg7 : memref<80x16xf32, #tpu.memory_space<vmem>>) offsets(%arg5 : memref<80xi32, #tpu.memory_space<vmem>>) semaphore(%arg9 : memref<!tpu.dma_semaphore, #tpu.memory_space<semaphore_mem>>)
      %dma_wait3A_69 = arith.constant 0 : i32
      %dma_wait3A_70 = arith.constant 0 : i32
      %dma_wait3A_71 = tpu.memref_slice %arg8[%dma_wait3A_69, %dma_wait3A_70] : memref<10000x16xf32, #tpu.memory_space<vmem_shared>> -> memref<10000x16xf32, #tpu.memory_space<vmem_shared>>
      tpu.wait_indirect_dma semaphore(%arg9 : memref<!tpu.dma_semaphore, #tpu.memory_space<semaphore_mem>>) src(%dma_wait3A_71 : memref<10000x16xf32, #tpu.memory_space<vmem_shared>>) dst(%arg7 : memref<80x16xf32, #tpu.memory_space<vmem>>)
      %add3A_72 = arith.constant 80 : i32
      %add3A_73 = arith.addi %mul3A_15, %add3A_72 : i32
      "tpu.region"() ({
        %run_scoped3A = tpu.sem_alloc : memref<!tpu.dma_semaphore, #tpu.memory_space<semaphore_mem>>
        %dma_start3A_175 = arith.constant 0 : i32
        %dma_start3A_176 = tpu.memref_slice %arg4[%add3A_73, %dma_start3A_175] : memref<10000x16xf32, #tpu.memory_space<hbm>> -> memref<80x16xf32, #tpu.memory_space<hbm>>
        %dma_start3A_177 = arith.constant 0 : i32
        %dma_start3A_178 = tpu.memref_slice %arg4[%add3A_73, %dma_start3A_177] : memref<10000x16xf32, #tpu.memory_space<hbm>> -> memref<80x16xf32, #tpu.memory_space<hbm>>
        tpu.enqueue_dma source(%arg7 : memref<80x16xf32, #tpu.memory_space<vmem>>) target(%dma_start3A_178 : memref<80x16xf32, #tpu.memory_space<hbm>>) target_semaphore(%run_scoped3A : memref<!tpu.dma_semaphore, #tpu.memory_space<semaphore_mem>>)
        %dma_wait3A_179 = arith.constant 0 : i32
        %dma_wait3A_180 = tpu.memref_slice %arg4[%add3A_73, %dma_wait3A_179] : memref<10000x16xf32, #tpu.memory_space<hbm>> -> memref<80x16xf32, #tpu.memory_space<hbm>>
        %dma_wait3A_181 = arith.constant 0 : i32
        %dma_wait3A_182 = tpu.memref_slice %arg4[%add3A_73, %dma_wait3A_181] : memref<10000x16xf32, #tpu.memory_space<hbm>> -> memref<80x16xf32, #tpu.memory_space<hbm>>
        tpu.wait_dma2 semaphore(%run_scoped3A : memref<!tpu.dma_semaphore, #tpu.memory_space<semaphore_mem>>) src(%arg7 : memref<80x16xf32, #tpu.memory_space<vmem>>) dst(%dma_wait3A_182 : memref<80x16xf32, #tpu.memory_space<hbm>>)
        tpu.yield
      }) : () -> ()
      %iota3A_74 = tpu.iota {dimensions = array<i32: 0>} : vector<16xi32>
      %scan3A_75 = arith.constant 0 : i32
      %scan3A_76 = arith.constant 0 : i32
      %scan3A_77 = arith.constant 5 : i32
      %scan3A_78 = arith.addi %scan3A_76, %scan3A_77 : i32
      %scan3A_79 = arith.constant 1 : i32
      %scan3A_80 = scf.for %scan3A_175 = %scan3A_76 to %scan3A_78 step %scan3A_79 iter_args(%scan3A_176 = %scan3A_75) -> (i32)  : i32 {
        %mul3A_177 = arith.constant 16 : i32
        %mul3A_178 = arith.muli %scan3A_175, %mul3A_177 : i32
        %add3A_179 = arith.constant 160 : i32
        %add3A_180 = arith.addi %add3A_179, %mul3A_178 : i32
        %add3A_181 = vector.broadcast %add3A_180 : i32 to vector<16xi32>
        %add3A_182 = arith.addi %add3A_181, %iota3A_74 : vector<16xi32>
        %min3A = arith.constant 623 : i32
        %min3A_183 = vector.broadcast %min3A : i32 to vector<16xi32>
        %min3A_184 = arith.minsi %add3A_182, %min3A_183 : vector<16xi32>
        %add3A_185 = vector.broadcast %mul3A_15 : i32 to vector<16xi32>
        %add3A_186 = arith.addi %add3A_185, %min3A_184 : vector<16xi32>
        %mul3A_187 = arith.constant 16 : i32
        %mul3A_188 = arith.muli %scan3A_175, %mul3A_187 : i32
        %swap3A = arith.index_cast %mul3A_188 : i32 to index
        %swap3A_189 = tpu.vector_load %arg5[%swap3A] {strides = array<i32>} : memref<80xi32, #tpu.memory_space<vmem>>, vector<16xi32>,
        %swap3A_190 = vector.shape_cast %swap3A_189 : vector<16xi32> to vector<16xi32>
        %swap3A_191 = vector.shape_cast %add3A_186 : vector<16xi32> to vector<16xi32>
        tpu.vector_store %arg5[%swap3A], %swap3A_191 {strides = array<i32>} : memref<80xi32, #tpu.memory_space<vmem>>, vector<16xi32>,
        %scan3A_192 = arith.constant 0 : i32
        scf.yield %scan3A_192 : i32
      }
      %scan3A_81 = arith.constant 5 : i32
      %dma_start3A_82 = arith.constant 0 : i32
      %dma_start3A_83 = arith.constant 0 : i32
      %dma_start3A_84 = tpu.memref_slice %arg8[%dma_start3A_82, %dma_start3A_83] : memref<10000x16xf32, #tpu.memory_space<vmem_shared>> -> memref<10000x16xf32, #tpu.memory_space<vmem_shared>>
      tpu.enqueue_indirect_dma source(%dma_start3A_84 : memref<10000x16xf32, #tpu.memory_space<vmem_shared>>) target(%arg7 : memref<80x16xf32, #tpu.memory_space<vmem>>) offsets(%arg5 : memref<80xi32, #tpu.memory_space<vmem>>) semaphore(%arg9 : memref<!tpu.dma_semaphore, #tpu.memory_space<semaphore_mem>>)
      %dma_wait3A_85 = arith.constant 0 : i32
      %dma_wait3A_86 = arith.constant 0 : i32
      %dma_wait3A_87 = tpu.memref_slice %arg8[%dma_wait3A_85, %dma_wait3A_86] : memref<10000x16xf32, #tpu.memory_space<vmem_shared>> -> memref<10000x16xf32, #tpu.memory_space<vmem_shared>>
      tpu.wait_indirect_dma semaphore(%arg9 : memref<!tpu.dma_semaphore, #tpu.memory_space<semaphore_mem>>) src(%dma_wait3A_87 : memref<10000x16xf32, #tpu.memory_space<vmem_shared>>) dst(%arg7 : memref<80x16xf32, #tpu.memory_space<vmem>>)
      %add3A_88 = arith.constant 160 : i32
      %add3A_89 = arith.addi %mul3A_15, %add3A_88 : i32
      "tpu.region"() ({
        %run_scoped3A = tpu.sem_alloc : memref<!tpu.dma_semaphore, #tpu.memory_space<semaphore_mem>>
        %dma_start3A_175 = arith.constant 0 : i32
        %dma_start3A_176 = tpu.memref_slice %arg4[%add3A_89, %dma_start3A_175] : memref<10000x16xf32, #tpu.memory_space<hbm>> -> memref<80x16xf32, #tpu.memory_space<hbm>>
        %dma_start3A_177 = arith.constant 0 : i32
        %dma_start3A_178 = tpu.memref_slice %arg4[%add3A_89, %dma_start3A_177] : memref<10000x16xf32, #tpu.memory_space<hbm>> -> memref<80x16xf32, #tpu.memory_space<hbm>>
        tpu.enqueue_dma source(%arg7 : memref<80x16xf32, #tpu.memory_space<vmem>>) target(%dma_start3A_178 : memref<80x16xf32, #tpu.memory_space<hbm>>) target_semaphore(%run_scoped3A : memref<!tpu.dma_semaphore, #tpu.memory_space<semaphore_mem>>)
        %dma_wait3A_179 = arith.constant 0 : i32
        %dma_wait3A_180 = tpu.memref_slice %arg4[%add3A_89, %dma_wait3A_179] : memref<10000x16xf32, #tpu.memory_space<hbm>> -> memref<80x16xf32, #tpu.memory_space<hbm>>
        %dma_wait3A_181 = arith.constant 0 : i32
        %dma_wait3A_182 = tpu.memref_slice %arg4[%add3A_89, %dma_wait3A_181] : memref<10000x16xf32, #tpu.memory_space<hbm>> -> memref<80x16xf32, #tpu.memory_space<hbm>>
        tpu.wait_dma2 semaphore(%run_scoped3A : memref<!tpu.dma_semaphore, #tpu.memory_space<semaphore_mem>>) src(%arg7 : memref<80x16xf32, #tpu.memory_space<vmem>>) dst(%dma_wait3A_182 : memref<80x16xf32, #tpu.memory_space<hbm>>)
        tpu.yield
      }) : () -> ()
      %iota3A_90 = tpu.iota {dimensions = array<i32: 0>} : vector<16xi32>
      %scan3A_91 = arith.constant 0 : i32
      %scan3A_92 = arith.constant 0 : i32
      %scan3A_93 = arith.constant 5 : i32
      %scan3A_94 = arith.addi %scan3A_92, %scan3A_93 : i32
      %scan3A_95 = arith.constant 1 : i32
      %scan3A_96 = scf.for %scan3A_175 = %scan3A_92 to %scan3A_94 step %scan3A_95 iter_args(%scan3A_176 = %scan3A_91) -> (i32)  : i32 {
        %mul3A_177 = arith.constant 16 : i32
        %mul3A_178 = arith.muli %scan3A_175, %mul3A_177 : i32
        %add3A_179 = arith.constant 240 : i32
        %add3A_180 = arith.addi %add3A_179, %mul3A_178 : i32
        %add3A_181 = vector.broadcast %add3A_180 : i32 to vector<16xi32>
        %add3A_182 = arith.addi %add3A_181, %iota3A_90 : vector<16xi32>
        %min3A = arith.constant 623 : i32
        %min3A_183 = vector.broadcast %min3A : i32 to vector<16xi32>
        %min3A_184 = arith.minsi %add3A_182, %min3A_183 : vector<16xi32>
        %add3A_185 = vector.broadcast %mul3A_15 : i32 to vector<16xi32>
        %add3A_186 = arith.addi %add3A_185, %min3A_184 : vector<16xi32>
        %mul3A_187 = arith.constant 16 : i32
        %mul3A_188 = arith.muli %scan3A_175, %mul3A_187 : i32
        %swap3A = arith.index_cast %mul3A_188 : i32 to index
        %swap3A_189 = tpu.vector_load %arg5[%swap3A] {strides = array<i32>} : memref<80xi32, #tpu.memory_space<vmem>>, vector<16xi32>,
        %swap3A_190 = vector.shape_cast %swap3A_189 : vector<16xi32> to vector<16xi32>
        %swap3A_191 = vector.shape_cast %add3A_186 : vector<16xi32> to vector<16xi32>
        tpu.vector_store %arg5[%swap3A], %swap3A_191 {strides = array<i32>} : memref<80xi32, #tpu.memory_space<vmem>>, vector<16xi32>,
        %scan3A_192 = arith.constant 0 : i32
        scf.yield %scan3A_192 : i32
      }
      %scan3A_97 = arith.constant 5 : i32
      %dma_start3A_98 = arith.constant 0 : i32
      %dma_start3A_99 = arith.constant 0 : i32
      %dma_start3A_100 = tpu.memref_slice %arg8[%dma_start3A_98, %dma_start3A_99] : memref<10000x16xf32, #tpu.memory_space<vmem_shared>> -> memref<10000x16xf32, #tpu.memory_space<vmem_shared>>
      tpu.enqueue_indirect_dma source(%dma_start3A_100 : memref<10000x16xf32, #tpu.memory_space<vmem_shared>>) target(%arg7 : memref<80x16xf32, #tpu.memory_space<vmem>>) offsets(%arg5 : memref<80xi32, #tpu.memory_space<vmem>>) semaphore(%arg9 : memref<!tpu.dma_semaphore, #tpu.memory_space<semaphore_mem>>)
      %dma_wait3A_101 = arith.constant 0 : i32
      %dma_wait3A_102 = arith.constant 0 : i32
      %dma_wait3A_103 = tpu.memref_slice %arg8[%dma_wait3A_101, %dma_wait3A_102] : memref<10000x16xf32, #tpu.memory_space<vmem_shared>> -> memref<10000x16xf32, #tpu.memory_space<vmem_shared>>
      tpu.wait_indirect_dma semaphore(%arg9 : memref<!tpu.dma_semaphore, #tpu.memory_space<semaphore_mem>>) src(%dma_wait3A_103 : memref<10000x16xf32, #tpu.memory_space<vmem_shared>>) dst(%arg7 : memref<80x16xf32, #tpu.memory_space<vmem>>)
      %add3A_104 = arith.constant 240 : i32
      %add3A_105 = arith.addi %mul3A_15, %add3A_104 : i32
      "tpu.region"() ({
        %run_scoped3A = tpu.sem_alloc : memref<!tpu.dma_semaphore, #tpu.memory_space<semaphore_mem>>
        %dma_start3A_175 = arith.constant 0 : i32
        %dma_start3A_176 = tpu.memref_slice %arg4[%add3A_105, %dma_start3A_175] : memref<10000x16xf32, #tpu.memory_space<hbm>> -> memref<80x16xf32, #tpu.memory_space<hbm>>
        %dma_start3A_177 = arith.constant 0 : i32
        %dma_start3A_178 = tpu.memref_slice %arg4[%add3A_105, %dma_start3A_177] : memref<10000x16xf32, #tpu.memory_space<hbm>> -> memref<80x16xf32, #tpu.memory_space<hbm>>
        tpu.enqueue_dma source(%arg7 : memref<80x16xf32, #tpu.memory_space<vmem>>) target(%dma_start3A_178 : memref<80x16xf32, #tpu.memory_space<hbm>>) target_semaphore(%run_scoped3A : memref<!tpu.dma_semaphore, #tpu.memory_space<semaphore_mem>>)
        %dma_wait3A_179 = arith.constant 0 : i32
        %dma_wait3A_180 = tpu.memref_slice %arg4[%add3A_105, %dma_wait3A_179] : memref<10000x16xf32, #tpu.memory_space<hbm>> -> memref<80x16xf32, #tpu.memory_space<hbm>>
        %dma_wait3A_181 = arith.constant 0 : i32
        %dma_wait3A_182 = tpu.memref_slice %arg4[%add3A_105, %dma_wait3A_181] : memref<10000x16xf32, #tpu.memory_space<hbm>> -> memref<80x16xf32, #tpu.memory_space<hbm>>
        tpu.wait_dma2 semaphore(%run_scoped3A : memref<!tpu.dma_semaphore, #tpu.memory_space<semaphore_mem>>) src(%arg7 : memref<80x16xf32, #tpu.memory_space<vmem>>) dst(%dma_wait3A_182 : memref<80x16xf32, #tpu.memory_space<hbm>>)
        tpu.yield
      }) : () -> ()
      %iota3A_106 = tpu.iota {dimensions = array<i32: 0>} : vector<16xi32>
      %scan3A_107 = arith.constant 0 : i32
      %scan3A_108 = arith.constant 0 : i32
      %scan3A_109 = arith.constant 5 : i32
      %scan3A_110 = arith.addi %scan3A_108, %scan3A_109 : i32
      %scan3A_111 = arith.constant 1 : i32
      %scan3A_112 = scf.for %scan3A_175 = %scan3A_108 to %scan3A_110 step %scan3A_111 iter_args(%scan3A_176 = %scan3A_107) -> (i32)  : i32 {
        %mul3A_177 = arith.constant 16 : i32
        %mul3A_178 = arith.muli %scan3A_175, %mul3A_177 : i32
        %add3A_179 = arith.constant 320 : i32
        %add3A_180 = arith.addi %add3A_179, %mul3A_178 : i32
        %add3A_181 = vector.broadcast %add3A_180 : i32 to vector<16xi32>
        %add3A_182 = arith.addi %add3A_181, %iota3A_106 : vector<16xi32>
        %min3A = arith.constant 623 : i32
        %min3A_183 = vector.broadcast %min3A : i32 to vector<16xi32>
        %min3A_184 = arith.minsi %add3A_182, %min3A_183 : vector<16xi32>
        %add3A_185 = vector.broadcast %mul3A_15 : i32 to vector<16xi32>
        %add3A_186 = arith.addi %add3A_185, %min3A_184 : vector<16xi32>
        %mul3A_187 = arith.constant 16 : i32
        %mul3A_188 = arith.muli %scan3A_175, %mul3A_187 : i32
        %swap3A = arith.index_cast %mul3A_188 : i32 to index
        %swap3A_189 = tpu.vector_load %arg5[%swap3A] {strides = array<i32>} : memref<80xi32, #tpu.memory_space<vmem>>, vector<16xi32>,
        %swap3A_190 = vector.shape_cast %swap3A_189 : vector<16xi32> to vector<16xi32>
        %swap3A_191 = vector.shape_cast %add3A_186 : vector<16xi32> to vector<16xi32>
        tpu.vector_store %arg5[%swap3A], %swap3A_191 {strides = array<i32>} : memref<80xi32, #tpu.memory_space<vmem>>, vector<16xi32>,
        %scan3A_192 = arith.constant 0 : i32
        scf.yield %scan3A_192 : i32
      }
      %scan3A_113 = arith.constant 5 : i32
      %dma_start3A_114 = arith.constant 0 : i32
      %dma_start3A_115 = arith.constant 0 : i32
      %dma_start3A_116 = tpu.memref_slice %arg8[%dma_start3A_114, %dma_start3A_115] : memref<10000x16xf32, #tpu.memory_space<vmem_shared>> -> memref<10000x16xf32, #tpu.memory_space<vmem_shared>>
      tpu.enqueue_indirect_dma source(%dma_start3A_116 : memref<10000x16xf32, #tpu.memory_space<vmem_shared>>) target(%arg7 : memref<80x16xf32, #tpu.memory_space<vmem>>) offsets(%arg5 : memref<80xi32, #tpu.memory_space<vmem>>) semaphore(%arg9 : memref<!tpu.dma_semaphore, #tpu.memory_space<semaphore_mem>>)
      %dma_wait3A_117 = arith.constant 0 : i32
      %dma_wait3A_118 = arith.constant 0 : i32
      %dma_wait3A_119 = tpu.memref_slice %arg8[%dma_wait3A_117, %dma_wait3A_118] : memref<10000x16xf32, #tpu.memory_space<vmem_shared>> -> memref<10000x16xf32, #tpu.memory_space<vmem_shared>>
      tpu.wait_indirect_dma semaphore(%arg9 : memref<!tpu.dma_semaphore, #tpu.memory_space<semaphore_mem>>) src(%dma_wait3A_119 : memref<10000x16xf32, #tpu.memory_space<vmem_shared>>) dst(%arg7 : memref<80x16xf32, #tpu.memory_space<vmem>>)
      %add3A_120 = arith.constant 320 : i32
      %add3A_121 = arith.addi %mul3A_15, %add3A_120 : i32
      "tpu.region"() ({
        %run_scoped3A = tpu.sem_alloc : memref<!tpu.dma_semaphore, #tpu.memory_space<semaphore_mem>>
        %dma_start3A_175 = arith.constant 0 : i32
        %dma_start3A_176 = tpu.memref_slice %arg4[%add3A_121, %dma_start3A_175] : memref<10000x16xf32, #tpu.memory_space<hbm>> -> memref<80x16xf32, #tpu.memory_space<hbm>>
        %dma_start3A_177 = arith.constant 0 : i32
        %dma_start3A_178 = tpu.memref_slice %arg4[%add3A_121, %dma_start3A_177] : memref<10000x16xf32, #tpu.memory_space<hbm>> -> memref<80x16xf32, #tpu.memory_space<hbm>>
        tpu.enqueue_dma source(%arg7 : memref<80x16xf32, #tpu.memory_space<vmem>>) target(%dma_start3A_178 : memref<80x16xf32, #tpu.memory_space<hbm>>) target_semaphore(%run_scoped3A : memref<!tpu.dma_semaphore, #tpu.memory_space<semaphore_mem>>)
        %dma_wait3A_179 = arith.constant 0 : i32
        %dma_wait3A_180 = tpu.memref_slice %arg4[%add3A_121, %dma_wait3A_179] : memref<10000x16xf32, #tpu.memory_space<hbm>> -> memref<80x16xf32, #tpu.memory_space<hbm>>
        %dma_wait3A_181 = arith.constant 0 : i32
        %dma_wait3A_182 = tpu.memref_slice %arg4[%add3A_121, %dma_wait3A_181] : memref<10000x16xf32, #tpu.memory_space<hbm>> -> memref<80x16xf32, #tpu.memory_space<hbm>>
        tpu.wait_dma2 semaphore(%run_scoped3A : memref<!tpu.dma_semaphore, #tpu.memory_space<semaphore_mem>>) src(%arg7 : memref<80x16xf32, #tpu.memory_space<vmem>>) dst(%dma_wait3A_182 : memref<80x16xf32, #tpu.memory_space<hbm>>)
        tpu.yield
      }) : () -> ()
      %iota3A_122 = tpu.iota {dimensions = array<i32: 0>} : vector<16xi32>
      %scan3A_123 = arith.constant 0 : i32
      %scan3A_124 = arith.constant 0 : i32
      %scan3A_125 = arith.constant 5 : i32
      %scan3A_126 = arith.addi %scan3A_124, %scan3A_125 : i32
      %scan3A_127 = arith.constant 1 : i32
      %scan3A_128 = scf.for %scan3A_175 = %scan3A_124 to %scan3A_126 step %scan3A_127 iter_args(%scan3A_176 = %scan3A_123) -> (i32)  : i32 {
        %mul3A_177 = arith.constant 16 : i32
        %mul3A_178 = arith.muli %scan3A_175, %mul3A_177 : i32
        %add3A_179 = arith.constant 400 : i32
        %add3A_180 = arith.addi %add3A_179, %mul3A_178 : i32
        %add3A_181 = vector.broadcast %add3A_180 : i32 to vector<16xi32>
        %add3A_182 = arith.addi %add3A_181, %iota3A_122 : vector<16xi32>
        %min3A = arith.constant 623 : i32
        %min3A_183 = vector.broadcast %min3A : i32 to vector<16xi32>
        %min3A_184 = arith.minsi %add3A_182, %min3A_183 : vector<16xi32>
        %add3A_185 = vector.broadcast %mul3A_15 : i32 to vector<16xi32>
        %add3A_186 = arith.addi %add3A_185, %min3A_184 : vector<16xi32>
        %mul3A_187 = arith.constant 16 : i32
        %mul3A_188 = arith.muli %scan3A_175, %mul3A_187 : i32
        %swap3A = arith.index_cast %mul3A_188 : i32 to index
        %swap3A_189 = tpu.vector_load %arg5[%swap3A] {strides = array<i32>} : memref<80xi32, #tpu.memory_space<vmem>>, vector<16xi32>,
        %swap3A_190 = vector.shape_cast %swap3A_189 : vector<16xi32> to vector<16xi32>
        %swap3A_191 = vector.shape_cast %add3A_186 : vector<16xi32> to vector<16xi32>
        tpu.vector_store %arg5[%swap3A], %swap3A_191 {strides = array<i32>} : memref<80xi32, #tpu.memory_space<vmem>>, vector<16xi32>,
        %scan3A_192 = arith.constant 0 : i32
        scf.yield %scan3A_192 : i32
      }
      %scan3A_129 = arith.constant 5 : i32
      %dma_start3A_130 = arith.constant 0 : i32
      %dma_start3A_131 = arith.constant 0 : i32
      %dma_start3A_132 = tpu.memref_slice %arg8[%dma_start3A_130, %dma_start3A_131] : memref<10000x16xf32, #tpu.memory_space<vmem_shared>> -> memref<10000x16xf32, #tpu.memory_space<vmem_shared>>
      tpu.enqueue_indirect_dma source(%dma_start3A_132 : memref<10000x16xf32, #tpu.memory_space<vmem_shared>>) target(%arg7 : memref<80x16xf32, #tpu.memory_space<vmem>>) offsets(%arg5 : memref<80xi32, #tpu.memory_space<vmem>>) semaphore(%arg9 : memref<!tpu.dma_semaphore, #tpu.memory_space<semaphore_mem>>)
      %dma_wait3A_133 = arith.constant 0 : i32
      %dma_wait3A_134 = arith.constant 0 : i32
      %dma_wait3A_135 = tpu.memref_slice %arg8[%dma_wait3A_133, %dma_wait3A_134] : memref<10000x16xf32, #tpu.memory_space<vmem_shared>> -> memref<10000x16xf32, #tpu.memory_space<vmem_shared>>
      tpu.wait_indirect_dma semaphore(%arg9 : memref<!tpu.dma_semaphore, #tpu.memory_space<semaphore_mem>>) src(%dma_wait3A_135 : memref<10000x16xf32, #tpu.memory_space<vmem_shared>>) dst(%arg7 : memref<80x16xf32, #tpu.memory_space<vmem>>)
      %add3A_136 = arith.constant 400 : i32
      %add3A_137 = arith.addi %mul3A_15, %add3A_136 : i32
      "tpu.region"() ({
        %run_scoped3A = tpu.sem_alloc : memref<!tpu.dma_semaphore, #tpu.memory_space<semaphore_mem>>
        %dma_start3A_175 = arith.constant 0 : i32
        %dma_start3A_176 = tpu.memref_slice %arg4[%add3A_137, %dma_start3A_175] : memref<10000x16xf32, #tpu.memory_space<hbm>> -> memref<80x16xf32, #tpu.memory_space<hbm>>
        %dma_start3A_177 = arith.constant 0 : i32
        %dma_start3A_178 = tpu.memref_slice %arg4[%add3A_137, %dma_start3A_177] : memref<10000x16xf32, #tpu.memory_space<hbm>> -> memref<80x16xf32, #tpu.memory_space<hbm>>
        tpu.enqueue_dma source(%arg7 : memref<80x16xf32, #tpu.memory_space<vmem>>) target(%dma_start3A_178 : memref<80x16xf32, #tpu.memory_space<hbm>>) target_semaphore(%run_scoped3A : memref<!tpu.dma_semaphore, #tpu.memory_space<semaphore_mem>>)
        %dma_wait3A_179 = arith.constant 0 : i32
        %dma_wait3A_180 = tpu.memref_slice %arg4[%add3A_137, %dma_wait3A_179] : memref<10000x16xf32, #tpu.memory_space<hbm>> -> memref<80x16xf32, #tpu.memory_space<hbm>>
        %dma_wait3A_181 = arith.constant 0 : i32
        %dma_wait3A_182 = tpu.memref_slice %arg4[%add3A_137, %dma_wait3A_181] : memref<10000x16xf32, #tpu.memory_space<hbm>> -> memref<80x16xf32, #tpu.memory_space<hbm>>
        tpu.wait_dma2 semaphore(%run_scoped3A : memref<!tpu.dma_semaphore, #tpu.memory_space<semaphore_mem>>) src(%arg7 : memref<80x16xf32, #tpu.memory_space<vmem>>) dst(%dma_wait3A_182 : memref<80x16xf32, #tpu.memory_space<hbm>>)
        tpu.yield
      }) : () -> ()
      %iota3A_138 = tpu.iota {dimensions = array<i32: 0>} : vector<16xi32>
      %scan3A_139 = arith.constant 0 : i32
      %scan3A_140 = arith.constant 0 : i32
      %scan3A_141 = arith.constant 5 : i32
      %scan3A_142 = arith.addi %scan3A_140, %scan3A_141 : i32
      %scan3A_143 = arith.constant 1 : i32
      %scan3A_144 = scf.for %scan3A_175 = %scan3A_140 to %scan3A_142 step %scan3A_143 iter_args(%scan3A_176 = %scan3A_139) -> (i32)  : i32 {
        %mul3A_177 = arith.constant 16 : i32
        %mul3A_178 = arith.muli %scan3A_175, %mul3A_177 : i32
        %add3A_179 = arith.constant 480 : i32
        %add3A_180 = arith.addi %add3A_179, %mul3A_178 : i32
        %add3A_181 = vector.broadcast %add3A_180 : i32 to vector<16xi32>
        %add3A_182 = arith.addi %add3A_181, %iota3A_138 : vector<16xi32>
        %min3A = arith.constant 623 : i32
        %min3A_183 = vector.broadcast %min3A : i32 to vector<16xi32>
        %min3A_184 = arith.minsi %add3A_182, %min3A_183 : vector<16xi32>
        %add3A_185 = vector.broadcast %mul3A_15 : i32 to vector<16xi32>
        %add3A_186 = arith.addi %add3A_185, %min3A_184 : vector<16xi32>
        %mul3A_187 = arith.constant 16 : i32
        %mul3A_188 = arith.muli %scan3A_175, %mul3A_187 : i32
        %swap3A = arith.index_cast %mul3A_188 : i32 to index
        %swap3A_189 = tpu.vector_load %arg5[%swap3A] {strides = array<i32>} : memref<80xi32, #tpu.memory_space<vmem>>, vector<16xi32>,
        %swap3A_190 = vector.shape_cast %swap3A_189 : vector<16xi32> to vector<16xi32>
        %swap3A_191 = vector.shape_cast %add3A_186 : vector<16xi32> to vector<16xi32>
        tpu.vector_store %arg5[%swap3A], %swap3A_191 {strides = array<i32>} : memref<80xi32, #tpu.memory_space<vmem>>, vector<16xi32>,
        %scan3A_192 = arith.constant 0 : i32
        scf.yield %scan3A_192 : i32
      }
      %scan3A_145 = arith.constant 5 : i32
      %dma_start3A_146 = arith.constant 0 : i32
      %dma_start3A_147 = arith.constant 0 : i32
      %dma_start3A_148 = tpu.memref_slice %arg8[%dma_start3A_146, %dma_start3A_147] : memref<10000x16xf32, #tpu.memory_space<vmem_shared>> -> memref<10000x16xf32, #tpu.memory_space<vmem_shared>>
      tpu.enqueue_indirect_dma source(%dma_start3A_148 : memref<10000x16xf32, #tpu.memory_space<vmem_shared>>) target(%arg7 : memref<80x16xf32, #tpu.memory_space<vmem>>) offsets(%arg5 : memref<80xi32, #tpu.memory_space<vmem>>) semaphore(%arg9 : memref<!tpu.dma_semaphore, #tpu.memory_space<semaphore_mem>>)
      %dma_wait3A_149 = arith.constant 0 : i32
      %dma_wait3A_150 = arith.constant 0 : i32
      %dma_wait3A_151 = tpu.memref_slice %arg8[%dma_wait3A_149, %dma_wait3A_150] : memref<10000x16xf32, #tpu.memory_space<vmem_shared>> -> memref<10000x16xf32, #tpu.memory_space<vmem_shared>>
      tpu.wait_indirect_dma semaphore(%arg9 : memref<!tpu.dma_semaphore, #tpu.memory_space<semaphore_mem>>) src(%dma_wait3A_151 : memref<10000x16xf32, #tpu.memory_space<vmem_shared>>) dst(%arg7 : memref<80x16xf32, #tpu.memory_space<vmem>>)
      %add3A_152 = arith.constant 480 : i32
      %add3A_153 = arith.addi %mul3A_15, %add3A_152 : i32
      "tpu.region"() ({
        %run_scoped3A = tpu.sem_alloc : memref<!tpu.dma_semaphore, #tpu.memory_space<semaphore_mem>>
        %dma_start3A_175 = arith.constant 0 : i32
        %dma_start3A_176 = tpu.memref_slice %arg4[%add3A_153, %dma_start3A_175] : memref<10000x16xf32, #tpu.memory_space<hbm>> -> memref<80x16xf32, #tpu.memory_space<hbm>>
        %dma_start3A_177 = arith.constant 0 : i32
        %dma_start3A_178 = tpu.memref_slice %arg4[%add3A_153, %dma_start3A_177] : memref<10000x16xf32, #tpu.memory_space<hbm>> -> memref<80x16xf32, #tpu.memory_space<hbm>>
        tpu.enqueue_dma source(%arg7 : memref<80x16xf32, #tpu.memory_space<vmem>>) target(%dma_start3A_178 : memref<80x16xf32, #tpu.memory_space<hbm>>) target_semaphore(%run_scoped3A : memref<!tpu.dma_semaphore, #tpu.memory_space<semaphore_mem>>)
        %dma_wait3A_179 = arith.constant 0 : i32
        %dma_wait3A_180 = tpu.memref_slice %arg4[%add3A_153, %dma_wait3A_179] : memref<10000x16xf32, #tpu.memory_space<hbm>> -> memref<80x16xf32, #tpu.memory_space<hbm>>
        %dma_wait3A_181 = arith.constant 0 : i32
        %dma_wait3A_182 = tpu.memref_slice %arg4[%add3A_153, %dma_wait3A_181] : memref<10000x16xf32, #tpu.memory_space<hbm>> -> memref<80x16xf32, #tpu.memory_space<hbm>>
        tpu.wait_dma2 semaphore(%run_scoped3A : memref<!tpu.dma_semaphore, #tpu.memory_space<semaphore_mem>>) src(%arg7 : memref<80x16xf32, #tpu.memory_space<vmem>>) dst(%dma_wait3A_182 : memref<80x16xf32, #tpu.memory_space<hbm>>)
        tpu.yield
      }) : () -> ()
      %iota3A_154 = tpu.iota {dimensions = array<i32: 0>} : vector<16xi32>
      %scan3A_155 = arith.constant 0 : i32
      %scan3A_156 = arith.constant 0 : i32
      %scan3A_157 = arith.constant 5 : i32
      %scan3A_158 = arith.addi %scan3A_156, %scan3A_157 : i32
      %scan3A_159 = arith.constant 1 : i32
      %scan3A_160 = scf.for %scan3A_175 = %scan3A_156 to %scan3A_158 step %scan3A_159 iter_args(%scan3A_176 = %scan3A_155) -> (i32)  : i32 {
        %mul3A_177 = arith.constant 16 : i32
        %mul3A_178 = arith.muli %scan3A_175, %mul3A_177 : i32
        %add3A_179 = arith.constant 560 : i32
        %add3A_180 = arith.addi %add3A_179, %mul3A_178 : i32
        %add3A_181 = vector.broadcast %add3A_180 : i32 to vector<16xi32>
        %add3A_182 = arith.addi %add3A_181, %iota3A_154 : vector<16xi32>
        %min3A = arith.constant 623 : i32
        %min3A_183 = vector.broadcast %min3A : i32 to vector<16xi32>
        %min3A_184 = arith.minsi %add3A_182, %min3A_183 : vector<16xi32>
        %add3A_185 = vector.broadcast %mul3A_15 : i32 to vector<16xi32>
        %add3A_186 = arith.addi %add3A_185, %min3A_184 : vector<16xi32>
        %mul3A_187 = arith.constant 16 : i32
        %mul3A_188 = arith.muli %scan3A_175, %mul3A_187 : i32
        %swap3A = arith.index_cast %mul3A_188 : i32 to index
        %swap3A_189 = tpu.vector_load %arg5[%swap3A] {strides = array<i32>} : memref<80xi32, #tpu.memory_space<vmem>>, vector<16xi32>,
        %swap3A_190 = vector.shape_cast %swap3A_189 : vector<16xi32> to vector<16xi32>
        %swap3A_191 = vector.shape_cast %add3A_186 : vector<16xi32> to vector<16xi32>
        tpu.vector_store %arg5[%swap3A], %swap3A_191 {strides = array<i32>} : memref<80xi32, #tpu.memory_space<vmem>>, vector<16xi32>,
        %scan3A_192 = arith.constant 0 : i32
        scf.yield %scan3A_192 : i32
      }
      %scan3A_161 = arith.constant 5 : i32
      %dma_start3A_162 = arith.constant 0 : i32
      %dma_start3A_163 = arith.constant 0 : i32
      %dma_start3A_164 = tpu.memref_slice %arg8[%dma_start3A_162, %dma_start3A_163] : memref<10000x16xf32, #tpu.memory_space<vmem_shared>> -> memref<10000x16xf32, #tpu.memory_space<vmem_shared>>
      tpu.enqueue_indirect_dma source(%dma_start3A_164 : memref<10000x16xf32, #tpu.memory_space<vmem_shared>>) target(%arg7 : memref<80x16xf32, #tpu.memory_space<vmem>>) offsets(%arg5 : memref<80xi32, #tpu.memory_space<vmem>>) semaphore(%arg9 : memref<!tpu.dma_semaphore, #tpu.memory_space<semaphore_mem>>)
      %dma_wait3A_165 = arith.constant 0 : i32
      %dma_wait3A_166 = arith.constant 0 : i32
      %dma_wait3A_167 = tpu.memref_slice %arg8[%dma_wait3A_165, %dma_wait3A_166] : memref<10000x16xf32, #tpu.memory_space<vmem_shared>> -> memref<10000x16xf32, #tpu.memory_space<vmem_shared>>
      tpu.wait_indirect_dma semaphore(%arg9 : memref<!tpu.dma_semaphore, #tpu.memory_space<semaphore_mem>>) src(%dma_wait3A_167 : memref<10000x16xf32, #tpu.memory_space<vmem_shared>>) dst(%arg7 : memref<80x16xf32, #tpu.memory_space<vmem>>)
      %add3A_168 = arith.constant 560 : i32
      %add3A_169 = arith.addi %mul3A_15, %add3A_168 : i32
      "tpu.region"() ({
        %run_scoped3A = tpu.sem_alloc : memref<!tpu.dma_semaphore, #tpu.memory_space<semaphore_mem>>
        %dma_start3A_175 = arith.constant 0 : i32
        %dma_start3A_176 = arith.constant 0 : i32
        %dma_start3A_177 = tpu.memref_slice %arg7[%dma_start3A_175, %dma_start3A_176] : memref<80x16xf32, #tpu.memory_space<vmem>> -> memref<64x16xf32, #tpu.memory_space<vmem>>
        %dma_start3A_178 = arith.constant 0 : i32
        %dma_start3A_179 = tpu.memref_slice %arg4[%add3A_169, %dma_start3A_178] : memref<10000x16xf32, #tpu.memory_space<hbm>> -> memref<64x16xf32, #tpu.memory_space<hbm>>
        %dma_start3A_180 = arith.constant 0 : i32
        %dma_start3A_181 = tpu.memref_slice %arg4[%add3A_169, %dma_start3A_180] : memref<10000x16xf32, #tpu.memory_space<hbm>> -> memref<64x16xf32, #tpu.memory_space<hbm>>
        %dma_start3A_182 = arith.constant 0 : i32
        %dma_start3A_183 = arith.constant 0 : i32
        %dma_start3A_184 = tpu.memref_slice %arg7[%dma_start3A_182, %dma_start3A_183] : memref<80x16xf32, #tpu.memory_space<vmem>> -> memref<64x16xf32, #tpu.memory_space<vmem>>
        tpu.enqueue_dma source(%dma_start3A_184 : memref<64x16xf32, #tpu.memory_space<vmem>>) target(%dma_start3A_181 : memref<64x16xf32, #tpu.memory_space<hbm>>) target_semaphore(%run_scoped3A : memref<!tpu.dma_semaphore, #tpu.memory_space<semaphore_mem>>)
        %dma_wait3A_185 = arith.constant 0 : i32
        %dma_wait3A_186 = arith.constant 0 : i32
        %dma_wait3A_187 = tpu.memref_slice %arg7[%dma_wait3A_185, %dma_wait3A_186] : memref<80x16xf32, #tpu.memory_space<vmem>> -> memref<64x16xf32, #tpu.memory_space<vmem>>
        %dma_wait3A_188 = arith.constant 0 : i32
        %dma_wait3A_189 = tpu.memref_slice %arg4[%add3A_169, %dma_wait3A_188] : memref<10000x16xf32, #tpu.memory_space<hbm>> -> memref<64x16xf32, #tpu.memory_space<hbm>>
        %dma_wait3A_190 = arith.constant 0 : i32
        %dma_wait3A_191 = tpu.memref_slice %arg4[%add3A_169, %dma_wait3A_190] : memref<10000x16xf32, #tpu.memory_space<hbm>> -> memref<64x16xf32, #tpu.memory_space<hbm>>
        %dma_wait3A_192 = arith.constant 0 : i32
        %dma_wait3A_193 = arith.constant 0 : i32
        %dma_wait3A_194 = tpu.memref_slice %arg7[%dma_wait3A_192, %dma_wait3A_193] : memref<80x16xf32, #tpu.memory_space<vmem>> -> memref<64x16xf32, #tpu.memory_space<vmem>>
        tpu.wait_dma2 semaphore(%run_scoped3A : memref<!tpu.dma_semaphore, #tpu.memory_space<semaphore_mem>>) src(%dma_wait3A_194 : memref<64x16xf32, #tpu.memory_space<vmem>>) dst(%dma_wait3A_191 : memref<64x16xf32, #tpu.memory_space<hbm>>)
        tpu.yield
      }) : () -> ()
      %eq3A_170 = arith.constant 0 : i32
      %eq3A_171 = arith.cmpi eq, %arg1, %eq3A_170 : i32
      %convert_element_type3A_172 = arith.extui %eq3A_171 : i1 to i32
      %cond3A_173 = arith.constant 0 : i32
      %cond3A_174 = arith.cmpi ne, %convert_element_type3A_172, %cond3A_173 : i32
      scf.if %cond3A_174 {
        %iota3A_175 = tpu.iota {dimensions = array<i32: 0>} : vector<16xi32>
        %scan3A_176 = arith.constant 0 : i32
        %scan3A_177 = arith.constant 0 : i32
        %scan3A_178 = arith.constant 5 : i32
        %scan3A_179 = arith.addi %scan3A_177, %scan3A_178 : i32
        %scan3A_180 = arith.constant 1 : i32
        %scan3A_181 = scf.for %scan3A_189 = %scan3A_177 to %scan3A_179 step %scan3A_180 iter_args(%scan3A_190 = %scan3A_176) -> (i32)  : i32 {
          %mul3A_191 = arith.constant 16 : i32
          %mul3A_192 = arith.muli %scan3A_189, %mul3A_191 : i32
          %add3A_193 = arith.constant 0 : i32
          %add3A_194 = arith.addi %add3A_193, %mul3A_192 : i32
          %add3A_195 = vector.broadcast %add3A_194 : i32 to vector<16xi32>
          %add3A_196 = arith.addi %add3A_195, %iota3A_175 : vector<16xi32>
          %min3A = arith.constant 15 : i32
          %min3A_197 = vector.broadcast %min3A : i32 to vector<16xi32>
          %min3A_198 = arith.minsi %add3A_196, %min3A_197 : vector<16xi32>
          %add3A_199 = arith.constant 9984 : i32
          %add3A_200 = vector.broadcast %add3A_199 : i32 to vector<16xi32>
          %add3A_201 = arith.addi %add3A_200, %min3A_198 : vector<16xi32>
          %mul3A_202 = arith.constant 16 : i32
          %mul3A_203 = arith.muli %scan3A_189, %mul3A_202 : i32
          %swap3A = arith.index_cast %mul3A_203 : i32 to index
          %swap3A_204 = tpu.vector_load %arg5[%swap3A] {strides = array<i32>} : memref<80xi32, #tpu.memory_space<vmem>>, vector<16xi32>,
          %swap3A_205 = vector.shape_cast %swap3A_204 : vector<16xi32> to vector<16xi32>
          %swap3A_206 = vector.shape_cast %add3A_201 : vector<16xi32> to vector<16xi32>
          tpu.vector_store %arg5[%swap3A], %swap3A_206 {strides = array<i32>} : memref<80xi32, #tpu.memory_space<vmem>>, vector<16xi32>,
          %scan3A_207 = arith.constant 0 : i32
          scf.yield %scan3A_207 : i32
        }
        %scan3A_182 = arith.constant 5 : i32
        %dma_start3A_183 = arith.constant 0 : i32
        %dma_start3A_184 = arith.constant 0 : i32
        %dma_start3A_185 = tpu.memref_slice %arg8[%dma_start3A_183, %dma_start3A_184] : memref<10000x16xf32, #tpu.memory_space<vmem_shared>> -> memref<10000x16xf32, #tpu.memory_space<vmem_shared>>
        tpu.enqueue_indirect_dma source(%dma_start3A_185 : memref<10000x16xf32, #tpu.memory_space<vmem_shared>>) target(%arg7 : memref<80x16xf32, #tpu.memory_space<vmem>>) offsets(%arg5 : memref<80xi32, #tpu.memory_space<vmem>>) semaphore(%arg9 : memref<!tpu.dma_semaphore, #tpu.memory_space<semaphore_mem>>)
        %dma_wait3A_186 = arith.constant 0 : i32
        %dma_wait3A_187 = arith.constant 0 : i32
        %dma_wait3A_188 = tpu.memref_slice %arg8[%dma_wait3A_186, %dma_wait3A_187] : memref<10000x16xf32, #tpu.memory_space<vmem_shared>> -> memref<10000x16xf32, #tpu.memory_space<vmem_shared>>
        tpu.wait_indirect_dma semaphore(%arg9 : memref<!tpu.dma_semaphore, #tpu.memory_space<semaphore_mem>>) src(%dma_wait3A_188 : memref<10000x16xf32, #tpu.memory_space<vmem_shared>>) dst(%arg7 : memref<80x16xf32, #tpu.memory_space<vmem>>)
        "tpu.region"() ({
          %run_scoped3A = tpu.sem_alloc : memref<!tpu.dma_semaphore, #tpu.memory_space<semaphore_mem>>
          %dma_start3A_189 = arith.constant 0 : i32
          %dma_start3A_190 = arith.constant 0 : i32
          %dma_start3A_191 = tpu.memref_slice %arg7[%dma_start3A_189, %dma_start3A_190] : memref<80x16xf32, #tpu.memory_space<vmem>> -> memref<16x16xf32, #tpu.memory_space<vmem>>
          %dma_start3A_192 = arith.constant 9984 : i32
          %dma_start3A_193 = arith.constant 0 : i32
          %dma_start3A_194 = tpu.memref_slice %arg4[%dma_start3A_192, %dma_start3A_193] : memref<10000x16xf32, #tpu.memory_space<hbm>> -> memref<16x16xf32, #tpu.memory_space<hbm>>
          %dma_start3A_195 = arith.constant 9984 : i32
          %dma_start3A_196 = arith.constant 0 : i32
          %dma_start3A_197 = tpu.memref_slice %arg4[%dma_start3A_195, %dma_start3A_196] : memref<10000x16xf32, #tpu.memory_space<hbm>> -> memref<16x16xf32, #tpu.memory_space<hbm>>
          %dma_start3A_198 = arith.constant 0 : i32
          %dma_start3A_199 = arith.constant 0 : i32
          %dma_start3A_200 = tpu.memref_slice %arg7[%dma_start3A_198, %dma_start3A_199] : memref<80x16xf32, #tpu.memory_space<vmem>> -> memref<16x16xf32, #tpu.memory_space<vmem>>
          tpu.enqueue_dma source(%dma_start3A_200 : memref<16x16xf32, #tpu.memory_space<vmem>>) target(%dma_start3A_197 : memref<16x16xf32, #tpu.memory_space<hbm>>) target_semaphore(%run_scoped3A : memref<!tpu.dma_semaphore, #tpu.memory_space<semaphore_mem>>)
          %dma_wait3A_201 = arith.constant 0 : i32
          %dma_wait3A_202 = arith.constant 0 : i32
          %dma_wait3A_203 = tpu.memref_slice %arg7[%dma_wait3A_201, %dma_wait3A_202] : memref<80x16xf32, #tpu.memory_space<vmem>> -> memref<16x16xf32, #tpu.memory_space<vmem>>
          %dma_wait3A_204 = arith.constant 9984 : i32
          %dma_wait3A_205 = arith.constant 0 : i32
          %dma_wait3A_206 = tpu.memref_slice %arg4[%dma_wait3A_204, %dma_wait3A_205] : memref<10000x16xf32, #tpu.memory_space<hbm>> -> memref<16x16xf32, #tpu.memory_space<hbm>>
          %dma_wait3A_207 = arith.constant 9984 : i32
          %dma_wait3A_208 = arith.constant 0 : i32
          %dma_wait3A_209 = tpu.memref_slice %arg4[%dma_wait3A_207, %dma_wait3A_208] : memref<10000x16xf32, #tpu.memory_space<hbm>> -> memref<16x16xf32, #tpu.memory_space<hbm>>
          %dma_wait3A_210 = arith.constant 0 : i32
          %dma_wait3A_211 = arith.constant 0 : i32
          %dma_wait3A_212 = tpu.memref_slice %arg7[%dma_wait3A_210, %dma_wait3A_211] : memref<80x16xf32, #tpu.memory_space<vmem>> -> memref<16x16xf32, #tpu.memory_space<vmem>>
          tpu.wait_dma2 semaphore(%run_scoped3A : memref<!tpu.dma_semaphore, #tpu.memory_space<semaphore_mem>>) src(%dma_wait3A_212 : memref<16x16xf32, #tpu.memory_space<vmem>>) dst(%dma_wait3A_209 : memref<16x16xf32, #tpu.memory_space<hbm>>)
          tpu.yield
        }) : () -> ()
      } else {
      }
    } else {
    }
    return
  }
}

#map = affine_map<(d0, d1) -> (0, 0)>
#map1 = affine_map<(d0, d1) -> (0)>
module attributes {stable_mosaic.version = 14 : i64} {
  func.func @_agg_sc_fn(%arg0: i32, %arg1: i32, %arg2: memref<10000x128xf32, #tpu.memory_space<hbm>>, %arg3: memref<320000xi32, #tpu.memory_space<hbm>>, %arg4: memref<320000xi32, #tpu.memory_space<hbm>>, %arg5: memref<10000x128xf32, #tpu.memory_space<hbm>>, %arg6: memref<80xi32, #tpu.memory_space<vmem>>, %arg7: memref<80xi32, #tpu.memory_space<vmem>>, %arg8: memref<80x128xf32, #tpu.memory_space<vmem>>, %arg9: memref<80xi32, #tpu.memory_space<vmem>>, %arg10: memref<80xi32, #tpu.memory_space<vmem>>, %arg11: memref<80x128xf32, #tpu.memory_space<vmem>>, %arg12: memref<80x128xf32, #tpu.memory_space<vmem>>, %arg13: memref<5016x128xf32, #tpu.memory_space<vmem_shared>>, %arg14: memref<!tpu.dma_semaphore, #tpu.memory_space<semaphore_mem>>, %arg15: memref<!tpu.dma_semaphore, #tpu.memory_space<semaphore_mem>>) attributes {dimension_semantics = [#tpu.dimension_semantics<core_parallel>, #tpu.dimension_semantics<subcore_parallel>], iteration_bounds = array<i64: 2, 16>, scalar_prefetch = 0 : i64, scratch_operands = 10 : i64, tpu.core_type = #tpu.core_type<sc_vector_subcore>, window_params = [{transform_indices = #map}, {transform_indices = #map1}, {transform_indices = #map1}, {transform_indices = #map}]} {
    %scan3A = arith.constant 0 : i32
    %scan3A_0 = arith.constant 0 : i32
    %scan3A_1 = arith.constant 80 : i32
    %scan3A_2 = arith.addi %scan3A_0, %scan3A_1 : i32
    %scan3A_3 = arith.constant 1 : i32
    %scan3A_4 = scf.for %scan3A_99 = %scan3A_0 to %scan3A_2 step %scan3A_3 iter_args(%scan3A_100 = %scan3A) -> (i32)  : i32 {
      %scan3A_101 = arith.constant 0 : i32
      %scan3A_102 = arith.constant 0 : i32
      %scan3A_103 = arith.constant 8 : i32
      %scan3A_104 = arith.addi %scan3A_102, %scan3A_103 : i32
      %scan3A_105 = arith.constant 1 : i32
      %scan3A_106 = scf.for %scan3A_108 = %scan3A_102 to %scan3A_104 step %scan3A_105 iter_args(%scan3A_109 = %scan3A_101) -> (i32)  : i32 {
        %broadcast_in_dim3A = arith.constant 0.000000e+00 : f32
        %broadcast_in_dim3A_110 = vector.broadcast %broadcast_in_dim3A : f32 to vector<16xf32>
        %mul3A_111 = arith.constant 16 : i32
        %mul3A_112 = arith.muli %scan3A_108, %mul3A_111 : i32
        %swap3A = arith.index_cast %scan3A_99 : i32 to index
        %swap3A_113 = arith.index_cast %mul3A_112 : i32 to index
        %swap3A_114 = tpu.vector_load %arg12[%swap3A, %swap3A_113] {strides = array<i32>} : memref<80x128xf32, #tpu.memory_space<vmem>>, vector<1x16xf32>,
        %swap3A_115 = vector.shape_cast %swap3A_114 : vector<1x16xf32> to vector<16xf32>
        %swap3A_116 = vector.shape_cast %broadcast_in_dim3A_110 : vector<16xf32> to vector<1x16xf32>
        tpu.vector_store %arg12[%swap3A, %swap3A_113], %swap3A_116 {strides = array<i32>} : memref<80x128xf32, #tpu.memory_space<vmem>>, vector<1x16xf32>,
        %scan3A_117 = arith.constant 0 : i32
        scf.yield %scan3A_117 : i32
      }
      %scan3A_107 = arith.constant 8 : i32
      scf.yield %scan3A_106 : i32
    }
    %scan3A_5 = arith.constant 80 : i32
    %mul3A = arith.constant 312 : i32
    %mul3A_6 = arith.muli %arg1, %mul3A : i32
    %mul3A_7 = arith.constant 5000 : i32
    %mul3A_8 = arith.muli %arg0, %mul3A_7 : i32
    %add3A = arith.constant 5000 : i32
    %add3A_9 = arith.addi %add3A, %arg1 : i32
    %scan3A_10 = arith.constant 0 : i32
    %scan3A_11 = arith.constant 0 : i32
    %scan3A_12 = arith.constant 4 : i32
    %scan3A_13 = arith.addi %scan3A_11, %scan3A_12 : i32
    %scan3A_14 = arith.constant 1 : i32
    %scan3A_15 = scf.for %scan3A_99 = %scan3A_11 to %scan3A_13 step %scan3A_14 iter_args(%scan3A_100 = %scan3A_10) -> (i32)  : i32 {
      %mul3A_101 = arith.constant 80 : i32
      %mul3A_102 = arith.muli %scan3A_99, %mul3A_101 : i32
      %iota3A_103 = tpu.iota {dimensions = array<i32: 0>} : vector<16xi32>
      %scan3A_104 = arith.constant 0 : i32
      %scan3A_105 = arith.constant 0 : i32
      %scan3A_106 = arith.constant 5 : i32
      %scan3A_107 = arith.addi %scan3A_105, %scan3A_106 : i32
      %scan3A_108 = arith.constant 1 : i32
      %scan3A_109 = scf.for %scan3A_112 = %scan3A_105 to %scan3A_107 step %scan3A_108 iter_args(%scan3A_113 = %scan3A_104) -> (i32)  : i32 {
        %mul3A_114 = arith.constant 16 : i32
        %mul3A_115 = arith.muli %scan3A_112, %mul3A_114 : i32
        %add3A_116 = arith.addi %mul3A_102, %mul3A_115 : i32
        %add3A_117 = vector.broadcast %add3A_116 : i32 to vector<16xi32>
        %add3A_118 = arith.addi %add3A_117, %iota3A_103 : vector<16xi32>
        %min3A = arith.constant 311 : i32
        %min3A_119 = vector.broadcast %min3A : i32 to vector<16xi32>
        %min3A_120 = arith.minsi %add3A_118, %min3A_119 : vector<16xi32>
        %add3A_121 = vector.broadcast %mul3A_6 : i32 to vector<16xi32>
        %add3A_122 = arith.addi %add3A_121, %min3A_120 : vector<16xi32>
        %mul3A_123 = arith.constant 16 : i32
        %mul3A_124 = arith.muli %scan3A_112, %mul3A_123 : i32
        %swap3A = arith.index_cast %mul3A_124 : i32 to index
        %swap3A_125 = tpu.vector_load %arg7[%swap3A] {strides = array<i32>} : memref<80xi32, #tpu.memory_space<vmem>>, vector<16xi32>,
        %swap3A_126 = vector.shape_cast %swap3A_125 : vector<16xi32> to vector<16xi32>
        %swap3A_127 = vector.shape_cast %add3A_122 : vector<16xi32> to vector<16xi32>
        tpu.vector_store %arg7[%swap3A], %swap3A_127 {strides = array<i32>} : memref<80xi32, #tpu.memory_space<vmem>>, vector<16xi32>,
        %scan3A_128 = arith.constant 0 : i32
        scf.yield %scan3A_128 : i32
      }
      %scan3A_110 = arith.constant 5 : i32
      "tpu.region"() ({
        %run_scoped3A = tpu.sem_alloc : memref<!tpu.dma_semaphore, #tpu.memory_space<semaphore_mem>>
        %dma_start3A_112 = arith.constant 0 : i32
        %dma_start3A_113 = arith.constant 0 : i32
        %dma_start3A_114 = tpu.memref_slice %arg13[%dma_start3A_112, %dma_start3A_113] : memref<5016x128xf32, #tpu.memory_space<vmem_shared>> -> memref<5016x128xf32, #tpu.memory_space<vmem_shared>>
        tpu.enqueue_indirect_dma source(%arg12 : memref<80x128xf32, #tpu.memory_space<vmem>>) target(%dma_start3A_114 : memref<5016x128xf32, #tpu.memory_space<vmem_shared>>) offsets(%arg7 : memref<80xi32, #tpu.memory_space<vmem>>) semaphore(%run_scoped3A : memref<!tpu.dma_semaphore, #tpu.memory_space<semaphore_mem>>)
        %dma_wait3A_115 = arith.constant 0 : i32
        %dma_wait3A_116 = arith.constant 0 : i32
        %dma_wait3A_117 = tpu.memref_slice %arg13[%dma_wait3A_115, %dma_wait3A_116] : memref<5016x128xf32, #tpu.memory_space<vmem_shared>> -> memref<5016x128xf32, #tpu.memory_space<vmem_shared>>
        tpu.wait_indirect_dma semaphore(%run_scoped3A : memref<!tpu.dma_semaphore, #tpu.memory_space<semaphore_mem>>) src(%arg12 : memref<80x128xf32, #tpu.memory_space<vmem>>) dst(%dma_wait3A_117 : memref<5016x128xf32, #tpu.memory_space<vmem_shared>>)
        tpu.yield
      }) : () -> ()
      %scan3A_111 = arith.constant 0 : i32
      scf.yield %scan3A_111 : i32
    }
    %scan3A_16 = arith.constant 4 : i32
    %eq3A = arith.constant 0 : i32
    %eq3A_17 = arith.cmpi eq, %arg1, %eq3A : i32
    %convert_element_type3A = arith.extui %eq3A_17 : i1 to i32
    %cond3A = arith.constant 0 : i32
    %cond3A_18 = arith.cmpi ne, %convert_element_type3A, %cond3A : i32
    scf.if %cond3A_18 {
      %iota3A_99 = tpu.iota {dimensions = array<i32: 0>} : vector<16xi32>
      %scan3A_100 = arith.constant 0 : i32
      %scan3A_101 = arith.constant 0 : i32
      %scan3A_102 = arith.constant 5 : i32
      %scan3A_103 = arith.addi %scan3A_101, %scan3A_102 : i32
      %scan3A_104 = arith.constant 1 : i32
      %scan3A_105 = scf.for %scan3A_107 = %scan3A_101 to %scan3A_103 step %scan3A_104 iter_args(%scan3A_108 = %scan3A_100) -> (i32)  : i32 {
        %mul3A_109 = arith.constant 16 : i32
        %mul3A_110 = arith.muli %scan3A_107, %mul3A_109 : i32
        %add3A_111 = arith.constant 0 : i32
        %add3A_112 = arith.addi %add3A_111, %mul3A_110 : i32
        %add3A_113 = vector.broadcast %add3A_112 : i32 to vector<16xi32>
        %add3A_114 = arith.addi %add3A_113, %iota3A_99 : vector<16xi32>
        %min3A = arith.constant 23 : i32
        %min3A_115 = vector.broadcast %min3A : i32 to vector<16xi32>
        %min3A_116 = arith.minsi %add3A_114, %min3A_115 : vector<16xi32>
        %add3A_117 = arith.constant 4992 : i32
        %add3A_118 = vector.broadcast %add3A_117 : i32 to vector<16xi32>
        %add3A_119 = arith.addi %add3A_118, %min3A_116 : vector<16xi32>
        %mul3A_120 = arith.constant 16 : i32
        %mul3A_121 = arith.muli %scan3A_107, %mul3A_120 : i32
        %swap3A = arith.index_cast %mul3A_121 : i32 to index
        %swap3A_122 = tpu.vector_load %arg7[%swap3A] {strides = array<i32>} : memref<80xi32, #tpu.memory_space<vmem>>, vector<16xi32>,
        %swap3A_123 = vector.shape_cast %swap3A_122 : vector<16xi32> to vector<16xi32>
        %swap3A_124 = vector.shape_cast %add3A_119 : vector<16xi32> to vector<16xi32>
        tpu.vector_store %arg7[%swap3A], %swap3A_124 {strides = array<i32>} : memref<80xi32, #tpu.memory_space<vmem>>, vector<16xi32>,
        %scan3A_125 = arith.constant 0 : i32
        scf.yield %scan3A_125 : i32
      }
      %scan3A_106 = arith.constant 5 : i32
      "tpu.region"() ({
        %run_scoped3A = tpu.sem_alloc : memref<!tpu.dma_semaphore, #tpu.memory_space<semaphore_mem>>
        %dma_start3A_107 = arith.constant 0 : i32
        %dma_start3A_108 = arith.constant 0 : i32
        %dma_start3A_109 = tpu.memref_slice %arg13[%dma_start3A_107, %dma_start3A_108] : memref<5016x128xf32, #tpu.memory_space<vmem_shared>> -> memref<5016x128xf32, #tpu.memory_space<vmem_shared>>
        tpu.enqueue_indirect_dma source(%arg12 : memref<80x128xf32, #tpu.memory_space<vmem>>) target(%dma_start3A_109 : memref<5016x128xf32, #tpu.memory_space<vmem_shared>>) offsets(%arg7 : memref<80xi32, #tpu.memory_space<vmem>>) semaphore(%run_scoped3A : memref<!tpu.dma_semaphore, #tpu.memory_space<semaphore_mem>>)
        %dma_wait3A_110 = arith.constant 0 : i32
        %dma_wait3A_111 = arith.constant 0 : i32
        %dma_wait3A_112 = tpu.memref_slice %arg13[%dma_wait3A_110, %dma_wait3A_111] : memref<5016x128xf32, #tpu.memory_space<vmem_shared>> -> memref<5016x128xf32, #tpu.memory_space<vmem_shared>>
        tpu.wait_indirect_dma semaphore(%run_scoped3A : memref<!tpu.dma_semaphore, #tpu.memory_space<semaphore_mem>>) src(%arg12 : memref<80x128xf32, #tpu.memory_space<vmem>>) dst(%dma_wait3A_112 : memref<5016x128xf32, #tpu.memory_space<vmem_shared>>)
        tpu.yield
      }) : () -> ()
    } else {
    }
    %barrier3A = arith.constant 0 : index
    tpu.barrier barrier_id(%barrier3A)
    %mul3A_19 = arith.constant 20000 : i32
    %mul3A_20 = arith.muli %arg1, %mul3A_19 : i32
    %scan3A_21 = arith.constant 0 : i32
    %scan3A_22 = arith.constant 0 : i32
    %scan3A_23 = arith.constant 125 : i32
    %scan3A_24 = arith.addi %scan3A_22, %scan3A_23 : i32
    %scan3A_25 = arith.constant 1 : i32
    %scan3A_26 = scf.for %scan3A_99 = %scan3A_22 to %scan3A_24 step %scan3A_25 iter_args(%scan3A_100 = %scan3A_21) -> (i32)  : i32 {
      %mul3A_101 = arith.constant 2 : i32
      %mul3A_102 = arith.muli %mul3A_101, %scan3A_99 : i32
      %mul3A_103 = arith.constant 80 : i32
      %mul3A_104 = arith.muli %mul3A_102, %mul3A_103 : i32
      %add3A_105 = arith.addi %mul3A_20, %mul3A_104 : i32
      "tpu.region"() ({
        %run_scoped3A = tpu.sem_alloc : memref<!tpu.dma_semaphore, #tpu.memory_space<semaphore_mem>>
        %dma_start3A_293 = tpu.memref_slice %arg3[%add3A_105] : memref<320000xi32, #tpu.memory_space<hbm>> -> memref<80xi32, #tpu.memory_space<hbm>>
        %dma_start3A_294 = tpu.memref_slice %arg3[%add3A_105] : memref<320000xi32, #tpu.memory_space<hbm>> -> memref<80xi32, #tpu.memory_space<hbm>>
        tpu.enqueue_dma source(%dma_start3A_294 : memref<80xi32, #tpu.memory_space<hbm>>) target(%arg6 : memref<80xi32, #tpu.memory_space<vmem>>) target_semaphore(%run_scoped3A : memref<!tpu.dma_semaphore, #tpu.memory_space<semaphore_mem>>)
        %dma_wait3A_295 = tpu.memref_slice %arg3[%add3A_105] : memref<320000xi32, #tpu.memory_space<hbm>> -> memref<80xi32, #tpu.memory_space<hbm>>
        %dma_wait3A_296 = tpu.memref_slice %arg3[%add3A_105] : memref<320000xi32, #tpu.memory_space<hbm>> -> memref<80xi32, #tpu.memory_space<hbm>>
        tpu.wait_dma2 semaphore(%run_scoped3A : memref<!tpu.dma_semaphore, #tpu.memory_space<semaphore_mem>>) src(%dma_wait3A_296 : memref<80xi32, #tpu.memory_space<hbm>>) dst(%arg6 : memref<80xi32, #tpu.memory_space<vmem>>)
        tpu.yield
      }) : () -> ()
      "tpu.region"() ({
        %run_scoped3A = tpu.sem_alloc : memref<!tpu.dma_semaphore, #tpu.memory_space<semaphore_mem>>
        %dma_start3A_293 = tpu.memref_slice %arg4[%add3A_105] : memref<320000xi32, #tpu.memory_space<hbm>> -> memref<80xi32, #tpu.memory_space<hbm>>
        %dma_start3A_294 = tpu.memref_slice %arg4[%add3A_105] : memref<320000xi32, #tpu.memory_space<hbm>> -> memref<80xi32, #tpu.memory_space<hbm>>
        tpu.enqueue_dma source(%dma_start3A_294 : memref<80xi32, #tpu.memory_space<hbm>>) target(%arg7 : memref<80xi32, #tpu.memory_space<vmem>>) target_semaphore(%run_scoped3A : memref<!tpu.dma_semaphore, #tpu.memory_space<semaphore_mem>>)
        %dma_wait3A_295 = tpu.memref_slice %arg4[%add3A_105] : memref<320000xi32, #tpu.memory_space<hbm>> -> memref<80xi32, #tpu.memory_space<hbm>>
        %dma_wait3A_296 = tpu.memref_slice %arg4[%add3A_105] : memref<320000xi32, #tpu.memory_space<hbm>> -> memref<80xi32, #tpu.memory_space<hbm>>
        tpu.wait_dma2 semaphore(%run_scoped3A : memref<!tpu.dma_semaphore, #tpu.memory_space<semaphore_mem>>) src(%dma_wait3A_296 : memref<80xi32, #tpu.memory_space<hbm>>) dst(%arg7 : memref<80xi32, #tpu.memory_space<vmem>>)
        tpu.yield
      }) : () -> ()
      %dma_start3A_106 = arith.constant 0 : i32
      %dma_start3A_107 = arith.constant 0 : i32
      %dma_start3A_108 = tpu.memref_slice %arg2[%dma_start3A_106, %dma_start3A_107] : memref<10000x128xf32, #tpu.memory_space<hbm>> -> memref<10000x128xf32, #tpu.memory_space<hbm>>
      tpu.enqueue_indirect_dma source(%dma_start3A_108 : memref<10000x128xf32, #tpu.memory_space<hbm>>) target(%arg8 : memref<80x128xf32, #tpu.memory_space<vmem>>) offsets(%arg6 : memref<80xi32, #tpu.memory_space<vmem>>) semaphore(%arg14 : memref<!tpu.dma_semaphore, #tpu.memory_space<semaphore_mem>>)
      %add3A_109 = arith.constant 80 : i32
      %add3A_110 = arith.addi %add3A_105, %add3A_109 : i32
      "tpu.region"() ({
        %run_scoped3A = tpu.sem_alloc : memref<!tpu.dma_semaphore, #tpu.memory_space<semaphore_mem>>
        %dma_start3A_293 = tpu.memref_slice %arg3[%add3A_110] : memref<320000xi32, #tpu.memory_space<hbm>> -> memref<80xi32, #tpu.memory_space<hbm>>
        %dma_start3A_294 = tpu.memref_slice %arg3[%add3A_110] : memref<320000xi32, #tpu.memory_space<hbm>> -> memref<80xi32, #tpu.memory_space<hbm>>
        tpu.enqueue_dma source(%dma_start3A_294 : memref<80xi32, #tpu.memory_space<hbm>>) target(%arg9 : memref<80xi32, #tpu.memory_space<vmem>>) target_semaphore(%run_scoped3A : memref<!tpu.dma_semaphore, #tpu.memory_space<semaphore_mem>>)
        %dma_wait3A_295 = tpu.memref_slice %arg3[%add3A_110] : memref<320000xi32, #tpu.memory_space<hbm>> -> memref<80xi32, #tpu.memory_space<hbm>>
        %dma_wait3A_296 = tpu.memref_slice %arg3[%add3A_110] : memref<320000xi32, #tpu.memory_space<hbm>> -> memref<80xi32, #tpu.memory_space<hbm>>
        tpu.wait_dma2 semaphore(%run_scoped3A : memref<!tpu.dma_semaphore, #tpu.memory_space<semaphore_mem>>) src(%dma_wait3A_296 : memref<80xi32, #tpu.memory_space<hbm>>) dst(%arg9 : memref<80xi32, #tpu.memory_space<vmem>>)
        tpu.yield
      }) : () -> ()
      "tpu.region"() ({
        %run_scoped3A = tpu.sem_alloc : memref<!tpu.dma_semaphore, #tpu.memory_space<semaphore_mem>>
        %dma_start3A_293 = tpu.memref_slice %arg4[%add3A_110] : memref<320000xi32, #tpu.memory_space<hbm>> -> memref<80xi32, #tpu.memory_space<hbm>>
        %dma_start3A_294 = tpu.memref_slice %arg4[%add3A_110] : memref<320000xi32, #tpu.memory_space<hbm>> -> memref<80xi32, #tpu.memory_space<hbm>>
        tpu.enqueue_dma source(%dma_start3A_294 : memref<80xi32, #tpu.memory_space<hbm>>) target(%arg10 : memref<80xi32, #tpu.memory_space<vmem>>) target_semaphore(%run_scoped3A : memref<!tpu.dma_semaphore, #tpu.memory_space<semaphore_mem>>)
        %dma_wait3A_295 = tpu.memref_slice %arg4[%add3A_110] : memref<320000xi32, #tpu.memory_space<hbm>> -> memref<80xi32, #tpu.memory_space<hbm>>
        %dma_wait3A_296 = tpu.memref_slice %arg4[%add3A_110] : memref<320000xi32, #tpu.memory_space<hbm>> -> memref<80xi32, #tpu.memory_space<hbm>>
        tpu.wait_dma2 semaphore(%run_scoped3A : memref<!tpu.dma_semaphore, #tpu.memory_space<semaphore_mem>>) src(%dma_wait3A_296 : memref<80xi32, #tpu.memory_space<hbm>>) dst(%arg10 : memref<80xi32, #tpu.memory_space<vmem>>)
        tpu.yield
      }) : () -> ()
      %dma_start3A_111 = arith.constant 0 : i32
      %dma_start3A_112 = arith.constant 0 : i32
      %dma_start3A_113 = tpu.memref_slice %arg2[%dma_start3A_111, %dma_start3A_112] : memref<10000x128xf32, #tpu.memory_space<hbm>> -> memref<10000x128xf32, #tpu.memory_space<hbm>>
      tpu.enqueue_indirect_dma source(%dma_start3A_113 : memref<10000x128xf32, #tpu.memory_space<hbm>>) target(%arg11 : memref<80x128xf32, #tpu.memory_space<vmem>>) offsets(%arg9 : memref<80xi32, #tpu.memory_space<vmem>>) semaphore(%arg15 : memref<!tpu.dma_semaphore, #tpu.memory_space<semaphore_mem>>)
      %dma_wait3A_114 = arith.constant 0 : i32
      %dma_wait3A_115 = arith.constant 0 : i32
      %dma_wait3A_116 = tpu.memref_slice %arg2[%dma_wait3A_114, %dma_wait3A_115] : memref<10000x128xf32, #tpu.memory_space<hbm>> -> memref<10000x128xf32, #tpu.memory_space<hbm>>
      tpu.wait_indirect_dma semaphore(%arg14 : memref<!tpu.dma_semaphore, #tpu.memory_space<semaphore_mem>>) src(%dma_wait3A_116 : memref<10000x128xf32, #tpu.memory_space<hbm>>) dst(%arg8 : memref<80x128xf32, #tpu.memory_space<vmem>>)
      %get3A = arith.constant 0 : index
      %get3A_117 = tpu.vector_load %arg7[%get3A] {strides = array<i32>} : memref<80xi32, #tpu.memory_space<vmem>>, vector<16xi32>,
      %get3A_118 = vector.shape_cast %get3A_117 : vector<16xi32> to vector<16xi32>
      %sub3A = vector.broadcast %mul3A_8 : i32 to vector<16xi32>
      %sub3A_119 = arith.subi %get3A_118, %sub3A : vector<16xi32>
      %ge3A = arith.constant 0 : i32
      %ge3A_120 = vector.broadcast %ge3A : i32 to vector<16xi32>
      %ge3A_121 = arith.cmpi sge, %sub3A_119, %ge3A_120 : vector<16xi32>
      %lt3A = arith.constant 5000 : i32
      %lt3A_122 = vector.broadcast %lt3A : i32 to vector<16xi32>
      %lt3A_123 = arith.cmpi slt, %sub3A_119, %lt3A_122 : vector<16xi32>
      %and3A = arith.andi %ge3A_121, %lt3A_123 : vector<16xi1>
      %broadcast_in_dim3A = vector.broadcast %add3A_9 : i32 to vector<16xi32>
      %select_n3A = arith.select %and3A, %sub3A_119, %broadcast_in_dim3A : vector<16xi1>, vector<16xi32>
      %swap3A = arith.constant 0 : index
      %swap3A_124 = tpu.vector_load %arg7[%swap3A] {strides = array<i32>} : memref<80xi32, #tpu.memory_space<vmem>>, vector<16xi32>,
      %swap3A_125 = vector.shape_cast %swap3A_124 : vector<16xi32> to vector<16xi32>
      %swap3A_126 = vector.shape_cast %select_n3A : vector<16xi32> to vector<16xi32>
      tpu.vector_store %arg7[%swap3A], %swap3A_126 {strides = array<i32>} : memref<80xi32, #tpu.memory_space<vmem>>, vector<16xi32>,
      %get3A_127 = arith.constant 16 : index
      %get3A_128 = tpu.vector_load %arg7[%get3A_127] {strides = array<i32>} : memref<80xi32, #tpu.memory_space<vmem>>, vector<16xi32>,
      %get3A_129 = vector.shape_cast %get3A_128 : vector<16xi32> to vector<16xi32>
      %sub3A_130 = vector.broadcast %mul3A_8 : i32 to vector<16xi32>
      %sub3A_131 = arith.subi %get3A_129, %sub3A_130 : vector<16xi32>
      %ge3A_132 = arith.constant 0 : i32
      %ge3A_133 = vector.broadcast %ge3A_132 : i32 to vector<16xi32>
      %ge3A_134 = arith.cmpi sge, %sub3A_131, %ge3A_133 : vector<16xi32>
      %lt3A_135 = arith.constant 5000 : i32
      %lt3A_136 = vector.broadcast %lt3A_135 : i32 to vector<16xi32>
      %lt3A_137 = arith.cmpi slt, %sub3A_131, %lt3A_136 : vector<16xi32>
      %and3A_138 = arith.andi %ge3A_134, %lt3A_137 : vector<16xi1>
      %broadcast_in_dim3A_139 = vector.broadcast %add3A_9 : i32 to vector<16xi32>
      %select_n3A_140 = arith.select %and3A_138, %sub3A_131, %broadcast_in_dim3A_139 : vector<16xi1>, vector<16xi32>
      %swap3A_141 = arith.constant 16 : index
      %swap3A_142 = tpu.vector_load %arg7[%swap3A_141] {strides = array<i32>} : memref<80xi32, #tpu.memory_space<vmem>>, vector<16xi32>,
      %swap3A_143 = vector.shape_cast %swap3A_142 : vector<16xi32> to vector<16xi32>
      %swap3A_144 = vector.shape_cast %select_n3A_140 : vector<16xi32> to vector<16xi32>
      tpu.vector_store %arg7[%swap3A_141], %swap3A_144 {strides = array<i32>} : memref<80xi32, #tpu.memory_space<vmem>>, vector<16xi32>,
      %get3A_145 = arith.constant 32 : index
      %get3A_146 = tpu.vector_load %arg7[%get3A_145] {strides = array<i32>} : memref<80xi32, #tpu.memory_space<vmem>>, vector<16xi32>,
      %get3A_147 = vector.shape_cast %get3A_146 : vector<16xi32> to vector<16xi32>
      %sub3A_148 = vector.broadcast %mul3A_8 : i32 to vector<16xi32>
      %sub3A_149 = arith.subi %get3A_147, %sub3A_148 : vector<16xi32>
      %ge3A_150 = arith.constant 0 : i32
      %ge3A_151 = vector.broadcast %ge3A_150 : i32 to vector<16xi32>
      %ge3A_152 = arith.cmpi sge, %sub3A_149, %ge3A_151 : vector<16xi32>
      %lt3A_153 = arith.constant 5000 : i32
      %lt3A_154 = vector.broadcast %lt3A_153 : i32 to vector<16xi32>
      %lt3A_155 = arith.cmpi slt, %sub3A_149, %lt3A_154 : vector<16xi32>
      %and3A_156 = arith.andi %ge3A_152, %lt3A_155 : vector<16xi1>
      %broadcast_in_dim3A_157 = vector.broadcast %add3A_9 : i32 to vector<16xi32>
      %select_n3A_158 = arith.select %and3A_156, %sub3A_149, %broadcast_in_dim3A_157 : vector<16xi1>, vector<16xi32>
      %swap3A_159 = arith.constant 32 : index
      %swap3A_160 = tpu.vector_load %arg7[%swap3A_159] {strides = array<i32>} : memref<80xi32, #tpu.memory_space<vmem>>, vector<16xi32>,
      %swap3A_161 = vector.shape_cast %swap3A_160 : vector<16xi32> to vector<16xi32>
      %swap3A_162 = vector.shape_cast %select_n3A_158 : vector<16xi32> to vector<16xi32>
      tpu.vector_store %arg7[%swap3A_159], %swap3A_162 {strides = array<i32>} : memref<80xi32, #tpu.memory_space<vmem>>, vector<16xi32>,
      %get3A_163 = arith.constant 48 : index
      %get3A_164 = tpu.vector_load %arg7[%get3A_163] {strides = array<i32>} : memref<80xi32, #tpu.memory_space<vmem>>, vector<16xi32>,
      %get3A_165 = vector.shape_cast %get3A_164 : vector<16xi32> to vector<16xi32>
      %sub3A_166 = vector.broadcast %mul3A_8 : i32 to vector<16xi32>
      %sub3A_167 = arith.subi %get3A_165, %sub3A_166 : vector<16xi32>
      %ge3A_168 = arith.constant 0 : i32
      %ge3A_169 = vector.broadcast %ge3A_168 : i32 to vector<16xi32>
      %ge3A_170 = arith.cmpi sge, %sub3A_167, %ge3A_169 : vector<16xi32>
      %lt3A_171 = arith.constant 5000 : i32
      %lt3A_172 = vector.broadcast %lt3A_171 : i32 to vector<16xi32>
      %lt3A_173 = arith.cmpi slt, %sub3A_167, %lt3A_172 : vector<16xi32>
      %and3A_174 = arith.andi %ge3A_170, %lt3A_173 : vector<16xi1>
      %broadcast_in_dim3A_175 = vector.broadcast %add3A_9 : i32 to vector<16xi32>
      %select_n3A_176 = arith.select %and3A_174, %sub3A_167, %broadcast_in_dim3A_175 : vector<16xi1>, vector<16xi32>
      %swap3A_177 = arith.constant 48 : index
      %swap3A_178 = tpu.vector_load %arg7[%swap3A_177] {strides = array<i32>} : memref<80xi32, #tpu.memory_space<vmem>>, vector<16xi32>,
      %swap3A_179 = vector.shape_cast %swap3A_178 : vector<16xi32> to vector<16xi32>
      %swap3A_180 = vector.shape_cast %select_n3A_176 : vector<16xi32> to vector<16xi32>
      tpu.vector_store %arg7[%swap3A_177], %swap3A_180 {strides = array<i32>} : memref<80xi32, #tpu.memory_space<vmem>>, vector<16xi32>,
      %get3A_181 = arith.constant 64 : index
      %get3A_182 = tpu.vector_load %arg7[%get3A_181] {strides = array<i32>} : memref<80xi32, #tpu.memory_space<vmem>>, vector<16xi32>,
      %get3A_183 = vector.shape_cast %get3A_182 : vector<16xi32> to vector<16xi32>
      %sub3A_184 = vector.broadcast %mul3A_8 : i32 to vector<16xi32>
      %sub3A_185 = arith.subi %get3A_183, %sub3A_184 : vector<16xi32>
      %ge3A_186 = arith.constant 0 : i32
      %ge3A_187 = vector.broadcast %ge3A_186 : i32 to vector<16xi32>
      %ge3A_188 = arith.cmpi sge, %sub3A_185, %ge3A_187 : vector<16xi32>
      %lt3A_189 = arith.constant 5000 : i32
      %lt3A_190 = vector.broadcast %lt3A_189 : i32 to vector<16xi32>
      %lt3A_191 = arith.cmpi slt, %sub3A_185, %lt3A_190 : vector<16xi32>
      %and3A_192 = arith.andi %ge3A_188, %lt3A_191 : vector<16xi1>
      %broadcast_in_dim3A_193 = vector.broadcast %add3A_9 : i32 to vector<16xi32>
      %select_n3A_194 = arith.select %and3A_192, %sub3A_185, %broadcast_in_dim3A_193 : vector<16xi1>, vector<16xi32>
      %swap3A_195 = arith.constant 64 : index
      %swap3A_196 = tpu.vector_load %arg7[%swap3A_195] {strides = array<i32>} : memref<80xi32, #tpu.memory_space<vmem>>, vector<16xi32>,
      %swap3A_197 = vector.shape_cast %swap3A_196 : vector<16xi32> to vector<16xi32>
      %swap3A_198 = vector.shape_cast %select_n3A_194 : vector<16xi32> to vector<16xi32>
      tpu.vector_store %arg7[%swap3A_195], %swap3A_198 {strides = array<i32>} : memref<80xi32, #tpu.memory_space<vmem>>, vector<16xi32>,
      "tpu.region"() ({
        %run_scoped3A = tpu.sem_alloc : memref<!tpu.dma_semaphore, #tpu.memory_space<semaphore_mem>>
        %dma_start3A_293 = arith.constant 0 : i32
        %dma_start3A_294 = arith.constant 0 : i32
        %dma_start3A_295 = tpu.memref_slice %arg13[%dma_start3A_293, %dma_start3A_294] : memref<5016x128xf32, #tpu.memory_space<vmem_shared>> -> memref<5016x128xf32, #tpu.memory_space<vmem_shared>>
        tpu.enqueue_indirect_dma source(%arg8 : memref<80x128xf32, #tpu.memory_space<vmem>>) target(%dma_start3A_295 : memref<5016x128xf32, #tpu.memory_space<vmem_shared>>) offsets(%arg7 : memref<80xi32, #tpu.memory_space<vmem>>) semaphore(%run_scoped3A : memref<!tpu.dma_semaphore, #tpu.memory_space<semaphore_mem>>) {add = true}
        %dma_wait3A_296 = arith.constant 0 : i32
        %dma_wait3A_297 = arith.constant 0 : i32
        %dma_wait3A_298 = tpu.memref_slice %arg13[%dma_wait3A_296, %dma_wait3A_297] : memref<5016x128xf32, #tpu.memory_space<vmem_shared>> -> memref<5016x128xf32, #tpu.memory_space<vmem_shared>>
        tpu.wait_indirect_dma semaphore(%run_scoped3A : memref<!tpu.dma_semaphore, #tpu.memory_space<semaphore_mem>>) src(%arg8 : memref<80x128xf32, #tpu.memory_space<vmem>>) dst(%dma_wait3A_298 : memref<5016x128xf32, #tpu.memory_space<vmem_shared>>)
        tpu.yield
      }) : () -> ()
      %dma_wait3A_199 = arith.constant 0 : i32
      %dma_wait3A_200 = arith.constant 0 : i32
      %dma_wait3A_201 = tpu.memref_slice %arg2[%dma_wait3A_199, %dma_wait3A_200] : memref<10000x128xf32, #tpu.memory_space<hbm>> -> memref<10000x128xf32, #tpu.memory_space<hbm>>
      tpu.wait_indirect_dma semaphore(%arg15 : memref<!tpu.dma_semaphore, #tpu.memory_space<semaphore_mem>>) src(%dma_wait3A_201 : memref<10000x128xf32, #tpu.memory_space<hbm>>) dst(%arg11 : memref<80x128xf32, #tpu.memory_space<vmem>>)
      %get3A_202 = arith.constant 0 : index
      %get3A_203 = tpu.vector_load %arg10[%get3A_202] {strides = array<i32>} : memref<80xi32, #tpu.memory_space<vmem>>, vector<16xi32>,
      %get3A_204 = vector.shape_cast %get3A_203 : vector<16xi32> to vector<16xi32>
      %sub3A_205 = vector.broadcast %mul3A_8 : i32 to vector<16xi32>
      %sub3A_206 = arith.subi %get3A_204, %sub3A_205 : vector<16xi32>
      %ge3A_207 = arith.constant 0 : i32
      %ge3A_208 = vector.broadcast %ge3A_207 : i32 to vector<16xi32>
      %ge3A_209 = arith.cmpi sge, %sub3A_206, %ge3A_208 : vector<16xi32>
      %lt3A_210 = arith.constant 5000 : i32
      %lt3A_211 = vector.broadcast %lt3A_210 : i32 to vector<16xi32>
      %lt3A_212 = arith.cmpi slt, %sub3A_206, %lt3A_211 : vector<16xi32>
      %and3A_213 = arith.andi %ge3A_209, %lt3A_212 : vector<16xi1>
      %broadcast_in_dim3A_214 = vector.broadcast %add3A_9 : i32 to vector<16xi32>
      %select_n3A_215 = arith.select %and3A_213, %sub3A_206, %broadcast_in_dim3A_214 : vector<16xi1>, vector<16xi32>
      %swap3A_216 = arith.constant 0 : index
      %swap3A_217 = tpu.vector_load %arg10[%swap3A_216] {strides = array<i32>} : memref<80xi32, #tpu.memory_space<vmem>>, vector<16xi32>,
      %swap3A_218 = vector.shape_cast %swap3A_217 : vector<16xi32> to vector<16xi32>
      %swap3A_219 = vector.shape_cast %select_n3A_215 : vector<16xi32> to vector<16xi32>
      tpu.vector_store %arg10[%swap3A_216], %swap3A_219 {strides = array<i32>} : memref<80xi32, #tpu.memory_space<vmem>>, vector<16xi32>,
      %get3A_220 = arith.constant 16 : index
      %get3A_221 = tpu.vector_load %arg10[%get3A_220] {strides = array<i32>} : memref<80xi32, #tpu.memory_space<vmem>>, vector<16xi32>,
      %get3A_222 = vector.shape_cast %get3A_221 : vector<16xi32> to vector<16xi32>
      %sub3A_223 = vector.broadcast %mul3A_8 : i32 to vector<16xi32>
      %sub3A_224 = arith.subi %get3A_222, %sub3A_223 : vector<16xi32>
      %ge3A_225 = arith.constant 0 : i32
      %ge3A_226 = vector.broadcast %ge3A_225 : i32 to vector<16xi32>
      %ge3A_227 = arith.cmpi sge, %sub3A_224, %ge3A_226 : vector<16xi32>
      %lt3A_228 = arith.constant 5000 : i32
      %lt3A_229 = vector.broadcast %lt3A_228 : i32 to vector<16xi32>
      %lt3A_230 = arith.cmpi slt, %sub3A_224, %lt3A_229 : vector<16xi32>
      %and3A_231 = arith.andi %ge3A_227, %lt3A_230 : vector<16xi1>
      %broadcast_in_dim3A_232 = vector.broadcast %add3A_9 : i32 to vector<16xi32>
      %select_n3A_233 = arith.select %and3A_231, %sub3A_224, %broadcast_in_dim3A_232 : vector<16xi1>, vector<16xi32>
      %swap3A_234 = arith.constant 16 : index
      %swap3A_235 = tpu.vector_load %arg10[%swap3A_234] {strides = array<i32>} : memref<80xi32, #tpu.memory_space<vmem>>, vector<16xi32>,
      %swap3A_236 = vector.shape_cast %swap3A_235 : vector<16xi32> to vector<16xi32>
      %swap3A_237 = vector.shape_cast %select_n3A_233 : vector<16xi32> to vector<16xi32>
      tpu.vector_store %arg10[%swap3A_234], %swap3A_237 {strides = array<i32>} : memref<80xi32, #tpu.memory_space<vmem>>, vector<16xi32>,
      %get3A_238 = arith.constant 32 : index
      %get3A_239 = tpu.vector_load %arg10[%get3A_238] {strides = array<i32>} : memref<80xi32, #tpu.memory_space<vmem>>, vector<16xi32>,
      %get3A_240 = vector.shape_cast %get3A_239 : vector<16xi32> to vector<16xi32>
      %sub3A_241 = vector.broadcast %mul3A_8 : i32 to vector<16xi32>
      %sub3A_242 = arith.subi %get3A_240, %sub3A_241 : vector<16xi32>
      %ge3A_243 = arith.constant 0 : i32
      %ge3A_244 = vector.broadcast %ge3A_243 : i32 to vector<16xi32>
      %ge3A_245 = arith.cmpi sge, %sub3A_242, %ge3A_244 : vector<16xi32>
      %lt3A_246 = arith.constant 5000 : i32
      %lt3A_247 = vector.broadcast %lt3A_246 : i32 to vector<16xi32>
      %lt3A_248 = arith.cmpi slt, %sub3A_242, %lt3A_247 : vector<16xi32>
      %and3A_249 = arith.andi %ge3A_245, %lt3A_248 : vector<16xi1>
      %broadcast_in_dim3A_250 = vector.broadcast %add3A_9 : i32 to vector<16xi32>
      %select_n3A_251 = arith.select %and3A_249, %sub3A_242, %broadcast_in_dim3A_250 : vector<16xi1>, vector<16xi32>
      %swap3A_252 = arith.constant 32 : index
      %swap3A_253 = tpu.vector_load %arg10[%swap3A_252] {strides = array<i32>} : memref<80xi32, #tpu.memory_space<vmem>>, vector<16xi32>,
      %swap3A_254 = vector.shape_cast %swap3A_253 : vector<16xi32> to vector<16xi32>
      %swap3A_255 = vector.shape_cast %select_n3A_251 : vector<16xi32> to vector<16xi32>
      tpu.vector_store %arg10[%swap3A_252], %swap3A_255 {strides = array<i32>} : memref<80xi32, #tpu.memory_space<vmem>>, vector<16xi32>,
      %get3A_256 = arith.constant 48 : index
      %get3A_257 = tpu.vector_load %arg10[%get3A_256] {strides = array<i32>} : memref<80xi32, #tpu.memory_space<vmem>>, vector<16xi32>,
      %get3A_258 = vector.shape_cast %get3A_257 : vector<16xi32> to vector<16xi32>
      %sub3A_259 = vector.broadcast %mul3A_8 : i32 to vector<16xi32>
      %sub3A_260 = arith.subi %get3A_258, %sub3A_259 : vector<16xi32>
      %ge3A_261 = arith.constant 0 : i32
      %ge3A_262 = vector.broadcast %ge3A_261 : i32 to vector<16xi32>
      %ge3A_263 = arith.cmpi sge, %sub3A_260, %ge3A_262 : vector<16xi32>
      %lt3A_264 = arith.constant 5000 : i32
      %lt3A_265 = vector.broadcast %lt3A_264 : i32 to vector<16xi32>
      %lt3A_266 = arith.cmpi slt, %sub3A_260, %lt3A_265 : vector<16xi32>
      %and3A_267 = arith.andi %ge3A_263, %lt3A_266 : vector<16xi1>
      %broadcast_in_dim3A_268 = vector.broadcast %add3A_9 : i32 to vector<16xi32>
      %select_n3A_269 = arith.select %and3A_267, %sub3A_260, %broadcast_in_dim3A_268 : vector<16xi1>, vector<16xi32>
      %swap3A_270 = arith.constant 48 : index
      %swap3A_271 = tpu.vector_load %arg10[%swap3A_270] {strides = array<i32>} : memref<80xi32, #tpu.memory_space<vmem>>, vector<16xi32>,
      %swap3A_272 = vector.shape_cast %swap3A_271 : vector<16xi32> to vector<16xi32>
      %swap3A_273 = vector.shape_cast %select_n3A_269 : vector<16xi32> to vector<16xi32>
      tpu.vector_store %arg10[%swap3A_270], %swap3A_273 {strides = array<i32>} : memref<80xi32, #tpu.memory_space<vmem>>, vector<16xi32>,
      %get3A_274 = arith.constant 64 : index
      %get3A_275 = tpu.vector_load %arg10[%get3A_274] {strides = array<i32>} : memref<80xi32, #tpu.memory_space<vmem>>, vector<16xi32>,
      %get3A_276 = vector.shape_cast %get3A_275 : vector<16xi32> to vector<16xi32>
      %sub3A_277 = vector.broadcast %mul3A_8 : i32 to vector<16xi32>
      %sub3A_278 = arith.subi %get3A_276, %sub3A_277 : vector<16xi32>
      %ge3A_279 = arith.constant 0 : i32
      %ge3A_280 = vector.broadcast %ge3A_279 : i32 to vector<16xi32>
      %ge3A_281 = arith.cmpi sge, %sub3A_278, %ge3A_280 : vector<16xi32>
      %lt3A_282 = arith.constant 5000 : i32
      %lt3A_283 = vector.broadcast %lt3A_282 : i32 to vector<16xi32>
      %lt3A_284 = arith.cmpi slt, %sub3A_278, %lt3A_283 : vector<16xi32>
      %and3A_285 = arith.andi %ge3A_281, %lt3A_284 : vector<16xi1>
      %broadcast_in_dim3A_286 = vector.broadcast %add3A_9 : i32 to vector<16xi32>
      %select_n3A_287 = arith.select %and3A_285, %sub3A_278, %broadcast_in_dim3A_286 : vector<16xi1>, vector<16xi32>
      %swap3A_288 = arith.constant 64 : index
      %swap3A_289 = tpu.vector_load %arg10[%swap3A_288] {strides = array<i32>} : memref<80xi32, #tpu.memory_space<vmem>>, vector<16xi32>,
      %swap3A_290 = vector.shape_cast %swap3A_289 : vector<16xi32> to vector<16xi32>
      %swap3A_291 = vector.shape_cast %select_n3A_287 : vector<16xi32> to vector<16xi32>
      tpu.vector_store %arg10[%swap3A_288], %swap3A_291 {strides = array<i32>} : memref<80xi32, #tpu.memory_space<vmem>>, vector<16xi32>,
      "tpu.region"() ({
        %run_scoped3A = tpu.sem_alloc : memref<!tpu.dma_semaphore, #tpu.memory_space<semaphore_mem>>
        %dma_start3A_293 = arith.constant 0 : i32
        %dma_start3A_294 = arith.constant 0 : i32
        %dma_start3A_295 = tpu.memref_slice %arg13[%dma_start3A_293, %dma_start3A_294] : memref<5016x128xf32, #tpu.memory_space<vmem_shared>> -> memref<5016x128xf32, #tpu.memory_space<vmem_shared>>
        tpu.enqueue_indirect_dma source(%arg11 : memref<80x128xf32, #tpu.memory_space<vmem>>) target(%dma_start3A_295 : memref<5016x128xf32, #tpu.memory_space<vmem_shared>>) offsets(%arg10 : memref<80xi32, #tpu.memory_space<vmem>>) semaphore(%run_scoped3A : memref<!tpu.dma_semaphore, #tpu.memory_space<semaphore_mem>>) {add = true}
        %dma_wait3A_296 = arith.constant 0 : i32
        %dma_wait3A_297 = arith.constant 0 : i32
        %dma_wait3A_298 = tpu.memref_slice %arg13[%dma_wait3A_296, %dma_wait3A_297] : memref<5016x128xf32, #tpu.memory_space<vmem_shared>> -> memref<5016x128xf32, #tpu.memory_space<vmem_shared>>
        tpu.wait_indirect_dma semaphore(%run_scoped3A : memref<!tpu.dma_semaphore, #tpu.memory_space<semaphore_mem>>) src(%arg11 : memref<80x128xf32, #tpu.memory_space<vmem>>) dst(%dma_wait3A_298 : memref<5016x128xf32, #tpu.memory_space<vmem_shared>>)
        tpu.yield
      }) : () -> ()
      %scan3A_292 = arith.constant 0 : i32
      scf.yield %scan3A_292 : i32
    }
    %scan3A_27 = arith.constant 125 : i32
    %barrier3A_28 = arith.constant 0 : index
    tpu.barrier barrier_id(%barrier3A_28)
    %iota3A = tpu.iota {dimensions = array<i32: 0>} : vector<16xi32>
    %scan3A_29 = arith.constant 0 : i32
    %scan3A_30 = arith.constant 0 : i32
    %scan3A_31 = arith.constant 5 : i32
    %scan3A_32 = arith.addi %scan3A_30, %scan3A_31 : i32
    %scan3A_33 = arith.constant 1 : i32
    %scan3A_34 = scf.for %scan3A_99 = %scan3A_30 to %scan3A_32 step %scan3A_33 iter_args(%scan3A_100 = %scan3A_29) -> (i32)  : i32 {
      %mul3A_101 = arith.constant 16 : i32
      %mul3A_102 = arith.muli %scan3A_99, %mul3A_101 : i32
      %add3A_103 = arith.constant 0 : i32
      %add3A_104 = arith.addi %add3A_103, %mul3A_102 : i32
      %add3A_105 = vector.broadcast %add3A_104 : i32 to vector<16xi32>
      %add3A_106 = arith.addi %add3A_105, %iota3A : vector<16xi32>
      %min3A = arith.constant 311 : i32
      %min3A_107 = vector.broadcast %min3A : i32 to vector<16xi32>
      %min3A_108 = arith.minsi %add3A_106, %min3A_107 : vector<16xi32>
      %add3A_109 = vector.broadcast %mul3A_6 : i32 to vector<16xi32>
      %add3A_110 = arith.addi %add3A_109, %min3A_108 : vector<16xi32>
      %mul3A_111 = arith.constant 16 : i32
      %mul3A_112 = arith.muli %scan3A_99, %mul3A_111 : i32
      %swap3A = arith.index_cast %mul3A_112 : i32 to index
      %swap3A_113 = tpu.vector_load %arg7[%swap3A] {strides = array<i32>} : memref<80xi32, #tpu.memory_space<vmem>>, vector<16xi32>,
      %swap3A_114 = vector.shape_cast %swap3A_113 : vector<16xi32> to vector<16xi32>
      %swap3A_115 = vector.shape_cast %add3A_110 : vector<16xi32> to vector<16xi32>
      tpu.vector_store %arg7[%swap3A], %swap3A_115 {strides = array<i32>} : memref<80xi32, #tpu.memory_space<vmem>>, vector<16xi32>,
      %scan3A_116 = arith.constant 0 : i32
      scf.yield %scan3A_116 : i32
    }
    %scan3A_35 = arith.constant 5 : i32
    %dma_start3A = arith.constant 0 : i32
    %dma_start3A_36 = arith.constant 0 : i32
    %dma_start3A_37 = tpu.memref_slice %arg13[%dma_start3A, %dma_start3A_36] : memref<5016x128xf32, #tpu.memory_space<vmem_shared>> -> memref<5016x128xf32, #tpu.memory_space<vmem_shared>>
    tpu.enqueue_indirect_dma source(%dma_start3A_37 : memref<5016x128xf32, #tpu.memory_space<vmem_shared>>) target(%arg8 : memref<80x128xf32, #tpu.memory_space<vmem>>) offsets(%arg7 : memref<80xi32, #tpu.memory_space<vmem>>) semaphore(%arg14 : memref<!tpu.dma_semaphore, #tpu.memory_space<semaphore_mem>>)
    %dma_wait3A = arith.constant 0 : i32
    %dma_wait3A_38 = arith.constant 0 : i32
    %dma_wait3A_39 = tpu.memref_slice %arg13[%dma_wait3A, %dma_wait3A_38] : memref<5016x128xf32, #tpu.memory_space<vmem_shared>> -> memref<5016x128xf32, #tpu.memory_space<vmem_shared>>
    tpu.wait_indirect_dma semaphore(%arg14 : memref<!tpu.dma_semaphore, #tpu.memory_space<semaphore_mem>>) src(%dma_wait3A_39 : memref<5016x128xf32, #tpu.memory_space<vmem_shared>>) dst(%arg8 : memref<80x128xf32, #tpu.memory_space<vmem>>)
    %add3A_40 = arith.addi %mul3A_8, %mul3A_6 : i32
    %add3A_41 = arith.constant 0 : i32
    %add3A_42 = arith.addi %add3A_40, %add3A_41 : i32
    "tpu.region"() ({
      %run_scoped3A = tpu.sem_alloc : memref<!tpu.dma_semaphore, #tpu.memory_space<semaphore_mem>>
      %dma_start3A_99 = arith.constant 0 : i32
      %dma_start3A_100 = tpu.memref_slice %arg5[%add3A_42, %dma_start3A_99] : memref<10000x128xf32, #tpu.memory_space<hbm>> -> memref<80x128xf32, #tpu.memory_space<hbm>>
      %dma_start3A_101 = arith.constant 0 : i32
      %dma_start3A_102 = tpu.memref_slice %arg5[%add3A_42, %dma_start3A_101] : memref<10000x128xf32, #tpu.memory_space<hbm>> -> memref<80x128xf32, #tpu.memory_space<hbm>>
      tpu.enqueue_dma source(%arg8 : memref<80x128xf32, #tpu.memory_space<vmem>>) target(%dma_start3A_102 : memref<80x128xf32, #tpu.memory_space<hbm>>) target_semaphore(%run_scoped3A : memref<!tpu.dma_semaphore, #tpu.memory_space<semaphore_mem>>)
      %dma_wait3A_103 = arith.constant 0 : i32
      %dma_wait3A_104 = tpu.memref_slice %arg5[%add3A_42, %dma_wait3A_103] : memref<10000x128xf32, #tpu.memory_space<hbm>> -> memref<80x128xf32, #tpu.memory_space<hbm>>
      %dma_wait3A_105 = arith.constant 0 : i32
      %dma_wait3A_106 = tpu.memref_slice %arg5[%add3A_42, %dma_wait3A_105] : memref<10000x128xf32, #tpu.memory_space<hbm>> -> memref<80x128xf32, #tpu.memory_space<hbm>>
      tpu.wait_dma2 semaphore(%run_scoped3A : memref<!tpu.dma_semaphore, #tpu.memory_space<semaphore_mem>>) src(%arg8 : memref<80x128xf32, #tpu.memory_space<vmem>>) dst(%dma_wait3A_106 : memref<80x128xf32, #tpu.memory_space<hbm>>)
      tpu.yield
    }) : () -> ()
    %iota3A_43 = tpu.iota {dimensions = array<i32: 0>} : vector<16xi32>
    %scan3A_44 = arith.constant 0 : i32
    %scan3A_45 = arith.constant 0 : i32
    %scan3A_46 = arith.constant 5 : i32
    %scan3A_47 = arith.addi %scan3A_45, %scan3A_46 : i32
    %scan3A_48 = arith.constant 1 : i32
    %scan3A_49 = scf.for %scan3A_99 = %scan3A_45 to %scan3A_47 step %scan3A_48 iter_args(%scan3A_100 = %scan3A_44) -> (i32)  : i32 {
      %mul3A_101 = arith.constant 16 : i32
      %mul3A_102 = arith.muli %scan3A_99, %mul3A_101 : i32
      %add3A_103 = arith.constant 80 : i32
      %add3A_104 = arith.addi %add3A_103, %mul3A_102 : i32
      %add3A_105 = vector.broadcast %add3A_104 : i32 to vector<16xi32>
      %add3A_106 = arith.addi %add3A_105, %iota3A_43 : vector<16xi32>
      %min3A = arith.constant 311 : i32
      %min3A_107 = vector.broadcast %min3A : i32 to vector<16xi32>
      %min3A_108 = arith.minsi %add3A_106, %min3A_107 : vector<16xi32>
      %add3A_109 = vector.broadcast %mul3A_6 : i32 to vector<16xi32>
      %add3A_110 = arith.addi %add3A_109, %min3A_108 : vector<16xi32>
      %mul3A_111 = arith.constant 16 : i32
      %mul3A_112 = arith.muli %scan3A_99, %mul3A_111 : i32
      %swap3A = arith.index_cast %mul3A_112 : i32 to index
      %swap3A_113 = tpu.vector_load %arg7[%swap3A] {strides = array<i32>} : memref<80xi32, #tpu.memory_space<vmem>>, vector<16xi32>,
      %swap3A_114 = vector.shape_cast %swap3A_113 : vector<16xi32> to vector<16xi32>
      %swap3A_115 = vector.shape_cast %add3A_110 : vector<16xi32> to vector<16xi32>
      tpu.vector_store %arg7[%swap3A], %swap3A_115 {strides = array<i32>} : memref<80xi32, #tpu.memory_space<vmem>>, vector<16xi32>,
      %scan3A_116 = arith.constant 0 : i32
      scf.yield %scan3A_116 : i32
    }
    %scan3A_50 = arith.constant 5 : i32
    %dma_start3A_51 = arith.constant 0 : i32
    %dma_start3A_52 = arith.constant 0 : i32
    %dma_start3A_53 = tpu.memref_slice %arg13[%dma_start3A_51, %dma_start3A_52] : memref<5016x128xf32, #tpu.memory_space<vmem_shared>> -> memref<5016x128xf32, #tpu.memory_space<vmem_shared>>
    tpu.enqueue_indirect_dma source(%dma_start3A_53 : memref<5016x128xf32, #tpu.memory_space<vmem_shared>>) target(%arg8 : memref<80x128xf32, #tpu.memory_space<vmem>>) offsets(%arg7 : memref<80xi32, #tpu.memory_space<vmem>>) semaphore(%arg14 : memref<!tpu.dma_semaphore, #tpu.memory_space<semaphore_mem>>)
    %dma_wait3A_54 = arith.constant 0 : i32
    %dma_wait3A_55 = arith.constant 0 : i32
    %dma_wait3A_56 = tpu.memref_slice %arg13[%dma_wait3A_54, %dma_wait3A_55] : memref<5016x128xf32, #tpu.memory_space<vmem_shared>> -> memref<5016x128xf32, #tpu.memory_space<vmem_shared>>
    tpu.wait_indirect_dma semaphore(%arg14 : memref<!tpu.dma_semaphore, #tpu.memory_space<semaphore_mem>>) src(%dma_wait3A_56 : memref<5016x128xf32, #tpu.memory_space<vmem_shared>>) dst(%arg8 : memref<80x128xf32, #tpu.memory_space<vmem>>)
    %add3A_57 = arith.addi %mul3A_8, %mul3A_6 : i32
    %add3A_58 = arith.constant 80 : i32
    %add3A_59 = arith.addi %add3A_57, %add3A_58 : i32
    "tpu.region"() ({
      %run_scoped3A = tpu.sem_alloc : memref<!tpu.dma_semaphore, #tpu.memory_space<semaphore_mem>>
      %dma_start3A_99 = arith.constant 0 : i32
      %dma_start3A_100 = tpu.memref_slice %arg5[%add3A_59, %dma_start3A_99] : memref<10000x128xf32, #tpu.memory_space<hbm>> -> memref<80x128xf32, #tpu.memory_space<hbm>>
      %dma_start3A_101 = arith.constant 0 : i32
      %dma_start3A_102 = tpu.memref_slice %arg5[%add3A_59, %dma_start3A_101] : memref<10000x128xf32, #tpu.memory_space<hbm>> -> memref<80x128xf32, #tpu.memory_space<hbm>>
      tpu.enqueue_dma source(%arg8 : memref<80x128xf32, #tpu.memory_space<vmem>>) target(%dma_start3A_102 : memref<80x128xf32, #tpu.memory_space<hbm>>) target_semaphore(%run_scoped3A : memref<!tpu.dma_semaphore, #tpu.memory_space<semaphore_mem>>)
      %dma_wait3A_103 = arith.constant 0 : i32
      %dma_wait3A_104 = tpu.memref_slice %arg5[%add3A_59, %dma_wait3A_103] : memref<10000x128xf32, #tpu.memory_space<hbm>> -> memref<80x128xf32, #tpu.memory_space<hbm>>
      %dma_wait3A_105 = arith.constant 0 : i32
      %dma_wait3A_106 = tpu.memref_slice %arg5[%add3A_59, %dma_wait3A_105] : memref<10000x128xf32, #tpu.memory_space<hbm>> -> memref<80x128xf32, #tpu.memory_space<hbm>>
      tpu.wait_dma2 semaphore(%run_scoped3A : memref<!tpu.dma_semaphore, #tpu.memory_space<semaphore_mem>>) src(%arg8 : memref<80x128xf32, #tpu.memory_space<vmem>>) dst(%dma_wait3A_106 : memref<80x128xf32, #tpu.memory_space<hbm>>)
      tpu.yield
    }) : () -> ()
    %iota3A_60 = tpu.iota {dimensions = array<i32: 0>} : vector<16xi32>
    %scan3A_61 = arith.constant 0 : i32
    %scan3A_62 = arith.constant 0 : i32
    %scan3A_63 = arith.constant 5 : i32
    %scan3A_64 = arith.addi %scan3A_62, %scan3A_63 : i32
    %scan3A_65 = arith.constant 1 : i32
    %scan3A_66 = scf.for %scan3A_99 = %scan3A_62 to %scan3A_64 step %scan3A_65 iter_args(%scan3A_100 = %scan3A_61) -> (i32)  : i32 {
      %mul3A_101 = arith.constant 16 : i32
      %mul3A_102 = arith.muli %scan3A_99, %mul3A_101 : i32
      %add3A_103 = arith.constant 160 : i32
      %add3A_104 = arith.addi %add3A_103, %mul3A_102 : i32
      %add3A_105 = vector.broadcast %add3A_104 : i32 to vector<16xi32>
      %add3A_106 = arith.addi %add3A_105, %iota3A_60 : vector<16xi32>
      %min3A = arith.constant 311 : i32
      %min3A_107 = vector.broadcast %min3A : i32 to vector<16xi32>
      %min3A_108 = arith.minsi %add3A_106, %min3A_107 : vector<16xi32>
      %add3A_109 = vector.broadcast %mul3A_6 : i32 to vector<16xi32>
      %add3A_110 = arith.addi %add3A_109, %min3A_108 : vector<16xi32>
      %mul3A_111 = arith.constant 16 : i32
      %mul3A_112 = arith.muli %scan3A_99, %mul3A_111 : i32
      %swap3A = arith.index_cast %mul3A_112 : i32 to index
      %swap3A_113 = tpu.vector_load %arg7[%swap3A] {strides = array<i32>} : memref<80xi32, #tpu.memory_space<vmem>>, vector<16xi32>,
      %swap3A_114 = vector.shape_cast %swap3A_113 : vector<16xi32> to vector<16xi32>
      %swap3A_115 = vector.shape_cast %add3A_110 : vector<16xi32> to vector<16xi32>
      tpu.vector_store %arg7[%swap3A], %swap3A_115 {strides = array<i32>} : memref<80xi32, #tpu.memory_space<vmem>>, vector<16xi32>,
      %scan3A_116 = arith.constant 0 : i32
      scf.yield %scan3A_116 : i32
    }
    %scan3A_67 = arith.constant 5 : i32
    %dma_start3A_68 = arith.constant 0 : i32
    %dma_start3A_69 = arith.constant 0 : i32
    %dma_start3A_70 = tpu.memref_slice %arg13[%dma_start3A_68, %dma_start3A_69] : memref<5016x128xf32, #tpu.memory_space<vmem_shared>> -> memref<5016x128xf32, #tpu.memory_space<vmem_shared>>
    tpu.enqueue_indirect_dma source(%dma_start3A_70 : memref<5016x128xf32, #tpu.memory_space<vmem_shared>>) target(%arg8 : memref<80x128xf32, #tpu.memory_space<vmem>>) offsets(%arg7 : memref<80xi32, #tpu.memory_space<vmem>>) semaphore(%arg14 : memref<!tpu.dma_semaphore, #tpu.memory_space<semaphore_mem>>)
    %dma_wait3A_71 = arith.constant 0 : i32
    %dma_wait3A_72 = arith.constant 0 : i32
    %dma_wait3A_73 = tpu.memref_slice %arg13[%dma_wait3A_71, %dma_wait3A_72] : memref<5016x128xf32, #tpu.memory_space<vmem_shared>> -> memref<5016x128xf32, #tpu.memory_space<vmem_shared>>
    tpu.wait_indirect_dma semaphore(%arg14 : memref<!tpu.dma_semaphore, #tpu.memory_space<semaphore_mem>>) src(%dma_wait3A_73 : memref<5016x128xf32, #tpu.memory_space<vmem_shared>>) dst(%arg8 : memref<80x128xf32, #tpu.memory_space<vmem>>)
    %add3A_74 = arith.addi %mul3A_8, %mul3A_6 : i32
    %add3A_75 = arith.constant 160 : i32
    %add3A_76 = arith.addi %add3A_74, %add3A_75 : i32
    "tpu.region"() ({
      %run_scoped3A = tpu.sem_alloc : memref<!tpu.dma_semaphore, #tpu.memory_space<semaphore_mem>>
      %dma_start3A_99 = arith.constant 0 : i32
      %dma_start3A_100 = tpu.memref_slice %arg5[%add3A_76, %dma_start3A_99] : memref<10000x128xf32, #tpu.memory_space<hbm>> -> memref<80x128xf32, #tpu.memory_space<hbm>>
      %dma_start3A_101 = arith.constant 0 : i32
      %dma_start3A_102 = tpu.memref_slice %arg5[%add3A_76, %dma_start3A_101] : memref<10000x128xf32, #tpu.memory_space<hbm>> -> memref<80x128xf32, #tpu.memory_space<hbm>>
      tpu.enqueue_dma source(%arg8 : memref<80x128xf32, #tpu.memory_space<vmem>>) target(%dma_start3A_102 : memref<80x128xf32, #tpu.memory_space<hbm>>) target_semaphore(%run_scoped3A : memref<!tpu.dma_semaphore, #tpu.memory_space<semaphore_mem>>)
      %dma_wait3A_103 = arith.constant 0 : i32
      %dma_wait3A_104 = tpu.memref_slice %arg5[%add3A_76, %dma_wait3A_103] : memref<10000x128xf32, #tpu.memory_space<hbm>> -> memref<80x128xf32, #tpu.memory_space<hbm>>
      %dma_wait3A_105 = arith.constant 0 : i32
      %dma_wait3A_106 = tpu.memref_slice %arg5[%add3A_76, %dma_wait3A_105] : memref<10000x128xf32, #tpu.memory_space<hbm>> -> memref<80x128xf32, #tpu.memory_space<hbm>>
      tpu.wait_dma2 semaphore(%run_scoped3A : memref<!tpu.dma_semaphore, #tpu.memory_space<semaphore_mem>>) src(%arg8 : memref<80x128xf32, #tpu.memory_space<vmem>>) dst(%dma_wait3A_106 : memref<80x128xf32, #tpu.memory_space<hbm>>)
      tpu.yield
    }) : () -> ()
    %iota3A_77 = tpu.iota {dimensions = array<i32: 0>} : vector<16xi32>
    %scan3A_78 = arith.constant 0 : i32
    %scan3A_79 = arith.constant 0 : i32
    %scan3A_80 = arith.constant 5 : i32
    %scan3A_81 = arith.addi %scan3A_79, %scan3A_80 : i32
    %scan3A_82 = arith.constant 1 : i32
    %scan3A_83 = scf.for %scan3A_99 = %scan3A_79 to %scan3A_81 step %scan3A_82 iter_args(%scan3A_100 = %scan3A_78) -> (i32)  : i32 {
      %mul3A_101 = arith.constant 16 : i32
      %mul3A_102 = arith.muli %scan3A_99, %mul3A_101 : i32
      %add3A_103 = arith.constant 240 : i32
      %add3A_104 = arith.addi %add3A_103, %mul3A_102 : i32
      %add3A_105 = vector.broadcast %add3A_104 : i32 to vector<16xi32>
      %add3A_106 = arith.addi %add3A_105, %iota3A_77 : vector<16xi32>
      %min3A = arith.constant 311 : i32
      %min3A_107 = vector.broadcast %min3A : i32 to vector<16xi32>
      %min3A_108 = arith.minsi %add3A_106, %min3A_107 : vector<16xi32>
      %add3A_109 = vector.broadcast %mul3A_6 : i32 to vector<16xi32>
      %add3A_110 = arith.addi %add3A_109, %min3A_108 : vector<16xi32>
      %mul3A_111 = arith.constant 16 : i32
      %mul3A_112 = arith.muli %scan3A_99, %mul3A_111 : i32
      %swap3A = arith.index_cast %mul3A_112 : i32 to index
      %swap3A_113 = tpu.vector_load %arg7[%swap3A] {strides = array<i32>} : memref<80xi32, #tpu.memory_space<vmem>>, vector<16xi32>,
      %swap3A_114 = vector.shape_cast %swap3A_113 : vector<16xi32> to vector<16xi32>
      %swap3A_115 = vector.shape_cast %add3A_110 : vector<16xi32> to vector<16xi32>
      tpu.vector_store %arg7[%swap3A], %swap3A_115 {strides = array<i32>} : memref<80xi32, #tpu.memory_space<vmem>>, vector<16xi32>,
      %scan3A_116 = arith.constant 0 : i32
      scf.yield %scan3A_116 : i32
    }
    %scan3A_84 = arith.constant 5 : i32
    %dma_start3A_85 = arith.constant 0 : i32
    %dma_start3A_86 = arith.constant 0 : i32
    %dma_start3A_87 = tpu.memref_slice %arg13[%dma_start3A_85, %dma_start3A_86] : memref<5016x128xf32, #tpu.memory_space<vmem_shared>> -> memref<5016x128xf32, #tpu.memory_space<vmem_shared>>
    tpu.enqueue_indirect_dma source(%dma_start3A_87 : memref<5016x128xf32, #tpu.memory_space<vmem_shared>>) target(%arg8 : memref<80x128xf32, #tpu.memory_space<vmem>>) offsets(%arg7 : memref<80xi32, #tpu.memory_space<vmem>>) semaphore(%arg14 : memref<!tpu.dma_semaphore, #tpu.memory_space<semaphore_mem>>)
    %dma_wait3A_88 = arith.constant 0 : i32
    %dma_wait3A_89 = arith.constant 0 : i32
    %dma_wait3A_90 = tpu.memref_slice %arg13[%dma_wait3A_88, %dma_wait3A_89] : memref<5016x128xf32, #tpu.memory_space<vmem_shared>> -> memref<5016x128xf32, #tpu.memory_space<vmem_shared>>
    tpu.wait_indirect_dma semaphore(%arg14 : memref<!tpu.dma_semaphore, #tpu.memory_space<semaphore_mem>>) src(%dma_wait3A_90 : memref<5016x128xf32, #tpu.memory_space<vmem_shared>>) dst(%arg8 : memref<80x128xf32, #tpu.memory_space<vmem>>)
    %add3A_91 = arith.addi %mul3A_8, %mul3A_6 : i32
    %add3A_92 = arith.constant 240 : i32
    %add3A_93 = arith.addi %add3A_91, %add3A_92 : i32
    "tpu.region"() ({
      %run_scoped3A = tpu.sem_alloc : memref<!tpu.dma_semaphore, #tpu.memory_space<semaphore_mem>>
      %dma_start3A_99 = arith.constant 0 : i32
      %dma_start3A_100 = arith.constant 0 : i32
      %dma_start3A_101 = tpu.memref_slice %arg8[%dma_start3A_99, %dma_start3A_100] : memref<80x128xf32, #tpu.memory_space<vmem>> -> memref<72x128xf32, #tpu.memory_space<vmem>>
      %dma_start3A_102 = arith.constant 0 : i32
      %dma_start3A_103 = tpu.memref_slice %arg5[%add3A_93, %dma_start3A_102] : memref<10000x128xf32, #tpu.memory_space<hbm>> -> memref<72x128xf32, #tpu.memory_space<hbm>>
      %dma_start3A_104 = arith.constant 0 : i32
      %dma_start3A_105 = tpu.memref_slice %arg5[%add3A_93, %dma_start3A_104] : memref<10000x128xf32, #tpu.memory_space<hbm>> -> memref<72x128xf32, #tpu.memory_space<hbm>>
      %dma_start3A_106 = arith.constant 0 : i32
      %dma_start3A_107 = arith.constant 0 : i32
      %dma_start3A_108 = tpu.memref_slice %arg8[%dma_start3A_106, %dma_start3A_107] : memref<80x128xf32, #tpu.memory_space<vmem>> -> memref<72x128xf32, #tpu.memory_space<vmem>>
      tpu.enqueue_dma source(%dma_start3A_108 : memref<72x128xf32, #tpu.memory_space<vmem>>) target(%dma_start3A_105 : memref<72x128xf32, #tpu.memory_space<hbm>>) target_semaphore(%run_scoped3A : memref<!tpu.dma_semaphore, #tpu.memory_space<semaphore_mem>>)
      %dma_wait3A_109 = arith.constant 0 : i32
      %dma_wait3A_110 = arith.constant 0 : i32
      %dma_wait3A_111 = tpu.memref_slice %arg8[%dma_wait3A_109, %dma_wait3A_110] : memref<80x128xf32, #tpu.memory_space<vmem>> -> memref<72x128xf32, #tpu.memory_space<vmem>>
      %dma_wait3A_112 = arith.constant 0 : i32
      %dma_wait3A_113 = tpu.memref_slice %arg5[%add3A_93, %dma_wait3A_112] : memref<10000x128xf32, #tpu.memory_space<hbm>> -> memref<72x128xf32, #tpu.memory_space<hbm>>
      %dma_wait3A_114 = arith.constant 0 : i32
      %dma_wait3A_115 = tpu.memref_slice %arg5[%add3A_93, %dma_wait3A_114] : memref<10000x128xf32, #tpu.memory_space<hbm>> -> memref<72x128xf32, #tpu.memory_space<hbm>>
      %dma_wait3A_116 = arith.constant 0 : i32
      %dma_wait3A_117 = arith.constant 0 : i32
      %dma_wait3A_118 = tpu.memref_slice %arg8[%dma_wait3A_116, %dma_wait3A_117] : memref<80x128xf32, #tpu.memory_space<vmem>> -> memref<72x128xf32, #tpu.memory_space<vmem>>
      tpu.wait_dma2 semaphore(%run_scoped3A : memref<!tpu.dma_semaphore, #tpu.memory_space<semaphore_mem>>) src(%dma_wait3A_118 : memref<72x128xf32, #tpu.memory_space<vmem>>) dst(%dma_wait3A_115 : memref<72x128xf32, #tpu.memory_space<hbm>>)
      tpu.yield
    }) : () -> ()
    %eq3A_94 = arith.constant 0 : i32
    %eq3A_95 = arith.cmpi eq, %arg1, %eq3A_94 : i32
    %convert_element_type3A_96 = arith.extui %eq3A_95 : i1 to i32
    %cond3A_97 = arith.constant 0 : i32
    %cond3A_98 = arith.cmpi ne, %convert_element_type3A_96, %cond3A_97 : i32
    scf.if %cond3A_98 {
      %iota3A_99 = tpu.iota {dimensions = array<i32: 0>} : vector<16xi32>
      %scan3A_100 = arith.constant 0 : i32
      %scan3A_101 = arith.constant 0 : i32
      %scan3A_102 = arith.constant 5 : i32
      %scan3A_103 = arith.addi %scan3A_101, %scan3A_102 : i32
      %scan3A_104 = arith.constant 1 : i32
      %scan3A_105 = scf.for %scan3A_115 = %scan3A_101 to %scan3A_103 step %scan3A_104 iter_args(%scan3A_116 = %scan3A_100) -> (i32)  : i32 {
        %mul3A_117 = arith.constant 16 : i32
        %mul3A_118 = arith.muli %scan3A_115, %mul3A_117 : i32
        %add3A_119 = arith.constant 0 : i32
        %add3A_120 = arith.addi %add3A_119, %mul3A_118 : i32
        %add3A_121 = vector.broadcast %add3A_120 : i32 to vector<16xi32>
        %add3A_122 = arith.addi %add3A_121, %iota3A_99 : vector<16xi32>
        %min3A = arith.constant 7 : i32
        %min3A_123 = vector.broadcast %min3A : i32 to vector<16xi32>
        %min3A_124 = arith.minsi %add3A_122, %min3A_123 : vector<16xi32>
        %add3A_125 = arith.constant 4992 : i32
        %add3A_126 = vector.broadcast %add3A_125 : i32 to vector<16xi32>
        %add3A_127 = arith.addi %add3A_126, %min3A_124 : vector<16xi32>
        %mul3A_128 = arith.constant 16 : i32
        %mul3A_129 = arith.muli %scan3A_115, %mul3A_128 : i32
        %swap3A = arith.index_cast %mul3A_129 : i32 to index
        %swap3A_130 = tpu.vector_load %arg7[%swap3A] {strides = array<i32>} : memref<80xi32, #tpu.memory_space<vmem>>, vector<16xi32>,
        %swap3A_131 = vector.shape_cast %swap3A_130 : vector<16xi32> to vector<16xi32>
        %swap3A_132 = vector.shape_cast %add3A_127 : vector<16xi32> to vector<16xi32>
        tpu.vector_store %arg7[%swap3A], %swap3A_132 {strides = array<i32>} : memref<80xi32, #tpu.memory_space<vmem>>, vector<16xi32>,
        %scan3A_133 = arith.constant 0 : i32
        scf.yield %scan3A_133 : i32
      }
      %scan3A_106 = arith.constant 5 : i32
      %dma_start3A_107 = arith.constant 0 : i32
      %dma_start3A_108 = arith.constant 0 : i32
      %dma_start3A_109 = tpu.memref_slice %arg13[%dma_start3A_107, %dma_start3A_108] : memref<5016x128xf32, #tpu.memory_space<vmem_shared>> -> memref<5016x128xf32, #tpu.memory_space<vmem_shared>>
      tpu.enqueue_indirect_dma source(%dma_start3A_109 : memref<5016x128xf32, #tpu.memory_space<vmem_shared>>) target(%arg8 : memref<80x128xf32, #tpu.memory_space<vmem>>) offsets(%arg7 : memref<80xi32, #tpu.memory_space<vmem>>) semaphore(%arg14 : memref<!tpu.dma_semaphore, #tpu.memory_space<semaphore_mem>>)
      %dma_wait3A_110 = arith.constant 0 : i32
      %dma_wait3A_111 = arith.constant 0 : i32
      %dma_wait3A_112 = tpu.memref_slice %arg13[%dma_wait3A_110, %dma_wait3A_111] : memref<5016x128xf32, #tpu.memory_space<vmem_shared>> -> memref<5016x128xf32, #tpu.memory_space<vmem_shared>>
      tpu.wait_indirect_dma semaphore(%arg14 : memref<!tpu.dma_semaphore, #tpu.memory_space<semaphore_mem>>) src(%dma_wait3A_112 : memref<5016x128xf32, #tpu.memory_space<vmem_shared>>) dst(%arg8 : memref<80x128xf32, #tpu.memory_space<vmem>>)
      %add3A_113 = arith.constant 4992 : i32
      %add3A_114 = arith.addi %mul3A_8, %add3A_113 : i32
      "tpu.region"() ({
        %run_scoped3A = tpu.sem_alloc : memref<!tpu.dma_semaphore, #tpu.memory_space<semaphore_mem>>
        %dma_start3A_115 = arith.constant 0 : i32
        %dma_start3A_116 = arith.constant 0 : i32
        %dma_start3A_117 = tpu.memref_slice %arg8[%dma_start3A_115, %dma_start3A_116] : memref<80x128xf32, #tpu.memory_space<vmem>> -> memref<8x128xf32, #tpu.memory_space<vmem>>
        %dma_start3A_118 = arith.constant 0 : i32
        %dma_start3A_119 = tpu.memref_slice %arg5[%add3A_114, %dma_start3A_118] : memref<10000x128xf32, #tpu.memory_space<hbm>> -> memref<8x128xf32, #tpu.memory_space<hbm>>
        %dma_start3A_120 = arith.constant 0 : i32
        %dma_start3A_121 = tpu.memref_slice %arg5[%add3A_114, %dma_start3A_120] : memref<10000x128xf32, #tpu.memory_space<hbm>> -> memref<8x128xf32, #tpu.memory_space<hbm>>
        %dma_start3A_122 = arith.constant 0 : i32
        %dma_start3A_123 = arith.constant 0 : i32
        %dma_start3A_124 = tpu.memref_slice %arg8[%dma_start3A_122, %dma_start3A_123] : memref<80x128xf32, #tpu.memory_space<vmem>> -> memref<8x128xf32, #tpu.memory_space<vmem>>
        tpu.enqueue_dma source(%dma_start3A_124 : memref<8x128xf32, #tpu.memory_space<vmem>>) target(%dma_start3A_121 : memref<8x128xf32, #tpu.memory_space<hbm>>) target_semaphore(%run_scoped3A : memref<!tpu.dma_semaphore, #tpu.memory_space<semaphore_mem>>)
        %dma_wait3A_125 = arith.constant 0 : i32
        %dma_wait3A_126 = arith.constant 0 : i32
        %dma_wait3A_127 = tpu.memref_slice %arg8[%dma_wait3A_125, %dma_wait3A_126] : memref<80x128xf32, #tpu.memory_space<vmem>> -> memref<8x128xf32, #tpu.memory_space<vmem>>
        %dma_wait3A_128 = arith.constant 0 : i32
        %dma_wait3A_129 = tpu.memref_slice %arg5[%add3A_114, %dma_wait3A_128] : memref<10000x128xf32, #tpu.memory_space<hbm>> -> memref<8x128xf32, #tpu.memory_space<hbm>>
        %dma_wait3A_130 = arith.constant 0 : i32
        %dma_wait3A_131 = tpu.memref_slice %arg5[%add3A_114, %dma_wait3A_130] : memref<10000x128xf32, #tpu.memory_space<hbm>> -> memref<8x128xf32, #tpu.memory_space<hbm>>
        %dma_wait3A_132 = arith.constant 0 : i32
        %dma_wait3A_133 = arith.constant 0 : i32
        %dma_wait3A_134 = tpu.memref_slice %arg8[%dma_wait3A_132, %dma_wait3A_133] : memref<80x128xf32, #tpu.memory_space<vmem>> -> memref<8x128xf32, #tpu.memory_space<vmem>>
        tpu.wait_dma2 semaphore(%run_scoped3A : memref<!tpu.dma_semaphore, #tpu.memory_space<semaphore_mem>>) src(%dma_wait3A_134 : memref<8x128xf32, #tpu.memory_space<vmem>>) dst(%dma_wait3A_131 : memref<8x128xf32, #tpu.memory_space<hbm>>)
        tpu.yield
      }) : () -> ()
    } else {
    }
    return
  }
}

#map = affine_map<(d0, d1) -> (0, 0)>
#map1 = affine_map<(d0, d1) -> (0)>
module attributes {stable_mosaic.version = 14 : i64} {
  func.func @_agg_sc_fn(%arg0: i32, %arg1: i32, %arg2: memref<10000x128xf32, #tpu.memory_space<hbm>>, %arg3: memref<320000xi32, #tpu.memory_space<hbm>>, %arg4: memref<320000xi32, #tpu.memory_space<hbm>>, %arg5: memref<10000x128xf32, #tpu.memory_space<hbm>>, %arg6: memref<80xi32, #tpu.memory_space<vmem>>, %arg7: memref<80xi32, #tpu.memory_space<vmem>>, %arg8: memref<80x128xf32, #tpu.memory_space<vmem>>, %arg9: memref<80xi32, #tpu.memory_space<vmem>>, %arg10: memref<80xi32, #tpu.memory_space<vmem>>, %arg11: memref<80x128xf32, #tpu.memory_space<vmem>>, %arg12: memref<80x128xf32, #tpu.memory_space<vmem>>, %arg13: memref<5016x128xf32, #tpu.memory_space<vmem_shared>>, %arg14: memref<!tpu.dma_semaphore, #tpu.memory_space<semaphore_mem>>, %arg15: memref<!tpu.dma_semaphore, #tpu.memory_space<semaphore_mem>>) attributes {dimension_semantics = [#tpu.dimension_semantics<core_parallel>, #tpu.dimension_semantics<subcore_parallel>], iteration_bounds = array<i64: 2, 16>, scalar_prefetch = 0 : i64, scratch_operands = 10 : i64, tpu.core_type = #tpu.core_type<sc_vector_subcore>, window_params = [{transform_indices = #map}, {transform_indices = #map1}, {transform_indices = #map1}, {transform_indices = #map}]} {
    %scan3A = arith.constant 0 : i32
    %scan3A_0 = arith.constant 0 : i32
    %scan3A_1 = arith.constant 80 : i32
    %scan3A_2 = arith.addi %scan3A_0, %scan3A_1 : i32
    %scan3A_3 = arith.constant 1 : i32
    %scan3A_4 = scf.for %scan3A_99 = %scan3A_0 to %scan3A_2 step %scan3A_3 iter_args(%scan3A_100 = %scan3A) -> (i32)  : i32 {
      %scan3A_101 = arith.constant 0 : i32
      %scan3A_102 = arith.constant 0 : i32
      %scan3A_103 = arith.constant 8 : i32
      %scan3A_104 = arith.addi %scan3A_102, %scan3A_103 : i32
      %scan3A_105 = arith.constant 1 : i32
      %scan3A_106 = scf.for %scan3A_108 = %scan3A_102 to %scan3A_104 step %scan3A_105 iter_args(%scan3A_109 = %scan3A_101) -> (i32)  : i32 {
        %broadcast_in_dim3A = arith.constant 0.000000e+00 : f32
        %broadcast_in_dim3A_110 = vector.broadcast %broadcast_in_dim3A : f32 to vector<16xf32>
        %mul3A_111 = arith.constant 16 : i32
        %mul3A_112 = arith.muli %scan3A_108, %mul3A_111 : i32
        %swap3A = arith.index_cast %scan3A_99 : i32 to index
        %swap3A_113 = arith.index_cast %mul3A_112 : i32 to index
        %swap3A_114 = tpu.vector_load %arg12[%swap3A, %swap3A_113] {strides = array<i32>} : memref<80x128xf32, #tpu.memory_space<vmem>>, vector<1x16xf32>,
        %swap3A_115 = vector.shape_cast %swap3A_114 : vector<1x16xf32> to vector<16xf32>
        %swap3A_116 = vector.shape_cast %broadcast_in_dim3A_110 : vector<16xf32> to vector<1x16xf32>
        tpu.vector_store %arg12[%swap3A, %swap3A_113], %swap3A_116 {strides = array<i32>} : memref<80x128xf32, #tpu.memory_space<vmem>>, vector<1x16xf32>,
        %scan3A_117 = arith.constant 0 : i32
        scf.yield %scan3A_117 : i32
      }
      %scan3A_107 = arith.constant 8 : i32
      scf.yield %scan3A_106 : i32
    }
    %scan3A_5 = arith.constant 80 : i32
    %mul3A = arith.constant 312 : i32
    %mul3A_6 = arith.muli %arg1, %mul3A : i32
    %mul3A_7 = arith.constant 5000 : i32
    %mul3A_8 = arith.muli %arg0, %mul3A_7 : i32
    %add3A = arith.constant 5000 : i32
    %add3A_9 = arith.addi %add3A, %arg1 : i32
    %scan3A_10 = arith.constant 0 : i32
    %scan3A_11 = arith.constant 0 : i32
    %scan3A_12 = arith.constant 4 : i32
    %scan3A_13 = arith.addi %scan3A_11, %scan3A_12 : i32
    %scan3A_14 = arith.constant 1 : i32
    %scan3A_15 = scf.for %scan3A_99 = %scan3A_11 to %scan3A_13 step %scan3A_14 iter_args(%scan3A_100 = %scan3A_10) -> (i32)  : i32 {
      %mul3A_101 = arith.constant 80 : i32
      %mul3A_102 = arith.muli %scan3A_99, %mul3A_101 : i32
      %iota3A_103 = tpu.iota {dimensions = array<i32: 0>} : vector<16xi32>
      %scan3A_104 = arith.constant 0 : i32
      %scan3A_105 = arith.constant 0 : i32
      %scan3A_106 = arith.constant 5 : i32
      %scan3A_107 = arith.addi %scan3A_105, %scan3A_106 : i32
      %scan3A_108 = arith.constant 1 : i32
      %scan3A_109 = scf.for %scan3A_112 = %scan3A_105 to %scan3A_107 step %scan3A_108 iter_args(%scan3A_113 = %scan3A_104) -> (i32)  : i32 {
        %mul3A_114 = arith.constant 16 : i32
        %mul3A_115 = arith.muli %scan3A_112, %mul3A_114 : i32
        %add3A_116 = arith.addi %mul3A_102, %mul3A_115 : i32
        %add3A_117 = vector.broadcast %add3A_116 : i32 to vector<16xi32>
        %add3A_118 = arith.addi %add3A_117, %iota3A_103 : vector<16xi32>
        %min3A = arith.constant 311 : i32
        %min3A_119 = vector.broadcast %min3A : i32 to vector<16xi32>
        %min3A_120 = arith.minsi %add3A_118, %min3A_119 : vector<16xi32>
        %add3A_121 = vector.broadcast %mul3A_6 : i32 to vector<16xi32>
        %add3A_122 = arith.addi %add3A_121, %min3A_120 : vector<16xi32>
        %mul3A_123 = arith.constant 16 : i32
        %mul3A_124 = arith.muli %scan3A_112, %mul3A_123 : i32
        %swap3A = arith.index_cast %mul3A_124 : i32 to index
        %swap3A_125 = tpu.vector_load %arg7[%swap3A] {strides = array<i32>} : memref<80xi32, #tpu.memory_space<vmem>>, vector<16xi32>,
        %swap3A_126 = vector.shape_cast %swap3A_125 : vector<16xi32> to vector<16xi32>
        %swap3A_127 = vector.shape_cast %add3A_122 : vector<16xi32> to vector<16xi32>
        tpu.vector_store %arg7[%swap3A], %swap3A_127 {strides = array<i32>} : memref<80xi32, #tpu.memory_space<vmem>>, vector<16xi32>,
        %scan3A_128 = arith.constant 0 : i32
        scf.yield %scan3A_128 : i32
      }
      %scan3A_110 = arith.constant 5 : i32
      "tpu.region"() ({
        %run_scoped3A = tpu.sem_alloc : memref<!tpu.dma_semaphore, #tpu.memory_space<semaphore_mem>>
        %dma_start3A_112 = arith.constant 0 : i32
        %dma_start3A_113 = arith.constant 0 : i32
        %dma_start3A_114 = tpu.memref_slice %arg13[%dma_start3A_112, %dma_start3A_113] : memref<5016x128xf32, #tpu.memory_space<vmem_shared>> -> memref<5016x128xf32, #tpu.memory_space<vmem_shared>>
        tpu.enqueue_indirect_dma source(%arg12 : memref<80x128xf32, #tpu.memory_space<vmem>>) target(%dma_start3A_114 : memref<5016x128xf32, #tpu.memory_space<vmem_shared>>) offsets(%arg7 : memref<80xi32, #tpu.memory_space<vmem>>) semaphore(%run_scoped3A : memref<!tpu.dma_semaphore, #tpu.memory_space<semaphore_mem>>)
        %dma_wait3A_115 = arith.constant 0 : i32
        %dma_wait3A_116 = arith.constant 0 : i32
        %dma_wait3A_117 = tpu.memref_slice %arg13[%dma_wait3A_115, %dma_wait3A_116] : memref<5016x128xf32, #tpu.memory_space<vmem_shared>> -> memref<5016x128xf32, #tpu.memory_space<vmem_shared>>
        tpu.wait_indirect_dma semaphore(%run_scoped3A : memref<!tpu.dma_semaphore, #tpu.memory_space<semaphore_mem>>) src(%arg12 : memref<80x128xf32, #tpu.memory_space<vmem>>) dst(%dma_wait3A_117 : memref<5016x128xf32, #tpu.memory_space<vmem_shared>>)
        tpu.yield
      }) : () -> ()
      %scan3A_111 = arith.constant 0 : i32
      scf.yield %scan3A_111 : i32
    }
    %scan3A_16 = arith.constant 4 : i32
    %eq3A = arith.constant 0 : i32
    %eq3A_17 = arith.cmpi eq, %arg1, %eq3A : i32
    %convert_element_type3A = arith.extui %eq3A_17 : i1 to i32
    %cond3A = arith.constant 0 : i32
    %cond3A_18 = arith.cmpi ne, %convert_element_type3A, %cond3A : i32
    scf.if %cond3A_18 {
      %iota3A_99 = tpu.iota {dimensions = array<i32: 0>} : vector<16xi32>
      %scan3A_100 = arith.constant 0 : i32
      %scan3A_101 = arith.constant 0 : i32
      %scan3A_102 = arith.constant 5 : i32
      %scan3A_103 = arith.addi %scan3A_101, %scan3A_102 : i32
      %scan3A_104 = arith.constant 1 : i32
      %scan3A_105 = scf.for %scan3A_107 = %scan3A_101 to %scan3A_103 step %scan3A_104 iter_args(%scan3A_108 = %scan3A_100) -> (i32)  : i32 {
        %mul3A_109 = arith.constant 16 : i32
        %mul3A_110 = arith.muli %scan3A_107, %mul3A_109 : i32
        %add3A_111 = arith.constant 0 : i32
        %add3A_112 = arith.addi %add3A_111, %mul3A_110 : i32
        %add3A_113 = vector.broadcast %add3A_112 : i32 to vector<16xi32>
        %add3A_114 = arith.addi %add3A_113, %iota3A_99 : vector<16xi32>
        %min3A = arith.constant 23 : i32
        %min3A_115 = vector.broadcast %min3A : i32 to vector<16xi32>
        %min3A_116 = arith.minsi %add3A_114, %min3A_115 : vector<16xi32>
        %add3A_117 = arith.constant 4992 : i32
        %add3A_118 = vector.broadcast %add3A_117 : i32 to vector<16xi32>
        %add3A_119 = arith.addi %add3A_118, %min3A_116 : vector<16xi32>
        %mul3A_120 = arith.constant 16 : i32
        %mul3A_121 = arith.muli %scan3A_107, %mul3A_120 : i32
        %swap3A = arith.index_cast %mul3A_121 : i32 to index
        %swap3A_122 = tpu.vector_load %arg7[%swap3A] {strides = array<i32>} : memref<80xi32, #tpu.memory_space<vmem>>, vector<16xi32>,
        %swap3A_123 = vector.shape_cast %swap3A_122 : vector<16xi32> to vector<16xi32>
        %swap3A_124 = vector.shape_cast %add3A_119 : vector<16xi32> to vector<16xi32>
        tpu.vector_store %arg7[%swap3A], %swap3A_124 {strides = array<i32>} : memref<80xi32, #tpu.memory_space<vmem>>, vector<16xi32>,
        %scan3A_125 = arith.constant 0 : i32
        scf.yield %scan3A_125 : i32
      }
      %scan3A_106 = arith.constant 5 : i32
      "tpu.region"() ({
        %run_scoped3A = tpu.sem_alloc : memref<!tpu.dma_semaphore, #tpu.memory_space<semaphore_mem>>
        %dma_start3A_107 = arith.constant 0 : i32
        %dma_start3A_108 = arith.constant 0 : i32
        %dma_start3A_109 = tpu.memref_slice %arg13[%dma_start3A_107, %dma_start3A_108] : memref<5016x128xf32, #tpu.memory_space<vmem_shared>> -> memref<5016x128xf32, #tpu.memory_space<vmem_shared>>
        tpu.enqueue_indirect_dma source(%arg12 : memref<80x128xf32, #tpu.memory_space<vmem>>) target(%dma_start3A_109 : memref<5016x128xf32, #tpu.memory_space<vmem_shared>>) offsets(%arg7 : memref<80xi32, #tpu.memory_space<vmem>>) semaphore(%run_scoped3A : memref<!tpu.dma_semaphore, #tpu.memory_space<semaphore_mem>>)
        %dma_wait3A_110 = arith.constant 0 : i32
        %dma_wait3A_111 = arith.constant 0 : i32
        %dma_wait3A_112 = tpu.memref_slice %arg13[%dma_wait3A_110, %dma_wait3A_111] : memref<5016x128xf32, #tpu.memory_space<vmem_shared>> -> memref<5016x128xf32, #tpu.memory_space<vmem_shared>>
        tpu.wait_indirect_dma semaphore(%run_scoped3A : memref<!tpu.dma_semaphore, #tpu.memory_space<semaphore_mem>>) src(%arg12 : memref<80x128xf32, #tpu.memory_space<vmem>>) dst(%dma_wait3A_112 : memref<5016x128xf32, #tpu.memory_space<vmem_shared>>)
        tpu.yield
      }) : () -> ()
    } else {
    }
    %barrier3A = arith.constant 0 : index
    tpu.barrier barrier_id(%barrier3A)
    %mul3A_19 = arith.constant 20000 : i32
    %mul3A_20 = arith.muli %arg1, %mul3A_19 : i32
    %scan3A_21 = arith.constant 0 : i32
    %scan3A_22 = arith.constant 0 : i32
    %scan3A_23 = arith.constant 125 : i32
    %scan3A_24 = arith.addi %scan3A_22, %scan3A_23 : i32
    %scan3A_25 = arith.constant 1 : i32
    %scan3A_26 = scf.for %scan3A_99 = %scan3A_22 to %scan3A_24 step %scan3A_25 iter_args(%scan3A_100 = %scan3A_21) -> (i32)  : i32 {
      %mul3A_101 = arith.constant 2 : i32
      %mul3A_102 = arith.muli %mul3A_101, %scan3A_99 : i32
      %mul3A_103 = arith.constant 80 : i32
      %mul3A_104 = arith.muli %mul3A_102, %mul3A_103 : i32
      %add3A_105 = arith.addi %mul3A_20, %mul3A_104 : i32
      "tpu.region"() ({
        %run_scoped3A = tpu.sem_alloc : memref<!tpu.dma_semaphore, #tpu.memory_space<semaphore_mem>>
        %dma_start3A_293 = tpu.memref_slice %arg3[%add3A_105] : memref<320000xi32, #tpu.memory_space<hbm>> -> memref<80xi32, #tpu.memory_space<hbm>>
        %dma_start3A_294 = tpu.memref_slice %arg3[%add3A_105] : memref<320000xi32, #tpu.memory_space<hbm>> -> memref<80xi32, #tpu.memory_space<hbm>>
        tpu.enqueue_dma source(%dma_start3A_294 : memref<80xi32, #tpu.memory_space<hbm>>) target(%arg6 : memref<80xi32, #tpu.memory_space<vmem>>) target_semaphore(%run_scoped3A : memref<!tpu.dma_semaphore, #tpu.memory_space<semaphore_mem>>)
        %dma_wait3A_295 = tpu.memref_slice %arg3[%add3A_105] : memref<320000xi32, #tpu.memory_space<hbm>> -> memref<80xi32, #tpu.memory_space<hbm>>
        %dma_wait3A_296 = tpu.memref_slice %arg3[%add3A_105] : memref<320000xi32, #tpu.memory_space<hbm>> -> memref<80xi32, #tpu.memory_space<hbm>>
        tpu.wait_dma2 semaphore(%run_scoped3A : memref<!tpu.dma_semaphore, #tpu.memory_space<semaphore_mem>>) src(%dma_wait3A_296 : memref<80xi32, #tpu.memory_space<hbm>>) dst(%arg6 : memref<80xi32, #tpu.memory_space<vmem>>)
        tpu.yield
      }) : () -> ()
      "tpu.region"() ({
        %run_scoped3A = tpu.sem_alloc : memref<!tpu.dma_semaphore, #tpu.memory_space<semaphore_mem>>
        %dma_start3A_293 = tpu.memref_slice %arg4[%add3A_105] : memref<320000xi32, #tpu.memory_space<hbm>> -> memref<80xi32, #tpu.memory_space<hbm>>
        %dma_start3A_294 = tpu.memref_slice %arg4[%add3A_105] : memref<320000xi32, #tpu.memory_space<hbm>> -> memref<80xi32, #tpu.memory_space<hbm>>
        tpu.enqueue_dma source(%dma_start3A_294 : memref<80xi32, #tpu.memory_space<hbm>>) target(%arg7 : memref<80xi32, #tpu.memory_space<vmem>>) target_semaphore(%run_scoped3A : memref<!tpu.dma_semaphore, #tpu.memory_space<semaphore_mem>>)
        %dma_wait3A_295 = tpu.memref_slice %arg4[%add3A_105] : memref<320000xi32, #tpu.memory_space<hbm>> -> memref<80xi32, #tpu.memory_space<hbm>>
        %dma_wait3A_296 = tpu.memref_slice %arg4[%add3A_105] : memref<320000xi32, #tpu.memory_space<hbm>> -> memref<80xi32, #tpu.memory_space<hbm>>
        tpu.wait_dma2 semaphore(%run_scoped3A : memref<!tpu.dma_semaphore, #tpu.memory_space<semaphore_mem>>) src(%dma_wait3A_296 : memref<80xi32, #tpu.memory_space<hbm>>) dst(%arg7 : memref<80xi32, #tpu.memory_space<vmem>>)
        tpu.yield
      }) : () -> ()
      %dma_start3A_106 = arith.constant 0 : i32
      %dma_start3A_107 = arith.constant 0 : i32
      %dma_start3A_108 = tpu.memref_slice %arg2[%dma_start3A_106, %dma_start3A_107] : memref<10000x128xf32, #tpu.memory_space<hbm>> -> memref<10000x128xf32, #tpu.memory_space<hbm>>
      tpu.enqueue_indirect_dma source(%dma_start3A_108 : memref<10000x128xf32, #tpu.memory_space<hbm>>) target(%arg8 : memref<80x128xf32, #tpu.memory_space<vmem>>) offsets(%arg6 : memref<80xi32, #tpu.memory_space<vmem>>) semaphore(%arg14 : memref<!tpu.dma_semaphore, #tpu.memory_space<semaphore_mem>>)
      %add3A_109 = arith.constant 80 : i32
      %add3A_110 = arith.addi %add3A_105, %add3A_109 : i32
      "tpu.region"() ({
        %run_scoped3A = tpu.sem_alloc : memref<!tpu.dma_semaphore, #tpu.memory_space<semaphore_mem>>
        %dma_start3A_293 = tpu.memref_slice %arg3[%add3A_110] : memref<320000xi32, #tpu.memory_space<hbm>> -> memref<80xi32, #tpu.memory_space<hbm>>
        %dma_start3A_294 = tpu.memref_slice %arg3[%add3A_110] : memref<320000xi32, #tpu.memory_space<hbm>> -> memref<80xi32, #tpu.memory_space<hbm>>
        tpu.enqueue_dma source(%dma_start3A_294 : memref<80xi32, #tpu.memory_space<hbm>>) target(%arg9 : memref<80xi32, #tpu.memory_space<vmem>>) target_semaphore(%run_scoped3A : memref<!tpu.dma_semaphore, #tpu.memory_space<semaphore_mem>>)
        %dma_wait3A_295 = tpu.memref_slice %arg3[%add3A_110] : memref<320000xi32, #tpu.memory_space<hbm>> -> memref<80xi32, #tpu.memory_space<hbm>>
        %dma_wait3A_296 = tpu.memref_slice %arg3[%add3A_110] : memref<320000xi32, #tpu.memory_space<hbm>> -> memref<80xi32, #tpu.memory_space<hbm>>
        tpu.wait_dma2 semaphore(%run_scoped3A : memref<!tpu.dma_semaphore, #tpu.memory_space<semaphore_mem>>) src(%dma_wait3A_296 : memref<80xi32, #tpu.memory_space<hbm>>) dst(%arg9 : memref<80xi32, #tpu.memory_space<vmem>>)
        tpu.yield
      }) : () -> ()
      "tpu.region"() ({
        %run_scoped3A = tpu.sem_alloc : memref<!tpu.dma_semaphore, #tpu.memory_space<semaphore_mem>>
        %dma_start3A_293 = tpu.memref_slice %arg4[%add3A_110] : memref<320000xi32, #tpu.memory_space<hbm>> -> memref<80xi32, #tpu.memory_space<hbm>>
        %dma_start3A_294 = tpu.memref_slice %arg4[%add3A_110] : memref<320000xi32, #tpu.memory_space<hbm>> -> memref<80xi32, #tpu.memory_space<hbm>>
        tpu.enqueue_dma source(%dma_start3A_294 : memref<80xi32, #tpu.memory_space<hbm>>) target(%arg10 : memref<80xi32, #tpu.memory_space<vmem>>) target_semaphore(%run_scoped3A : memref<!tpu.dma_semaphore, #tpu.memory_space<semaphore_mem>>)
        %dma_wait3A_295 = tpu.memref_slice %arg4[%add3A_110] : memref<320000xi32, #tpu.memory_space<hbm>> -> memref<80xi32, #tpu.memory_space<hbm>>
        %dma_wait3A_296 = tpu.memref_slice %arg4[%add3A_110] : memref<320000xi32, #tpu.memory_space<hbm>> -> memref<80xi32, #tpu.memory_space<hbm>>
        tpu.wait_dma2 semaphore(%run_scoped3A : memref<!tpu.dma_semaphore, #tpu.memory_space<semaphore_mem>>) src(%dma_wait3A_296 : memref<80xi32, #tpu.memory_space<hbm>>) dst(%arg10 : memref<80xi32, #tpu.memory_space<vmem>>)
        tpu.yield
      }) : () -> ()
      %dma_start3A_111 = arith.constant 0 : i32
      %dma_start3A_112 = arith.constant 0 : i32
      %dma_start3A_113 = tpu.memref_slice %arg2[%dma_start3A_111, %dma_start3A_112] : memref<10000x128xf32, #tpu.memory_space<hbm>> -> memref<10000x128xf32, #tpu.memory_space<hbm>>
      tpu.enqueue_indirect_dma source(%dma_start3A_113 : memref<10000x128xf32, #tpu.memory_space<hbm>>) target(%arg11 : memref<80x128xf32, #tpu.memory_space<vmem>>) offsets(%arg9 : memref<80xi32, #tpu.memory_space<vmem>>) semaphore(%arg15 : memref<!tpu.dma_semaphore, #tpu.memory_space<semaphore_mem>>)
      %dma_wait3A_114 = arith.constant 0 : i32
      %dma_wait3A_115 = arith.constant 0 : i32
      %dma_wait3A_116 = tpu.memref_slice %arg2[%dma_wait3A_114, %dma_wait3A_115] : memref<10000x128xf32, #tpu.memory_space<hbm>> -> memref<10000x128xf32, #tpu.memory_space<hbm>>
      tpu.wait_indirect_dma semaphore(%arg14 : memref<!tpu.dma_semaphore, #tpu.memory_space<semaphore_mem>>) src(%dma_wait3A_116 : memref<10000x128xf32, #tpu.memory_space<hbm>>) dst(%arg8 : memref<80x128xf32, #tpu.memory_space<vmem>>)
      %get3A = arith.constant 0 : index
      %get3A_117 = tpu.vector_load %arg7[%get3A] {strides = array<i32>} : memref<80xi32, #tpu.memory_space<vmem>>, vector<16xi32>,
      %get3A_118 = vector.shape_cast %get3A_117 : vector<16xi32> to vector<16xi32>
      %sub3A = vector.broadcast %mul3A_8 : i32 to vector<16xi32>
      %sub3A_119 = arith.subi %get3A_118, %sub3A : vector<16xi32>
      %ge3A = arith.constant 0 : i32
      %ge3A_120 = vector.broadcast %ge3A : i32 to vector<16xi32>
      %ge3A_121 = arith.cmpi sge, %sub3A_119, %ge3A_120 : vector<16xi32>
      %lt3A = arith.constant 5000 : i32
      %lt3A_122 = vector.broadcast %lt3A : i32 to vector<16xi32>
      %lt3A_123 = arith.cmpi slt, %sub3A_119, %lt3A_122 : vector<16xi32>
      %and3A = arith.andi %ge3A_121, %lt3A_123 : vector<16xi1>
      %broadcast_in_dim3A = vector.broadcast %add3A_9 : i32 to vector<16xi32>
      %select_n3A = arith.select %and3A, %sub3A_119, %broadcast_in_dim3A : vector<16xi1>, vector<16xi32>
      %swap3A = arith.constant 0 : index
      %swap3A_124 = tpu.vector_load %arg7[%swap3A] {strides = array<i32>} : memref<80xi32, #tpu.memory_space<vmem>>, vector<16xi32>,
      %swap3A_125 = vector.shape_cast %swap3A_124 : vector<16xi32> to vector<16xi32>
      %swap3A_126 = vector.shape_cast %select_n3A : vector<16xi32> to vector<16xi32>
      tpu.vector_store %arg7[%swap3A], %swap3A_126 {strides = array<i32>} : memref<80xi32, #tpu.memory_space<vmem>>, vector<16xi32>,
      %get3A_127 = arith.constant 16 : index
      %get3A_128 = tpu.vector_load %arg7[%get3A_127] {strides = array<i32>} : memref<80xi32, #tpu.memory_space<vmem>>, vector<16xi32>,
      %get3A_129 = vector.shape_cast %get3A_128 : vector<16xi32> to vector<16xi32>
      %sub3A_130 = vector.broadcast %mul3A_8 : i32 to vector<16xi32>
      %sub3A_131 = arith.subi %get3A_129, %sub3A_130 : vector<16xi32>
      %ge3A_132 = arith.constant 0 : i32
      %ge3A_133 = vector.broadcast %ge3A_132 : i32 to vector<16xi32>
      %ge3A_134 = arith.cmpi sge, %sub3A_131, %ge3A_133 : vector<16xi32>
      %lt3A_135 = arith.constant 5000 : i32
      %lt3A_136 = vector.broadcast %lt3A_135 : i32 to vector<16xi32>
      %lt3A_137 = arith.cmpi slt, %sub3A_131, %lt3A_136 : vector<16xi32>
      %and3A_138 = arith.andi %ge3A_134, %lt3A_137 : vector<16xi1>
      %broadcast_in_dim3A_139 = vector.broadcast %add3A_9 : i32 to vector<16xi32>
      %select_n3A_140 = arith.select %and3A_138, %sub3A_131, %broadcast_in_dim3A_139 : vector<16xi1>, vector<16xi32>
      %swap3A_141 = arith.constant 16 : index
      %swap3A_142 = tpu.vector_load %arg7[%swap3A_141] {strides = array<i32>} : memref<80xi32, #tpu.memory_space<vmem>>, vector<16xi32>,
      %swap3A_143 = vector.shape_cast %swap3A_142 : vector<16xi32> to vector<16xi32>
      %swap3A_144 = vector.shape_cast %select_n3A_140 : vector<16xi32> to vector<16xi32>
      tpu.vector_store %arg7[%swap3A_141], %swap3A_144 {strides = array<i32>} : memref<80xi32, #tpu.memory_space<vmem>>, vector<16xi32>,
      %get3A_145 = arith.constant 32 : index
      %get3A_146 = tpu.vector_load %arg7[%get3A_145] {strides = array<i32>} : memref<80xi32, #tpu.memory_space<vmem>>, vector<16xi32>,
      %get3A_147 = vector.shape_cast %get3A_146 : vector<16xi32> to vector<16xi32>
      %sub3A_148 = vector.broadcast %mul3A_8 : i32 to vector<16xi32>
      %sub3A_149 = arith.subi %get3A_147, %sub3A_148 : vector<16xi32>
      %ge3A_150 = arith.constant 0 : i32
      %ge3A_151 = vector.broadcast %ge3A_150 : i32 to vector<16xi32>
      %ge3A_152 = arith.cmpi sge, %sub3A_149, %ge3A_151 : vector<16xi32>
      %lt3A_153 = arith.constant 5000 : i32
      %lt3A_154 = vector.broadcast %lt3A_153 : i32 to vector<16xi32>
      %lt3A_155 = arith.cmpi slt, %sub3A_149, %lt3A_154 : vector<16xi32>
      %and3A_156 = arith.andi %ge3A_152, %lt3A_155 : vector<16xi1>
      %broadcast_in_dim3A_157 = vector.broadcast %add3A_9 : i32 to vector<16xi32>
      %select_n3A_158 = arith.select %and3A_156, %sub3A_149, %broadcast_in_dim3A_157 : vector<16xi1>, vector<16xi32>
      %swap3A_159 = arith.constant 32 : index
      %swap3A_160 = tpu.vector_load %arg7[%swap3A_159] {strides = array<i32>} : memref<80xi32, #tpu.memory_space<vmem>>, vector<16xi32>,
      %swap3A_161 = vector.shape_cast %swap3A_160 : vector<16xi32> to vector<16xi32>
      %swap3A_162 = vector.shape_cast %select_n3A_158 : vector<16xi32> to vector<16xi32>
      tpu.vector_store %arg7[%swap3A_159], %swap3A_162 {strides = array<i32>} : memref<80xi32, #tpu.memory_space<vmem>>, vector<16xi32>,
      %get3A_163 = arith.constant 48 : index
      %get3A_164 = tpu.vector_load %arg7[%get3A_163] {strides = array<i32>} : memref<80xi32, #tpu.memory_space<vmem>>, vector<16xi32>,
      %get3A_165 = vector.shape_cast %get3A_164 : vector<16xi32> to vector<16xi32>
      %sub3A_166 = vector.broadcast %mul3A_8 : i32 to vector<16xi32>
      %sub3A_167 = arith.subi %get3A_165, %sub3A_166 : vector<16xi32>
      %ge3A_168 = arith.constant 0 : i32
      %ge3A_169 = vector.broadcast %ge3A_168 : i32 to vector<16xi32>
      %ge3A_170 = arith.cmpi sge, %sub3A_167, %ge3A_169 : vector<16xi32>
      %lt3A_171 = arith.constant 5000 : i32
      %lt3A_172 = vector.broadcast %lt3A_171 : i32 to vector<16xi32>
      %lt3A_173 = arith.cmpi slt, %sub3A_167, %lt3A_172 : vector<16xi32>
      %and3A_174 = arith.andi %ge3A_170, %lt3A_173 : vector<16xi1>
      %broadcast_in_dim3A_175 = vector.broadcast %add3A_9 : i32 to vector<16xi32>
      %select_n3A_176 = arith.select %and3A_174, %sub3A_167, %broadcast_in_dim3A_175 : vector<16xi1>, vector<16xi32>
      %swap3A_177 = arith.constant 48 : index
      %swap3A_178 = tpu.vector_load %arg7[%swap3A_177] {strides = array<i32>} : memref<80xi32, #tpu.memory_space<vmem>>, vector<16xi32>,
      %swap3A_179 = vector.shape_cast %swap3A_178 : vector<16xi32> to vector<16xi32>
      %swap3A_180 = vector.shape_cast %select_n3A_176 : vector<16xi32> to vector<16xi32>
      tpu.vector_store %arg7[%swap3A_177], %swap3A_180 {strides = array<i32>} : memref<80xi32, #tpu.memory_space<vmem>>, vector<16xi32>,
      %get3A_181 = arith.constant 64 : index
      %get3A_182 = tpu.vector_load %arg7[%get3A_181] {strides = array<i32>} : memref<80xi32, #tpu.memory_space<vmem>>, vector<16xi32>,
      %get3A_183 = vector.shape_cast %get3A_182 : vector<16xi32> to vector<16xi32>
      %sub3A_184 = vector.broadcast %mul3A_8 : i32 to vector<16xi32>
      %sub3A_185 = arith.subi %get3A_183, %sub3A_184 : vector<16xi32>
      %ge3A_186 = arith.constant 0 : i32
      %ge3A_187 = vector.broadcast %ge3A_186 : i32 to vector<16xi32>
      %ge3A_188 = arith.cmpi sge, %sub3A_185, %ge3A_187 : vector<16xi32>
      %lt3A_189 = arith.constant 5000 : i32
      %lt3A_190 = vector.broadcast %lt3A_189 : i32 to vector<16xi32>
      %lt3A_191 = arith.cmpi slt, %sub3A_185, %lt3A_190 : vector<16xi32>
      %and3A_192 = arith.andi %ge3A_188, %lt3A_191 : vector<16xi1>
      %broadcast_in_dim3A_193 = vector.broadcast %add3A_9 : i32 to vector<16xi32>
      %select_n3A_194 = arith.select %and3A_192, %sub3A_185, %broadcast_in_dim3A_193 : vector<16xi1>, vector<16xi32>
      %swap3A_195 = arith.constant 64 : index
      %swap3A_196 = tpu.vector_load %arg7[%swap3A_195] {strides = array<i32>} : memref<80xi32, #tpu.memory_space<vmem>>, vector<16xi32>,
      %swap3A_197 = vector.shape_cast %swap3A_196 : vector<16xi32> to vector<16xi32>
      %swap3A_198 = vector.shape_cast %select_n3A_194 : vector<16xi32> to vector<16xi32>
      tpu.vector_store %arg7[%swap3A_195], %swap3A_198 {strides = array<i32>} : memref<80xi32, #tpu.memory_space<vmem>>, vector<16xi32>,
      "tpu.region"() ({
        %run_scoped3A = tpu.sem_alloc : memref<!tpu.dma_semaphore, #tpu.memory_space<semaphore_mem>>
        %dma_start3A_293 = arith.constant 0 : i32
        %dma_start3A_294 = arith.constant 0 : i32
        %dma_start3A_295 = tpu.memref_slice %arg13[%dma_start3A_293, %dma_start3A_294] : memref<5016x128xf32, #tpu.memory_space<vmem_shared>> -> memref<5016x128xf32, #tpu.memory_space<vmem_shared>>
        tpu.enqueue_indirect_dma source(%arg8 : memref<80x128xf32, #tpu.memory_space<vmem>>) target(%dma_start3A_295 : memref<5016x128xf32, #tpu.memory_space<vmem_shared>>) offsets(%arg7 : memref<80xi32, #tpu.memory_space<vmem>>) semaphore(%run_scoped3A : memref<!tpu.dma_semaphore, #tpu.memory_space<semaphore_mem>>) {add = true}
        %dma_wait3A_296 = arith.constant 0 : i32
        %dma_wait3A_297 = arith.constant 0 : i32
        %dma_wait3A_298 = tpu.memref_slice %arg13[%dma_wait3A_296, %dma_wait3A_297] : memref<5016x128xf32, #tpu.memory_space<vmem_shared>> -> memref<5016x128xf32, #tpu.memory_space<vmem_shared>>
        tpu.wait_indirect_dma semaphore(%run_scoped3A : memref<!tpu.dma_semaphore, #tpu.memory_space<semaphore_mem>>) src(%arg8 : memref<80x128xf32, #tpu.memory_space<vmem>>) dst(%dma_wait3A_298 : memref<5016x128xf32, #tpu.memory_space<vmem_shared>>)
        tpu.yield
      }) : () -> ()
      %dma_wait3A_199 = arith.constant 0 : i32
      %dma_wait3A_200 = arith.constant 0 : i32
      %dma_wait3A_201 = tpu.memref_slice %arg2[%dma_wait3A_199, %dma_wait3A_200] : memref<10000x128xf32, #tpu.memory_space<hbm>> -> memref<10000x128xf32, #tpu.memory_space<hbm>>
      tpu.wait_indirect_dma semaphore(%arg15 : memref<!tpu.dma_semaphore, #tpu.memory_space<semaphore_mem>>) src(%dma_wait3A_201 : memref<10000x128xf32, #tpu.memory_space<hbm>>) dst(%arg11 : memref<80x128xf32, #tpu.memory_space<vmem>>)
      %get3A_202 = arith.constant 0 : index
      %get3A_203 = tpu.vector_load %arg10[%get3A_202] {strides = array<i32>} : memref<80xi32, #tpu.memory_space<vmem>>, vector<16xi32>,
      %get3A_204 = vector.shape_cast %get3A_203 : vector<16xi32> to vector<16xi32>
      %sub3A_205 = vector.broadcast %mul3A_8 : i32 to vector<16xi32>
      %sub3A_206 = arith.subi %get3A_204, %sub3A_205 : vector<16xi32>
      %ge3A_207 = arith.constant 0 : i32
      %ge3A_208 = vector.broadcast %ge3A_207 : i32 to vector<16xi32>
      %ge3A_209 = arith.cmpi sge, %sub3A_206, %ge3A_208 : vector<16xi32>
      %lt3A_210 = arith.constant 5000 : i32
      %lt3A_211 = vector.broadcast %lt3A_210 : i32 to vector<16xi32>
      %lt3A_212 = arith.cmpi slt, %sub3A_206, %lt3A_211 : vector<16xi32>
      %and3A_213 = arith.andi %ge3A_209, %lt3A_212 : vector<16xi1>
      %broadcast_in_dim3A_214 = vector.broadcast %add3A_9 : i32 to vector<16xi32>
      %select_n3A_215 = arith.select %and3A_213, %sub3A_206, %broadcast_in_dim3A_214 : vector<16xi1>, vector<16xi32>
      %swap3A_216 = arith.constant 0 : index
      %swap3A_217 = tpu.vector_load %arg10[%swap3A_216] {strides = array<i32>} : memref<80xi32, #tpu.memory_space<vmem>>, vector<16xi32>,
      %swap3A_218 = vector.shape_cast %swap3A_217 : vector<16xi32> to vector<16xi32>
      %swap3A_219 = vector.shape_cast %select_n3A_215 : vector<16xi32> to vector<16xi32>
      tpu.vector_store %arg10[%swap3A_216], %swap3A_219 {strides = array<i32>} : memref<80xi32, #tpu.memory_space<vmem>>, vector<16xi32>,
      %get3A_220 = arith.constant 16 : index
      %get3A_221 = tpu.vector_load %arg10[%get3A_220] {strides = array<i32>} : memref<80xi32, #tpu.memory_space<vmem>>, vector<16xi32>,
      %get3A_222 = vector.shape_cast %get3A_221 : vector<16xi32> to vector<16xi32>
      %sub3A_223 = vector.broadcast %mul3A_8 : i32 to vector<16xi32>
      %sub3A_224 = arith.subi %get3A_222, %sub3A_223 : vector<16xi32>
      %ge3A_225 = arith.constant 0 : i32
      %ge3A_226 = vector.broadcast %ge3A_225 : i32 to vector<16xi32>
      %ge3A_227 = arith.cmpi sge, %sub3A_224, %ge3A_226 : vector<16xi32>
      %lt3A_228 = arith.constant 5000 : i32
      %lt3A_229 = vector.broadcast %lt3A_228 : i32 to vector<16xi32>
      %lt3A_230 = arith.cmpi slt, %sub3A_224, %lt3A_229 : vector<16xi32>
      %and3A_231 = arith.andi %ge3A_227, %lt3A_230 : vector<16xi1>
      %broadcast_in_dim3A_232 = vector.broadcast %add3A_9 : i32 to vector<16xi32>
      %select_n3A_233 = arith.select %and3A_231, %sub3A_224, %broadcast_in_dim3A_232 : vector<16xi1>, vector<16xi32>
      %swap3A_234 = arith.constant 16 : index
      %swap3A_235 = tpu.vector_load %arg10[%swap3A_234] {strides = array<i32>} : memref<80xi32, #tpu.memory_space<vmem>>, vector<16xi32>,
      %swap3A_236 = vector.shape_cast %swap3A_235 : vector<16xi32> to vector<16xi32>
      %swap3A_237 = vector.shape_cast %select_n3A_233 : vector<16xi32> to vector<16xi32>
      tpu.vector_store %arg10[%swap3A_234], %swap3A_237 {strides = array<i32>} : memref<80xi32, #tpu.memory_space<vmem>>, vector<16xi32>,
      %get3A_238 = arith.constant 32 : index
      %get3A_239 = tpu.vector_load %arg10[%get3A_238] {strides = array<i32>} : memref<80xi32, #tpu.memory_space<vmem>>, vector<16xi32>,
      %get3A_240 = vector.shape_cast %get3A_239 : vector<16xi32> to vector<16xi32>
      %sub3A_241 = vector.broadcast %mul3A_8 : i32 to vector<16xi32>
      %sub3A_242 = arith.subi %get3A_240, %sub3A_241 : vector<16xi32>
      %ge3A_243 = arith.constant 0 : i32
      %ge3A_244 = vector.broadcast %ge3A_243 : i32 to vector<16xi32>
      %ge3A_245 = arith.cmpi sge, %sub3A_242, %ge3A_244 : vector<16xi32>
      %lt3A_246 = arith.constant 5000 : i32
      %lt3A_247 = vector.broadcast %lt3A_246 : i32 to vector<16xi32>
      %lt3A_248 = arith.cmpi slt, %sub3A_242, %lt3A_247 : vector<16xi32>
      %and3A_249 = arith.andi %ge3A_245, %lt3A_248 : vector<16xi1>
      %broadcast_in_dim3A_250 = vector.broadcast %add3A_9 : i32 to vector<16xi32>
      %select_n3A_251 = arith.select %and3A_249, %sub3A_242, %broadcast_in_dim3A_250 : vector<16xi1>, vector<16xi32>
      %swap3A_252 = arith.constant 32 : index
      %swap3A_253 = tpu.vector_load %arg10[%swap3A_252] {strides = array<i32>} : memref<80xi32, #tpu.memory_space<vmem>>, vector<16xi32>,
      %swap3A_254 = vector.shape_cast %swap3A_253 : vector<16xi32> to vector<16xi32>
      %swap3A_255 = vector.shape_cast %select_n3A_251 : vector<16xi32> to vector<16xi32>
      tpu.vector_store %arg10[%swap3A_252], %swap3A_255 {strides = array<i32>} : memref<80xi32, #tpu.memory_space<vmem>>, vector<16xi32>,
      %get3A_256 = arith.constant 48 : index
      %get3A_257 = tpu.vector_load %arg10[%get3A_256] {strides = array<i32>} : memref<80xi32, #tpu.memory_space<vmem>>, vector<16xi32>,
      %get3A_258 = vector.shape_cast %get3A_257 : vector<16xi32> to vector<16xi32>
      %sub3A_259 = vector.broadcast %mul3A_8 : i32 to vector<16xi32>
      %sub3A_260 = arith.subi %get3A_258, %sub3A_259 : vector<16xi32>
      %ge3A_261 = arith.constant 0 : i32
      %ge3A_262 = vector.broadcast %ge3A_261 : i32 to vector<16xi32>
      %ge3A_263 = arith.cmpi sge, %sub3A_260, %ge3A_262 : vector<16xi32>
      %lt3A_264 = arith.constant 5000 : i32
      %lt3A_265 = vector.broadcast %lt3A_264 : i32 to vector<16xi32>
      %lt3A_266 = arith.cmpi slt, %sub3A_260, %lt3A_265 : vector<16xi32>
      %and3A_267 = arith.andi %ge3A_263, %lt3A_266 : vector<16xi1>
      %broadcast_in_dim3A_268 = vector.broadcast %add3A_9 : i32 to vector<16xi32>
      %select_n3A_269 = arith.select %and3A_267, %sub3A_260, %broadcast_in_dim3A_268 : vector<16xi1>, vector<16xi32>
      %swap3A_270 = arith.constant 48 : index
      %swap3A_271 = tpu.vector_load %arg10[%swap3A_270] {strides = array<i32>} : memref<80xi32, #tpu.memory_space<vmem>>, vector<16xi32>,
      %swap3A_272 = vector.shape_cast %swap3A_271 : vector<16xi32> to vector<16xi32>
      %swap3A_273 = vector.shape_cast %select_n3A_269 : vector<16xi32> to vector<16xi32>
      tpu.vector_store %arg10[%swap3A_270], %swap3A_273 {strides = array<i32>} : memref<80xi32, #tpu.memory_space<vmem>>, vector<16xi32>,
      %get3A_274 = arith.constant 64 : index
      %get3A_275 = tpu.vector_load %arg10[%get3A_274] {strides = array<i32>} : memref<80xi32, #tpu.memory_space<vmem>>, vector<16xi32>,
      %get3A_276 = vector.shape_cast %get3A_275 : vector<16xi32> to vector<16xi32>
      %sub3A_277 = vector.broadcast %mul3A_8 : i32 to vector<16xi32>
      %sub3A_278 = arith.subi %get3A_276, %sub3A_277 : vector<16xi32>
      %ge3A_279 = arith.constant 0 : i32
      %ge3A_280 = vector.broadcast %ge3A_279 : i32 to vector<16xi32>
      %ge3A_281 = arith.cmpi sge, %sub3A_278, %ge3A_280 : vector<16xi32>
      %lt3A_282 = arith.constant 5000 : i32
      %lt3A_283 = vector.broadcast %lt3A_282 : i32 to vector<16xi32>
      %lt3A_284 = arith.cmpi slt, %sub3A_278, %lt3A_283 : vector<16xi32>
      %and3A_285 = arith.andi %ge3A_281, %lt3A_284 : vector<16xi1>
      %broadcast_in_dim3A_286 = vector.broadcast %add3A_9 : i32 to vector<16xi32>
      %select_n3A_287 = arith.select %and3A_285, %sub3A_278, %broadcast_in_dim3A_286 : vector<16xi1>, vector<16xi32>
      %swap3A_288 = arith.constant 64 : index
      %swap3A_289 = tpu.vector_load %arg10[%swap3A_288] {strides = array<i32>} : memref<80xi32, #tpu.memory_space<vmem>>, vector<16xi32>,
      %swap3A_290 = vector.shape_cast %swap3A_289 : vector<16xi32> to vector<16xi32>
      %swap3A_291 = vector.shape_cast %select_n3A_287 : vector<16xi32> to vector<16xi32>
      tpu.vector_store %arg10[%swap3A_288], %swap3A_291 {strides = array<i32>} : memref<80xi32, #tpu.memory_space<vmem>>, vector<16xi32>,
      "tpu.region"() ({
        %run_scoped3A = tpu.sem_alloc : memref<!tpu.dma_semaphore, #tpu.memory_space<semaphore_mem>>
        %dma_start3A_293 = arith.constant 0 : i32
        %dma_start3A_294 = arith.constant 0 : i32
        %dma_start3A_295 = tpu.memref_slice %arg13[%dma_start3A_293, %dma_start3A_294] : memref<5016x128xf32, #tpu.memory_space<vmem_shared>> -> memref<5016x128xf32, #tpu.memory_space<vmem_shared>>
        tpu.enqueue_indirect_dma source(%arg11 : memref<80x128xf32, #tpu.memory_space<vmem>>) target(%dma_start3A_295 : memref<5016x128xf32, #tpu.memory_space<vmem_shared>>) offsets(%arg10 : memref<80xi32, #tpu.memory_space<vmem>>) semaphore(%run_scoped3A : memref<!tpu.dma_semaphore, #tpu.memory_space<semaphore_mem>>) {add = true}
        %dma_wait3A_296 = arith.constant 0 : i32
        %dma_wait3A_297 = arith.constant 0 : i32
        %dma_wait3A_298 = tpu.memref_slice %arg13[%dma_wait3A_296, %dma_wait3A_297] : memref<5016x128xf32, #tpu.memory_space<vmem_shared>> -> memref<5016x128xf32, #tpu.memory_space<vmem_shared>>
        tpu.wait_indirect_dma semaphore(%run_scoped3A : memref<!tpu.dma_semaphore, #tpu.memory_space<semaphore_mem>>) src(%arg11 : memref<80x128xf32, #tpu.memory_space<vmem>>) dst(%dma_wait3A_298 : memref<5016x128xf32, #tpu.memory_space<vmem_shared>>)
        tpu.yield
      }) : () -> ()
      %scan3A_292 = arith.constant 0 : i32
      scf.yield %scan3A_292 : i32
    }
    %scan3A_27 = arith.constant 125 : i32
    %barrier3A_28 = arith.constant 0 : index
    tpu.barrier barrier_id(%barrier3A_28)
    %iota3A = tpu.iota {dimensions = array<i32: 0>} : vector<16xi32>
    %scan3A_29 = arith.constant 0 : i32
    %scan3A_30 = arith.constant 0 : i32
    %scan3A_31 = arith.constant 5 : i32
    %scan3A_32 = arith.addi %scan3A_30, %scan3A_31 : i32
    %scan3A_33 = arith.constant 1 : i32
    %scan3A_34 = scf.for %scan3A_99 = %scan3A_30 to %scan3A_32 step %scan3A_33 iter_args(%scan3A_100 = %scan3A_29) -> (i32)  : i32 {
      %mul3A_101 = arith.constant 16 : i32
      %mul3A_102 = arith.muli %scan3A_99, %mul3A_101 : i32
      %add3A_103 = arith.constant 0 : i32
      %add3A_104 = arith.addi %add3A_103, %mul3A_102 : i32
      %add3A_105 = vector.broadcast %add3A_104 : i32 to vector<16xi32>
      %add3A_106 = arith.addi %add3A_105, %iota3A : vector<16xi32>
      %min3A = arith.constant 311 : i32
      %min3A_107 = vector.broadcast %min3A : i32 to vector<16xi32>
      %min3A_108 = arith.minsi %add3A_106, %min3A_107 : vector<16xi32>
      %add3A_109 = vector.broadcast %mul3A_6 : i32 to vector<16xi32>
      %add3A_110 = arith.addi %add3A_109, %min3A_108 : vector<16xi32>
      %mul3A_111 = arith.constant 16 : i32
      %mul3A_112 = arith.muli %scan3A_99, %mul3A_111 : i32
      %swap3A = arith.index_cast %mul3A_112 : i32 to index
      %swap3A_113 = tpu.vector_load %arg7[%swap3A] {strides = array<i32>} : memref<80xi32, #tpu.memory_space<vmem>>, vector<16xi32>,
      %swap3A_114 = vector.shape_cast %swap3A_113 : vector<16xi32> to vector<16xi32>
      %swap3A_115 = vector.shape_cast %add3A_110 : vector<16xi32> to vector<16xi32>
      tpu.vector_store %arg7[%swap3A], %swap3A_115 {strides = array<i32>} : memref<80xi32, #tpu.memory_space<vmem>>, vector<16xi32>,
      %scan3A_116 = arith.constant 0 : i32
      scf.yield %scan3A_116 : i32
    }
    %scan3A_35 = arith.constant 5 : i32
    %dma_start3A = arith.constant 0 : i32
    %dma_start3A_36 = arith.constant 0 : i32
    %dma_start3A_37 = tpu.memref_slice %arg13[%dma_start3A, %dma_start3A_36] : memref<5016x128xf32, #tpu.memory_space<vmem_shared>> -> memref<5016x128xf32, #tpu.memory_space<vmem_shared>>
    tpu.enqueue_indirect_dma source(%dma_start3A_37 : memref<5016x128xf32, #tpu.memory_space<vmem_shared>>) target(%arg8 : memref<80x128xf32, #tpu.memory_space<vmem>>) offsets(%arg7 : memref<80xi32, #tpu.memory_space<vmem>>) semaphore(%arg14 : memref<!tpu.dma_semaphore, #tpu.memory_space<semaphore_mem>>)
    %dma_wait3A = arith.constant 0 : i32
    %dma_wait3A_38 = arith.constant 0 : i32
    %dma_wait3A_39 = tpu.memref_slice %arg13[%dma_wait3A, %dma_wait3A_38] : memref<5016x128xf32, #tpu.memory_space<vmem_shared>> -> memref<5016x128xf32, #tpu.memory_space<vmem_shared>>
    tpu.wait_indirect_dma semaphore(%arg14 : memref<!tpu.dma_semaphore, #tpu.memory_space<semaphore_mem>>) src(%dma_wait3A_39 : memref<5016x128xf32, #tpu.memory_space<vmem_shared>>) dst(%arg8 : memref<80x128xf32, #tpu.memory_space<vmem>>)
    %add3A_40 = arith.addi %mul3A_8, %mul3A_6 : i32
    %add3A_41 = arith.constant 0 : i32
    %add3A_42 = arith.addi %add3A_40, %add3A_41 : i32
    "tpu.region"() ({
      %run_scoped3A = tpu.sem_alloc : memref<!tpu.dma_semaphore, #tpu.memory_space<semaphore_mem>>
      %dma_start3A_99 = arith.constant 0 : i32
      %dma_start3A_100 = tpu.memref_slice %arg5[%add3A_42, %dma_start3A_99] : memref<10000x128xf32, #tpu.memory_space<hbm>> -> memref<80x128xf32, #tpu.memory_space<hbm>>
      %dma_start3A_101 = arith.constant 0 : i32
      %dma_start3A_102 = tpu.memref_slice %arg5[%add3A_42, %dma_start3A_101] : memref<10000x128xf32, #tpu.memory_space<hbm>> -> memref<80x128xf32, #tpu.memory_space<hbm>>
      tpu.enqueue_dma source(%arg8 : memref<80x128xf32, #tpu.memory_space<vmem>>) target(%dma_start3A_102 : memref<80x128xf32, #tpu.memory_space<hbm>>) target_semaphore(%run_scoped3A : memref<!tpu.dma_semaphore, #tpu.memory_space<semaphore_mem>>)
      %dma_wait3A_103 = arith.constant 0 : i32
      %dma_wait3A_104 = tpu.memref_slice %arg5[%add3A_42, %dma_wait3A_103] : memref<10000x128xf32, #tpu.memory_space<hbm>> -> memref<80x128xf32, #tpu.memory_space<hbm>>
      %dma_wait3A_105 = arith.constant 0 : i32
      %dma_wait3A_106 = tpu.memref_slice %arg5[%add3A_42, %dma_wait3A_105] : memref<10000x128xf32, #tpu.memory_space<hbm>> -> memref<80x128xf32, #tpu.memory_space<hbm>>
      tpu.wait_dma2 semaphore(%run_scoped3A : memref<!tpu.dma_semaphore, #tpu.memory_space<semaphore_mem>>) src(%arg8 : memref<80x128xf32, #tpu.memory_space<vmem>>) dst(%dma_wait3A_106 : memref<80x128xf32, #tpu.memory_space<hbm>>)
      tpu.yield
    }) : () -> ()
    %iota3A_43 = tpu.iota {dimensions = array<i32: 0>} : vector<16xi32>
    %scan3A_44 = arith.constant 0 : i32
    %scan3A_45 = arith.constant 0 : i32
    %scan3A_46 = arith.constant 5 : i32
    %scan3A_47 = arith.addi %scan3A_45, %scan3A_46 : i32
    %scan3A_48 = arith.constant 1 : i32
    %scan3A_49 = scf.for %scan3A_99 = %scan3A_45 to %scan3A_47 step %scan3A_48 iter_args(%scan3A_100 = %scan3A_44) -> (i32)  : i32 {
      %mul3A_101 = arith.constant 16 : i32
      %mul3A_102 = arith.muli %scan3A_99, %mul3A_101 : i32
      %add3A_103 = arith.constant 80 : i32
      %add3A_104 = arith.addi %add3A_103, %mul3A_102 : i32
      %add3A_105 = vector.broadcast %add3A_104 : i32 to vector<16xi32>
      %add3A_106 = arith.addi %add3A_105, %iota3A_43 : vector<16xi32>
      %min3A = arith.constant 311 : i32
      %min3A_107 = vector.broadcast %min3A : i32 to vector<16xi32>
      %min3A_108 = arith.minsi %add3A_106, %min3A_107 : vector<16xi32>
      %add3A_109 = vector.broadcast %mul3A_6 : i32 to vector<16xi32>
      %add3A_110 = arith.addi %add3A_109, %min3A_108 : vector<16xi32>
      %mul3A_111 = arith.constant 16 : i32
      %mul3A_112 = arith.muli %scan3A_99, %mul3A_111 : i32
      %swap3A = arith.index_cast %mul3A_112 : i32 to index
      %swap3A_113 = tpu.vector_load %arg7[%swap3A] {strides = array<i32>} : memref<80xi32, #tpu.memory_space<vmem>>, vector<16xi32>,
      %swap3A_114 = vector.shape_cast %swap3A_113 : vector<16xi32> to vector<16xi32>
      %swap3A_115 = vector.shape_cast %add3A_110 : vector<16xi32> to vector<16xi32>
      tpu.vector_store %arg7[%swap3A], %swap3A_115 {strides = array<i32>} : memref<80xi32, #tpu.memory_space<vmem>>, vector<16xi32>,
      %scan3A_116 = arith.constant 0 : i32
      scf.yield %scan3A_116 : i32
    }
    %scan3A_50 = arith.constant 5 : i32
    %dma_start3A_51 = arith.constant 0 : i32
    %dma_start3A_52 = arith.constant 0 : i32
    %dma_start3A_53 = tpu.memref_slice %arg13[%dma_start3A_51, %dma_start3A_52] : memref<5016x128xf32, #tpu.memory_space<vmem_shared>> -> memref<5016x128xf32, #tpu.memory_space<vmem_shared>>
    tpu.enqueue_indirect_dma source(%dma_start3A_53 : memref<5016x128xf32, #tpu.memory_space<vmem_shared>>) target(%arg8 : memref<80x128xf32, #tpu.memory_space<vmem>>) offsets(%arg7 : memref<80xi32, #tpu.memory_space<vmem>>) semaphore(%arg14 : memref<!tpu.dma_semaphore, #tpu.memory_space<semaphore_mem>>)
    %dma_wait3A_54 = arith.constant 0 : i32
    %dma_wait3A_55 = arith.constant 0 : i32
    %dma_wait3A_56 = tpu.memref_slice %arg13[%dma_wait3A_54, %dma_wait3A_55] : memref<5016x128xf32, #tpu.memory_space<vmem_shared>> -> memref<5016x128xf32, #tpu.memory_space<vmem_shared>>
    tpu.wait_indirect_dma semaphore(%arg14 : memref<!tpu.dma_semaphore, #tpu.memory_space<semaphore_mem>>) src(%dma_wait3A_56 : memref<5016x128xf32, #tpu.memory_space<vmem_shared>>) dst(%arg8 : memref<80x128xf32, #tpu.memory_space<vmem>>)
    %add3A_57 = arith.addi %mul3A_8, %mul3A_6 : i32
    %add3A_58 = arith.constant 80 : i32
    %add3A_59 = arith.addi %add3A_57, %add3A_58 : i32
    "tpu.region"() ({
      %run_scoped3A = tpu.sem_alloc : memref<!tpu.dma_semaphore, #tpu.memory_space<semaphore_mem>>
      %dma_start3A_99 = arith.constant 0 : i32
      %dma_start3A_100 = tpu.memref_slice %arg5[%add3A_59, %dma_start3A_99] : memref<10000x128xf32, #tpu.memory_space<hbm>> -> memref<80x128xf32, #tpu.memory_space<hbm>>
      %dma_start3A_101 = arith.constant 0 : i32
      %dma_start3A_102 = tpu.memref_slice %arg5[%add3A_59, %dma_start3A_101] : memref<10000x128xf32, #tpu.memory_space<hbm>> -> memref<80x128xf32, #tpu.memory_space<hbm>>
      tpu.enqueue_dma source(%arg8 : memref<80x128xf32, #tpu.memory_space<vmem>>) target(%dma_start3A_102 : memref<80x128xf32, #tpu.memory_space<hbm>>) target_semaphore(%run_scoped3A : memref<!tpu.dma_semaphore, #tpu.memory_space<semaphore_mem>>)
      %dma_wait3A_103 = arith.constant 0 : i32
      %dma_wait3A_104 = tpu.memref_slice %arg5[%add3A_59, %dma_wait3A_103] : memref<10000x128xf32, #tpu.memory_space<hbm>> -> memref<80x128xf32, #tpu.memory_space<hbm>>
      %dma_wait3A_105 = arith.constant 0 : i32
      %dma_wait3A_106 = tpu.memref_slice %arg5[%add3A_59, %dma_wait3A_105] : memref<10000x128xf32, #tpu.memory_space<hbm>> -> memref<80x128xf32, #tpu.memory_space<hbm>>
      tpu.wait_dma2 semaphore(%run_scoped3A : memref<!tpu.dma_semaphore, #tpu.memory_space<semaphore_mem>>) src(%arg8 : memref<80x128xf32, #tpu.memory_space<vmem>>) dst(%dma_wait3A_106 : memref<80x128xf32, #tpu.memory_space<hbm>>)
      tpu.yield
    }) : () -> ()
    %iota3A_60 = tpu.iota {dimensions = array<i32: 0>} : vector<16xi32>
    %scan3A_61 = arith.constant 0 : i32
    %scan3A_62 = arith.constant 0 : i32
    %scan3A_63 = arith.constant 5 : i32
    %scan3A_64 = arith.addi %scan3A_62, %scan3A_63 : i32
    %scan3A_65 = arith.constant 1 : i32
    %scan3A_66 = scf.for %scan3A_99 = %scan3A_62 to %scan3A_64 step %scan3A_65 iter_args(%scan3A_100 = %scan3A_61) -> (i32)  : i32 {
      %mul3A_101 = arith.constant 16 : i32
      %mul3A_102 = arith.muli %scan3A_99, %mul3A_101 : i32
      %add3A_103 = arith.constant 160 : i32
      %add3A_104 = arith.addi %add3A_103, %mul3A_102 : i32
      %add3A_105 = vector.broadcast %add3A_104 : i32 to vector<16xi32>
      %add3A_106 = arith.addi %add3A_105, %iota3A_60 : vector<16xi32>
      %min3A = arith.constant 311 : i32
      %min3A_107 = vector.broadcast %min3A : i32 to vector<16xi32>
      %min3A_108 = arith.minsi %add3A_106, %min3A_107 : vector<16xi32>
      %add3A_109 = vector.broadcast %mul3A_6 : i32 to vector<16xi32>
      %add3A_110 = arith.addi %add3A_109, %min3A_108 : vector<16xi32>
      %mul3A_111 = arith.constant 16 : i32
      %mul3A_112 = arith.muli %scan3A_99, %mul3A_111 : i32
      %swap3A = arith.index_cast %mul3A_112 : i32 to index
      %swap3A_113 = tpu.vector_load %arg7[%swap3A] {strides = array<i32>} : memref<80xi32, #tpu.memory_space<vmem>>, vector<16xi32>,
      %swap3A_114 = vector.shape_cast %swap3A_113 : vector<16xi32> to vector<16xi32>
      %swap3A_115 = vector.shape_cast %add3A_110 : vector<16xi32> to vector<16xi32>
      tpu.vector_store %arg7[%swap3A], %swap3A_115 {strides = array<i32>} : memref<80xi32, #tpu.memory_space<vmem>>, vector<16xi32>,
      %scan3A_116 = arith.constant 0 : i32
      scf.yield %scan3A_116 : i32
    }
    %scan3A_67 = arith.constant 5 : i32
    %dma_start3A_68 = arith.constant 0 : i32
    %dma_start3A_69 = arith.constant 0 : i32
    %dma_start3A_70 = tpu.memref_slice %arg13[%dma_start3A_68, %dma_start3A_69] : memref<5016x128xf32, #tpu.memory_space<vmem_shared>> -> memref<5016x128xf32, #tpu.memory_space<vmem_shared>>
    tpu.enqueue_indirect_dma source(%dma_start3A_70 : memref<5016x128xf32, #tpu.memory_space<vmem_shared>>) target(%arg8 : memref<80x128xf32, #tpu.memory_space<vmem>>) offsets(%arg7 : memref<80xi32, #tpu.memory_space<vmem>>) semaphore(%arg14 : memref<!tpu.dma_semaphore, #tpu.memory_space<semaphore_mem>>)
    %dma_wait3A_71 = arith.constant 0 : i32
    %dma_wait3A_72 = arith.constant 0 : i32
    %dma_wait3A_73 = tpu.memref_slice %arg13[%dma_wait3A_71, %dma_wait3A_72] : memref<5016x128xf32, #tpu.memory_space<vmem_shared>> -> memref<5016x128xf32, #tpu.memory_space<vmem_shared>>
    tpu.wait_indirect_dma semaphore(%arg14 : memref<!tpu.dma_semaphore, #tpu.memory_space<semaphore_mem>>) src(%dma_wait3A_73 : memref<5016x128xf32, #tpu.memory_space<vmem_shared>>) dst(%arg8 : memref<80x128xf32, #tpu.memory_space<vmem>>)
    %add3A_74 = arith.addi %mul3A_8, %mul3A_6 : i32
    %add3A_75 = arith.constant 160 : i32
    %add3A_76 = arith.addi %add3A_74, %add3A_75 : i32
    "tpu.region"() ({
      %run_scoped3A = tpu.sem_alloc : memref<!tpu.dma_semaphore, #tpu.memory_space<semaphore_mem>>
      %dma_start3A_99 = arith.constant 0 : i32
      %dma_start3A_100 = tpu.memref_slice %arg5[%add3A_76, %dma_start3A_99] : memref<10000x128xf32, #tpu.memory_space<hbm>> -> memref<80x128xf32, #tpu.memory_space<hbm>>
      %dma_start3A_101 = arith.constant 0 : i32
      %dma_start3A_102 = tpu.memref_slice %arg5[%add3A_76, %dma_start3A_101] : memref<10000x128xf32, #tpu.memory_space<hbm>> -> memref<80x128xf32, #tpu.memory_space<hbm>>
      tpu.enqueue_dma source(%arg8 : memref<80x128xf32, #tpu.memory_space<vmem>>) target(%dma_start3A_102 : memref<80x128xf32, #tpu.memory_space<hbm>>) target_semaphore(%run_scoped3A : memref<!tpu.dma_semaphore, #tpu.memory_space<semaphore_mem>>)
      %dma_wait3A_103 = arith.constant 0 : i32
      %dma_wait3A_104 = tpu.memref_slice %arg5[%add3A_76, %dma_wait3A_103] : memref<10000x128xf32, #tpu.memory_space<hbm>> -> memref<80x128xf32, #tpu.memory_space<hbm>>
      %dma_wait3A_105 = arith.constant 0 : i32
      %dma_wait3A_106 = tpu.memref_slice %arg5[%add3A_76, %dma_wait3A_105] : memref<10000x128xf32, #tpu.memory_space<hbm>> -> memref<80x128xf32, #tpu.memory_space<hbm>>
      tpu.wait_dma2 semaphore(%run_scoped3A : memref<!tpu.dma_semaphore, #tpu.memory_space<semaphore_mem>>) src(%arg8 : memref<80x128xf32, #tpu.memory_space<vmem>>) dst(%dma_wait3A_106 : memref<80x128xf32, #tpu.memory_space<hbm>>)
      tpu.yield
    }) : () -> ()
    %iota3A_77 = tpu.iota {dimensions = array<i32: 0>} : vector<16xi32>
    %scan3A_78 = arith.constant 0 : i32
    %scan3A_79 = arith.constant 0 : i32
    %scan3A_80 = arith.constant 5 : i32
    %scan3A_81 = arith.addi %scan3A_79, %scan3A_80 : i32
    %scan3A_82 = arith.constant 1 : i32
    %scan3A_83 = scf.for %scan3A_99 = %scan3A_79 to %scan3A_81 step %scan3A_82 iter_args(%scan3A_100 = %scan3A_78) -> (i32)  : i32 {
      %mul3A_101 = arith.constant 16 : i32
      %mul3A_102 = arith.muli %scan3A_99, %mul3A_101 : i32
      %add3A_103 = arith.constant 240 : i32
      %add3A_104 = arith.addi %add3A_103, %mul3A_102 : i32
      %add3A_105 = vector.broadcast %add3A_104 : i32 to vector<16xi32>
      %add3A_106 = arith.addi %add3A_105, %iota3A_77 : vector<16xi32>
      %min3A = arith.constant 311 : i32
      %min3A_107 = vector.broadcast %min3A : i32 to vector<16xi32>
      %min3A_108 = arith.minsi %add3A_106, %min3A_107 : vector<16xi32>
      %add3A_109 = vector.broadcast %mul3A_6 : i32 to vector<16xi32>
      %add3A_110 = arith.addi %add3A_109, %min3A_108 : vector<16xi32>
      %mul3A_111 = arith.constant 16 : i32
      %mul3A_112 = arith.muli %scan3A_99, %mul3A_111 : i32
      %swap3A = arith.index_cast %mul3A_112 : i32 to index
      %swap3A_113 = tpu.vector_load %arg7[%swap3A] {strides = array<i32>} : memref<80xi32, #tpu.memory_space<vmem>>, vector<16xi32>,
      %swap3A_114 = vector.shape_cast %swap3A_113 : vector<16xi32> to vector<16xi32>
      %swap3A_115 = vector.shape_cast %add3A_110 : vector<16xi32> to vector<16xi32>
      tpu.vector_store %arg7[%swap3A], %swap3A_115 {strides = array<i32>} : memref<80xi32, #tpu.memory_space<vmem>>, vector<16xi32>,
      %scan3A_116 = arith.constant 0 : i32
      scf.yield %scan3A_116 : i32
    }
    %scan3A_84 = arith.constant 5 : i32
    %dma_start3A_85 = arith.constant 0 : i32
    %dma_start3A_86 = arith.constant 0 : i32
    %dma_start3A_87 = tpu.memref_slice %arg13[%dma_start3A_85, %dma_start3A_86] : memref<5016x128xf32, #tpu.memory_space<vmem_shared>> -> memref<5016x128xf32, #tpu.memory_space<vmem_shared>>
    tpu.enqueue_indirect_dma source(%dma_start3A_87 : memref<5016x128xf32, #tpu.memory_space<vmem_shared>>) target(%arg8 : memref<80x128xf32, #tpu.memory_space<vmem>>) offsets(%arg7 : memref<80xi32, #tpu.memory_space<vmem>>) semaphore(%arg14 : memref<!tpu.dma_semaphore, #tpu.memory_space<semaphore_mem>>)
    %dma_wait3A_88 = arith.constant 0 : i32
    %dma_wait3A_89 = arith.constant 0 : i32
    %dma_wait3A_90 = tpu.memref_slice %arg13[%dma_wait3A_88, %dma_wait3A_89] : memref<5016x128xf32, #tpu.memory_space<vmem_shared>> -> memref<5016x128xf32, #tpu.memory_space<vmem_shared>>
    tpu.wait_indirect_dma semaphore(%arg14 : memref<!tpu.dma_semaphore, #tpu.memory_space<semaphore_mem>>) src(%dma_wait3A_90 : memref<5016x128xf32, #tpu.memory_space<vmem_shared>>) dst(%arg8 : memref<80x128xf32, #tpu.memory_space<vmem>>)
    %add3A_91 = arith.addi %mul3A_8, %mul3A_6 : i32
    %add3A_92 = arith.constant 240 : i32
    %add3A_93 = arith.addi %add3A_91, %add3A_92 : i32
    "tpu.region"() ({
      %run_scoped3A = tpu.sem_alloc : memref<!tpu.dma_semaphore, #tpu.memory_space<semaphore_mem>>
      %dma_start3A_99 = arith.constant 0 : i32
      %dma_start3A_100 = arith.constant 0 : i32
      %dma_start3A_101 = tpu.memref_slice %arg8[%dma_start3A_99, %dma_start3A_100] : memref<80x128xf32, #tpu.memory_space<vmem>> -> memref<72x128xf32, #tpu.memory_space<vmem>>
      %dma_start3A_102 = arith.constant 0 : i32
      %dma_start3A_103 = tpu.memref_slice %arg5[%add3A_93, %dma_start3A_102] : memref<10000x128xf32, #tpu.memory_space<hbm>> -> memref<72x128xf32, #tpu.memory_space<hbm>>
      %dma_start3A_104 = arith.constant 0 : i32
      %dma_start3A_105 = tpu.memref_slice %arg5[%add3A_93, %dma_start3A_104] : memref<10000x128xf32, #tpu.memory_space<hbm>> -> memref<72x128xf32, #tpu.memory_space<hbm>>
      %dma_start3A_106 = arith.constant 0 : i32
      %dma_start3A_107 = arith.constant 0 : i32
      %dma_start3A_108 = tpu.memref_slice %arg8[%dma_start3A_106, %dma_start3A_107] : memref<80x128xf32, #tpu.memory_space<vmem>> -> memref<72x128xf32, #tpu.memory_space<vmem>>
      tpu.enqueue_dma source(%dma_start3A_108 : memref<72x128xf32, #tpu.memory_space<vmem>>) target(%dma_start3A_105 : memref<72x128xf32, #tpu.memory_space<hbm>>) target_semaphore(%run_scoped3A : memref<!tpu.dma_semaphore, #tpu.memory_space<semaphore_mem>>)
      %dma_wait3A_109 = arith.constant 0 : i32
      %dma_wait3A_110 = arith.constant 0 : i32
      %dma_wait3A_111 = tpu.memref_slice %arg8[%dma_wait3A_109, %dma_wait3A_110] : memref<80x128xf32, #tpu.memory_space<vmem>> -> memref<72x128xf32, #tpu.memory_space<vmem>>
      %dma_wait3A_112 = arith.constant 0 : i32
      %dma_wait3A_113 = tpu.memref_slice %arg5[%add3A_93, %dma_wait3A_112] : memref<10000x128xf32, #tpu.memory_space<hbm>> -> memref<72x128xf32, #tpu.memory_space<hbm>>
      %dma_wait3A_114 = arith.constant 0 : i32
      %dma_wait3A_115 = tpu.memref_slice %arg5[%add3A_93, %dma_wait3A_114] : memref<10000x128xf32, #tpu.memory_space<hbm>> -> memref<72x128xf32, #tpu.memory_space<hbm>>
      %dma_wait3A_116 = arith.constant 0 : i32
      %dma_wait3A_117 = arith.constant 0 : i32
      %dma_wait3A_118 = tpu.memref_slice %arg8[%dma_wait3A_116, %dma_wait3A_117] : memref<80x128xf32, #tpu.memory_space<vmem>> -> memref<72x128xf32, #tpu.memory_space<vmem>>
      tpu.wait_dma2 semaphore(%run_scoped3A : memref<!tpu.dma_semaphore, #tpu.memory_space<semaphore_mem>>) src(%dma_wait3A_118 : memref<72x128xf32, #tpu.memory_space<vmem>>) dst(%dma_wait3A_115 : memref<72x128xf32, #tpu.memory_space<hbm>>)
      tpu.yield
    }) : () -> ()
    %eq3A_94 = arith.constant 0 : i32
    %eq3A_95 = arith.cmpi eq, %arg1, %eq3A_94 : i32
    %convert_element_type3A_96 = arith.extui %eq3A_95 : i1 to i32
    %cond3A_97 = arith.constant 0 : i32
    %cond3A_98 = arith.cmpi ne, %convert_element_type3A_96, %cond3A_97 : i32
    scf.if %cond3A_98 {
      %iota3A_99 = tpu.iota {dimensions = array<i32: 0>} : vector<16xi32>
      %scan3A_100 = arith.constant 0 : i32
      %scan3A_101 = arith.constant 0 : i32
      %scan3A_102 = arith.constant 5 : i32
      %scan3A_103 = arith.addi %scan3A_101, %scan3A_102 : i32
      %scan3A_104 = arith.constant 1 : i32
      %scan3A_105 = scf.for %scan3A_115 = %scan3A_101 to %scan3A_103 step %scan3A_104 iter_args(%scan3A_116 = %scan3A_100) -> (i32)  : i32 {
        %mul3A_117 = arith.constant 16 : i32
        %mul3A_118 = arith.muli %scan3A_115, %mul3A_117 : i32
        %add3A_119 = arith.constant 0 : i32
        %add3A_120 = arith.addi %add3A_119, %mul3A_118 : i32
        %add3A_121 = vector.broadcast %add3A_120 : i32 to vector<16xi32>
        %add3A_122 = arith.addi %add3A_121, %iota3A_99 : vector<16xi32>
        %min3A = arith.constant 7 : i32
        %min3A_123 = vector.broadcast %min3A : i32 to vector<16xi32>
        %min3A_124 = arith.minsi %add3A_122, %min3A_123 : vector<16xi32>
        %add3A_125 = arith.constant 4992 : i32
        %add3A_126 = vector.broadcast %add3A_125 : i32 to vector<16xi32>
        %add3A_127 = arith.addi %add3A_126, %min3A_124 : vector<16xi32>
        %mul3A_128 = arith.constant 16 : i32
        %mul3A_129 = arith.muli %scan3A_115, %mul3A_128 : i32
        %swap3A = arith.index_cast %mul3A_129 : i32 to index
        %swap3A_130 = tpu.vector_load %arg7[%swap3A] {strides = array<i32>} : memref<80xi32, #tpu.memory_space<vmem>>, vector<16xi32>,
        %swap3A_131 = vector.shape_cast %swap3A_130 : vector<16xi32> to vector<16xi32>
        %swap3A_132 = vector.shape_cast %add3A_127 : vector<16xi32> to vector<16xi32>
        tpu.vector_store %arg7[%swap3A], %swap3A_132 {strides = array<i32>} : memref<80xi32, #tpu.memory_space<vmem>>, vector<16xi32>,
        %scan3A_133 = arith.constant 0 : i32
        scf.yield %scan3A_133 : i32
      }
      %scan3A_106 = arith.constant 5 : i32
      %dma_start3A_107 = arith.constant 0 : i32
      %dma_start3A_108 = arith.constant 0 : i32
      %dma_start3A_109 = tpu.memref_slice %arg13[%dma_start3A_107, %dma_start3A_108] : memref<5016x128xf32, #tpu.memory_space<vmem_shared>> -> memref<5016x128xf32, #tpu.memory_space<vmem_shared>>
      tpu.enqueue_indirect_dma source(%dma_start3A_109 : memref<5016x128xf32, #tpu.memory_space<vmem_shared>>) target(%arg8 : memref<80x128xf32, #tpu.memory_space<vmem>>) offsets(%arg7 : memref<80xi32, #tpu.memory_space<vmem>>) semaphore(%arg14 : memref<!tpu.dma_semaphore, #tpu.memory_space<semaphore_mem>>)
      %dma_wait3A_110 = arith.constant 0 : i32
      %dma_wait3A_111 = arith.constant 0 : i32
      %dma_wait3A_112 = tpu.memref_slice %arg13[%dma_wait3A_110, %dma_wait3A_111] : memref<5016x128xf32, #tpu.memory_space<vmem_shared>> -> memref<5016x128xf32, #tpu.memory_space<vmem_shared>>
      tpu.wait_indirect_dma semaphore(%arg14 : memref<!tpu.dma_semaphore, #tpu.memory_space<semaphore_mem>>) src(%dma_wait3A_112 : memref<5016x128xf32, #tpu.memory_space<vmem_shared>>) dst(%arg8 : memref<80x128xf32, #tpu.memory_space<vmem>>)
      %add3A_113 = arith.constant 4992 : i32
      %add3A_114 = arith.addi %mul3A_8, %add3A_113 : i32
      "tpu.region"() ({
        %run_scoped3A = tpu.sem_alloc : memref<!tpu.dma_semaphore, #tpu.memory_space<semaphore_mem>>
        %dma_start3A_115 = arith.constant 0 : i32
        %dma_start3A_116 = arith.constant 0 : i32
        %dma_start3A_117 = tpu.memref_slice %arg8[%dma_start3A_115, %dma_start3A_116] : memref<80x128xf32, #tpu.memory_space<vmem>> -> memref<8x128xf32, #tpu.memory_space<vmem>>
        %dma_start3A_118 = arith.constant 0 : i32
        %dma_start3A_119 = tpu.memref_slice %arg5[%add3A_114, %dma_start3A_118] : memref<10000x128xf32, #tpu.memory_space<hbm>> -> memref<8x128xf32, #tpu.memory_space<hbm>>
        %dma_start3A_120 = arith.constant 0 : i32
        %dma_start3A_121 = tpu.memref_slice %arg5[%add3A_114, %dma_start3A_120] : memref<10000x128xf32, #tpu.memory_space<hbm>> -> memref<8x128xf32, #tpu.memory_space<hbm>>
        %dma_start3A_122 = arith.constant 0 : i32
        %dma_start3A_123 = arith.constant 0 : i32
        %dma_start3A_124 = tpu.memref_slice %arg8[%dma_start3A_122, %dma_start3A_123] : memref<80x128xf32, #tpu.memory_space<vmem>> -> memref<8x128xf32, #tpu.memory_space<vmem>>
        tpu.enqueue_dma source(%dma_start3A_124 : memref<8x128xf32, #tpu.memory_space<vmem>>) target(%dma_start3A_121 : memref<8x128xf32, #tpu.memory_space<hbm>>) target_semaphore(%run_scoped3A : memref<!tpu.dma_semaphore, #tpu.memory_space<semaphore_mem>>)
        %dma_wait3A_125 = arith.constant 0 : i32
        %dma_wait3A_126 = arith.constant 0 : i32
        %dma_wait3A_127 = tpu.memref_slice %arg8[%dma_wait3A_125, %dma_wait3A_126] : memref<80x128xf32, #tpu.memory_space<vmem>> -> memref<8x128xf32, #tpu.memory_space<vmem>>
        %dma_wait3A_128 = arith.constant 0 : i32
        %dma_wait3A_129 = tpu.memref_slice %arg5[%add3A_114, %dma_wait3A_128] : memref<10000x128xf32, #tpu.memory_space<hbm>> -> memref<8x128xf32, #tpu.memory_space<hbm>>
        %dma_wait3A_130 = arith.constant 0 : i32
        %dma_wait3A_131 = tpu.memref_slice %arg5[%add3A_114, %dma_wait3A_130] : memref<10000x128xf32, #tpu.memory_space<hbm>> -> memref<8x128xf32, #tpu.memory_space<hbm>>
        %dma_wait3A_132 = arith.constant 0 : i32
        %dma_wait3A_133 = arith.constant 0 : i32
        %dma_wait3A_134 = tpu.memref_slice %arg8[%dma_wait3A_132, %dma_wait3A_133] : memref<80x128xf32, #tpu.memory_space<vmem>> -> memref<8x128xf32, #tpu.memory_space<vmem>>
        tpu.wait_dma2 semaphore(%run_scoped3A : memref<!tpu.dma_semaphore, #tpu.memory_space<semaphore_mem>>) src(%dma_wait3A_134 : memref<8x128xf32, #tpu.memory_space<vmem>>) dst(%dma_wait3A_131 : memref<8x128xf32, #tpu.memory_space<hbm>>)
        tpu.yield
      }) : () -> ()
    } else {
    }
    return
  }
}

module attributes {stable_mosaic.version = 14 : i64} {
  func.func @_t1_body(%arg0: i32, %arg1: memref<1000x128xf32, #tpu.memory_space<vmem>>, %arg2: memref<128x128xf32, #tpu.memory_space<vmem>>, %arg3: memref<1000x128xf32, #tpu.memory_space<vmem>>) attributes {dimension_semantics = [#tpu.dimension_semantics<arbitrary>], iteration_bounds = array<i64: 10>, scalar_prefetch = 0 : i64, scratch_operands = 0 : i64, tpu.core_type = #tpu.core_type<tc>, window_params = [{transform_indices = @transform_0, window_bounds = array<i64: 1000, 128>}, {pipeline_mode = #tpu.pipeline_mode<synchronous>, transform_indices = @transform_1, window_bounds = array<i64: 128, 128>}, {transform_indices = @transform_2, window_bounds = array<i64: 1000, 128>}]} {
    %get3A = arith.constant 0 : index
    %get3A_0 = arith.constant 0 : index
    %get3A_1 = vector.load %arg1[%get3A, %get3A_0] : memref<1000x128xf32, #tpu.memory_space<vmem>>, vector<1000x128xf32>
    %get3A_2 = arith.constant 0 : index
    %get3A_3 = arith.constant 0 : index
    %get3A_4 = vector.load %arg2[%get3A_2, %get3A_3] : memref<128x128xf32, #tpu.memory_space<vmem>>, vector<128x128xf32>
    %dot_general3A = arith.constant dense<0.000000e+00> : vector<1000x128xf32>
    %dot_general3A_5 = tpu.matmul %get3A_1, %get3A_4, %dot_general3A {dimension_numbers = #tpu.dot_dimension_numbers<[1], [0], [0], [1], [0, 0, 1, 1], [], []>, transpose_lhs_hint = false} : vector<1000x128xf32>, vector<128x128xf32>, vector<1000x128xf32> -> vector<1000x128xf32>
    %swap3A = arith.constant 0 : index
    %swap3A_6 = arith.constant 0 : index
    %swap3A_7 = vector.load %arg3[%swap3A, %swap3A_6] : memref<1000x128xf32, #tpu.memory_space<vmem>>, vector<1000x128xf32>
    tpu.vector_store %arg3[%swap3A, %swap3A_6], %dot_general3A_5 {strides = array<i32>} : memref<1000x128xf32, #tpu.memory_space<vmem>>, vector<1000x128xf32>,
    return
  }
  func.func @transform_0(%arg0: i32) -> (i32, i32) {
    %c0_i32 = arith.constant 0 : i32
    %c0_i32_0 = arith.constant 0 : i32
    return %arg0, %c0_i32 : i32, i32
  }
  func.func @transform_1(%arg0: i32) -> (i32, i32) {
    %c0_i32 = arith.constant 0 : i32
    %c0_i32_0 = arith.constant 0 : i32
    %c0_i32_1 = arith.constant 0 : i32
    return %c0_i32, %c0_i32_0 : i32, i32
  }
  func.func @transform_2(%arg0: i32) -> (i32, i32) {
    %c0_i32 = arith.constant 0 : i32
    %c0_i32_0 = arith.constant 0 : i32
    return %arg0, %c0_i32 : i32, i32
  }
}

module attributes {stable_mosaic.version = 14 : i64} {
  func.func @_t2_body(%arg0: i32, %arg1: memref<1000x128xf32, #tpu.memory_space<vmem>>, %arg2: memref<1000x128xf32, #tpu.memory_space<vmem>>, %arg3: memref<1000x16xf32, #tpu.memory_space<vmem>>, %arg4: memref<128x128xf32, #tpu.memory_space<vmem>>, %arg5: memref<1x128xf32, #tpu.memory_space<vmem>>, %arg6: memref<1000x128xf32, #tpu.memory_space<vmem>>, %arg7: memref<1000x128xf32, #tpu.memory_space<vmem>>) attributes {dimension_semantics = [#tpu.dimension_semantics<arbitrary>], iteration_bounds = array<i64: 10>, scalar_prefetch = 0 : i64, scratch_operands = 0 : i64, tpu.core_type = #tpu.core_type<tc>, window_params = [{transform_indices = @transform_0, window_bounds = array<i64: 1000, 128>}, {transform_indices = @transform_1, window_bounds = array<i64: 1000, 128>}, {transform_indices = @transform_2, window_bounds = array<i64: 1000, 16>}, {pipeline_mode = #tpu.pipeline_mode<synchronous>, transform_indices = @transform_3, window_bounds = array<i64: 128, 128>}, {pipeline_mode = #tpu.pipeline_mode<synchronous>, transform_indices = @transform_4, window_bounds = array<i64: 1, 128>}, {transform_indices = @transform_5, window_bounds = array<i64: 1000, 128>}, {transform_indices = @transform_6, window_bounds = array<i64: 1000, 128>}]} {
    %get3A = arith.constant 0 : index
    %get3A_0 = arith.constant 0 : index
    %get3A_1 = vector.load %arg3[%get3A, %get3A_0] : memref<1000x16xf32, #tpu.memory_space<vmem>>, vector<1000x16xf32>
    %slice3A = vector.extract_strided_slice %get3A_1 {offsets = [0, 0], sizes = [1000, 1], strides = [1, 1]} : vector<1000x16xf32> to vector<1000x1xf32>
    %squeeze3A = vector.shape_cast %slice3A : vector<1000x1xf32> to vector<1000xf32>
    %rsqrt3A = math.rsqrt %squeeze3A : vector<1000xf32>
    %get3A_2 = arith.constant 0 : index
    %get3A_3 = arith.constant 0 : index
    %get3A_4 = vector.load %arg1[%get3A_2, %get3A_3] : memref<1000x128xf32, #tpu.memory_space<vmem>>, vector<1000x128xf32>
    %broadcast_in_dim3A = vector.shape_cast %rsqrt3A : vector<1000xf32> to vector<1000x1xf32>
    %mul3A = vector.broadcast %broadcast_in_dim3A : vector<1000x1xf32> to vector<1000x128xf32>
    %mul3A_5 = arith.mulf %get3A_4, %mul3A : vector<1000x128xf32>
    %get3A_6 = arith.constant 0 : index
    %get3A_7 = arith.constant 0 : index
    %get3A_8 = vector.load %arg2[%get3A_6, %get3A_7] : memref<1000x128xf32, #tpu.memory_space<vmem>>, vector<1000x128xf32>
    %mul3A_9 = arith.mulf %rsqrt3A, %rsqrt3A : vector<1000xf32>
    %broadcast_in_dim3A_10 = vector.shape_cast %mul3A_9 : vector<1000xf32> to vector<1000x1xf32>
    %mul3A_11 = vector.broadcast %broadcast_in_dim3A_10 : vector<1000x1xf32> to vector<1000x128xf32>
    %mul3A_12 = arith.mulf %get3A_8, %mul3A_11 : vector<1000x128xf32>
    %add3A = arith.addf %mul3A_5, %mul3A_12 : vector<1000x128xf32>
    %get3A_13 = arith.constant 0 : index
    %get3A_14 = arith.constant 0 : index
    %get3A_15 = vector.load %arg5[%get3A_13, %get3A_14] : memref<1x128xf32, #tpu.memory_space<vmem>>, vector<1x128xf32>
    %add3A_16 = vector.broadcast %get3A_15 : vector<1x128xf32> to vector<1000x128xf32>
    %add3A_17 = arith.addf %add3A, %add3A_16 : vector<1000x128xf32>
    %max3A = arith.constant 0.000000e+00 : f32
    %max3A_18 = vector.broadcast %max3A : f32 to vector<1000x128xf32>
    %max3A_19 = arith.maximumf %add3A_17, %max3A_18 : vector<1000x128xf32>
    %swap3A = arith.constant 0 : index
    %swap3A_20 = arith.constant 0 : index
    %swap3A_21 = vector.load %arg6[%swap3A, %swap3A_20] : memref<1000x128xf32, #tpu.memory_space<vmem>>, vector<1000x128xf32>
    tpu.vector_store %arg6[%swap3A, %swap3A_20], %max3A_19 {strides = array<i32>} : memref<1000x128xf32, #tpu.memory_space<vmem>>, vector<1000x128xf32>,
    %get3A_22 = arith.constant 0 : index
    %get3A_23 = arith.constant 0 : index
    %get3A_24 = vector.load %arg4[%get3A_22, %get3A_23] : memref<128x128xf32, #tpu.memory_space<vmem>>, vector<128x128xf32>
    %dot_general3A = arith.constant dense<0.000000e+00> : vector<1000x128xf32>
    %dot_general3A_25 = tpu.matmul %max3A_19, %get3A_24, %dot_general3A {dimension_numbers = #tpu.dot_dimension_numbers<[1], [0], [0], [1], [0, 0, 1, 1], [], []>, transpose_lhs_hint = false} : vector<1000x128xf32>, vector<128x128xf32>, vector<1000x128xf32> -> vector<1000x128xf32>
    %swap3A_26 = arith.constant 0 : index
    %swap3A_27 = arith.constant 0 : index
    %swap3A_28 = vector.load %arg7[%swap3A_26, %swap3A_27] : memref<1000x128xf32, #tpu.memory_space<vmem>>, vector<1000x128xf32>
    tpu.vector_store %arg7[%swap3A_26, %swap3A_27], %dot_general3A_25 {strides = array<i32>} : memref<1000x128xf32, #tpu.memory_space<vmem>>, vector<1000x128xf32>,
    return
  }
  func.func @transform_0(%arg0: i32) -> (i32, i32) {
    %c0_i32 = arith.constant 0 : i32
    %c0_i32_0 = arith.constant 0 : i32
    return %arg0, %c0_i32 : i32, i32
  }
  func.func @transform_1(%arg0: i32) -> (i32, i32) {
    %c0_i32 = arith.constant 0 : i32
    %c0_i32_0 = arith.constant 0 : i32
    return %arg0, %c0_i32 : i32, i32
  }
  func.func @transform_2(%arg0: i32) -> (i32, i32) {
    %c0_i32 = arith.constant 0 : i32
    %c0_i32_0 = arith.constant 0 : i32
    return %arg0, %c0_i32 : i32, i32
  }
  func.func @transform_3(%arg0: i32) -> (i32, i32) {
    %c0_i32 = arith.constant 0 : i32
    %c0_i32_0 = arith.constant 0 : i32
    %c0_i32_1 = arith.constant 0 : i32
    return %c0_i32, %c0_i32_0 : i32, i32
  }
  func.func @transform_4(%arg0: i32) -> (i32, i32) {
    %c0_i32 = arith.constant 0 : i32
    %c0_i32_0 = arith.constant 0 : i32
    %c0_i32_1 = arith.constant 0 : i32
    return %c0_i32, %c0_i32_0 : i32, i32
  }
  func.func @transform_5(%arg0: i32) -> (i32, i32) {
    %c0_i32 = arith.constant 0 : i32
    %c0_i32_0 = arith.constant 0 : i32
    return %arg0, %c0_i32 : i32, i32
  }
  func.func @transform_6(%arg0: i32) -> (i32, i32) {
    %c0_i32 = arith.constant 0 : i32
    %c0_i32_0 = arith.constant 0 : i32
    return %arg0, %c0_i32 : i32, i32
  }
}

module attributes {stable_mosaic.version = 14 : i64} {
  func.func @_t3_body(%arg0: i32, %arg1: memref<1000x128xf32, #tpu.memory_space<vmem>>, %arg2: memref<1000x128xf32, #tpu.memory_space<vmem>>, %arg3: memref<1000x16xf32, #tpu.memory_space<vmem>>, %arg4: memref<1000x128xf32, #tpu.memory_space<vmem>>, %arg5: memref<128x64xf32, #tpu.memory_space<vmem>>, %arg6: memref<128x64xf32, #tpu.memory_space<vmem>>, %arg7: memref<1x128xf32, #tpu.memory_space<vmem>>, %arg8: memref<1x64xf32, #tpu.memory_space<vmem>>, %arg9: memref<1000x64xf32, #tpu.memory_space<vmem>>) attributes {dimension_semantics = [#tpu.dimension_semantics<arbitrary>], iteration_bounds = array<i64: 10>, scalar_prefetch = 0 : i64, scratch_operands = 0 : i64, tpu.core_type = #tpu.core_type<tc>, window_params = [{transform_indices = @transform_0, window_bounds = array<i64: 1000, 128>}, {transform_indices = @transform_1, window_bounds = array<i64: 1000, 128>}, {transform_indices = @transform_2, window_bounds = array<i64: 1000, 16>}, {transform_indices = @transform_3, window_bounds = array<i64: 1000, 128>}, {pipeline_mode = #tpu.pipeline_mode<synchronous>, transform_indices = @transform_4, window_bounds = array<i64: 128, 64>}, {pipeline_mode = #tpu.pipeline_mode<synchronous>, transform_indices = @transform_5, window_bounds = array<i64: 128, 64>}, {pipeline_mode = #tpu.pipeline_mode<synchronous>, transform_indices = @transform_6, window_bounds = array<i64: 1, 128>}, {pipeline_mode = #tpu.pipeline_mode<synchronous>, transform_indices = @transform_7, window_bounds = array<i64: 1, 64>}, {transform_indices = @transform_8, window_bounds = array<i64: 1000, 64>}]} {
    %get3A = arith.constant 0 : index
    %get3A_0 = arith.constant 0 : index
    %get3A_1 = vector.load %arg3[%get3A, %get3A_0] : memref<1000x16xf32, #tpu.memory_space<vmem>>, vector<1000x16xf32>
    %slice3A = vector.extract_strided_slice %get3A_1 {offsets = [0, 0], sizes = [1000, 1], strides = [1, 1]} : vector<1000x16xf32> to vector<1000x1xf32>
    %squeeze3A = vector.shape_cast %slice3A : vector<1000x1xf32> to vector<1000xf32>
    %rsqrt3A = math.rsqrt %squeeze3A : vector<1000xf32>
    %get3A_2 = arith.constant 0 : index
    %get3A_3 = arith.constant 0 : index
    %get3A_4 = vector.load %arg1[%get3A_2, %get3A_3] : memref<1000x128xf32, #tpu.memory_space<vmem>>, vector<1000x128xf32>
    %broadcast_in_dim3A = vector.shape_cast %rsqrt3A : vector<1000xf32> to vector<1000x1xf32>
    %mul3A = vector.broadcast %broadcast_in_dim3A : vector<1000x1xf32> to vector<1000x128xf32>
    %mul3A_5 = arith.mulf %get3A_4, %mul3A : vector<1000x128xf32>
    %get3A_6 = arith.constant 0 : index
    %get3A_7 = arith.constant 0 : index
    %get3A_8 = vector.load %arg2[%get3A_6, %get3A_7] : memref<1000x128xf32, #tpu.memory_space<vmem>>, vector<1000x128xf32>
    %mul3A_9 = arith.mulf %rsqrt3A, %rsqrt3A : vector<1000xf32>
    %broadcast_in_dim3A_10 = vector.shape_cast %mul3A_9 : vector<1000xf32> to vector<1000x1xf32>
    %mul3A_11 = vector.broadcast %broadcast_in_dim3A_10 : vector<1000x1xf32> to vector<1000x128xf32>
    %mul3A_12 = arith.mulf %get3A_8, %mul3A_11 : vector<1000x128xf32>
    %add3A = arith.addf %mul3A_5, %mul3A_12 : vector<1000x128xf32>
    %get3A_13 = arith.constant 0 : index
    %get3A_14 = arith.constant 0 : index
    %get3A_15 = vector.load %arg7[%get3A_13, %get3A_14] : memref<1x128xf32, #tpu.memory_space<vmem>>, vector<1x128xf32>
    %add3A_16 = vector.broadcast %get3A_15 : vector<1x128xf32> to vector<1000x128xf32>
    %add3A_17 = arith.addf %add3A, %add3A_16 : vector<1000x128xf32>
    %max3A = arith.constant 0.000000e+00 : f32
    %max3A_18 = vector.broadcast %max3A : f32 to vector<1000x128xf32>
    %max3A_19 = arith.maximumf %add3A_17, %max3A_18 : vector<1000x128xf32>
    %get3A_20 = arith.constant 0 : index
    %get3A_21 = arith.constant 0 : index
    %get3A_22 = vector.load %arg4[%get3A_20, %get3A_21] : memref<1000x128xf32, #tpu.memory_space<vmem>>, vector<1000x128xf32>
    %get3A_23 = arith.constant 0 : index
    %get3A_24 = arith.constant 0 : index
    %get3A_25 = vector.load %arg5[%get3A_23, %get3A_24] : memref<128x64xf32, #tpu.memory_space<vmem>>, vector<128x64xf32>
    %dot_general3A = arith.constant dense<0.000000e+00> : vector<1000x64xf32>
    %dot_general3A_26 = tpu.matmul %get3A_22, %get3A_25, %dot_general3A {dimension_numbers = #tpu.dot_dimension_numbers<[1], [0], [0], [1], [0, 0, 1, 1], [], []>, transpose_lhs_hint = false} : vector<1000x128xf32>, vector<128x64xf32>, vector<1000x64xf32> -> vector<1000x64xf32>
    %get3A_27 = arith.constant 0 : index
    %get3A_28 = arith.constant 0 : index
    %get3A_29 = vector.load %arg6[%get3A_27, %get3A_28] : memref<128x64xf32, #tpu.memory_space<vmem>>, vector<128x64xf32>
    %dot_general3A_30 = arith.constant dense<0.000000e+00> : vector<1000x64xf32>
    %dot_general3A_31 = tpu.matmul %max3A_19, %get3A_29, %dot_general3A_30 {dimension_numbers = #tpu.dot_dimension_numbers<[1], [0], [0], [1], [0, 0, 1, 1], [], []>, transpose_lhs_hint = false} : vector<1000x128xf32>, vector<128x64xf32>, vector<1000x64xf32> -> vector<1000x64xf32>
    %add3A_32 = arith.addf %dot_general3A_26, %dot_general3A_31 : vector<1000x64xf32>
    %get3A_33 = arith.constant 0 : index
    %get3A_34 = arith.constant 0 : index
    %get3A_35 = vector.load %arg8[%get3A_33, %get3A_34] : memref<1x64xf32, #tpu.memory_space<vmem>>, vector<1x64xf32>
    %add3A_36 = vector.broadcast %get3A_35 : vector<1x64xf32> to vector<1000x64xf32>
    %add3A_37 = arith.addf %add3A_32, %add3A_36 : vector<1000x64xf32>
    %reduce_max3A = arith.constant dense<0xFF800000> : vector<1000xf32>
    %reduce_max3A_38 = vector.multi_reduction <maximumf>, %add3A_37, %reduce_max3A [1] : vector<1000x64xf32> to vector<1000xf32>
    %broadcast_in_dim3A_39 = vector.shape_cast %reduce_max3A_38 : vector<1000xf32> to vector<1000x1xf32>
    %sub3A = vector.broadcast %broadcast_in_dim3A_39 : vector<1000x1xf32> to vector<1000x64xf32>
    %sub3A_40 = arith.subf %add3A_37, %sub3A : vector<1000x64xf32>
    %exp3A = math.exp %sub3A_40 : vector<1000x64xf32>
    %reduce_sum3A = arith.constant dense<0.000000e+00> : vector<1000xf32>
    %reduce_sum3A_41 = vector.multi_reduction <add>, %exp3A, %reduce_sum3A [1] : vector<1000x64xf32> to vector<1000xf32>
    %broadcast_in_dim3A_42 = vector.shape_cast %reduce_sum3A_41 : vector<1000xf32> to vector<1000x1xf32>
    %log3A = math.log %broadcast_in_dim3A_42 : vector<1000x1xf32>
    %add3A_43 = arith.addf %broadcast_in_dim3A_39, %log3A : vector<1000x1xf32>
    %sub3A_44 = vector.broadcast %add3A_43 : vector<1000x1xf32> to vector<1000x64xf32>
    %sub3A_45 = arith.subf %add3A_37, %sub3A_44 : vector<1000x64xf32>
    %swap3A = arith.constant 0 : index
    %swap3A_46 = arith.constant 0 : index
    %swap3A_47 = vector.load %arg9[%swap3A, %swap3A_46] : memref<1000x64xf32, #tpu.memory_space<vmem>>, vector<1000x64xf32>
    tpu.vector_store %arg9[%swap3A, %swap3A_46], %sub3A_45 {strides = array<i32>} : memref<1000x64xf32, #tpu.memory_space<vmem>>, vector<1000x64xf32>,
    return
  }
  func.func @transform_0(%arg0: i32) -> (i32, i32) {
    %c0_i32 = arith.constant 0 : i32
    %c0_i32_0 = arith.constant 0 : i32
    return %arg0, %c0_i32 : i32, i32
  }
  func.func @transform_1(%arg0: i32) -> (i32, i32) {
    %c0_i32 = arith.constant 0 : i32
    %c0_i32_0 = arith.constant 0 : i32
    return %arg0, %c0_i32 : i32, i32
  }
  func.func @transform_2(%arg0: i32) -> (i32, i32) {
    %c0_i32 = arith.constant 0 : i32
    %c0_i32_0 = arith.constant 0 : i32
    return %arg0, %c0_i32 : i32, i32
  }
  func.func @transform_3(%arg0: i32) -> (i32, i32) {
    %c0_i32 = arith.constant 0 : i32
    %c0_i32_0 = arith.constant 0 : i32
    return %arg0, %c0_i32 : i32, i32
  }
  func.func @transform_4(%arg0: i32) -> (i32, i32) {
    %c0_i32 = arith.constant 0 : i32
    %c0_i32_0 = arith.constant 0 : i32
    %c0_i32_1 = arith.constant 0 : i32
    return %c0_i32, %c0_i32_0 : i32, i32
  }
  func.func @transform_5(%arg0: i32) -> (i32, i32) {
    %c0_i32 = arith.constant 0 : i32
    %c0_i32_0 = arith.constant 0 : i32
    %c0_i32_1 = arith.constant 0 : i32
    return %c0_i32, %c0_i32_0 : i32, i32
  }
  func.func @transform_6(%arg0: i32) -> (i32, i32) {
    %c0_i32 = arith.constant 0 : i32
    %c0_i32_0 = arith.constant 0 : i32
    %c0_i32_1 = arith.constant 0 : i32
    return %c0_i32, %c0_i32_0 : i32, i32
  }
  func.func @transform_7(%arg0: i32) -> (i32, i32) {
    %c0_i32 = arith.constant 0 : i32
    %c0_i32_0 = arith.constant 0 : i32
    %c0_i32_1 = arith.constant 0 : i32
    return %c0_i32, %c0_i32_0 : i32, i32
  }
  func.func @transform_8(%arg0: i32) -> (i32, i32) {
    %c0_i32 = arith.constant 0 : i32
    %c0_i32_0 = arith.constant 0 : i32
    return %arg0, %c0_i32 : i32, i32
  }
}

</mosaic_0001>

<sc_bundles>
// kernel: kernel.11.cloned.1.call-start
scs
__scs_entry_jumppad:
0x0: {  	(pc) =	sbr.rel $0x88, $3  }
0x1: {  	(tag) =	ssettag $0x0;
	lr =	simm.s32 $0x1  }
0x2: {  	[smem:$0x3F99] =	sst lr;
	_ =	strace $0xD0000000  }
0x3: {  	_ = 	snop  }
0x4: {  	_ = 	snop  }
0x5: {  	_ = 	snop  }
0x6: {  	_ = 	snop  }
0x7: {  	_ = 	snop  }
__scs_overlays_trampoline_lowered:
0x8: {  	[smem:$0x3FA8] =	sst s0  }
0x9: {  	[smem:$0x3FA9] =	sst s1  }
0xa: {  	[smem:$0x3FAA] =	sst s2  }
0xb: {  	[smem:$0x3FAB] =	sst s3  }
0xc: {  	[smem:$0x3FAC] =	sst s4  }
0xd: {  	[smem:$0x3FAD] =	sst s5  }
0xe: {  	[smem:$0x3FAE] =	sst s6  }
0xf: {  	[smem:$0x3FAF] =	sst s7  }
0x10: {  	[smem:$0x3FB0] =	sst s8  }
0x11: {  	[smem:$0x3FB1] =	sst s9;
	s0 =	simm.s32 @!p0 $0x0  }
0x12: {  	s1 =	sld [smem:$0x3F97];
	s0 =	simm.s32 @p0 $0x1  }
0x13: {  	[smem:$0x3FB2] =	sst s0;
	s0 =	simm.s32 @!p1 $0x0  }
0x14: {  	s2 =	sld [smem:$0x3F96];
	s0 =	simm.s32 @p1 $0x1  }
0x15: {  	[smem:$0x3FB3] =	sst s0;
	s0 =	simm.s32 @!p2 $0x0  }
0x16: {  	s3 =	sld [smem:$0x3FDB];
	s0 =	simm.s32 @p2 $0x1  }
0x17: {  	s4 =	simm.s32 $0x1BF5;
	[smem:$0x3FB5] =	sst s0  }
0x18: {  	s0 =	sld [smem:$0x3F98];
	_ =	swait.ge [sflag:s4], $0x0  }
0x19: {  	s7 =	sld [smem:$0x3F99]  }
0x1a: {  	s8 =	sadd.s32 $0xFFFFE003, lr  }
0x1b: {  	s9 =	sadd.s32 $0xFFFFFEF7, lr;
	s5 =	simm.s32 $0xFFFFFFFF;
	p2 =	slt.u32 s8, $0xFFFFF086  }
0x1c: {  	p1 =	slt.u32 s9, $0xF7A;
	s5 =	simm.s32 @!p2 $0x0  }
0x1d: {  	s5 =	simm.s32 @p1 $0x1;
	p0 =	seq.s32 s7, s2  }
0x1e: {  	s7 =	smul.u32 @!p0 $0xF7A, s2;
	p2 =	seq.s32 @!p0 s5, $0x0  }
0x1f: {  	s9 =	smul.u32 $0xF7A, s1;
	s8 =	simm.s32 @!p0 $0x1BF5;
	p2 =	por !p2, p0  }
0x20: {  	[sflag:s8] =	ssyncset.s32 @!p0 $0xFFFFF086;
	s6 =	sadd.s32 @!p0 s3, s7;
	s7 =	simm.s32 @!p0 $0x108  }
0x21: {  	s3 =	sadd.s32 s3, s9;
	s6 =	sadd.s32 @!p0 $0x88, s6;
	s7 =	simm.s32 @p2 $0x1082  }
0x22: {  	[simem:s7], [sflag:s8] =	dma.local @!p0 [hbm:s6], $0xF7A  }
0x23: {  	s9 =	sor.u32 $0xD0000000, s2;
	s6 =	simm.s32 $0x108;
	_ =	swait.ge @!p0 [sflag:s8], $0x0  }
0x24: {  	s3 =	sadd.s32 $0x88, s3;
	s6 =	simm.s32 @!p1 $0x1082;
	[sflag:s4] =	ssyncset.s32 $0xFFFFF086  }
0x25: {  	[simem:s6], [sflag:s4] =	dma.local [hbm:s3], $0xF7A  }
0x26: {  	[smem:$0x3F99] =	sst s1;
	(tag) =	ssettag s2;
	_ =	strace s9  }
0x27: {  	s1 =	sld [smem:$0x3FA9]  }
0x28: {  	s2 =	sld [smem:$0x3FAA]  }
0x29: {  	s4 =	sld [smem:$0x3FAC]  }
0x2a: {  	p0 =	seq.s32 s5, $0x0;
	s5 =	sld [smem:$0x3FAD]  }
0x2b: {  	s6 =	sld [smem:$0x3FAE]  }
0x2c: {  	s7 =	sld [smem:$0x3FAF]  }
0x2d: {  	s3 =	simm.s32 $0x108;
	s8 =	sld [smem:$0x3FB0]  }
0x2e: {  	s3 =	simm.s32 @!p0 $0x1082;
	s9 =	sld [smem:$0x3FB1]  }
0x2f: {  	lr =	sadd.s32 s0, s3;
	s0 =	sld [smem:$0x3FA8]  }
0x30: {  	s3 =	sld [smem:$0x3FAB]  }
0x31: {  	[smem:$0x3FB4] =	sst s10  }
0x32: {  	s10 =	sld [smem:$0x3FB2];
	_ =	sdelay $0x3  }
0x33: {  	p0 =	seq.s32 s10, $0x1;
	s10 =	sld [smem:$0x3FB4];
	_ =	sdelay $0x3  }
0x34: {  	[smem:$0x3FB4] =	sst s10  }
0x35: {  	s10 =	sld [smem:$0x3FB3];
	_ =	sdelay $0x3  }
0x36: {  	p1 =	seq.s32 s10, $0x1;
	s10 =	sld [smem:$0x3FB4];
	_ =	sdelay $0x3  }
0x37: {  	[smem:$0x3FB4] =	sst s10  }
0x38: {  	s10 =	sld [smem:$0x3FB5]  }
0x39: {  	_ = 	snop;
	(pc) =	sbr.ind lr, $3  }
0x3a: {  	_ = 	snop  }
0x3b: {  	_ = 	snop  }
0x3c: {  	p2 =	seq.s32 s10, $0x1;
	s10 =	sld [smem:$0x3FB4]  }
0x3d: {  	_ =	shalt  }
0x3e: {  	_ =	shalt  }
0x3f: {  	_ =	shalt  }
0x40: {  	_ =	shalt  }
0x41: {  	_ =	shalt  }
0x42: {  	_ =	shalt  }
0x43: {  	_ =	shalt  }
0x44: {  	_ =	shalt  }
0x45: {  	_ =	shalt  }
0x46: {  	_ =	shalt  }
0x47: {  	_ =	shalt  }
0x48: {  	_ =	shalt  }
0x49: {  	_ =	shalt  }
0x4a: {  	_ =	shalt  }
0x4b: {  	_ =	shalt  }
0x4c: {  	_ =	shalt  }
0x4d: {  	_ =	shalt  }
0x4e: {  	_ =	shalt  }
0x4f: {  	_ =	shalt  }
0x50: {  	_ =	shalt  }
0x51: {  	_ =	shalt  }
0x52: {  	_ =	shalt  }
0x53: {  	_ =	shalt  }
0x54: {  	_ =	shalt  }
0x55: {  	_ =	shalt  }
0x56: {  	_ =	shalt  }
0x57: {  	_ =	shalt  }
0x58: {  	_ =	shalt  }
0x59: {  	_ =	shalt  }
0x5a: {  	_ =	shalt  }
0x5b: {  	_ =	shalt  }
0x5c: {  	_ =	shalt  }
0x5d: {  	_ =	shalt  }
0x5e: {  	_ =	shalt  }
0x5f: {  	_ =	shalt  }
0x60: {  	_ =	shalt  }
0x61: {  	_ =	shalt  }
0x62: {  	_ =	shalt  }
0x63: {  	_ =	shalt  }
0x64: {  	_ =	shalt  }
0x65: {  	_ =	shalt  }
0x66: {  	_ =	shalt  }
0x67: {  	_ =	shalt  }
0x68: {  	_ =	shalt  }
0x69: {  	_ =	shalt  }
0x6a: {  	_ =	shalt  }
0x6b: {  	_ =	shalt  }
0x6c: {  	_ =	shalt  }
0x6d: {  	_ =	shalt  }
0x6e: {  	_ =	shalt  }
0x6f: {  	_ =	shalt  }
0x70: {  	_ =	shalt  }
0x71: {  	_ =	shalt  }
0x72: {  	_ =	shalt  }
0x73: {  	_ =	shalt  }
0x74: {  	_ =	shalt  }
0x75: {  	_ =	shalt  }
0x76: {  	_ =	shalt  }
0x77: {  	_ =	shalt  }
0x78: {  	_ =	shalt  }
0x79: {  	_ =	shalt  }
0x7a: {  	_ =	shalt  }
0x7b: {  	_ =	shalt  }
0x7c: {  	_ =	shalt  }
0x7d: {  	_ =	shalt  }
0x7e: {  	_ =	shalt  }
0x7f: {  	_ =	shalt  }
0x80: {  	_ =	shalt  }
0x81: {  	_ =	shalt  }
0x82: {  	_ =	shalt  }
0x83: {  	_ =	shalt  }
0x84: {  	_ =	shalt  }
0x85: {  	_ =	shalt  }
0x86: {  	_ =	shalt  }
0x87: {  	_ =	shalt  }
.Lfunc_end0:
.L_simem_size_0:
called_computation.1_lowered:
.L_overlay_start_0:
0x88: {  	s2 =	sld [smem:$0x3FD9]  }
0x89: {  	s3 =	sld [smem:$0x3FFE];
	_ =	sdelay $0x1  }
0x8a: {  	s1 =	srdreg.scid  }
0x8b: {  	s0 =	sand.u32 $0x1, s1  }
0x8c: {  	s17 =	sshll.u32 s0, $0xA;
	s2 =	sadd.s32 s3, s2  }
0x8d: {  	s2 =	sadd.s32 s2, s17  }
0x8e: {  	[smem:$0x3FC0] =	sst s2  }
0x8f: {  	_ = 	snop  }
0x90: {  	s2 =	sld [smem:$0x3FD0];
	(tm) =	ssettm $0x1  }
0x91: {  	s18 =	sld [smem:$0x3FFB];
	_ =	sdelay $0x3  }
0x92: {  	_ =	strace s18  }
0x93: {  	s3 =	sld [smem:$0x3FFC];
	_ =	sdelay $0x3  }
0x94: {  	_ =	strace s3  }
0x95: {  	s3 =	sld [smem:$0x3FFD];
	_ =	sdelay $0x3  }
0x96: {  	_ =	strace s3  }
0x97: {  	_ =	strace $0x8FFFFFFF  }
0x98: {  	s19 =	sld [smem:$0x3FDB];
	_ =	sdelay $0x1  }
0x99: {  	s4 =	simm.s32 $_scs_section_size  }
0x9a: {  	s5 =	simm.s32 $_size__tile_overlayer_lowered;
	s6 =	simm.s32 $_tile_overlayer_lowered  }
0x9b: {  	s22 =	simm.s32 $0x1BFF;
	s21 =	sshll.u32 s6, $0x1;
	s3 =	sadd.s32 s4, s19  }
0x9c: {  	s7 =	simm.s32 $0x0;
	s20 =	sshll.u32 s5, $0x1;
	s5 =	sadd.s32 s21, s3  }
0x9d: {  	[timem:s7], [sflag:s22] =	dma.local [hbm:s5], s20  }
0x9e: {  	_ =	swait.ge [sflag:s22], s20  }
0x9f: {  	s4 =	ssub.s32 $0x0, s20;
	[sflag:s22] =	ssyncset.done $0x0  }
0xa0: {  	[sflag:s22] =	ssyncadd.s32 s4;
	_ =	sdelay $0x1  }
0xa1: {  	s23 =	simm.s32 $0x1B8B  }
0xa2: {  	_ =	swait.ge [sflag:s23], $0x1  }
0xa3: {  	[sflag:s23] =	ssyncset.done $0x0  }
0xa4: {  	s25 =	simm.s32 $0x1B8E;
	s24 =	sld [smem:$0x3FFE];
	[sflag:s23] =	ssyncadd.s32 $0xFFFFFFFF  }
0xa5: {  	s26 =	simm.s32 $execute0_lowered;
	[smem:$0x3FD2] =	sst s25  }
0xa6: {  	s5 =	sshll.u32 s26, $0x1;
	_ =	strace $0x80000049;
	[dreg:$0x1] =	wrdreg $0xFFFFFFFF  }
0xa7: {  	s28 =	simm.s32 $_size_execute0_lowered;
	s3 =	sadd.s32 s3, s5;
	[dreg:$0x0] =	wrdreg $0x0  }
0xa8: {  	s5 =	sshll.u32 s28, $0x1;
	[dreg:$0x2] =	wrdreg s3  }
0xa9: {  	[dreg:$0x3] =	wrdreg s5  }
0xaa: {  	[dreg:$0x4] =	wrdreg $0xC0  }
0xab: {  	_ =	task [dreg:s7], $0x5FFFF  }
0xac: {  	[dreg:$0x1] =	wrdreg $0xFFFFFFFF  }
0xad: {  	[dreg:$0x0] =	wrdreg $0x60  }
0xae: {  	[dreg:$0x2] =	wrdreg s24  }
0xaf: {  	[dreg:$0x3] =	wrdreg s2  }
0xb0: {  	[dreg:$0x4] =	wrdreg $0x7A000  }
0xb1: {  	[dreg:$0x5] =	wrdreg $0x9  }
0xb2: {  	_ =	task.clear_ibuf [dreg:s7], $0x6FFFF;
	_ =	strace $0x90000049  }
0xb3: {  	s29 =	simm.s32 $0x9;
	_ =	strace $0x8000004B  }
0xb4: {  	_ =	swait.ge [sflag:s29], $0x1  }
0xb5: {  	[sflag:s29] =	ssyncadd.s32 $0xFFFFFFFF  }
0xb6: {  	_ =	strace $0x9000004B  }
0xb7: {  	_ =	sfence  }
0xb8: {  	s30 =	sld [smem:$0x0];
	_ =	sdelay $0x2  }
0xb9: {  	s31 =	sshll.u32 s1, $0xD;
	s1 =	sshrl.u32 s1, $0x2  }
0xba: {  	s3 =	sand.u32 $0x4000, s31;
	s1 =	sadd.s32 s1, s30  }
0xbb: {  	s0 =	sor.u32 s3, s0;
	s1 =	sshll.u32 s1, $0x11  }
0xbc: {  	s0 =	sor.u32 s1, s0  }
0xbd: {  	s0 =	sadd.s32 $0x8F2B, s0  }
0xbe: {  	[sflag:s0] =	ssyncadd.remote.s32 $0x1  }
0xbf: {  	_ =	sfence.sel $0xFFFF  }
0xc0: {  	[dreg:$0x0] =	wrdreg $0xFFFFFFFF;
	(pc) =	sbr.abs _section_cstart, $3  }
0xc1: {  	[dreg:$0x1] =	wrdreg $0xFFFFFFFF  }
0xc2: {  	_ =	task.clear_ibuf [dreg:s7], $0x2FFFF;
	_ =	strace $0x9FFFFFFF  }
0xc3: {  	(tm) =	ssettm $0x7FFFFFFF  }
tec
execute0_lowered:
.L_overlay_start_1:
0x0: {  	(tag) =	ssettag $0x1  }
0x1: {  	v3 =	vlaneseq.u32;
	v19 =	vimm.s32 $0x137  }
0x2: {  	vm0 =	vcmask $0x300;
	v14 =	vor.u32 $0xA0, v3;
	v15 =	vor.u32 $0xB0, v3  }
0x3: {  	s14 =	stileid.u32;
	v16 =	vor.u32 $0xC0, v3;
	v17 =	vor.u32 $0xD0, v3;
	v18 =	vor.u32 $0xE0, v3  }
0x4: {  	s28 =	sadd.s32 $0x1388, s14;
	v20 =	vor.u32 $0xF0, v3;
	v21 =	vsel vm0, $0x130, v19;
	vm0 =	vcmask $0x704;
	p0 =	sne.s32 s14, $0x0  }
0x5: {  	s15 =	smul.u32 $0x138, s14;
	v23 =	vor.u32 $0x120, v3;
	v2 =	vmov s28;
	vm1 =	vcmask @!p0 $0x704  }
0x6: {  	vm2 =	vcmask @!p0 $0xB08;
	vm3 =	vcmask @!p0 $0xF0C;
	vm4 =	vcmask @!p0 $0x1310  }
0x7: {  	s0 =	srdreg.scid;
	vm5 =	vcmask @!p0 $0x1714;
	vm6 =	vcmask @!p0 $0x1B18;
	v0 =	vmov s15  }
0x8: {  	s4 =	sand.u32 $0x1, s0;
	v14 =	vadd.s32 s15, v14;
	v15 =	vadd.s32 s15, v15;
	v16 =	vadd.s32 s15, v16  }
0x9: {  	s5 =	smul.u32 $0x1388, s4;
	v17 =	vadd.s32 s15, v17;
	v18 =	vadd.s32 s15, v18;
	v19 =	vadd.s32 s15, v20  }
0xa: {  	v20 =	vsel vm0, $0x131, v21;
	vm0 =	vcmask $0xB08;
	v21 =	vor.u32 $0x100, v3  }
0xb: {  	v1 =	vmov s5;
	v4 =	vadd.s32 $0x10, v0;
	v6 =	vadd.s32 $0x30, v0  }
0xc: {  	s6 =	rddreg [dreg:$0x0];
	v10 =	vadd.s32 $0x50, v0;
	v11 =	vadd.s32 $0x70, v0;
	v12 =	vadd.s32 $0x80, v0  }
0xd: {  	s11 =	rddreg [dreg:$0x1];
	v13 =	vadd.s32 $0x90, v0;
	v22 =	vsel vm0, $0x132, v20;
	vm0 =	vcmask $0xF0C  }
0xe: {  	s1 =	rddreg [dreg:$0x2];
	s2 =	simm.s32 $0x0;
	s13 =	simm.s32 $0x80;
	v20 =	vadd.s32 s15, v21;
	v5 =	vbroadcast v4, $0x0;
	v4 =	vadd.s32 $0x20, v0  }
0xf: {  	s16 =	simm.s32 $0x100;
	s17 =	simm.s32 $0x2900;
	s18 =	simm.s32 $0x2980;
	v8 =	vbroadcast v6, $0x0;
	v6 =	vadd.s32 $0x40, v0;
	v11 =	vbroadcast v11, $0x0  }
0x10: {  	s19 =	simm.s32 $0x2A00;
	s20 =	simm.s32 $0x1;
	s0 =	rddreg [dreg:$0x3];
	v12 =	vbroadcast v12, $0x0;
	v13 =	vbroadcast v13, $0x0;
	v21 =	vsel vm0, $0x133, v22  }
0x11: {  	s21 =	simm.s32 $0x2;
	s22 =	simm.s32 $0x0;
	[smem:$0x7FF] =	sst s2;
	vm0 =	vcmask $0x1310;
	v22 =	vor.u32 $0x110, v3;
	v7 =	vbroadcast v4, $0x0  }
0x12: {  	s12 =	smul.u32 $0x9C4, s14;
	s3 =	sadd.s32 $0x33400, s6;
	s14 =	simm.s32 $0x5200;
	v4 =	vadd.s32 s15, v3;
	v9 =	vbroadcast v6, $0x0;
	v21 =	vsel vm0, $0x134, v21  }
0x13: {  	_ =	strace $0x8000004A;
	s7 =	smul.u32 $0x9C400, s4;
	s8 =	ssub.s32 $0x2, s4;
	vm0 =	vcmask $0x1714;
	v5 =	vadd.s32 v3, v5;
	v11 =	vadd.s32 v3, v11  }
0x14: {  	s10 =	sadd.s32 s12, s6;
	s6 =	sadd.s32 $0x5A600, s6;
	s30 =	sshrl.u32 s8, $0x1;
	v12 =	vadd.s32 v3, v12;
	v13 =	vadd.s32 v3, v13;
	v24 =	vsel vm0, $0x135, v21  }
0x15: {  	s11 =	sadd.s32 s12, s11;
	s12 =	simm.s32 $0x50;
	s5 =	sadd.s32 s15, s5;
	vm0 =	vcmask $0x1B18;
	v6 =	vadd.s32 v3, v7;
	v7 =	vadd.s32 v3, v8  }
0x16: {  	s7 =	sshrl.u32 s7, $0x3;
	s9 =	ssub.s32 s8, s30;
	s29 =	sshll.u32 s5, $0x4;
	v8 =	vadd.s32 v3, v9;
	v9 =	vbroadcast v10, $0x0;
	v10 =	vadd.s32 $0x60, v0  }
0x17: {  	s10 =	sadd.s32 $0x2400, s10;
	s31 =	sadd.s32 s6, s7;
	s4 =	sadd.s32 s6, s29;
	v21 =	vadd.s32 s15, v22;
	v22 =	vadd.s32 s15, v23;
	v10 =	vbroadcast v10, $0x0  }
0x18: {  	s9 =	smax.u32 s9, $0x1;
	s8 =	sadd.s32 $0x13800, s31;
	s5 =	sadd.s32 $0x500, s4;
	v23 =	vsel vm0, $0x136, v24;
	v24 =	vimm.f32 $0.0e+00;
	vm0 =	vcmask @!p0 $0x300  }
0x19: {  	s6 =	sadd.s32 $0xA00, s4;
	s7 =	sadd.s32 $0xF00, s4;
	v23 =	vadd.s32 s15, v23;
	s15 =	simm.s32 $0x3;
	v9 =	vadd.s32 v3, v9;
	v10 =	vadd.s32 v3, v10  }
.LBB2_1:
0x1a: {  	s23 =	simm.s32 $0x70;
	s24 =	simm.s32 $0x3C0  }
.LBB2_2:
0x1b: {  	p1 =	sne.s32 s24, $0x9FC0;
	[tilespmem:s23+$0x5200] =	vst v24  }
0x1c: {  	[tilespmem:s23+$0x5190] =	vst v24  }
0x1d: {  	[tilespmem:s23+$0x51A0] =	vst v24  }
.Ltmp0:
0x1e: {  	[tilespmem:s23+$0x51B0] =	vst v24;
	(pc) =	sbr.rel @p1 .LBB2_2-.Ltmp0, $4  }
0x1f: {  	[tilespmem:s23+$0x51C0] =	vst v24  }
0x20: {  	[tilespmem:s23+$0x51D0] =	vst v24  }
0x21: {  	[tilespmem:s23+$0x51E0] =	vst v24  }
0x22: {  	[tilespmem:s23+$0x51F0] =	vst v24;
	s23 =	sshra.s32 s24, $0x2;
	s24 =	sadd.s32 $0x200, s24  }
0x23: {  	[tilespmem:s23+$0x5200] =	vst v24  }
0x24: {  	[tilespmem:s23+$0x5190] =	vst v24  }
0x25: {  	[tilespmem:s23+$0x51A0] =	vst v24  }
0x26: {  	[tilespmem:s23+$0x51B0] =	vst v24;
	s24 =	simm.s32 $0x40;
	s25 =	simm.s32 $0x0  }
0x27: {  	[tilespmem:s23+$0x51C0] =	vst v24;
	s29 =	simm.s32 $0x10;
	s31 =	simm.s32 $0x30;
	v26 =	vor.u32 s25, v3;
	v27 =	vor.u32 s24, v3  }
0x28: {  	[tilespmem:s23+$0x51D0] =	vst v24;
	v25 =	vor.u32 s29, v3;
	v29 =	vor.u32 s31, v3;
	vm7 =	vlt.s32 v26, $0x137  }
0x29: {  	s30 =	simm.s32 $0x20;
	[tilespmem:s23+$0x51E0] =	vst v24;
	vm8 =	vlt.s32 v27, $0x137;
	vm9 =	vlt.s32 v29, $0x137;
	v28 =	vnsel vm7, $0x137, v26  }
0x2a: {  	[tilespmem:s23+$0x51F0] =	vst v24;
	v26 =	vor.u32 s30, v3;
	v30 =	vnsel vm8, $0x137, v27;
	v28 =	vadd.s32 v0, v28  }
0x2b: {  	s23 =	simm.s32 $0x90;
	v27 =	vnsel vm9, $0x137, v29;
	vm7 =	vlt.s32 v26, $0x137;
	[tilespmem:$0x80] =	vst v28;
	v28 =	vadd.s32 v0, v30  }
.LBB2_4:
0x2c: {  	p1 =	sne.s32 s23, $0x130;
	vm8 =	vlt.s32 v25, $0x137;
	v26 =	vnsel vm7, $0x137, v26;
	v27 =	vadd.s32 v0, v27;
	[tilespmem:$0xC0] =	vst v28  }
0x2d: {  	v25 =	vnsel vm8, $0x137, v25;
	v26 =	vadd.s32 v0, v26;
	[tilespmem:$0xB0] =	vst v27  }
0x2e: {  	s24 =	sadd.s32 $0xFFFFFFC0, s23;
	s25 =	sadd.s32 $0xFFFFFFD0, s23;
	v25 =	vadd.s32 v0, v25;
	[tilespmem:$0xA0] =	vst v26  }
0x2f: {  	[tilespmem:$0x90] =	vst v25;
	[spmem:s1] =	stream.indirect.scatter [tilespmem:s14], [sflag:$0x3], $0x80, s13, s12, $0xb8  }
.Ltmp1:
0x30: {  	v27 =	vor.u32 s23, v3;
	v26 =	vor.u32 s24, v3;
	(pc) =	sbr.rel @p1 .LBB2_4-.Ltmp1, $4  }
0x31: {  	s24 =	sadd.s32 $0xFFFFFFE0, s23;
	vm8 =	vlt.s32 v27, $0x137;
	vm7 =	vlt.s32 v26, $0x137;
	v25 =	vor.u32 s25, v3;
	s25 =	sadd.s32 $0xFFFFFFF0, s23;
	_ =	swait.ge [sflag:s15], $0x2800  }
0x32: {  	v28 =	vnsel vm7, $0x137, v26;
	v26 =	vor.u32 s24, v3;
	v29 =	vor.u32 s25, v3;
	[sflag:s15] =	ssyncset.done $0x0  }
0x33: {  	v30 =	vnsel vm8, $0x137, v27;
	v28 =	vadd.s32 v0, v28;
	vm9 =	vlt.s32 v29, $0x137;
	[sflag:s15] =	ssyncadd.s32 $0xFFFFD800  }
0x34: {  	s23 =	sadd.s32 $0x50, s23;
	vm7 =	vlt.s32 v26, $0x137;
	v27 =	vnsel vm9, $0x137, v29;
	[tilespmem:$0x80] =	vst v28;
	v28 =	vadd.s32 v0, v30  }
0x35: {  	vm8 =	vlt.s32 v25, $0x137;
	v26 =	vnsel vm7, $0x137, v26;
	v27 =	vadd.s32 v0, v27;
	[tilespmem:$0xC0] =	vst v28  }
0x36: {  	v25 =	vnsel vm8, $0x137, v25;
	v26 =	vadd.s32 v0, v26;
	[tilespmem:$0xB0] =	vst v27  }
0x37: {  	v25 =	vadd.s32 v0, v25;
	[tilespmem:$0xA0] =	vst v26  }
0x38: {  	[tilespmem:$0x90] =	vst v25  }
0x39: {  	v27 =	vimm.s32 @!p0 $0x1397;
	[spmem:s1] =	stream.indirect.scatter [tilespmem:s14], [sflag:$0x3], $0x80, s13, s12, $0xb8;
	[tilespmem:$0x116C0] =	vst v63  }
0x3a: {  	v26 =	vsel @!p0 vm0, $0x1390, v27;
	_ =	swait.ge [sflag:s15], $0x2800  }
0x3b: {  	v25 =	vsel @!p0 vm1, $0x1391, v26;
	v26 =	vlaneseq.u32 @!p0;
	[sflag:s15] =	ssyncset.done $0x0  }
0x3c: {  	v25 =	vsel @!p0 vm2, $0x1392, v25;
	v26 =	vor.u32 @!p0 $0x1380, v26;
	[sflag:s15] =	ssyncadd.s32 $0xFFFFD800  }
0x3d: {  	v25 =	vsel @!p0 vm3, $0x1393, v25;
	[tilespmem:$0x80] =	vst @!p0 v26  }
0x3e: {  	v25 =	vsel @!p0 vm4, $0x1394, v25;
	[tilespmem:$0xA0] =	vst @!p0 v27  }
0x3f: {  	v25 =	vsel @!p0 vm5, $0x1395, v25;
	[tilespmem:$0xB0] =	vst @!p0 v27  }
0x40: {  	v25 =	vsel @!p0 vm6, $0x1396, v25;
	[tilespmem:$0xC0] =	vst @!p0 v27  }
0x41: {  	s23 =	simm.s32 @!p0 $0x50;
	s24 =	simm.s32 @!p0 $0x80;
	s25 =	simm.s32 @!p0 $0x5200;
	[tilespmem:$0x90] =	vst @!p0 v25  }
0x42: {  	[spmem:s1] =	stream.indirect.scatter @!p0 [tilespmem:s25], [sflag:$0x3], $0x80, s24, s23, $0xb8;
	[tilespmem:$0x116C0] =	vst v63  }
0x43: {  	s23 =	simm.s32 @!p0 $0x3  }
0x44: {  	_ =	swait.ge @!p0 [sflag:s23], $0x2800  }
0x45: {  	[sflag:s23] =	ssyncset.done @!p0 $0x0  }
0x46: {  	[sflag:s23] =	ssyncadd.s32 @!p0 $0xFFFFD800  }
0x47: {  	s29 =	sadd.s32 $0x0, s11;
	[bflag:$0x0] =	sbarrier.arrive $0xFFFF  }
0x48: {  	[tilespmem:s2], [sflag:$0x3] =	stream.linear.gather [hbm4b:s29+s2], $0x50, $0x38;
	[tilespmem:$0x116C0] =	vst v63  }
0x49: {  	_ =	swait.ge [sflag:s15], $0x50  }
0x4a: {  	[sflag:s15] =	ssyncset.done $0x0  }
0x4b: {  	s30 =	sadd.s32 $0x0, s10;
	[sflag:s15] =	ssyncadd.s32 $0xFFFFFFB0  }
0x4c: {  	[tilespmem:s13], [sflag:$0x3] =	stream.linear.gather [hbm4b:s30+s2], $0x50, $0x38;
	[tilespmem:$0x116C0] =	vst v63  }
0x4d: {  	_ =	swait.ge [sflag:s15], $0x50  }
0x4e: {  	[sflag:s15] =	ssyncset.done $0x0  }
0x4f: {  	[sflag:s15] =	ssyncadd.s32 $0xFFFFFFB0  }
0x50: {  	[tilespmem:s16], [sflag:$0x1] =	stream.indirect.gather [hbm4b:s3+s12], $0x80, s2, s12, $0xb8;
	[tilespmem:$0x116C0] =	vst v63  }
0x51: {  	s23 =	sadd.s32 $0xA, s29  }
0x52: {  	[tilespmem:s17], [sflag:$0x3] =	stream.linear.gather [hbm4b:s23+s2], $0x50, $0x38;
	[tilespmem:$0x116C0] =	vst v63  }
0x53: {  	_ =	swait.ge [sflag:s15], $0x50  }
0x54: {  	[sflag:s15] =	ssyncset.done $0x0  }
0x55: {  	s31 =	sadd.s32 $0xA, s30;
	[sflag:s15] =	ssyncadd.s32 $0xFFFFFFB0  }
0x56: {  	[tilespmem:s18], [sflag:$0x3] =	stream.linear.gather [hbm4b:s31+s2], $0x50, $0x38;
	[tilespmem:$0x116C0] =	vst v63  }
0x57: {  	_ =	swait.ge [sflag:s15], $0x50  }
0x58: {  	[sflag:s15] =	ssyncset.done $0x0  }
0x59: {  	[sflag:s15] =	ssyncadd.s32 $0xFFFFFFB0  }
0x5a: {  	[tilespmem:s19], [sflag:$0x2] =	stream.indirect.gather [hbm4b:s3+s12], $0x80, s17, s12, $0xb8;
	[tilespmem:$0x116C0] =	vst v63  }
0x5b: {  	_ =	swait.ge [sflag:s20], $0x2800  }
0x5c: {  	[sflag:s20] =	ssyncset.done $0x0  }
0x5d: {  	[sflag:s20] =	ssyncadd.s32 $0xFFFFD800  }
0x5e: {  	v25 =	vld [tilespmem:$0xB0]  }
0x5f: {  	v26 =	vld [tilespmem:$0xC0]  }
0x60: {  	v27 =	vld [tilespmem:$0x90]  }
0x61: {  	v63 =	vld [tilespmem:$0x80]  }
0x62: {  	v29 =	vld [tilespmem:$0xA0]  }
0x63: {  	v25 =	vsub.s32 v25, v1  }
0x64: {  	v26 =	vsub.s32 v26, v1;
	vm7 =	vlt.u32 v25, $0x1388  }
0x65: {  	v27 =	vsub.s32 v27, v1;
	v25 =	vsel vm7, v25, v2;
	vm7 =	vlt.u32 v26, $0x1388  }
0x66: {  	v28 =	vsub.s32 v63, v1;
	vm8 =	vlt.u32 v27, $0x1388;
	[tilespmem:$0xB0] =	vst v25;
	v25 =	vsel vm7, v26, v2  }
0x67: {  	vm7 =	vlt.u32 v28, $0x1388;
	v26 =	vsel vm8, v27, v2;
	v27 =	vsub.s32 v29, v1;
	[tilespmem:$0xC0] =	vst v25  }
0x68: {  	v25 =	vsel vm7, v28, v2;
	[tilespmem:$0x90] =	vst v26;
	vm7 =	vlt.u32 v27, $0x1388  }
0x69: {  	[tilespmem:$0x80] =	vst v25;
	v25 =	vsel vm7, v27, v2  }
0x6a: {  	[tilespmem:$0xA0] =	vst v25  }
0x6b: {  	[spmem:s1] =	stream.indirect.scatter.add.f32 [tilespmem:s16], [sflag:$0x3], $0x80, s13, s12, $0xb8;
	[tilespmem:$0x116C0] =	vst v63  }
0x6c: {  	_ =	swait.ge [sflag:s15], $0x2800  }
0x6d: {  	[sflag:s15] =	ssyncset.done $0x0  }
0x6e: {  	[sflag:s15] =	ssyncadd.s32 $0xFFFFD800  }
0x6f: {  	_ =	swait.ge [sflag:s21], $0x2800  }
0x70: {  	[sflag:s21] =	ssyncset.done $0x0  }
0x71: {  	s23 =	simm.s32 $0x14;
	[sflag:s21] =	ssyncadd.s32 $0xFFFFD800  }
.LBB2_6:
0x72: {  	p1 =	sne.s32 s23, $0x9B0;
	v25 =	vld [tilespmem:$0x29C0];
	s24 =	smov.u32 s23;
	s23 =	sadd.s32 $0x14, s23  }
0x73: {  	v26 =	vld [tilespmem:$0x29B0]  }
0x74: {  	v27 =	vld [tilespmem:$0x29A0]  }
0x75: {  	v28 =	vld [tilespmem:$0x2990]  }
0x76: {  	v29 =	vld [tilespmem:$0x2980]  }
0x77: {  	v25 =	vsub.s32 v25, v1  }
0x78: {  	v26 =	vsub.s32 v26, v1;
	vm7 =	vlt.u32 v25, $0x1388  }
0x79: {  	v27 =	vsub.s32 v27, v1;
	vm8 =	vlt.u32 v26, $0x1388;
	v25 =	vsel vm7, v25, v2  }
0x7a: {  	v28 =	vsub.s32 v28, v1;
	vm7 =	vlt.u32 v27, $0x1388;
	v26 =	vsel vm8, v26, v2;
	[tilespmem:$0x29C0] =	vst v25  }
0x7b: {  	v25 =	vsub.s32 v29, v1;
	vm8 =	vlt.u32 v28, $0x1388;
	v27 =	vsel vm7, v27, v2;
	[tilespmem:$0x29B0] =	vst v26  }
0x7c: {  	vm7 =	vlt.u32 v25, $0x1388;
	v26 =	vsel vm8, v28, v2;
	[tilespmem:$0x29A0] =	vst v27  }
0x7d: {  	v25 =	vsel vm7, v25, v2;
	[tilespmem:$0x2990] =	vst v26  }
0x7e: {  	[tilespmem:$0x2980] =	vst v25  }
0x7f: {  	[spmem:s1] =	stream.indirect.scatter.add.f32 [tilespmem:s19], [sflag:$0x3], $0x80, s18, s12, $0xb8;
	[tilespmem:$0x116C0] =	vst v63  }
0x80: {  	_ =	swait.ge [sflag:s15], $0x2800  }
0x81: {  	[sflag:s15] =	ssyncset.done $0x0  }
0x82: {  	s25 =	sadd.s32 s24, s11;
	[sflag:s15] =	ssyncadd.s32 $0xFFFFD800  }
0x83: {  	[tilespmem:s2], [sflag:$0x3] =	stream.linear.gather [hbm4b:s25+s2], $0x50, $0x38;
	[tilespmem:$0x116C0] =	vst v63  }
0x84: {  	_ =	swait.ge [sflag:s15], $0x50  }
0x85: {  	[sflag:s15] =	ssyncset.done $0x0  }
0x86: {  	s24 =	sadd.s32 s24, s10;
	[sflag:s15] =	ssyncadd.s32 $0xFFFFFFB0  }
0x87: {  	[tilespmem:s13], [sflag:$0x3] =	stream.linear.gather [hbm4b:s24+s2], $0x50, $0x38;
	[tilespmem:$0x116C0] =	vst v63  }
0x88: {  	_ =	swait.ge [sflag:s15], $0x50  }
0x89: {  	[sflag:s15] =	ssyncset.done $0x0  }
0x8a: {  	[sflag:s15] =	ssyncadd.s32 $0xFFFFFFB0  }
0x8b: {  	[tilespmem:s16], [sflag:$0x1] =	stream.indirect.gather [hbm4b:s3+s12], $0x80, s2, s12, $0xb8;
	[tilespmem:$0x116C0] =	vst v63  }
0x8c: {  	s25 =	sadd.s32 $0xA, s25  }
0x8d: {  	[tilespmem:s17], [sflag:$0x3] =	stream.linear.gather [hbm4b:s25+s2], $0x50, $0x38;
	[tilespmem:$0x116C0] =	vst v63  }
0x8e: {  	_ =	swait.ge [sflag:s15], $0x50  }
0x8f: {  	[sflag:s15] =	ssyncset.done $0x0  }
0x90: {  	s24 =	sadd.s32 $0xA, s24;
	[sflag:s15] =	ssyncadd.s32 $0xFFFFFFB0  }
0x91: {  	[tilespmem:s18], [sflag:$0x3] =	stream.linear.gather [hbm4b:s24+s2], $0x50, $0x38;
	[tilespmem:$0x116C0] =	vst v63  }
0x92: {  	_ =	swait.ge [sflag:s15], $0x50  }
0x93: {  	[sflag:s15] =	ssyncset.done $0x0  }
0x94: {  	[sflag:s15] =	ssyncadd.s32 $0xFFFFFFB0  }
0x95: {  	[tilespmem:s19], [sflag:$0x2] =	stream.indirect.gather [hbm4b:s3+s12], $0x80, s17, s12, $0xb8;
	[tilespmem:$0x116C0] =	vst v63  }
0x96: {  	_ =	swait.ge [sflag:s20], $0x2800  }
0x97: {  	[sflag:s20] =	ssyncset.done $0x0  }
0x98: {  	[sflag:s20] =	ssyncadd.s32 $0xFFFFD800  }
0x99: {  	v25 =	vld [tilespmem:$0xB0]  }
0x9a: {  	v26 =	vld [tilespmem:$0xC0]  }
0x9b: {  	v27 =	vld [tilespmem:$0x90]  }
0x9c: {  	v28 =	vld [tilespmem:$0x80]  }
0x9d: {  	v29 =	vld [tilespmem:$0xA0]  }
0x9e: {  	v25 =	vsub.s32 v25, v1  }
0x9f: {  	vm7 =	vlt.u32 v25, $0x1388;
	v26 =	vsub.s32 v26, v1  }
0xa0: {  	v27 =	vsub.s32 v27, v1;
	v25 =	vsel vm7, v25, v2;
	vm7 =	vlt.u32 v26, $0x1388  }
0xa1: {  	v28 =	vsub.s32 v28, v1;
	vm8 =	vlt.u32 v27, $0x1388;
	[tilespmem:$0xB0] =	vst v25;
	v25 =	vsel vm7, v26, v2  }
0xa2: {  	vm7 =	vlt.u32 v28, $0x1388;
	v26 =	vsel vm8, v27, v2;
	v27 =	vsub.s32 v29, v1;
	[tilespmem:$0xC0] =	vst v25  }
0xa3: {  	v25 =	vsel vm7, v28, v2;
	[tilespmem:$0x90] =	vst v26;
	vm7 =	vlt.u32 v27, $0x1388  }
0xa4: {  	[tilespmem:$0x80] =	vst v25;
	v25 =	vsel vm7, v27, v2  }
0xa5: {  	[tilespmem:$0xA0] =	vst v25  }
0xa6: {  	[spmem:s1] =	stream.indirect.scatter.add.f32 [tilespmem:s16], [sflag:$0x3], $0x80, s13, s12, $0xb8;
	[tilespmem:$0x116C0] =	vst v63  }
0xa7: {  	_ =	swait.ge [sflag:s15], $0x2800  }
.Ltmp2:
0xa8: {  	[sflag:s15] =	ssyncset.done $0x0;
	(pc) =	sbr.rel @p1 .LBB2_6-.Ltmp2, $4  }
0xa9: {  	[sflag:s15] =	ssyncadd.s32 $0xFFFFD800  }
0xaa: {  	_ =	swait.ge [sflag:s21], $0x2800  }
0xab: {  	[sflag:s21] =	ssyncset.done $0x0  }
0xac: {  	[sflag:s21] =	ssyncadd.s32 $0xFFFFD800  }
0xad: {  	v25 =	vld [tilespmem:$0x29C0]  }
0xae: {  	v26 =	vld [tilespmem:$0x29B0]  }
0xaf: {  	v27 =	vld [tilespmem:$0x29A0]  }
0xb0: {  	v28 =	vld [tilespmem:$0x2990]  }
0xb1: {  	v29 =	vld [tilespmem:$0x2980]  }
0xb2: {  	v25 =	vsub.s32 v25, v1  }
0xb3: {  	v26 =	vsub.s32 v26, v1;
	vm7 =	vlt.u32 v25, $0x1388  }
0xb4: {  	v27 =	vsub.s32 v27, v1;
	vm8 =	vlt.u32 v26, $0x1388;
	v25 =	vsel vm7, v25, v2  }
0xb5: {  	v28 =	vsub.s32 v28, v1;
	vm7 =	vlt.u32 v27, $0x1388;
	v26 =	vsel vm8, v26, v2;
	[tilespmem:$0x29C0] =	vst v25  }
0xb6: {  	vm8 =	vlt.u32 v28, $0x1388;
	v25 =	vsub.s32 v29, v1;
	v27 =	vsel vm7, v27, v2;
	[tilespmem:$0x29B0] =	vst v26  }
0xb7: {  	v26 =	vsel vm8, v28, v2;
	vm7 =	vlt.u32 v25, $0x1388;
	[tilespmem:$0x29A0] =	vst v27  }
0xb8: {  	[tilespmem:$0x2990] =	vst v26;
	v25 =	vsel vm7, v25, v2  }
0xb9: {  	[tilespmem:$0x2980] =	vst v25  }
0xba: {  	[spmem:s1] =	stream.indirect.scatter.add.f32 [tilespmem:s19], [sflag:$0x3], $0x80, s18, s12, $0xb8;
	[tilespmem:$0x116C0] =	vst v63  }
0xbb: {  	_ =	swait.ge [sflag:s15], $0x2800  }
0xbc: {  	[sflag:s15] =	ssyncset.done $0x0  }
0xbd: {  	[sflag:s15] =	ssyncadd.s32 $0xFFFFD800  }
0xbe: {  	[bflag:$0x0] =	sbarrier.arrive $0xFFFF  }
0xbf: {  	[tilespmem:$0x80] =	vst v4  }
0xc0: {  	[tilespmem:$0x90] =	vst v5  }
0xc1: {  	[tilespmem:$0xA0] =	vst v6  }
0xc2: {  	[tilespmem:$0xB0] =	vst v7  }
0xc3: {  	[tilespmem:$0xC0] =	vst v8  }
0xc4: {  	[tilespmem:s16], [sflag:$0x1] =	stream.indirect.gather [spmem:s1], $0x80, s13, s12, $0xb8;
	[tilespmem:$0x116C0] =	vst v63  }
0xc5: {  	_ =	swait.ge [sflag:s20], $0x2800  }
0xc6: {  	[sflag:s20] =	ssyncset.done $0x0  }
0xc7: {  	[sflag:s20] =	ssyncadd.s32 $0xFFFFD800  }
0xc8: {  	[hbm4b:s4+s2] =	stream.linear.scatter [tilespmem:s16], [sflag:$0x3], $0x2800, $0x38;
	[tilespmem:$0x116C0] =	vst v63  }
0xc9: {  	_ =	swait.ge [sflag:s15], $0x2800  }
0xca: {  	[sflag:s15] =	ssyncset.done $0x0  }
0xcb: {  	[sflag:s15] =	ssyncadd.s32 $0xFFFFD800  }
0xcc: {  	[tilespmem:$0x80] =	vst v9  }
0xcd: {  	[tilespmem:$0x90] =	vst v10  }
0xce: {  	[tilespmem:$0xA0] =	vst v11  }
0xcf: {  	[tilespmem:$0xB0] =	vst v12  }
0xd0: {  	[tilespmem:$0xC0] =	vst v13  }
0xd1: {  	[tilespmem:s16], [sflag:$0x1] =	stream.indirect.gather [spmem:s1], $0x80, s13, s12, $0xb8;
	[tilespmem:$0x116C0] =	vst v63  }
0xd2: {  	_ =	swait.ge [sflag:s20], $0x2800  }
0xd3: {  	[sflag:s20] =	ssyncset.done $0x0  }
0xd4: {  	[sflag:s20] =	ssyncadd.s32 $0xFFFFD800  }
0xd5: {  	[hbm4b:s5+s2] =	stream.linear.scatter [tilespmem:s16], [sflag:$0x3], $0x2800, $0x38;
	[tilespmem:$0x116C0] =	vst v63  }
0xd6: {  	_ =	swait.ge [sflag:s15], $0x2800  }
0xd7: {  	[sflag:s15] =	ssyncset.done $0x0  }
0xd8: {  	[sflag:s15] =	ssyncadd.s32 $0xFFFFD800  }
0xd9: {  	[tilespmem:$0x80] =	vst v14  }
0xda: {  	[tilespmem:$0x90] =	vst v15  }
0xdb: {  	[tilespmem:$0xA0] =	vst v16  }
0xdc: {  	[tilespmem:$0xB0] =	vst v17  }
0xdd: {  	[tilespmem:$0xC0] =	vst v18  }
0xde: {  	[tilespmem:s16], [sflag:$0x1] =	stream.indirect.gather [spmem:s1], $0x80, s13, s12, $0xb8;
	[tilespmem:$0x116C0] =	vst v63  }
0xdf: {  	_ =	swait.ge [sflag:s20], $0x2800  }
0xe0: {  	[sflag:s20] =	ssyncset.done $0x0  }
0xe1: {  	[sflag:s20] =	ssyncadd.s32 $0xFFFFD800  }
0xe2: {  	[hbm4b:s6+s2] =	stream.linear.scatter [tilespmem:s16], [sflag:$0x3], $0x2800, $0x38;
	[tilespmem:$0x116C0] =	vst v63  }
0xe3: {  	_ =	swait.ge [sflag:s15], $0x2800  }
0xe4: {  	[sflag:s15] =	ssyncset.done $0x0  }
0xe5: {  	[sflag:s15] =	ssyncadd.s32 $0xFFFFD800  }
0xe6: {  	[tilespmem:$0x80] =	vst v19  }
0xe7: {  	[tilespmem:$0x90] =	vst v20  }
0xe8: {  	[tilespmem:$0xA0] =	vst v21  }
0xe9: {  	[tilespmem:$0xB0] =	vst v22  }
0xea: {  	[tilespmem:$0xC0] =	vst v23  }
0xeb: {  	v25 =	vimm.s32 @!p0 $0x1387;
	[tilespmem:s16], [sflag:$0x1] =	stream.indirect.gather [spmem:s1], $0x80, s13, s12, $0xb8;
	[tilespmem:$0x116C0] =	vst v63  }
0xec: {  	v26 =	vsel @!p0 vm0, $0x1380, v25;
	_ =	swait.ge [sflag:s20], $0x2800  }
0xed: {  	v26 =	vsel @!p0 vm1, $0x1381, v26;
	[sflag:s20] =	ssyncset.done $0x0  }
0xee: {  	v26 =	vsel @!p0 vm2, $0x1382, v26;
	[sflag:s20] =	ssyncadd.s32 $0xFFFFD800  }
0xef: {  	v26 =	vsel @!p0 vm3, $0x1383, v26;
	[hbm4b:s7+s2] =	stream.linear.scatter [tilespmem:s16], [sflag:$0x3], $0x2400, $0x38;
	[tilespmem:$0x116C0] =	vst v63  }
0xf0: {  	v26 =	vsel @!p0 vm4, $0x1384, v26;
	_ =	swait.ge [sflag:s15], $0x2400  }
0xf1: {  	v26 =	vsel @!p0 vm5, $0x1385, v26;
	[sflag:s15] =	ssyncset.done $0x0  }
0xf2: {  	v26 =	vsel @!p0 vm6, $0x1386, v26;
	[sflag:s15] =	ssyncadd.s32 $0xFFFFDC00  }
0xf3: {  	[tilespmem:$0x80] =	vst @!p0 v26  }
0xf4: {  	[tilespmem:$0x90] =	vst @!p0 v25  }
0xf5: {  	[tilespmem:$0xA0] =	vst @!p0 v25  }
0xf6: {  	[tilespmem:$0xB0] =	vst @!p0 v25  }
0xf7: {  	s23 =	simm.s32 @!p0 $0x50;
	s24 =	simm.s32 @!p0 $0x80;
	s25 =	simm.s32 @!p0 $0x100;
	[tilespmem:$0xC0] =	vst @!p0 v25  }
0xf8: {  	[tilespmem:s25], [sflag:$0x1] =	stream.indirect.gather @!p0 [spmem:s1], $0x80, s24, s23, $0xb8;
	[tilespmem:$0x116C0] =	vst v63  }
0xf9: {  	s23 =	simm.s32 @!p0 $0x1  }
0xfa: {  	_ =	swait.ge @!p0 [sflag:s23], $0x2800  }
0xfb: {  	s22 =	sadd.s32 $0x1, s22;
	[sflag:s23] =	ssyncset.done @!p0 $0x0  }
0xfc: {  	p1 =	sne.s32 s22, s9;
	[sflag:s23] =	ssyncadd.s32 @!p0 $0xFFFFD800;
	s23 =	simm.s32 @!p0 $0x0  }
0xfd: {  	[hbm4b:s8+s23] =	stream.linear.scatter @!p0 [tilespmem:s25], [sflag:$0x3], $0x400, $0x38;
	[tilespmem:$0x116C0] =	vst v63  }
.Ltmp3:
0xfe: {  	_ = 	snop;
	(pc) =	sbr.rel @p1 .LBB2_1-.Ltmp3, $4  }
0xff: {  	s23 =	simm.s32 @!p0 $0x3  }
0x100: {  	_ =	swait.ge @!p0 [sflag:s23], $0x400  }
0x101: {  	[sflag:s23] =	ssyncset.done @!p0 $0x0  }
0x102: {  	[sflag:s23] =	ssyncadd.s32 @!p0 $0xFFFFFC00  }
0x103: {  	_ =	sfence.sel $0x180000  }
0x104: {  	[bflag:$0x0] =	sbarrier.arrive $0xFFFF  }
0x105: {  	_ =	strace $0x9000004A  }
0x106: {  	s0 =	sadd.s32 @!p0 $0x100000, s0;
	[bflag:$0x2] =	sbarrier.arrive $0xFFFF  }
0x107: {  	[sflag:s0] =	ssyncadd.tile.s32 @!p0 $0x1;
	_ =	shalt  }
.Lfunc_end2:
_tile_overlayer_lowered:
.L_overlay_start_2:
0x108: {  	(tag) =	ssettag $0x2  }
0x109: {  	s0 =	rddreg [dreg:$0x0];
	s2 =	stileid.u32  }
0x10a: {  	s1 =	rddreg [dreg:$0x1];
	p0 =	sne.s32 s2, $0x0  }
0x10b: {  	s3 =	rddreg [dreg:$0x2];
	[bflag:$0x3] =	sbarrier.arrive $0xFFFF;
	s2 =	simm.s32 @!p0 $0x1C03  }
0x10c: {  	[timem:s3], [sflag:s2] =	dma.local @!p0 [hbm:s0], s1  }
0x10d: {  	s0 =	simm.s32 @!p0 $0x3  }
0x10e: {  	_ =	swait.ge @!p0 [sflag:s0], s1  }
0x10f: {  	s1 =	ssub.s32 @!p0 $0x0, s1;
	[sflag:s0] =	ssyncset.done @!p0 $0x0  }
0x110: {  	[sflag:s0] =	ssyncadd.s32 @!p0 s1  }
0x111: {  	[bflag:$0x3] =	sbarrier.arrive $0xFFFF  }
0x112: {  	_ =	shalt  }

// kernel: kernel.14.cloned.1.call-start
scs
__scs_entry_jumppad:
0x0: {  	(pc) =	sbr.rel $0x88, $3  }
0x1: {  	(tag) =	ssettag $0x0;
	lr =	simm.s32 $0x1  }
0x2: {  	[smem:$0x3F99] =	sst lr;
	_ =	strace $0xD0000000  }
0x3: {  	_ = 	snop  }
0x4: {  	_ = 	snop  }
0x5: {  	_ = 	snop  }
0x6: {  	_ = 	snop  }
0x7: {  	_ = 	snop  }
__scs_overlays_trampoline_lowered:
0x8: {  	[smem:$0x3FA8] =	sst s0  }
0x9: {  	[smem:$0x3FA9] =	sst s1  }
0xa: {  	[smem:$0x3FAA] =	sst s2  }
0xb: {  	[smem:$0x3FAB] =	sst s3  }
0xc: {  	[smem:$0x3FAC] =	sst s4  }
0xd: {  	[smem:$0x3FAD] =	sst s5  }
0xe: {  	[smem:$0x3FAE] =	sst s6  }
0xf: {  	[smem:$0x3FAF] =	sst s7  }
0x10: {  	[smem:$0x3FB0] =	sst s8  }
0x11: {  	[smem:$0x3FB1] =	sst s9;
	s0 =	simm.s32 @!p0 $0x0  }
0x12: {  	s1 =	sld [smem:$0x3F97];
	s0 =	simm.s32 @p0 $0x1  }
0x13: {  	[smem:$0x3FB2] =	sst s0;
	s0 =	simm.s32 @!p1 $0x0  }
0x14: {  	s2 =	sld [smem:$0x3F96];
	s0 =	simm.s32 @p1 $0x1  }
0x15: {  	[smem:$0x3FB3] =	sst s0;
	s0 =	simm.s32 @!p2 $0x0  }
0x16: {  	s3 =	sld [smem:$0x3FDB];
	s0 =	simm.s32 @p2 $0x1  }
0x17: {  	s4 =	simm.s32 $0x1BF5;
	[smem:$0x3FB5] =	sst s0  }
0x18: {  	s0 =	sld [smem:$0x3F98];
	_ =	swait.ge [sflag:s4], $0x0  }
0x19: {  	s7 =	sld [smem:$0x3F99]  }
0x1a: {  	s8 =	sadd.s32 $0xFFFFE003, lr  }
0x1b: {  	s9 =	sadd.s32 $0xFFFFFEF7, lr;
	s5 =	simm.s32 $0xFFFFFFFF;
	p2 =	slt.u32 s8, $0xFFFFF086  }
0x1c: {  	p1 =	slt.u32 s9, $0xF7A;
	s5 =	simm.s32 @!p2 $0x0  }
0x1d: {  	s5 =	simm.s32 @p1 $0x1;
	p0 =	seq.s32 s7, s2  }
0x1e: {  	s7 =	smul.u32 @!p0 $0xF7A, s2;
	p2 =	seq.s32 @!p0 s5, $0x0  }
0x1f: {  	s9 =	smul.u32 $0xF7A, s1;
	s8 =	simm.s32 @!p0 $0x1BF5;
	p2 =	por !p2, p0  }
0x20: {  	[sflag:s8] =	ssyncset.s32 @!p0 $0xFFFFF086;
	s6 =	sadd.s32 @!p0 s3, s7;
	s7 =	simm.s32 @!p0 $0x108  }
0x21: {  	s3 =	sadd.s32 s3, s9;
	s6 =	sadd.s32 @!p0 $0x88, s6;
	s7 =	simm.s32 @p2 $0x1082  }
0x22: {  	[simem:s7], [sflag:s8] =	dma.local @!p0 [hbm:s6], $0xF7A  }
0x23: {  	s9 =	sor.u32 $0xD0000000, s2;
	s6 =	simm.s32 $0x108;
	_ =	swait.ge @!p0 [sflag:s8], $0x0  }
0x24: {  	s3 =	sadd.s32 $0x88, s3;
	s6 =	simm.s32 @!p1 $0x1082;
	[sflag:s4] =	ssyncset.s32 $0xFFFFF086  }
0x25: {  	[simem:s6], [sflag:s4] =	dma.local [hbm:s3], $0xF7A  }
0x26: {  	[smem:$0x3F99] =	sst s1;
	(tag) =	ssettag s2;
	_ =	strace s9  }
0x27: {  	s1 =	sld [smem:$0x3FA9]  }
0x28: {  	s2 =	sld [smem:$0x3FAA]  }
0x29: {  	s4 =	sld [smem:$0x3FAC]  }
0x2a: {  	p0 =	seq.s32 s5, $0x0;
	s5 =	sld [smem:$0x3FAD]  }
0x2b: {  	s6 =	sld [smem:$0x3FAE]  }
0x2c: {  	s7 =	sld [smem:$0x3FAF]  }
0x2d: {  	s3 =	simm.s32 $0x108;
	s8 =	sld [smem:$0x3FB0]  }
0x2e: {  	s3 =	simm.s32 @!p0 $0x1082;
	s9 =	sld [smem:$0x3FB1]  }
0x2f: {  	lr =	sadd.s32 s0, s3;
	s0 =	sld [smem:$0x3FA8]  }
0x30: {  	s3 =	sld [smem:$0x3FAB]  }
0x31: {  	[smem:$0x3FB4] =	sst s10  }
0x32: {  	s10 =	sld [smem:$0x3FB2];
	_ =	sdelay $0x3  }
0x33: {  	p0 =	seq.s32 s10, $0x1;
	s10 =	sld [smem:$0x3FB4];
	_ =	sdelay $0x3  }
0x34: {  	[smem:$0x3FB4] =	sst s10  }
0x35: {  	s10 =	sld [smem:$0x3FB3];
	_ =	sdelay $0x3  }
0x36: {  	p1 =	seq.s32 s10, $0x1;
	s10 =	sld [smem:$0x3FB4];
	_ =	sdelay $0x3  }
0x37: {  	[smem:$0x3FB4] =	sst s10  }
0x38: {  	s10 =	sld [smem:$0x3FB5]  }
0x39: {  	_ = 	snop;
	(pc) =	sbr.ind lr, $3  }
0x3a: {  	_ = 	snop  }
0x3b: {  	_ = 	snop  }
0x3c: {  	p2 =	seq.s32 s10, $0x1;
	s10 =	sld [smem:$0x3FB4]  }
0x3d: {  	_ =	shalt  }
0x3e: {  	_ =	shalt  }
0x3f: {  	_ =	shalt  }
0x40: {  	_ =	shalt  }
0x41: {  	_ =	shalt  }
0x42: {  	_ =	shalt  }
0x43: {  	_ =	shalt  }
0x44: {  	_ =	shalt  }
0x45: {  	_ =	shalt  }
0x46: {  	_ =	shalt  }
0x47: {  	_ =	shalt  }
0x48: {  	_ =	shalt  }
0x49: {  	_ =	shalt  }
0x4a: {  	_ =	shalt  }
0x4b: {  	_ =	shalt  }
0x4c: {  	_ =	shalt  }
0x4d: {  	_ =	shalt  }
0x4e: {  	_ =	shalt  }
0x4f: {  	_ =	shalt  }
0x50: {  	_ =	shalt  }
0x51: {  	_ =	shalt  }
0x52: {  	_ =	shalt  }
0x53: {  	_ =	shalt  }
0x54: {  	_ =	shalt  }
0x55: {  	_ =	shalt  }
0x56: {  	_ =	shalt  }
0x57: {  	_ =	shalt  }
0x58: {  	_ =	shalt  }
0x59: {  	_ =	shalt  }
0x5a: {  	_ =	shalt  }
0x5b: {  	_ =	shalt  }
0x5c: {  	_ =	shalt  }
0x5d: {  	_ =	shalt  }
0x5e: {  	_ =	shalt  }
0x5f: {  	_ =	shalt  }
0x60: {  	_ =	shalt  }
0x61: {  	_ =	shalt  }
0x62: {  	_ =	shalt  }
0x63: {  	_ =	shalt  }
0x64: {  	_ =	shalt  }
0x65: {  	_ =	shalt  }
0x66: {  	_ =	shalt  }
0x67: {  	_ =	shalt  }
0x68: {  	_ =	shalt  }
0x69: {  	_ =	shalt  }
0x6a: {  	_ =	shalt  }
0x6b: {  	_ =	shalt  }
0x6c: {  	_ =	shalt  }
0x6d: {  	_ =	shalt  }
0x6e: {  	_ =	shalt  }
0x6f: {  	_ =	shalt  }
0x70: {  	_ =	shalt  }
0x71: {  	_ =	shalt  }
0x72: {  	_ =	shalt  }
0x73: {  	_ =	shalt  }
0x74: {  	_ =	shalt  }
0x75: {  	_ =	shalt  }
0x76: {  	_ =	shalt  }
0x77: {  	_ =	shalt  }
0x78: {  	_ =	shalt  }
0x79: {  	_ =	shalt  }
0x7a: {  	_ =	shalt  }
0x7b: {  	_ =	shalt  }
0x7c: {  	_ =	shalt  }
0x7d: {  	_ =	shalt  }
0x7e: {  	_ =	shalt  }
0x7f: {  	_ =	shalt  }
0x80: {  	_ =	shalt  }
0x81: {  	_ =	shalt  }
0x82: {  	_ =	shalt  }
0x83: {  	_ =	shalt  }
0x84: {  	_ =	shalt  }
0x85: {  	_ =	shalt  }
0x86: {  	_ =	shalt  }
0x87: {  	_ =	shalt  }
.Lfunc_end0:
.L_simem_size_0:
called_computation.2_lowered:
.L_overlay_start_0:
0x88: {  	s2 =	sld [smem:$0x3FD9]  }
0x89: {  	s3 =	sld [smem:$0x3FFE];
	_ =	sdelay $0x1  }
0x8a: {  	s1 =	srdreg.scid  }
0x8b: {  	s0 =	sand.u32 $0x1, s1  }
0x8c: {  	s17 =	sshll.u32 s0, $0xA;
	s2 =	sadd.s32 s3, s2  }
0x8d: {  	s2 =	sadd.s32 s2, s17  }
0x8e: {  	[smem:$0x3FC0] =	sst s2  }
0x8f: {  	_ = 	snop  }
0x90: {  	s2 =	sld [smem:$0x3FD0];
	(tm) =	ssettm $0x1  }
0x91: {  	s18 =	sld [smem:$0x3FFB];
	_ =	sdelay $0x3  }
0x92: {  	_ =	strace s18  }
0x93: {  	s3 =	sld [smem:$0x3FFC];
	_ =	sdelay $0x3  }
0x94: {  	_ =	strace s3  }
0x95: {  	s3 =	sld [smem:$0x3FFD];
	_ =	sdelay $0x3  }
0x96: {  	_ =	strace s3  }
0x97: {  	_ =	strace $0x8FFFFFFF  }
0x98: {  	s19 =	sld [smem:$0x3FDB];
	_ =	sdelay $0x1  }
0x99: {  	s4 =	simm.s32 $_scs_section_size  }
0x9a: {  	s5 =	simm.s32 $_size__tile_overlayer_lowered;
	s6 =	simm.s32 $_tile_overlayer_lowered  }
0x9b: {  	s22 =	simm.s32 $0x1BFF;
	s21 =	sshll.u32 s6, $0x1;
	s3 =	sadd.s32 s4, s19  }
0x9c: {  	s7 =	simm.s32 $0x0;
	s20 =	sshll.u32 s5, $0x1;
	s5 =	sadd.s32 s21, s3  }
0x9d: {  	[timem:s7], [sflag:s22] =	dma.local [hbm:s5], s20  }
0x9e: {  	_ =	swait.ge [sflag:s22], s20  }
0x9f: {  	s4 =	ssub.s32 $0x0, s20;
	[sflag:s22] =	ssyncset.done $0x0  }
0xa0: {  	[sflag:s22] =	ssyncadd.s32 s4;
	_ =	sdelay $0x1  }
0xa1: {  	s23 =	simm.s32 $0x1B8B  }
0xa2: {  	_ =	swait.ge [sflag:s23], $0x1  }
0xa3: {  	[sflag:s23] =	ssyncset.done $0x0  }
0xa4: {  	s25 =	simm.s32 $0x1B8E;
	s24 =	sld [smem:$0x3FFE];
	[sflag:s23] =	ssyncadd.s32 $0xFFFFFFFF  }
0xa5: {  	s26 =	simm.s32 $execute0_lowered;
	[smem:$0x3FD2] =	sst s25  }
0xa6: {  	s5 =	sshll.u32 s26, $0x1;
	_ =	strace $0x8000004C;
	[dreg:$0x1] =	wrdreg $0xFFFFFFFF  }
0xa7: {  	s28 =	simm.s32 $_size_execute0_lowered;
	s3 =	sadd.s32 s3, s5;
	[dreg:$0x0] =	wrdreg $0x0  }
0xa8: {  	s5 =	sshll.u32 s28, $0x1;
	[dreg:$0x2] =	wrdreg s3  }
0xa9: {  	[dreg:$0x3] =	wrdreg s5  }
0xaa: {  	[dreg:$0x4] =	wrdreg $0xC0  }
0xab: {  	_ =	task [dreg:s7], $0x5FFFF  }
0xac: {  	[dreg:$0x1] =	wrdreg $0xFFFFFFFF  }
0xad: {  	[dreg:$0x0] =	wrdreg $0x60  }
0xae: {  	[dreg:$0x2] =	wrdreg s24  }
0xaf: {  	[dreg:$0x3] =	wrdreg s2  }
0xb0: {  	[dreg:$0x4] =	wrdreg $0x7A000  }
0xb1: {  	[dreg:$0x5] =	wrdreg $0x9  }
0xb2: {  	_ =	task.clear_ibuf [dreg:s7], $0x6FFFF;
	_ =	strace $0x9000004C  }
0xb3: {  	s29 =	simm.s32 $0x9;
	_ =	strace $0x8000004E  }
0xb4: {  	_ =	swait.ge [sflag:s29], $0x1  }
0xb5: {  	[sflag:s29] =	ssyncadd.s32 $0xFFFFFFFF  }
0xb6: {  	_ =	strace $0x9000004E  }
0xb7: {  	_ =	sfence  }
0xb8: {  	s30 =	sld [smem:$0x0];
	_ =	sdelay $0x2  }
0xb9: {  	s31 =	sshll.u32 s1, $0xD;
	s1 =	sshrl.u32 s1, $0x2  }
0xba: {  	s3 =	sand.u32 $0x4000, s31;
	s1 =	sadd.s32 s1, s30  }
0xbb: {  	s0 =	sor.u32 s3, s0;
	s1 =	sshll.u32 s1, $0x11  }
0xbc: {  	s0 =	sor.u32 s1, s0  }
0xbd: {  	s0 =	sadd.s32 $0x8F2B, s0  }
0xbe: {  	[sflag:s0] =	ssyncadd.remote.s32 $0x1  }
0xbf: {  	_ =	sfence.sel $0xFFFF  }
0xc0: {  	[dreg:$0x0] =	wrdreg $0xFFFFFFFF;
	(pc) =	sbr.abs _section_cstart, $3  }
0xc1: {  	[dreg:$0x1] =	wrdreg $0xFFFFFFFF  }
0xc2: {  	_ =	task.clear_ibuf [dreg:s7], $0x2FFFF;
	_ =	strace $0x9FFFFFFF  }
0xc3: {  	(tm) =	ssettm $0x7FFFFFFF  }
tec
execute0_lowered:
.L_overlay_start_1:
0x0: {  	(tag) =	ssettag $0x1  }
0x1: {  	v3 =	vlaneseq.u32;
	v19 =	vimm.s32 $0x137  }
0x2: {  	vm0 =	vcmask $0x300;
	v14 =	vor.u32 $0xA0, v3;
	v15 =	vor.u32 $0xB0, v3  }
0x3: {  	s14 =	stileid.u32;
	v16 =	vor.u32 $0xC0, v3;
	v17 =	vor.u32 $0xD0, v3;
	v18 =	vor.u32 $0xE0, v3  }
0x4: {  	s28 =	sadd.s32 $0x1388, s14;
	v20 =	vor.u32 $0xF0, v3;
	v21 =	vsel vm0, $0x130, v19;
	vm0 =	vcmask $0x704;
	p0 =	sne.s32 s14, $0x0  }
0x5: {  	s15 =	smul.u32 $0x138, s14;
	v23 =	vor.u32 $0x120, v3;
	v2 =	vmov s28;
	vm1 =	vcmask @!p0 $0x704  }
0x6: {  	vm2 =	vcmask @!p0 $0xB08;
	vm3 =	vcmask @!p0 $0xF0C;
	vm4 =	vcmask @!p0 $0x1310  }
0x7: {  	s0 =	srdreg.scid;
	vm5 =	vcmask @!p0 $0x1714;
	vm6 =	vcmask @!p0 $0x1B18;
	v0 =	vmov s15  }
0x8: {  	s4 =	sand.u32 $0x1, s0;
	v14 =	vadd.s32 s15, v14;
	v15 =	vadd.s32 s15, v15;
	v16 =	vadd.s32 s15, v16  }
0x9: {  	s5 =	smul.u32 $0x1388, s4;
	v17 =	vadd.s32 s15, v17;
	v18 =	vadd.s32 s15, v18;
	v19 =	vadd.s32 s15, v20  }
0xa: {  	v20 =	vsel vm0, $0x131, v21;
	vm0 =	vcmask $0xB08;
	v21 =	vor.u32 $0x100, v3  }
0xb: {  	v1 =	vmov s5;
	v4 =	vadd.s32 $0x10, v0;
	v6 =	vadd.s32 $0x30, v0  }
0xc: {  	s6 =	rddreg [dreg:$0x0];
	v10 =	vadd.s32 $0x50, v0;
	v11 =	vadd.s32 $0x70, v0;
	v12 =	vadd.s32 $0x80, v0  }
0xd: {  	s11 =	rddreg [dreg:$0x1];
	v13 =	vadd.s32 $0x90, v0;
	v22 =	vsel vm0, $0x132, v20;
	vm0 =	vcmask $0xF0C  }
0xe: {  	s1 =	rddreg [dreg:$0x2];
	s2 =	simm.s32 $0x0;
	s13 =	simm.s32 $0x80;
	v20 =	vadd.s32 s15, v21;
	v5 =	vbroadcast v4, $0x0;
	v4 =	vadd.s32 $0x20, v0  }
0xf: {  	s16 =	simm.s32 $0x100;
	s17 =	simm.s32 $0x2900;
	s18 =	simm.s32 $0x2980;
	v8 =	vbroadcast v6, $0x0;
	v6 =	vadd.s32 $0x40, v0;
	v11 =	vbroadcast v11, $0x0  }
0x10: {  	s19 =	simm.s32 $0x2A00;
	s20 =	simm.s32 $0x1;
	s0 =	rddreg [dreg:$0x3];
	v12 =	vbroadcast v12, $0x0;
	v13 =	vbroadcast v13, $0x0;
	v21 =	vsel vm0, $0x133, v22  }
0x11: {  	s21 =	simm.s32 $0x2;
	s22 =	simm.s32 $0x0;
	[smem:$0x7FF] =	sst s2;
	vm0 =	vcmask $0x1310;
	v22 =	vor.u32 $0x110, v3;
	v7 =	vbroadcast v4, $0x0  }
0x12: {  	s12 =	smul.u32 $0x9C4, s14;
	s3 =	sadd.s32 $0x5A600, s6;
	s14 =	simm.s32 $0x5200;
	v4 =	vadd.s32 s15, v3;
	v9 =	vbroadcast v6, $0x0;
	v21 =	vsel vm0, $0x134, v21  }
0x13: {  	_ =	strace $0x8000004D;
	s7 =	smul.u32 $0x9C400, s4;
	s8 =	ssub.s32 $0x2, s4;
	vm0 =	vcmask $0x1714;
	v5 =	vadd.s32 v3, v5;
	v11 =	vadd.s32 v3, v11  }
0x14: {  	s10 =	sadd.s32 s12, s6;
	s6 =	sadd.s32 $0x81800, s6;
	s30 =	sshrl.u32 s8, $0x1;
	v12 =	vadd.s32 v3, v12;
	v13 =	vadd.s32 v3, v13;
	v24 =	vsel vm0, $0x135, v21  }
0x15: {  	s11 =	sadd.s32 s12, s11;
	s12 =	simm.s32 $0x50;
	s5 =	sadd.s32 s15, s5;
	vm0 =	vcmask $0x1B18;
	v6 =	vadd.s32 v3, v7;
	v7 =	vadd.s32 v3, v8  }
0x16: {  	s7 =	sshrl.u32 s7, $0x3;
	s9 =	ssub.s32 s8, s30;
	s29 =	sshll.u32 s5, $0x4;
	v8 =	vadd.s32 v3, v9;
	v9 =	vbroadcast v10, $0x0;
	v10 =	vadd.s32 $0x60, v0  }
0x17: {  	s10 =	sadd.s32 $0x2400, s10;
	s31 =	sadd.s32 s6, s7;
	s4 =	sadd.s32 s6, s29;
	v21 =	vadd.s32 s15, v22;
	v22 =	vadd.s32 s15, v23;
	v10 =	vbroadcast v10, $0x0  }
0x18: {  	s9 =	smax.u32 s9, $0x1;
	s8 =	sadd.s32 $0x13800, s31;
	s5 =	sadd.s32 $0x500, s4;
	v23 =	vsel vm0, $0x136, v24;
	v24 =	vimm.f32 $0.0e+00;
	vm0 =	vcmask @!p0 $0x300  }
0x19: {  	s6 =	sadd.s32 $0xA00, s4;
	s7 =	sadd.s32 $0xF00, s4;
	v23 =	vadd.s32 s15, v23;
	s15 =	simm.s32 $0x3;
	v9 =	vadd.s32 v3, v9;
	v10 =	vadd.s32 v3, v10  }
.LBB2_1:
0x1a: {  	s23 =	simm.s32 $0x70;
	s24 =	simm.s32 $0x3C0  }
.LBB2_2:
0x1b: {  	p1 =	sne.s32 s24, $0x9FC0;
	[tilespmem:s23+$0x5200] =	vst v24  }
0x1c: {  	[tilespmem:s23+$0x5190] =	vst v24  }
0x1d: {  	[tilespmem:s23+$0x51A0] =	vst v24  }
.Ltmp0:
0x1e: {  	[tilespmem:s23+$0x51B0] =	vst v24;
	(pc) =	sbr.rel @p1 .LBB2_2-.Ltmp0, $4  }
0x1f: {  	[tilespmem:s23+$0x51C0] =	vst v24  }
0x20: {  	[tilespmem:s23+$0x51D0] =	vst v24  }
0x21: {  	[tilespmem:s23+$0x51E0] =	vst v24  }
0x22: {  	[tilespmem:s23+$0x51F0] =	vst v24;
	s23 =	sshra.s32 s24, $0x2;
	s24 =	sadd.s32 $0x200, s24  }
0x23: {  	[tilespmem:s23+$0x5200] =	vst v24  }
0x24: {  	[tilespmem:s23+$0x5190] =	vst v24  }
0x25: {  	[tilespmem:s23+$0x51A0] =	vst v24  }
0x26: {  	[tilespmem:s23+$0x51B0] =	vst v24;
	s24 =	simm.s32 $0x40;
	s25 =	simm.s32 $0x0  }
0x27: {  	[tilespmem:s23+$0x51C0] =	vst v24;
	s29 =	simm.s32 $0x10;
	s31 =	simm.s32 $0x30;
	v26 =	vor.u32 s25, v3;
	v27 =	vor.u32 s24, v3  }
0x28: {  	[tilespmem:s23+$0x51D0] =	vst v24;
	v25 =	vor.u32 s29, v3;
	v29 =	vor.u32 s31, v3;
	vm7 =	vlt.s32 v26, $0x137  }
0x29: {  	s30 =	simm.s32 $0x20;
	[tilespmem:s23+$0x51E0] =	vst v24;
	vm8 =	vlt.s32 v27, $0x137;
	vm9 =	vlt.s32 v29, $0x137;
	v28 =	vnsel vm7, $0x137, v26  }
0x2a: {  	[tilespmem:s23+$0x51F0] =	vst v24;
	v26 =	vor.u32 s30, v3;
	v30 =	vnsel vm8, $0x137, v27;
	v28 =	vadd.s32 v0, v28  }
0x2b: {  	s23 =	simm.s32 $0x90;
	v27 =	vnsel vm9, $0x137, v29;
	vm7 =	vlt.s32 v26, $0x137;
	[tilespmem:$0x80] =	vst v28;
	v28 =	vadd.s32 v0, v30  }
.LBB2_4:
0x2c: {  	p1 =	sne.s32 s23, $0x130;
	vm8 =	vlt.s32 v25, $0x137;
	v26 =	vnsel vm7, $0x137, v26;
	v27 =	vadd.s32 v0, v27;
	[tilespmem:$0xC0] =	vst v28  }
0x2d: {  	v25 =	vnsel vm8, $0x137, v25;
	v26 =	vadd.s32 v0, v26;
	[tilespmem:$0xB0] =	vst v27  }
0x2e: {  	s24 =	sadd.s32 $0xFFFFFFC0, s23;
	s25 =	sadd.s32 $0xFFFFFFD0, s23;
	v25 =	vadd.s32 v0, v25;
	[tilespmem:$0xA0] =	vst v26  }
0x2f: {  	[tilespmem:$0x90] =	vst v25;
	[spmem:s1] =	stream.indirect.scatter [tilespmem:s14], [sflag:$0x3], $0x80, s13, s12, $0xb8  }
.Ltmp1:
0x30: {  	v27 =	vor.u32 s23, v3;
	v26 =	vor.u32 s24, v3;
	(pc) =	sbr.rel @p1 .LBB2_4-.Ltmp1, $4  }
0x31: {  	s24 =	sadd.s32 $0xFFFFFFE0, s23;
	vm8 =	vlt.s32 v27, $0x137;
	vm7 =	vlt.s32 v26, $0x137;
	v25 =	vor.u32 s25, v3;
	s25 =	sadd.s32 $0xFFFFFFF0, s23;
	_ =	swait.ge [sflag:s15], $0x2800  }
0x32: {  	v28 =	vnsel vm7, $0x137, v26;
	v26 =	vor.u32 s24, v3;
	v29 =	vor.u32 s25, v3;
	[sflag:s15] =	ssyncset.done $0x0  }
0x33: {  	v30 =	vnsel vm8, $0x137, v27;
	v28 =	vadd.s32 v0, v28;
	vm9 =	vlt.s32 v29, $0x137;
	[sflag:s15] =	ssyncadd.s32 $0xFFFFD800  }
0x34: {  	s23 =	sadd.s32 $0x50, s23;
	vm7 =	vlt.s32 v26, $0x137;
	v27 =	vnsel vm9, $0x137, v29;
	[tilespmem:$0x80] =	vst v28;
	v28 =	vadd.s32 v0, v30  }
0x35: {  	vm8 =	vlt.s32 v25, $0x137;
	v26 =	vnsel vm7, $0x137, v26;
	v27 =	vadd.s32 v0, v27;
	[tilespmem:$0xC0] =	vst v28  }
0x36: {  	v25 =	vnsel vm8, $0x137, v25;
	v26 =	vadd.s32 v0, v26;
	[tilespmem:$0xB0] =	vst v27  }
0x37: {  	v25 =	vadd.s32 v0, v25;
	[tilespmem:$0xA0] =	vst v26  }
0x38: {  	[tilespmem:$0x90] =	vst v25  }
0x39: {  	v27 =	vimm.s32 @!p0 $0x1397;
	[spmem:s1] =	stream.indirect.scatter [tilespmem:s14], [sflag:$0x3], $0x80, s13, s12, $0xb8;
	[tilespmem:$0x116C0] =	vst v63  }
0x3a: {  	v26 =	vsel @!p0 vm0, $0x1390, v27;
	_ =	swait.ge [sflag:s15], $0x2800  }
0x3b: {  	v25 =	vsel @!p0 vm1, $0x1391, v26;
	v26 =	vlaneseq.u32 @!p0;
	[sflag:s15] =	ssyncset.done $0x0  }
0x3c: {  	v25 =	vsel @!p0 vm2, $0x1392, v25;
	v26 =	vor.u32 @!p0 $0x1380, v26;
	[sflag:s15] =	ssyncadd.s32 $0xFFFFD800  }
0x3d: {  	v25 =	vsel @!p0 vm3, $0x1393, v25;
	[tilespmem:$0x80] =	vst @!p0 v26  }
0x3e: {  	v25 =	vsel @!p0 vm4, $0x1394, v25;
	[tilespmem:$0xA0] =	vst @!p0 v27  }
0x3f: {  	v25 =	vsel @!p0 vm5, $0x1395, v25;
	[tilespmem:$0xB0] =	vst @!p0 v27  }
0x40: {  	v25 =	vsel @!p0 vm6, $0x1396, v25;
	[tilespmem:$0xC0] =	vst @!p0 v27  }
0x41: {  	s23 =	simm.s32 @!p0 $0x50;
	s24 =	simm.s32 @!p0 $0x80;
	s25 =	simm.s32 @!p0 $0x5200;
	[tilespmem:$0x90] =	vst @!p0 v25  }
0x42: {  	[spmem:s1] =	stream.indirect.scatter @!p0 [tilespmem:s25], [sflag:$0x3], $0x80, s24, s23, $0xb8;
	[tilespmem:$0x116C0] =	vst v63  }
0x43: {  	s23 =	simm.s32 @!p0 $0x3  }
0x44: {  	_ =	swait.ge @!p0 [sflag:s23], $0x2800  }
0x45: {  	[sflag:s23] =	ssyncset.done @!p0 $0x0  }
0x46: {  	[sflag:s23] =	ssyncadd.s32 @!p0 $0xFFFFD800  }
0x47: {  	s29 =	sadd.s32 $0x0, s11;
	[bflag:$0x0] =	sbarrier.arrive $0xFFFF  }
0x48: {  	[tilespmem:s2], [sflag:$0x3] =	stream.linear.gather [hbm4b:s29+s2], $0x50, $0x38;
	[tilespmem:$0x116C0] =	vst v63  }
0x49: {  	_ =	swait.ge [sflag:s15], $0x50  }
0x4a: {  	[sflag:s15] =	ssyncset.done $0x0  }
0x4b: {  	s30 =	sadd.s32 $0x0, s10;
	[sflag:s15] =	ssyncadd.s32 $0xFFFFFFB0  }
0x4c: {  	[tilespmem:s13], [sflag:$0x3] =	stream.linear.gather [hbm4b:s30+s2], $0x50, $0x38;
	[tilespmem:$0x116C0] =	vst v63  }
0x4d: {  	_ =	swait.ge [sflag:s15], $0x50  }
0x4e: {  	[sflag:s15] =	ssyncset.done $0x0  }
0x4f: {  	[sflag:s15] =	ssyncadd.s32 $0xFFFFFFB0  }
0x50: {  	[tilespmem:s16], [sflag:$0x1] =	stream.indirect.gather [hbm4b:s3+s12], $0x80, s2, s12, $0xb8;
	[tilespmem:$0x116C0] =	vst v63  }
0x51: {  	s23 =	sadd.s32 $0xA, s29  }
0x52: {  	[tilespmem:s17], [sflag:$0x3] =	stream.linear.gather [hbm4b:s23+s2], $0x50, $0x38;
	[tilespmem:$0x116C0] =	vst v63  }
0x53: {  	_ =	swait.ge [sflag:s15], $0x50  }
0x54: {  	[sflag:s15] =	ssyncset.done $0x0  }
0x55: {  	s31 =	sadd.s32 $0xA, s30;
	[sflag:s15] =	ssyncadd.s32 $0xFFFFFFB0  }
0x56: {  	[tilespmem:s18], [sflag:$0x3] =	stream.linear.gather [hbm4b:s31+s2], $0x50, $0x38;
	[tilespmem:$0x116C0] =	vst v63  }
0x57: {  	_ =	swait.ge [sflag:s15], $0x50  }
0x58: {  	[sflag:s15] =	ssyncset.done $0x0  }
0x59: {  	[sflag:s15] =	ssyncadd.s32 $0xFFFFFFB0  }
0x5a: {  	[tilespmem:s19], [sflag:$0x2] =	stream.indirect.gather [hbm4b:s3+s12], $0x80, s17, s12, $0xb8;
	[tilespmem:$0x116C0] =	vst v63  }
0x5b: {  	_ =	swait.ge [sflag:s20], $0x2800  }
0x5c: {  	[sflag:s20] =	ssyncset.done $0x0  }
0x5d: {  	[sflag:s20] =	ssyncadd.s32 $0xFFFFD800  }
0x5e: {  	v25 =	vld [tilespmem:$0xB0]  }
0x5f: {  	v26 =	vld [tilespmem:$0xC0]  }
0x60: {  	v27 =	vld [tilespmem:$0x90]  }
0x61: {  	v63 =	vld [tilespmem:$0x80]  }
0x62: {  	v29 =	vld [tilespmem:$0xA0]  }
0x63: {  	v25 =	vsub.s32 v25, v1  }
0x64: {  	v26 =	vsub.s32 v26, v1;
	vm7 =	vlt.u32 v25, $0x1388  }
0x65: {  	v27 =	vsub.s32 v27, v1;
	v25 =	vsel vm7, v25, v2;
	vm7 =	vlt.u32 v26, $0x1388  }
0x66: {  	v28 =	vsub.s32 v63, v1;
	vm8 =	vlt.u32 v27, $0x1388;
	[tilespmem:$0xB0] =	vst v25;
	v25 =	vsel vm7, v26, v2  }
0x67: {  	vm7 =	vlt.u32 v28, $0x1388;
	v26 =	vsel vm8, v27, v2;
	v27 =	vsub.s32 v29, v1;
	[tilespmem:$0xC0] =	vst v25  }
0x68: {  	v25 =	vsel vm7, v28, v2;
	[tilespmem:$0x90] =	vst v26;
	vm7 =	vlt.u32 v27, $0x1388  }
0x69: {  	[tilespmem:$0x80] =	vst v25;
	v25 =	vsel vm7, v27, v2  }
0x6a: {  	[tilespmem:$0xA0] =	vst v25  }
0x6b: {  	[spmem:s1] =	stream.indirect.scatter.add.f32 [tilespmem:s16], [sflag:$0x3], $0x80, s13, s12, $0xb8;
	[tilespmem:$0x116C0] =	vst v63  }
0x6c: {  	_ =	swait.ge [sflag:s15], $0x2800  }
0x6d: {  	[sflag:s15] =	ssyncset.done $0x0  }
0x6e: {  	[sflag:s15] =	ssyncadd.s32 $0xFFFFD800  }
0x6f: {  	_ =	swait.ge [sflag:s21], $0x2800  }
0x70: {  	[sflag:s21] =	ssyncset.done $0x0  }
0x71: {  	s23 =	simm.s32 $0x14;
	[sflag:s21] =	ssyncadd.s32 $0xFFFFD800  }
.LBB2_6:
0x72: {  	p1 =	sne.s32 s23, $0x9B0;
	v25 =	vld [tilespmem:$0x29C0];
	s24 =	smov.u32 s23;
	s23 =	sadd.s32 $0x14, s23  }
0x73: {  	v26 =	vld [tilespmem:$0x29B0]  }
0x74: {  	v27 =	vld [tilespmem:$0x29A0]  }
0x75: {  	v28 =	vld [tilespmem:$0x2990]  }
0x76: {  	v29 =	vld [tilespmem:$0x2980]  }
0x77: {  	v25 =	vsub.s32 v25, v1  }
0x78: {  	v26 =	vsub.s32 v26, v1;
	vm7 =	vlt.u32 v25, $0x1388  }
0x79: {  	v27 =	vsub.s32 v27, v1;
	vm8 =	vlt.u32 v26, $0x1388;
	v25 =	vsel vm7, v25, v2  }
0x7a: {  	v28 =	vsub.s32 v28, v1;
	vm7 =	vlt.u32 v27, $0x1388;
	v26 =	vsel vm8, v26, v2;
	[tilespmem:$0x29C0] =	vst v25  }
0x7b: {  	v25 =	vsub.s32 v29, v1;
	vm8 =	vlt.u32 v28, $0x1388;
	v27 =	vsel vm7, v27, v2;
	[tilespmem:$0x29B0] =	vst v26  }
0x7c: {  	vm7 =	vlt.u32 v25, $0x1388;
	v26 =	vsel vm8, v28, v2;
	[tilespmem:$0x29A0] =	vst v27  }
0x7d: {  	v25 =	vsel vm7, v25, v2;
	[tilespmem:$0x2990] =	vst v26  }
0x7e: {  	[tilespmem:$0x2980] =	vst v25  }
0x7f: {  	[spmem:s1] =	stream.indirect.scatter.add.f32 [tilespmem:s19], [sflag:$0x3], $0x80, s18, s12, $0xb8;
	[tilespmem:$0x116C0] =	vst v63  }
0x80: {  	_ =	swait.ge [sflag:s15], $0x2800  }
0x81: {  	[sflag:s15] =	ssyncset.done $0x0  }
0x82: {  	s25 =	sadd.s32 s24, s11;
	[sflag:s15] =	ssyncadd.s32 $0xFFFFD800  }
0x83: {  	[tilespmem:s2], [sflag:$0x3] =	stream.linear.gather [hbm4b:s25+s2], $0x50, $0x38;
	[tilespmem:$0x116C0] =	vst v63  }
0x84: {  	_ =	swait.ge [sflag:s15], $0x50  }
0x85: {  	[sflag:s15] =	ssyncset.done $0x0  }
0x86: {  	s24 =	sadd.s32 s24, s10;
	[sflag:s15] =	ssyncadd.s32 $0xFFFFFFB0  }
0x87: {  	[tilespmem:s13], [sflag:$0x3] =	stream.linear.gather [hbm4b:s24+s2], $0x50, $0x38;
	[tilespmem:$0x116C0] =	vst v63  }
0x88: {  	_ =	swait.ge [sflag:s15], $0x50  }
0x89: {  	[sflag:s15] =	ssyncset.done $0x0  }
0x8a: {  	[sflag:s15] =	ssyncadd.s32 $0xFFFFFFB0  }
0x8b: {  	[tilespmem:s16], [sflag:$0x1] =	stream.indirect.gather [hbm4b:s3+s12], $0x80, s2, s12, $0xb8;
	[tilespmem:$0x116C0] =	vst v63  }
0x8c: {  	s25 =	sadd.s32 $0xA, s25  }
0x8d: {  	[tilespmem:s17], [sflag:$0x3] =	stream.linear.gather [hbm4b:s25+s2], $0x50, $0x38;
	[tilespmem:$0x116C0] =	vst v63  }
0x8e: {  	_ =	swait.ge [sflag:s15], $0x50  }
0x8f: {  	[sflag:s15] =	ssyncset.done $0x0  }
0x90: {  	s24 =	sadd.s32 $0xA, s24;
	[sflag:s15] =	ssyncadd.s32 $0xFFFFFFB0  }
0x91: {  	[tilespmem:s18], [sflag:$0x3] =	stream.linear.gather [hbm4b:s24+s2], $0x50, $0x38;
	[tilespmem:$0x116C0] =	vst v63  }
0x92: {  	_ =	swait.ge [sflag:s15], $0x50  }
0x93: {  	[sflag:s15] =	ssyncset.done $0x0  }
0x94: {  	[sflag:s15] =	ssyncadd.s32 $0xFFFFFFB0  }
0x95: {  	[tilespmem:s19], [sflag:$0x2] =	stream.indirect.gather [hbm4b:s3+s12], $0x80, s17, s12, $0xb8;
	[tilespmem:$0x116C0] =	vst v63  }
0x96: {  	_ =	swait.ge [sflag:s20], $0x2800  }
0x97: {  	[sflag:s20] =	ssyncset.done $0x0  }
0x98: {  	[sflag:s20] =	ssyncadd.s32 $0xFFFFD800  }
0x99: {  	v25 =	vld [tilespmem:$0xB0]  }
0x9a: {  	v26 =	vld [tilespmem:$0xC0]  }
0x9b: {  	v27 =	vld [tilespmem:$0x90]  }
0x9c: {  	v28 =	vld [tilespmem:$0x80]  }
0x9d: {  	v29 =	vld [tilespmem:$0xA0]  }
0x9e: {  	v25 =	vsub.s32 v25, v1  }
0x9f: {  	vm7 =	vlt.u32 v25, $0x1388;
	v26 =	vsub.s32 v26, v1  }
0xa0: {  	v27 =	vsub.s32 v27, v1;
	v25 =	vsel vm7, v25, v2;
	vm7 =	vlt.u32 v26, $0x1388  }
0xa1: {  	v28 =	vsub.s32 v28, v1;
	vm8 =	vlt.u32 v27, $0x1388;
	[tilespmem:$0xB0] =	vst v25;
	v25 =	vsel vm7, v26, v2  }
0xa2: {  	vm7 =	vlt.u32 v28, $0x1388;
	v26 =	vsel vm8, v27, v2;
	v27 =	vsub.s32 v29, v1;
	[tilespmem:$0xC0] =	vst v25  }
0xa3: {  	v25 =	vsel vm7, v28, v2;
	[tilespmem:$0x90] =	vst v26;
	vm7 =	vlt.u32 v27, $0x1388  }
0xa4: {  	[tilespmem:$0x80] =	vst v25;
	v25 =	vsel vm7, v27, v2  }
0xa5: {  	[tilespmem:$0xA0] =	vst v25  }
0xa6: {  	[spmem:s1] =	stream.indirect.scatter.add.f32 [tilespmem:s16], [sflag:$0x3], $0x80, s13, s12, $0xb8;
	[tilespmem:$0x116C0] =	vst v63  }
0xa7: {  	_ =	swait.ge [sflag:s15], $0x2800  }
.Ltmp2:
0xa8: {  	[sflag:s15] =	ssyncset.done $0x0;
	(pc) =	sbr.rel @p1 .LBB2_6-.Ltmp2, $4  }
0xa9: {  	[sflag:s15] =	ssyncadd.s32 $0xFFFFD800  }
0xaa: {  	_ =	swait.ge [sflag:s21], $0x2800  }
0xab: {  	[sflag:s21] =	ssyncset.done $0x0  }
0xac: {  	[sflag:s21] =	ssyncadd.s32 $0xFFFFD800  }
0xad: {  	v25 =	vld [tilespmem:$0x29C0]  }
0xae: {  	v26 =	vld [tilespmem:$0x29B0]  }
0xaf: {  	v27 =	vld [tilespmem:$0x29A0]  }
0xb0: {  	v28 =	vld [tilespmem:$0x2990]  }
0xb1: {  	v29 =	vld [tilespmem:$0x2980]  }
0xb2: {  	v25 =	vsub.s32 v25, v1  }
0xb3: {  	v26 =	vsub.s32 v26, v1;
	vm7 =	vlt.u32 v25, $0x1388  }
0xb4: {  	v27 =	vsub.s32 v27, v1;
	vm8 =	vlt.u32 v26, $0x1388;
	v25 =	vsel vm7, v25, v2  }
0xb5: {  	v28 =	vsub.s32 v28, v1;
	vm7 =	vlt.u32 v27, $0x1388;
	v26 =	vsel vm8, v26, v2;
	[tilespmem:$0x29C0] =	vst v25  }
0xb6: {  	vm8 =	vlt.u32 v28, $0x1388;
	v25 =	vsub.s32 v29, v1;
	v27 =	vsel vm7, v27, v2;
	[tilespmem:$0x29B0] =	vst v26  }
0xb7: {  	v26 =	vsel vm8, v28, v2;
	vm7 =	vlt.u32 v25, $0x1388;
	[tilespmem:$0x29A0] =	vst v27  }
0xb8: {  	[tilespmem:$0x2990] =	vst v26;
	v25 =	vsel vm7, v25, v2  }
0xb9: {  	[tilespmem:$0x2980] =	vst v25  }
0xba: {  	[spmem:s1] =	stream.indirect.scatter.add.f32 [tilespmem:s19], [sflag:$0x3], $0x80, s18, s12, $0xb8;
	[tilespmem:$0x116C0] =	vst v63  }
0xbb: {  	_ =	swait.ge [sflag:s15], $0x2800  }
0xbc: {  	[sflag:s15] =	ssyncset.done $0x0  }
0xbd: {  	[sflag:s15] =	ssyncadd.s32 $0xFFFFD800  }
0xbe: {  	[bflag:$0x0] =	sbarrier.arrive $0xFFFF  }
0xbf: {  	[tilespmem:$0x80] =	vst v4  }
0xc0: {  	[tilespmem:$0x90] =	vst v5  }
0xc1: {  	[tilespmem:$0xA0] =	vst v6  }
0xc2: {  	[tilespmem:$0xB0] =	vst v7  }
0xc3: {  	[tilespmem:$0xC0] =	vst v8  }
0xc4: {  	[tilespmem:s16], [sflag:$0x1] =	stream.indirect.gather [spmem:s1], $0x80, s13, s12, $0xb8;
	[tilespmem:$0x116C0] =	vst v63  }
0xc5: {  	_ =	swait.ge [sflag:s20], $0x2800  }
0xc6: {  	[sflag:s20] =	ssyncset.done $0x0  }
0xc7: {  	[sflag:s20] =	ssyncadd.s32 $0xFFFFD800  }
0xc8: {  	[hbm4b:s4+s2] =	stream.linear.scatter [tilespmem:s16], [sflag:$0x3], $0x2800, $0x38;
	[tilespmem:$0x116C0] =	vst v63  }
0xc9: {  	_ =	swait.ge [sflag:s15], $0x2800  }
0xca: {  	[sflag:s15] =	ssyncset.done $0x0  }
0xcb: {  	[sflag:s15] =	ssyncadd.s32 $0xFFFFD800  }
0xcc: {  	[tilespmem:$0x80] =	vst v9  }
0xcd: {  	[tilespmem:$0x90] =	vst v10  }
0xce: {  	[tilespmem:$0xA0] =	vst v11  }
0xcf: {  	[tilespmem:$0xB0] =	vst v12  }
0xd0: {  	[tilespmem:$0xC0] =	vst v13  }
0xd1: {  	[tilespmem:s16], [sflag:$0x1] =	stream.indirect.gather [spmem:s1], $0x80, s13, s12, $0xb8;
	[tilespmem:$0x116C0] =	vst v63  }
0xd2: {  	_ =	swait.ge [sflag:s20], $0x2800  }
0xd3: {  	[sflag:s20] =	ssyncset.done $0x0  }
0xd4: {  	[sflag:s20] =	ssyncadd.s32 $0xFFFFD800  }
0xd5: {  	[hbm4b:s5+s2] =	stream.linear.scatter [tilespmem:s16], [sflag:$0x3], $0x2800, $0x38;
	[tilespmem:$0x116C0] =	vst v63  }
0xd6: {  	_ =	swait.ge [sflag:s15], $0x2800  }
0xd7: {  	[sflag:s15] =	ssyncset.done $0x0  }
0xd8: {  	[sflag:s15] =	ssyncadd.s32 $0xFFFFD800  }
0xd9: {  	[tilespmem:$0x80] =	vst v14  }
0xda: {  	[tilespmem:$0x90] =	vst v15  }
0xdb: {  	[tilespmem:$0xA0] =	vst v16  }
0xdc: {  	[tilespmem:$0xB0] =	vst v17  }
0xdd: {  	[tilespmem:$0xC0] =	vst v18  }
0xde: {  	[tilespmem:s16], [sflag:$0x1] =	stream.indirect.gather [spmem:s1], $0x80, s13, s12, $0xb8;
	[tilespmem:$0x116C0] =	vst v63  }
0xdf: {  	_ =	swait.ge [sflag:s20], $0x2800  }
0xe0: {  	[sflag:s20] =	ssyncset.done $0x0  }
0xe1: {  	[sflag:s20] =	ssyncadd.s32 $0xFFFFD800  }
0xe2: {  	[hbm4b:s6+s2] =	stream.linear.scatter [tilespmem:s16], [sflag:$0x3], $0x2800, $0x38;
	[tilespmem:$0x116C0] =	vst v63  }
0xe3: {  	_ =	swait.ge [sflag:s15], $0x2800  }
0xe4: {  	[sflag:s15] =	ssyncset.done $0x0  }
0xe5: {  	[sflag:s15] =	ssyncadd.s32 $0xFFFFD800  }
0xe6: {  	[tilespmem:$0x80] =	vst v19  }
0xe7: {  	[tilespmem:$0x90] =	vst v20  }
0xe8: {  	[tilespmem:$0xA0] =	vst v21  }
0xe9: {  	[tilespmem:$0xB0] =	vst v22  }
0xea: {  	[tilespmem:$0xC0] =	vst v23  }
0xeb: {  	v25 =	vimm.s32 @!p0 $0x1387;
	[tilespmem:s16], [sflag:$0x1] =	stream.indirect.gather [spmem:s1], $0x80, s13, s12, $0xb8;
	[tilespmem:$0x116C0] =	vst v63  }
0xec: {  	v26 =	vsel @!p0 vm0, $0x1380, v25;
	_ =	swait.ge [sflag:s20], $0x2800  }
0xed: {  	v26 =	vsel @!p0 vm1, $0x1381, v26;
	[sflag:s20] =	ssyncset.done $0x0  }
0xee: {  	v26 =	vsel @!p0 vm2, $0x1382, v26;
	[sflag:s20] =	ssyncadd.s32 $0xFFFFD800  }
0xef: {  	v26 =	vsel @!p0 vm3, $0x1383, v26;
	[hbm4b:s7+s2] =	stream.linear.scatter [tilespmem:s16], [sflag:$0x3], $0x2400, $0x38;
	[tilespmem:$0x116C0] =	vst v63  }
0xf0: {  	v26 =	vsel @!p0 vm4, $0x1384, v26;
	_ =	swait.ge [sflag:s15], $0x2400  }
0xf1: {  	v26 =	vsel @!p0 vm5, $0x1385, v26;
	[sflag:s15] =	ssyncset.done $0x0  }
0xf2: {  	v26 =	vsel @!p0 vm6, $0x1386, v26;
	[sflag:s15] =	ssyncadd.s32 $0xFFFFDC00  }
0xf3: {  	[tilespmem:$0x80] =	vst @!p0 v26  }
0xf4: {  	[tilespmem:$0x90] =	vst @!p0 v25  }
0xf5: {  	[tilespmem:$0xA0] =	vst @!p0 v25  }
0xf6: {  	[tilespmem:$0xB0] =	vst @!p0 v25  }
0xf7: {  	s23 =	simm.s32 @!p0 $0x50;
	s24 =	simm.s32 @!p0 $0x80;
	s25 =	simm.s32 @!p0 $0x100;
	[tilespmem:$0xC0] =	vst @!p0 v25  }
0xf8: {  	[tilespmem:s25], [sflag:$0x1] =	stream.indirect.gather @!p0 [spmem:s1], $0x80, s24, s23, $0xb8;
	[tilespmem:$0x116C0] =	vst v63  }
0xf9: {  	s23 =	simm.s32 @!p0 $0x1  }
0xfa: {  	_ =	swait.ge @!p0 [sflag:s23], $0x2800  }
0xfb: {  	s22 =	sadd.s32 $0x1, s22;
	[sflag:s23] =	ssyncset.done @!p0 $0x0  }
0xfc: {  	p1 =	sne.s32 s22, s9;
	[sflag:s23] =	ssyncadd.s32 @!p0 $0xFFFFD800;
	s23 =	simm.s32 @!p0 $0x0  }
0xfd: {  	[hbm4b:s8+s23] =	stream.linear.scatter @!p0 [tilespmem:s25], [sflag:$0x3], $0x400, $0x38;
	[tilespmem:$0x116C0] =	vst v63  }
.Ltmp3:
0xfe: {  	_ = 	snop;
	(pc) =	sbr.rel @p1 .LBB2_1-.Ltmp3, $4  }
0xff: {  	s23 =	simm.s32 @!p0 $0x3  }
0x100: {  	_ =	swait.ge @!p0 [sflag:s23], $0x400  }
0x101: {  	[sflag:s23] =	ssyncset.done @!p0 $0x0  }
0x102: {  	[sflag:s23] =	ssyncadd.s32 @!p0 $0xFFFFFC00  }
0x103: {  	_ =	sfence.sel $0x180000  }
0x104: {  	[bflag:$0x0] =	sbarrier.arrive $0xFFFF  }
0x105: {  	_ =	strace $0x9000004D  }
0x106: {  	s0 =	sadd.s32 @!p0 $0x100000, s0;
	[bflag:$0x2] =	sbarrier.arrive $0xFFFF  }
0x107: {  	[sflag:s0] =	ssyncadd.tile.s32 @!p0 $0x1;
	_ =	shalt  }
.Lfunc_end2:
_tile_overlayer_lowered:
.L_overlay_start_2:
0x108: {  	(tag) =	ssettag $0x2  }
0x109: {  	s0 =	rddreg [dreg:$0x0];
	s2 =	stileid.u32  }
0x10a: {  	s1 =	rddreg [dreg:$0x1];
	p0 =	sne.s32 s2, $0x0  }
0x10b: {  	s3 =	rddreg [dreg:$0x2];
	[bflag:$0x3] =	sbarrier.arrive $0xFFFF;
	s2 =	simm.s32 @!p0 $0x1C03  }
0x10c: {  	[timem:s3], [sflag:s2] =	dma.local @!p0 [hbm:s0], s1  }
0x10d: {  	s0 =	simm.s32 @!p0 $0x3  }
0x10e: {  	_ =	swait.ge @!p0 [sflag:s0], s1  }
0x10f: {  	s1 =	ssub.s32 @!p0 $0x0, s1;
	[sflag:s0] =	ssyncset.done @!p0 $0x0  }
0x110: {  	[sflag:s0] =	ssyncadd.s32 @!p0 s1  }
0x111: {  	[bflag:$0x3] =	sbarrier.arrive $0xFFFF  }
0x112: {  	_ =	shalt  }

// kernel: kernel.8.cloned.1.call-start
scs
__scs_entry_jumppad:
0x0: {  	(pc) =	sbr.rel $0x88, $3  }
0x1: {  	(tag) =	ssettag $0x0;
	lr =	simm.s32 $0x1  }
0x2: {  	[smem:$0x3F99] =	sst lr;
	_ =	strace $0xD0000000  }
0x3: {  	_ = 	snop  }
0x4: {  	_ = 	snop  }
0x5: {  	_ = 	snop  }
0x6: {  	_ = 	snop  }
0x7: {  	_ = 	snop  }
__scs_overlays_trampoline_lowered:
0x8: {  	[smem:$0x3FA8] =	sst s0  }
0x9: {  	[smem:$0x3FA9] =	sst s1  }
0xa: {  	[smem:$0x3FAA] =	sst s2  }
0xb: {  	[smem:$0x3FAB] =	sst s3  }
0xc: {  	[smem:$0x3FAC] =	sst s4  }
0xd: {  	[smem:$0x3FAD] =	sst s5  }
0xe: {  	[smem:$0x3FAE] =	sst s6  }
0xf: {  	[smem:$0x3FAF] =	sst s7  }
0x10: {  	[smem:$0x3FB0] =	sst s8  }
0x11: {  	[smem:$0x3FB1] =	sst s9;
	s0 =	simm.s32 @!p0 $0x0  }
0x12: {  	s1 =	sld [smem:$0x3F97];
	s0 =	simm.s32 @p0 $0x1  }
0x13: {  	[smem:$0x3FB2] =	sst s0;
	s0 =	simm.s32 @!p1 $0x0  }
0x14: {  	s2 =	sld [smem:$0x3F96];
	s0 =	simm.s32 @p1 $0x1  }
0x15: {  	[smem:$0x3FB3] =	sst s0;
	s0 =	simm.s32 @!p2 $0x0  }
0x16: {  	s3 =	sld [smem:$0x3FDB];
	s0 =	simm.s32 @p2 $0x1  }
0x17: {  	s4 =	simm.s32 $0x1BF5;
	[smem:$0x3FB5] =	sst s0  }
0x18: {  	s0 =	sld [smem:$0x3F98];
	_ =	swait.ge [sflag:s4], $0x0  }
0x19: {  	s7 =	sld [smem:$0x3F99]  }
0x1a: {  	s8 =	sadd.s32 $0xFFFFE003, lr  }
0x1b: {  	s9 =	sadd.s32 $0xFFFFFEF7, lr;
	s5 =	simm.s32 $0xFFFFFFFF;
	p2 =	slt.u32 s8, $0xFFFFF086  }
0x1c: {  	p1 =	slt.u32 s9, $0xF7A;
	s5 =	simm.s32 @!p2 $0x0  }
0x1d: {  	s5 =	simm.s32 @p1 $0x1;
	p0 =	seq.s32 s7, s2  }
0x1e: {  	s7 =	smul.u32 @!p0 $0xF7A, s2;
	p2 =	seq.s32 @!p0 s5, $0x0  }
0x1f: {  	s9 =	smul.u32 $0xF7A, s1;
	s8 =	simm.s32 @!p0 $0x1BF5;
	p2 =	por !p2, p0  }
0x20: {  	[sflag:s8] =	ssyncset.s32 @!p0 $0xFFFFF086;
	s6 =	sadd.s32 @!p0 s3, s7;
	s7 =	simm.s32 @!p0 $0x108  }
0x21: {  	s3 =	sadd.s32 s3, s9;
	s6 =	sadd.s32 @!p0 $0x88, s6;
	s7 =	simm.s32 @p2 $0x1082  }
0x22: {  	[simem:s7], [sflag:s8] =	dma.local @!p0 [hbm:s6], $0xF7A  }
0x23: {  	s9 =	sor.u32 $0xD0000000, s2;
	s6 =	simm.s32 $0x108;
	_ =	swait.ge @!p0 [sflag:s8], $0x0  }
0x24: {  	s3 =	sadd.s32 $0x88, s3;
	s6 =	simm.s32 @!p1 $0x1082;
	[sflag:s4] =	ssyncset.s32 $0xFFFFF086  }
0x25: {  	[simem:s6], [sflag:s4] =	dma.local [hbm:s3], $0xF7A  }
0x26: {  	[smem:$0x3F99] =	sst s1;
	(tag) =	ssettag s2;
	_ =	strace s9  }
0x27: {  	s1 =	sld [smem:$0x3FA9]  }
0x28: {  	s2 =	sld [smem:$0x3FAA]  }
0x29: {  	s4 =	sld [smem:$0x3FAC]  }
0x2a: {  	p0 =	seq.s32 s5, $0x0;
	s5 =	sld [smem:$0x3FAD]  }
0x2b: {  	s6 =	sld [smem:$0x3FAE]  }
0x2c: {  	s7 =	sld [smem:$0x3FAF]  }
0x2d: {  	s3 =	simm.s32 $0x108;
	s8 =	sld [smem:$0x3FB0]  }
0x2e: {  	s3 =	simm.s32 @!p0 $0x1082;
	s9 =	sld [smem:$0x3FB1]  }
0x2f: {  	lr =	sadd.s32 s0, s3;
	s0 =	sld [smem:$0x3FA8]  }
0x30: {  	s3 =	sld [smem:$0x3FAB]  }
0x31: {  	[smem:$0x3FB4] =	sst s10  }
0x32: {  	s10 =	sld [smem:$0x3FB2];
	_ =	sdelay $0x3  }
0x33: {  	p0 =	seq.s32 s10, $0x1;
	s10 =	sld [smem:$0x3FB4];
	_ =	sdelay $0x3  }
0x34: {  	[smem:$0x3FB4] =	sst s10  }
0x35: {  	s10 =	sld [smem:$0x3FB3];
	_ =	sdelay $0x3  }
0x36: {  	p1 =	seq.s32 s10, $0x1;
	s10 =	sld [smem:$0x3FB4];
	_ =	sdelay $0x3  }
0x37: {  	[smem:$0x3FB4] =	sst s10  }
0x38: {  	s10 =	sld [smem:$0x3FB5]  }
0x39: {  	_ = 	snop;
	(pc) =	sbr.ind lr, $3  }
0x3a: {  	_ = 	snop  }
0x3b: {  	_ = 	snop  }
0x3c: {  	p2 =	seq.s32 s10, $0x1;
	s10 =	sld [smem:$0x3FB4]  }
0x3d: {  	_ =	shalt  }
0x3e: {  	_ =	shalt  }
0x3f: {  	_ =	shalt  }
0x40: {  	_ =	shalt  }
0x41: {  	_ =	shalt  }
0x42: {  	_ =	shalt  }
0x43: {  	_ =	shalt  }
0x44: {  	_ =	shalt  }
0x45: {  	_ =	shalt  }
0x46: {  	_ =	shalt  }
0x47: {  	_ =	shalt  }
0x48: {  	_ =	shalt  }
0x49: {  	_ =	shalt  }
0x4a: {  	_ =	shalt  }
0x4b: {  	_ =	shalt  }
0x4c: {  	_ =	shalt  }
0x4d: {  	_ =	shalt  }
0x4e: {  	_ =	shalt  }
0x4f: {  	_ =	shalt  }
0x50: {  	_ =	shalt  }
0x51: {  	_ =	shalt  }
0x52: {  	_ =	shalt  }
0x53: {  	_ =	shalt  }
0x54: {  	_ =	shalt  }
0x55: {  	_ =	shalt  }
0x56: {  	_ =	shalt  }
0x57: {  	_ =	shalt  }
0x58: {  	_ =	shalt  }
0x59: {  	_ =	shalt  }
0x5a: {  	_ =	shalt  }
0x5b: {  	_ =	shalt  }
0x5c: {  	_ =	shalt  }
0x5d: {  	_ =	shalt  }
0x5e: {  	_ =	shalt  }
0x5f: {  	_ =	shalt  }
0x60: {  	_ =	shalt  }
0x61: {  	_ =	shalt  }
0x62: {  	_ =	shalt  }
0x63: {  	_ =	shalt  }
0x64: {  	_ =	shalt  }
0x65: {  	_ =	shalt  }
0x66: {  	_ =	shalt  }
0x67: {  	_ =	shalt  }
0x68: {  	_ =	shalt  }
0x69: {  	_ =	shalt  }
0x6a: {  	_ =	shalt  }
0x6b: {  	_ =	shalt  }
0x6c: {  	_ =	shalt  }
0x6d: {  	_ =	shalt  }
0x6e: {  	_ =	shalt  }
0x6f: {  	_ =	shalt  }
0x70: {  	_ =	shalt  }
0x71: {  	_ =	shalt  }
0x72: {  	_ =	shalt  }
0x73: {  	_ =	shalt  }
0x74: {  	_ =	shalt  }
0x75: {  	_ =	shalt  }
0x76: {  	_ =	shalt  }
0x77: {  	_ =	shalt  }
0x78: {  	_ =	shalt  }
0x79: {  	_ =	shalt  }
0x7a: {  	_ =	shalt  }
0x7b: {  	_ =	shalt  }
0x7c: {  	_ =	shalt  }
0x7d: {  	_ =	shalt  }
0x7e: {  	_ =	shalt  }
0x7f: {  	_ =	shalt  }
0x80: {  	_ =	shalt  }
0x81: {  	_ =	shalt  }
0x82: {  	_ =	shalt  }
0x83: {  	_ =	shalt  }
0x84: {  	_ =	shalt  }
0x85: {  	_ =	shalt  }
0x86: {  	_ =	shalt  }
0x87: {  	_ =	shalt  }
.Lfunc_end0:
.L_simem_size_0:
called_computation_lowered:
.L_overlay_start_0:
0x88: {  	s2 =	sld [smem:$0x3FD9]  }
0x89: {  	s3 =	sld [smem:$0x3FFE];
	_ =	sdelay $0x1  }
0x8a: {  	s1 =	srdreg.scid  }
0x8b: {  	s0 =	sand.u32 $0x1, s1  }
0x8c: {  	s16 =	sshll.u32 s0, $0xA;
	s2 =	sadd.s32 s3, s2  }
0x8d: {  	s2 =	sadd.s32 s2, s16  }
0x8e: {  	[smem:$0x3FC0] =	sst s2  }
0x8f: {  	_ = 	snop  }
0x90: {  	(tm) =	ssettm $0x1  }
0x91: {  	s17 =	sld [smem:$0x3FFB];
	_ =	sdelay $0x3  }
0x92: {  	_ =	strace s17  }
0x93: {  	s2 =	sld [smem:$0x3FFC];
	_ =	sdelay $0x3  }
0x94: {  	_ =	strace s2  }
0x95: {  	s2 =	sld [smem:$0x3FFD];
	_ =	sdelay $0x3  }
0x96: {  	_ =	strace s2  }
0x97: {  	_ =	strace $0x8FFFFFFF  }
0x98: {  	s18 =	sld [smem:$0x3FDB];
	_ =	sdelay $0x1  }
0x99: {  	s19 =	simm.s32 $_scs_section_size  }
0x9a: {  	s4 =	simm.s32 $_size__tile_overlayer_lowered;
	s5 =	simm.s32 $_tile_overlayer_lowered  }
0x9b: {  	s22 =	simm.s32 $0x1BFF;
	s21 =	sshll.u32 s5, $0x1;
	s2 =	sadd.s32 s19, s18  }
0x9c: {  	s6 =	simm.s32 $0x0;
	s20 =	sshll.u32 s4, $0x1;
	s4 =	sadd.s32 s21, s2  }
0x9d: {  	[timem:s6], [sflag:s22] =	dma.local [hbm:s4], s20  }
0x9e: {  	_ =	swait.ge [sflag:s22], s20  }
0x9f: {  	s3 =	ssub.s32 $0x0, s20;
	[sflag:s22] =	ssyncset.done $0x0  }
0xa0: {  	[sflag:s22] =	ssyncadd.s32 s3;
	_ =	sdelay $0x1  }
0xa1: {  	s23 =	simm.s32 $0x1B8B  }
0xa2: {  	_ =	swait.ge [sflag:s23], $0x1  }
0xa3: {  	[sflag:s23] =	ssyncset.done $0x0  }
0xa4: {  	s25 =	simm.s32 $0x1B8E;
	s24 =	sld [smem:$0x3FFE];
	[sflag:s23] =	ssyncadd.s32 $0xFFFFFFFF  }
0xa5: {  	s26 =	simm.s32 $execute0_lowered;
	[smem:$0x3FD2] =	sst s25  }
0xa6: {  	s4 =	sshll.u32 s26, $0x1;
	_ =	strace $0x80000046;
	[dreg:$0x1] =	wrdreg $0xFFFFFFFF  }
0xa7: {  	s28 =	simm.s32 $_size_execute0_lowered;
	s2 =	sadd.s32 s2, s4;
	[dreg:$0x0] =	wrdreg $0x0  }
0xa8: {  	s4 =	sshll.u32 s28, $0x1;
	[dreg:$0x2] =	wrdreg s2  }
0xa9: {  	[dreg:$0x3] =	wrdreg s4  }
0xaa: {  	[dreg:$0x4] =	wrdreg $0xC0  }
0xab: {  	_ =	task [dreg:s6], $0x5FFFF  }
0xac: {  	[dreg:$0x1] =	wrdreg $0xFFFFFFFF  }
0xad: {  	[dreg:$0x0] =	wrdreg $0x60  }
0xae: {  	[dreg:$0x2] =	wrdreg s24  }
0xaf: {  	[dreg:$0x3] =	wrdreg $0x50800  }
0xb0: {  	[dreg:$0x4] =	wrdreg $0x9  }
0xb1: {  	_ =	task.clear_ibuf [dreg:s6], $0x5FFFF;
	_ =	strace $0x90000046  }
0xb2: {  	s29 =	simm.s32 $0x9;
	_ =	strace $0x80000048  }
0xb3: {  	_ =	swait.ge [sflag:s29], $0x1  }
0xb4: {  	[sflag:s29] =	ssyncadd.s32 $0xFFFFFFFF  }
0xb5: {  	_ =	strace $0x90000048  }
0xb6: {  	_ =	sfence  }
0xb7: {  	s30 =	sld [smem:$0x0];
	_ =	sdelay $0x2  }
0xb8: {  	s31 =	sshll.u32 s1, $0xD;
	s1 =	sshrl.u32 s1, $0x2  }
0xb9: {  	s3 =	sand.u32 $0x4000, s31;
	s1 =	sadd.s32 s1, s30  }
0xba: {  	s0 =	sor.u32 s3, s0;
	s1 =	sshll.u32 s1, $0x11  }
0xbb: {  	s0 =	sor.u32 s1, s0  }
0xbc: {  	s0 =	sadd.s32 $0x8F2B, s0  }
0xbd: {  	[sflag:s0] =	ssyncadd.remote.s32 $0x1  }
0xbe: {  	_ =	sfence.sel $0xFFFF  }
0xbf: {  	[dreg:$0x0] =	wrdreg $0xFFFFFFFF;
	(pc) =	sbr.abs _section_cstart, $3  }
0xc0: {  	[dreg:$0x1] =	wrdreg $0xFFFFFFFF  }
0xc1: {  	_ =	task.clear_ibuf [dreg:s6], $0x2FFFF;
	_ =	strace $0x9FFFFFFF  }
0xc2: {  	(tm) =	ssettm $0x7FFFFFFF  }
0xc3: {  	_ =	shalt  }
tec
execute0_lowered:
.L_overlay_start_1:
0x0: {  	(tag) =	ssettag $0x1  }
0x1: {  	v0 =	vlaneseq.u32  }
0x2: {  	v3 =	vor.u32 $0x10, v0;
	v4 =	vor.u32 $0x20, v0;
	v5 =	vor.u32 $0x30, v0  }
0x3: {  	v6 =	vor.u32 $0x40, v0;
	v7 =	vor.u32 $0x50, v0;
	v8 =	vor.u32 $0x60, v0  }
0x4: {  	v9 =	vor.u32 $0x70, v0;
	v10 =	vor.u32 $0x80, v0;
	v11 =	vor.u32 $0x90, v0  }
0x5: {  	v12 =	vor.u32 $0xA0, v0;
	v13 =	vor.u32 $0xB0, v0;
	v14 =	vor.u32 $0xC0, v0  }
0x6: {  	v15 =	vor.u32 $0xD0, v0;
	v16 =	vor.u32 $0xE0, v0;
	v17 =	vor.u32 $0xF0, v0  }
0x7: {  	v18 =	vor.u32 $0x100, v0;
	v19 =	vor.u32 $0x110, v0;
	v20 =	vor.u32 $0x120, v0  }
0x8: {  	v21 =	vor.u32 $0x130, v0;
	v22 =	vor.u32 $0x140, v0;
	v23 =	vor.u32 $0x150, v0  }
0x9: {  	v24 =	vor.u32 $0x160, v0;
	v25 =	vor.u32 $0x170, v0;
	v26 =	vor.u32 $0x180, v0  }
0xa: {  	v27 =	vor.u32 $0x190, v0;
	v28 =	vor.u32 $0x1A0, v0;
	v29 =	vor.u32 $0x1B0, v0  }
0xb: {  	s25 =	stileid.u32;
	v30 =	vor.u32 $0x1C0, v0;
	v31 =	vor.u32 $0x1D0, v0;
	v32 =	vor.u32 $0x1E0, v0  }
0xc: {  	s26 =	smul.u32 $0x270, s25;
	v33 =	vor.u32 $0x1F0, v0;
	v34 =	vor.u32 $0x200, v0;
	v35 =	vor.u32 $0x210, v0  }
0xd: {  	v36 =	vor.u32 $0x220, v0;
	v37 =	vor.u32 $0x230, v0;
	v38 =	vor.u32 $0x240, v0  }
0xe: {  	v39 =	vor.u32 $0x250, v0;
	v40 =	vor.u32 $0x260, v0;
	v1 =	vmov s26  }
0xf: {  	v2 =	vor.u32 s26, v0;
	v3 =	vadd.s32 s26, v3;
	v4 =	vadd.s32 s26, v4  }
0x10: {  	v5 =	vadd.s32 s26, v5;
	v6 =	vadd.s32 s26, v6;
	v7 =	vadd.s32 s26, v7  }
0x11: {  	v8 =	vadd.s32 s26, v8;
	v9 =	vadd.s32 s26, v9;
	v10 =	vadd.s32 s26, v10  }
0x12: {  	v11 =	vadd.s32 s26, v11;
	v12 =	vadd.s32 s26, v12;
	v13 =	vadd.s32 s26, v13  }
0x13: {  	v14 =	vadd.s32 s26, v14;
	v15 =	vadd.s32 s26, v15;
	v16 =	vadd.s32 s26, v16  }
0x14: {  	s0 =	srdreg.scid;
	s4 =	rddreg [dreg:$0x0];
	v17 =	vadd.s32 s26, v17;
	v18 =	vadd.s32 s26, v18;
	v19 =	vadd.s32 s26, v19  }
0x15: {  	s1 =	rddreg [dreg:$0x1];
	s2 =	simm.s32 $0x0;
	s23 =	simm.s32 $0x50;
	v20 =	vadd.s32 s26, v20;
	v21 =	vadd.s32 s26, v21;
	v22 =	vadd.s32 s26, v22  }
0x16: {  	s24 =	simm.s32 $0x2880;
	s28 =	simm.s32 $0x1;
	s3 =	smul.u32 $0x4E20, s25;
	v23 =	vadd.s32 s26, v23;
	v24 =	vadd.s32 s26, v24;
	v25 =	vadd.s32 s26, v25  }
0x17: {  	s29 =	simm.s32 $0x0;
	s5 =	sand.u32 $0x1, s0;
	s30 =	smul.u32 $0x13800, s25;
	v26 =	vadd.s32 s26, v26;
	v27 =	vadd.s32 s26, v27;
	v28 =	vadd.s32 s26, v28  }
0x18: {  	[smem:$0x7FF] =	sst s2;
	s13 =	smul.u32 $0x2700, s25;
	p1 =	sne.s32 s25, $0x0;
	v29 =	vadd.s32 s26, v29;
	v30 =	vadd.s32 s26, v30;
	v31 =	vadd.s32 s26, v31  }
0x19: {  	p2 =	seq.s32 s25, $0x0;
	s25 =	simm.s32 $0x2;
	s6 =	smul.u32 $0x2710, s5;
	v32 =	vadd.s32 s26, v32;
	v33 =	vadd.s32 s26, v33;
	v34 =	vadd.s32 s26, v34  }
0x1a: {  	_ =	strace $0x80000047;
	s7 =	ssub.s32 $0x2, s5;
	p0 =	seq.s32 s5, $0x1;
	v35 =	vadd.s32 s26, v35;
	v36 =	vadd.s32 s26, v36;
	v37 =	vadd.s32 s26, v37  }
0x1b: {  	s8 =	sshrl.u32 s7, $0x1;
	s10 =	sshrl.u32 s30, $0x3;
	v38 =	vadd.s32 s26, v38;
	v39 =	vadd.s32 s26, v39;
	v40 =	vadd.s32 s26, v40;
	s26 =	simm.s32 $0x80  }
0x1c: {  	s3 =	sadd.s32 s6, s3;
	s21 =	ssub.s32 s7, s8;
	s14 =	sadd.s32 $0x500, s10  }
0x1d: {  	s15 =	sadd.s32 $0xA00, s10;
	s16 =	sadd.s32 $0xF00, s10;
	s17 =	sadd.s32 $0x1400, s10  }
0x1e: {  	s18 =	sadd.s32 $0x1900, s10;
	s19 =	sadd.s32 $0x1E00, s10;
	s3 =	sshrl.u32 s3, $0x3  }
0x1f: {  	s20 =	sadd.s32 $0x2300, s10;
	s22 =	sadd.s32 s3, s4;
	s3 =	sadd.s32 $0xC200, s4  }
0x20: {  	s21 =	smax.u32 s21, $0x1;
	s4 =	sadd.s32 $0x33400, s4;
	s31 =	sadd.s32 s3, s13  }
0x21: {  	s6 =	sadd.s32 s3, s14;
	s7 =	sadd.s32 s3, s15;
	s8 =	sadd.s32 s3, s16  }
.Ltmp0:
0x22: {  	s9 =	sadd.s32 s3, s17;
	s10 =	sadd.s32 s3, s18;
	(pc) =	sbr.rel .LBB2_1-.Ltmp0, $4  }
0x23: {  	s11 =	sadd.s32 s3, s19;
	s12 =	sadd.s32 s3, s20;
	s13 =	sadd.s32 s4, s13  }
0x24: {  	s14 =	sadd.s32 s4, s14;
	s15 =	sadd.s32 s4, s15;
	s16 =	sadd.s32 s4, s16  }
0x25: {  	v42 =	vimm.f32 $0.0e+00;
	v43 =	vimm.f32 $1.000000000e+00;
	s17 =	sadd.s32 s4, s17;
	s18 =	sadd.s32 s4, s18;
	s19 =	sadd.s32 s4, s19  }
0x26: {  	v45 =	vimm.s32 $0x270F;
	v44 =	vor.u32 $0x2700, v0;
	v41 =	vadd.s32 $0x26F, v1;
	s20 =	sadd.s32 s4, s20;
	s22 =	sadd.s32 $0x2400, s22;
	[dreg:$0x3] =	wrdreg s31  }
.LBB2_12:
0x27: {  	[tilespmem:$0x0] =	vst v44  }
0x28: {  	[tilespmem:$0x10] =	vst v45  }
0x29: {  	[tilespmem:$0x20] =	vst v45  }
0x2a: {  	[tilespmem:$0x30] =	vst v45  }
0x2b: {  	[tilespmem:$0x40] =	vst v45  }
0x2c: {  	[tilespmem:s24], [sflag:$0x1] =	stream.indirect.gather [spmem:s1], $0x10, s2, s23, $0xb8;
	[tilespmem:$0x7790] =	vst v63  }
0x2d: {  	_ =	swait.ge [sflag:s28], $0x500  }
0x2e: {  	[sflag:s28] =	ssyncset.done $0x0  }
0x2f: {  	s0 =	sadd.s32 $0x27000, s30;
	[sflag:s28] =	ssyncadd.s32 $0xFFFFFB00  }
0x30: {  	[hbm4b:s0+s2] =	stream.linear.scatter [tilespmem:s24], [sflag:$0x2], $0x800, $0x38;
	[tilespmem:$0x7790] =	vst v63  }
0x31: {  	_ =	swait.ge [sflag:s25], $0x800  }
0x32: {  	[sflag:s25] =	ssyncset.done $0x0  }
0x33: {  	[sflag:s25] =	ssyncadd.s32 $0xFFFFF800  }
.LBB2_13:
0x34: {  	s29 =	sadd.s32 $0x1, s29  }
0x35: {  	p3 =	sne.s32 s29, s21  }
.Ltmp1:
0x36: {  	_ = 	snop;
	(pc) =	sbr.rel @!p3 .LBB2_14-.Ltmp1, $1  }
0x37: {  	_ =	sdelay $0x3  }
.LBB2_1:
0x38: {  	s30 =	simm.s32 $0x0  }
.LBB2_2:
0x39: {  	p3 =	sne.s32 s30, $0x9E00  }
.Ltmp2:
0x3a: {  	_ = 	snop;
	(pc) =	sbr.rel @p3 .LBB2_2-.Ltmp2, $3  }
0x3b: {  	_ =	sdelay $0x1  }
0x3c: {  	s31 =	sshra.s32 s30, $0x2  }
0x3d: {  	s30 =	sadd.s32 $0x200, s30;
	[tilespmem:s31+$0x2880] =	vst v42  }
0x3e: {  	s30 =	simm.s32 $0x0  }
.LBB2_4:
0x3f: {  	p3 =	sne.s32 s30, $0x9E00  }
.Ltmp3:
0x40: {  	_ = 	snop;
	(pc) =	sbr.rel @p3 .LBB2_4-.Ltmp3, $3  }
0x41: {  	_ =	sdelay $0x1  }
0x42: {  	s31 =	sshra.s32 s30, $0x2  }
0x43: {  	s30 =	sadd.s32 $0x200, s30;
	[tilespmem:s31+$0x80] =	vst v43  }
0x44: {  	s30 =	simm.s32 $0x40;
	s31 =	simm.s32 $0x0  }
0x45: {  	s0 =	simm.s32 $0x10;
	v47 =	vor.u32 s31, v0;
	v48 =	vor.u32 s30, v0  }
0x46: {  	v46 =	vor.u32 s0, v0;
	s31 =	simm.s32 $0x20;
	s30 =	simm.s32 $0x30;
	vm0 =	vlt.s32 v47, $0x26F;
	vm1 =	vlt.s32 v48, $0x26F  }
0x47: {  	v50 =	vor.u32 s30, v0;
	v49 =	vnsel vm0, $0x26F, v47;
	v47 =	vor.u32 s31, v0  }
0x48: {  	vm2 =	vlt.s32 v50, $0x26F;
	v51 =	vnsel vm1, $0x26F, v48;
	v49 =	vadd.s32 v1, v49  }
0x49: {  	s30 =	simm.s32 $0x90;
	vm0 =	vlt.s32 v47, $0x26F;
	v48 =	vnsel vm2, $0x26F, v50;
	[tilespmem:$0x0] =	vst v49;
	v49 =	vadd.s32 v1, v51  }
.LBB2_6:
0x4a: {  	p3 =	sne.s32 s30, $0x270;
	vm1 =	vlt.s32 v46, $0x26F;
	v47 =	vnsel vm0, $0x26F, v47;
	v48 =	vadd.s32 v1, v48;
	[tilespmem:$0x40] =	vst v49  }
0x4b: {  	v46 =	vnsel vm1, $0x26F, v46;
	v47 =	vadd.s32 v1, v47;
	[tilespmem:$0x30] =	vst v48  }
0x4c: {  	s0 =	sadd.s32 $0xFFFFFFC0, s30;
	s31 =	sadd.s32 $0xFFFFFFD0, s30;
	v46 =	vadd.s32 v1, v46;
	[tilespmem:$0x20] =	vst v47  }
0x4d: {  	[tilespmem:$0x10] =	vst v46;
	[spmem:s1] =	stream.indirect.scatter [tilespmem:s24], [sflag:$0x2], $0x10, s2, s23, $0xb8  }
.Ltmp4:
0x4e: {  	v48 =	vor.u32 s30, v0;
	v47 =	vor.u32 s0, v0;
	(pc) =	sbr.rel @p3 .LBB2_6-.Ltmp4, $4  }
0x4f: {  	s0 =	sadd.s32 $0xFFFFFFE0, s30;
	vm1 =	vlt.s32 v48, $0x26F;
	vm0 =	vlt.s32 v47, $0x26F;
	v46 =	vor.u32 s31, v0;
	s31 =	sadd.s32 $0xFFFFFFF0, s30;
	_ =	swait.ge [sflag:s25], $0x500  }
0x50: {  	v49 =	vnsel vm0, $0x26F, v47;
	v47 =	vor.u32 s0, v0;
	v50 =	vor.u32 s31, v0;
	[sflag:s25] =	ssyncset.done $0x0  }
0x51: {  	v51 =	vnsel vm1, $0x26F, v48;
	v49 =	vadd.s32 v1, v49;
	vm2 =	vlt.s32 v50, $0x26F;
	[sflag:s25] =	ssyncadd.s32 $0xFFFFFB00  }
0x52: {  	s30 =	sadd.s32 $0x50, s30;
	vm0 =	vlt.s32 v47, $0x26F;
	v48 =	vnsel vm2, $0x26F, v50;
	[tilespmem:$0x0] =	vst v49;
	v49 =	vadd.s32 v1, v51  }
0x53: {  	vm1 =	vlt.s32 v46, $0x26F;
	v47 =	vnsel vm0, $0x26F, v47;
	v48 =	vadd.s32 v1, v48;
	[tilespmem:$0x40] =	vst v49  }
0x54: {  	v46 =	vnsel vm1, $0x26F, v46;
	v47 =	vadd.s32 v1, v47;
	[tilespmem:$0x30] =	vst v48  }
0x55: {  	v46 =	vadd.s32 v1, v46;
	[tilespmem:$0x20] =	vst v47  }
0x56: {  	[tilespmem:$0x10] =	vst v46  }
0x57: {  	[spmem:s1] =	stream.indirect.scatter [tilespmem:s24], [sflag:$0x2], $0x10, s2, s23, $0xb8;
	[tilespmem:$0x7790] =	vst v63  }
0x58: {  	_ =	swait.ge [sflag:s25], $0x500  }
0x59: {  	v46 =	vlaneseq.u32 @!p1;
	[sflag:s25] =	ssyncset.done $0x0  }
0x5a: {  	v46 =	vor.u32 @!p1 $0x2700, v46;
	[sflag:s25] =	ssyncadd.s32 $0xFFFFFB00  }
0x5b: {  	[tilespmem:$0x0] =	vst @!p1 v46;
	v46 =	vimm.s32 @!p1 $0x270F  }
0x5c: {  	[tilespmem:$0x10] =	vst @!p1 v46  }
0x5d: {  	[tilespmem:$0x20] =	vst @!p1 v46  }
0x5e: {  	[tilespmem:$0x30] =	vst @!p1 v46  }
0x5f: {  	s0 =	simm.s32 @!p1 $0x50;
	s30 =	simm.s32 @!p1 $0x0;
	s31 =	simm.s32 @!p1 $0x2880;
	[tilespmem:$0x40] =	vst @!p1 v46  }
0x60: {  	[spmem:s1] =	stream.indirect.scatter @!p1 [tilespmem:s31], [sflag:$0x2], $0x10, s30, s0, $0xb8;
	[tilespmem:$0x7790] =	vst v63  }
0x61: {  	s0 =	simm.s32 @!p1 $0x2  }
0x62: {  	_ =	swait.ge @!p1 [sflag:s0], $0x500  }
0x63: {  	[sflag:s0] =	ssyncset.done @!p1 $0x0  }
0x64: {  	[sflag:s0] =	ssyncadd.s32 @!p1 $0xFFFFFB00  }
0x65: {  	s5 =	sadd.s32 $0x0, s22;
	[bflag:$0x0] =	sbarrier.arrive $0xFFFF  }
0x66: {  	[tilespmem:s2], [sflag:$0x2] =	stream.linear.gather [hbm4b:s5+s2], $0x50, $0x38;
	[tilespmem:$0x7790] =	vst v63  }
0x67: {  	_ =	swait.ge [sflag:s25], $0x50  }
0x68: {  	[sflag:s25] =	ssyncset.done $0x0  }
0x69: {  	[sflag:s25] =	ssyncadd.s32 $0xFFFFFFB0  }
0x6a: {  	[spmem:s1] =	stream.indirect.scatter.add.f32 [tilespmem:s26], [sflag:$0x2], $0x10, s2, s23, $0xb8;
	[tilespmem:$0x7790] =	vst v63  }
0x6b: {  	_ =	swait.ge [sflag:s25], $0x500  }
0x6c: {  	s30 =	simm.s32 $0xA;
	s31 =	simm.s32 $0x14;
	[sflag:s25] =	ssyncset.done $0x0  }
.LBB2_8:
0x6d: {  	s0 =	sadd.s32 s30, s22  }
0x6e: {  	[sflag:s25] =	ssyncadd.s32 $0xFFFFFB00;
	s30 =	smov.u32 s31;
	s5 =	sadd.s32 $0xA, s31  }
0x6f: {  	[tilespmem:s2], [sflag:$0x2] =	stream.linear.gather [hbm4b:s0+s2], $0x50, $0x38;
	[tilespmem:$0x7790] =	vst v63  }
0x70: {  	p3 =	sne.s32 s31, $0x4D8;
	_ =	swait.ge [sflag:s25], $0x50  }
.Ltmp5:
0x71: {  	[sflag:s25] =	ssyncset.done $0x0;
	(pc) =	sbr.rel @p3 .LBB2_8-.Ltmp5, $4  }
0x72: {  	[sflag:s25] =	ssyncadd.s32 $0xFFFFFFB0  }
0x73: {  	[spmem:s1] =	stream.indirect.scatter.add.f32 [tilespmem:s26], [sflag:$0x2], $0x10, s2, s23, $0xb8;
	[tilespmem:$0x7790] =	vst v63  }
0x74: {  	_ =	swait.ge [sflag:s25], $0x500  }
0x75: {  	s31 =	smov.u32 s5;
	[sflag:s25] =	ssyncset.done $0x0  }
0x76: {  	s0 =	sadd.s32 s30, s22;
	[sflag:s25] =	ssyncadd.s32 $0xFFFFFB00  }
0x77: {  	[tilespmem:s2], [sflag:$0x2] =	stream.linear.gather [hbm4b:s0+s2], $0x50, $0x38;
	[tilespmem:$0x7790] =	vst v63  }
0x78: {  	_ =	swait.ge [sflag:s25], $0x50  }
0x79: {  	[sflag:s25] =	ssyncset.done $0x0  }
0x7a: {  	[sflag:s25] =	ssyncadd.s32 $0xFFFFFFB0  }
0x7b: {  	[spmem:s1] =	stream.indirect.scatter.add.f32 [tilespmem:s26], [sflag:$0x2], $0x10, s2, s23, $0xb8;
	[tilespmem:$0x7790] =	vst v63  }
.Ltmp6:
0x7c: {  	_ =	swait.ge [sflag:s25], $0x500;
	(pc) =	sbr.rel @!p0 .LBB2_10-.Ltmp6, $4  }
0x7d: {  	[sflag:s25] =	ssyncset.done $0x0  }
0x7e: {  	[sflag:s25] =	ssyncadd.s32 $0xFFFFFB00  }
0x7f: {  	[bflag:$0x0] =	sbarrier.arrive $0xFFFF  }
0x80: {  	[tilespmem:$0x0] =	vst v2  }
0x81: {  	[tilespmem:$0x10] =	vst v3  }
0x82: {  	[tilespmem:$0x20] =	vst v4  }
0x83: {  	[tilespmem:$0x30] =	vst v5  }
0x84: {  	[tilespmem:$0x40] =	vst v6  }
0x85: {  	[tilespmem:s24], [sflag:$0x1] =	stream.indirect.gather [spmem:s1], $0x10, s2, s23, $0xb8;
	[tilespmem:$0x7790] =	vst v63  }
0x86: {  	_ =	swait.ge [sflag:s28], $0x500  }
0x87: {  	[sflag:s28] =	ssyncset.done $0x0  }
0x88: {  	[sflag:s28] =	ssyncadd.s32 $0xFFFFFB00  }
0x89: {  	[hbm4b:s13+s2] =	stream.linear.scatter [tilespmem:s24], [sflag:$0x2], $0x2800, $0x38;
	[tilespmem:$0x7790] =	vst v63  }
0x8a: {  	_ =	swait.ge [sflag:s25], $0x2800  }
0x8b: {  	[sflag:s25] =	ssyncset.done $0x0  }
0x8c: {  	[sflag:s25] =	ssyncadd.s32 $0xFFFFD800  }
0x8d: {  	[tilespmem:$0x0] =	vst v7  }
0x8e: {  	[tilespmem:$0x10] =	vst v8  }
0x8f: {  	[tilespmem:$0x20] =	vst v9  }
0x90: {  	[tilespmem:$0x30] =	vst v10  }
0x91: {  	[tilespmem:$0x40] =	vst v11  }
0x92: {  	[tilespmem:s24], [sflag:$0x1] =	stream.indirect.gather [spmem:s1], $0x10, s2, s23, $0xb8;
	[tilespmem:$0x7790] =	vst v63  }
0x93: {  	_ =	swait.ge [sflag:s28], $0x500  }
0x94: {  	[sflag:s28] =	ssyncset.done $0x0  }
0x95: {  	[sflag:s28] =	ssyncadd.s32 $0xFFFFFB00  }
0x96: {  	[hbm4b:s14+s2] =	stream.linear.scatter [tilespmem:s24], [sflag:$0x2], $0x2800, $0x38;
	[tilespmem:$0x7790] =	vst v63  }
0x97: {  	_ =	swait.ge [sflag:s25], $0x2800  }
0x98: {  	[sflag:s25] =	ssyncset.done $0x0  }
0x99: {  	[sflag:s25] =	ssyncadd.s32 $0xFFFFD800  }
0x9a: {  	[tilespmem:$0x0] =	vst v12  }
0x9b: {  	[tilespmem:$0x10] =	vst v13  }
0x9c: {  	[tilespmem:$0x20] =	vst v14  }
0x9d: {  	[tilespmem:$0x30] =	vst v15  }
0x9e: {  	[tilespmem:$0x40] =	vst v16  }
0x9f: {  	[tilespmem:s24], [sflag:$0x1] =	stream.indirect.gather [spmem:s1], $0x10, s2, s23, $0xb8;
	[tilespmem:$0x7790] =	vst v63  }
0xa0: {  	_ =	swait.ge [sflag:s28], $0x500  }
0xa1: {  	[sflag:s28] =	ssyncset.done $0x0  }
0xa2: {  	[sflag:s28] =	ssyncadd.s32 $0xFFFFFB00  }
0xa3: {  	[hbm4b:s15+s2] =	stream.linear.scatter [tilespmem:s24], [sflag:$0x2], $0x2800, $0x38;
	[tilespmem:$0x7790] =	vst v63  }
0xa4: {  	_ =	swait.ge [sflag:s25], $0x2800  }
0xa5: {  	[sflag:s25] =	ssyncset.done $0x0  }
0xa6: {  	[sflag:s25] =	ssyncadd.s32 $0xFFFFD800  }
0xa7: {  	[tilespmem:$0x0] =	vst v17  }
0xa8: {  	[tilespmem:$0x10] =	vst v18  }
0xa9: {  	[tilespmem:$0x20] =	vst v19  }
0xaa: {  	[tilespmem:$0x30] =	vst v20  }
0xab: {  	[tilespmem:$0x40] =	vst v21  }
0xac: {  	[tilespmem:s24], [sflag:$0x1] =	stream.indirect.gather [spmem:s1], $0x10, s2, s23, $0xb8;
	[tilespmem:$0x7790] =	vst v63  }
0xad: {  	_ =	swait.ge [sflag:s28], $0x500  }
0xae: {  	[sflag:s28] =	ssyncset.done $0x0  }
0xaf: {  	[sflag:s28] =	ssyncadd.s32 $0xFFFFFB00  }
0xb0: {  	[hbm4b:s16+s2] =	stream.linear.scatter [tilespmem:s24], [sflag:$0x2], $0x2800, $0x38;
	[tilespmem:$0x7790] =	vst v63  }
0xb1: {  	_ =	swait.ge [sflag:s25], $0x2800  }
0xb2: {  	[sflag:s25] =	ssyncset.done $0x0  }
0xb3: {  	[sflag:s25] =	ssyncadd.s32 $0xFFFFD800  }
0xb4: {  	[tilespmem:$0x0] =	vst v22  }
0xb5: {  	[tilespmem:$0x10] =	vst v23  }
0xb6: {  	[tilespmem:$0x20] =	vst v24  }
0xb7: {  	[tilespmem:$0x30] =	vst v25  }
0xb8: {  	[tilespmem:$0x40] =	vst v26  }
0xb9: {  	[tilespmem:s24], [sflag:$0x1] =	stream.indirect.gather [spmem:s1], $0x10, s2, s23, $0xb8;
	[tilespmem:$0x7790] =	vst v63  }
0xba: {  	_ =	swait.ge [sflag:s28], $0x500  }
0xbb: {  	[sflag:s28] =	ssyncset.done $0x0  }
0xbc: {  	[sflag:s28] =	ssyncadd.s32 $0xFFFFFB00  }
0xbd: {  	[hbm4b:s17+s2] =	stream.linear.scatter [tilespmem:s24], [sflag:$0x2], $0x2800, $0x38;
	[tilespmem:$0x7790] =	vst v63  }
0xbe: {  	_ =	swait.ge [sflag:s25], $0x2800  }
0xbf: {  	[sflag:s25] =	ssyncset.done $0x0  }
0xc0: {  	[sflag:s25] =	ssyncadd.s32 $0xFFFFD800  }
0xc1: {  	[tilespmem:$0x0] =	vst v27  }
0xc2: {  	[tilespmem:$0x10] =	vst v28  }
0xc3: {  	[tilespmem:$0x20] =	vst v29  }
0xc4: {  	[tilespmem:$0x30] =	vst v30  }
0xc5: {  	[tilespmem:$0x40] =	vst v31  }
0xc6: {  	[tilespmem:s24], [sflag:$0x1] =	stream.indirect.gather [spmem:s1], $0x10, s2, s23, $0xb8;
	[tilespmem:$0x7790] =	vst v63  }
0xc7: {  	_ =	swait.ge [sflag:s28], $0x500  }
0xc8: {  	[sflag:s28] =	ssyncset.done $0x0  }
0xc9: {  	[sflag:s28] =	ssyncadd.s32 $0xFFFFFB00  }
0xca: {  	[hbm4b:s18+s2] =	stream.linear.scatter [tilespmem:s24], [sflag:$0x2], $0x2800, $0x38;
	[tilespmem:$0x7790] =	vst v63  }
0xcb: {  	_ =	swait.ge [sflag:s25], $0x2800  }
0xcc: {  	[sflag:s25] =	ssyncset.done $0x0  }
0xcd: {  	[sflag:s25] =	ssyncadd.s32 $0xFFFFD800  }
0xce: {  	[tilespmem:$0x0] =	vst v32  }
0xcf: {  	[tilespmem:$0x10] =	vst v33  }
0xd0: {  	[tilespmem:$0x20] =	vst v34  }
0xd1: {  	[tilespmem:$0x30] =	vst v35  }
0xd2: {  	[tilespmem:$0x40] =	vst v36  }
0xd3: {  	[tilespmem:s24], [sflag:$0x1] =	stream.indirect.gather [spmem:s1], $0x10, s2, s23, $0xb8;
	[tilespmem:$0x7790] =	vst v63  }
0xd4: {  	_ =	swait.ge [sflag:s28], $0x500  }
0xd5: {  	[sflag:s28] =	ssyncset.done $0x0  }
0xd6: {  	[sflag:s28] =	ssyncadd.s32 $0xFFFFFB00  }
0xd7: {  	[hbm4b:s19+s2] =	stream.linear.scatter [tilespmem:s24], [sflag:$0x2], $0x2800, $0x38;
	[tilespmem:$0x7790] =	vst v63  }
0xd8: {  	_ =	swait.ge [sflag:s25], $0x2800  }
0xd9: {  	[sflag:s25] =	ssyncset.done $0x0  }
0xda: {  	[sflag:s25] =	ssyncadd.s32 $0xFFFFD800  }
0xdb: {  	[tilespmem:$0x0] =	vst v37  }
0xdc: {  	[tilespmem:$0x10] =	vst v38  }
0xdd: {  	[tilespmem:$0x20] =	vst v39  }
0xde: {  	[tilespmem:$0x30] =	vst v40  }
0xdf: {  	[tilespmem:$0x40] =	vst v41  }
0xe0: {  	[tilespmem:s24], [sflag:$0x1] =	stream.indirect.gather [spmem:s1], $0x10, s2, s23, $0xb8;
	[tilespmem:$0x7790] =	vst v63  }
0xe1: {  	_ =	swait.ge [sflag:s28], $0x500  }
0xe2: {  	[sflag:s28] =	ssyncset.done $0x0  }
0xe3: {  	[sflag:s28] =	ssyncadd.s32 $0xFFFFFB00  }
0xe4: {  	[hbm4b:s20+s2] =	stream.linear.scatter [tilespmem:s24], [sflag:$0x2], $0x2000, $0x38;
	[tilespmem:$0x7790] =	vst v63  }
.Ltmp7:
0xe5: {  	_ = 	snop;
	(pc) =	sbr.rel @p1 .LBB2_13-.Ltmp7, $4  }
.Ltmp8:
0xe6: {  	_ = 	snop;
	(pc) =	sbr.rel @!p1 .LBB2_12-.Ltmp8, $4  }
0xe7: {  	_ =	swait.ge [sflag:s25], $0x2000  }
0xe8: {  	[sflag:s25] =	ssyncset.done $0x0  }
0xe9: {  	s30 =	smov.u32 s4;
	[sflag:s25] =	ssyncadd.s32 $0xFFFFE000  }
0xea: {  	_ = 	snop  }
.LBB2_10:
0xeb: {  	[tilespmem:$0x10] =	vst v3  }
0xec: {  	[tilespmem:$0x20] =	vst v4  }
0xed: {  	[tilespmem:$0x30] =	vst v5  }
0xee: {  	[tilespmem:$0x40] =	vst v6  }
0xef: {  	[tilespmem:s24], [sflag:$0x1] =	stream.indirect.gather [spmem:s1], $0x10, s2, s23, $0xb8;
	[tilespmem:$0x7790] =	vst v63  }
0xf0: {  	_ =	swait.ge [sflag:s28], $0x500  }
0xf1: {  	[sflag:s28] =	ssyncset.done $0x0  }
0xf2: {  	s0 =	rddreg [dreg:$0x3];
	[sflag:s28] =	ssyncadd.s32 $0xFFFFFB00  }
0xf3: {  	[hbm4b:s0+s2] =	stream.linear.scatter [tilespmem:s24], [sflag:$0x2], $0x2800, $0x38;
	[tilespmem:$0x7790] =	vst v63  }
0xf4: {  	_ =	swait.ge [sflag:s25], $0x2800  }
0xf5: {  	[sflag:s25] =	ssyncset.done $0x0  }
0xf6: {  	[sflag:s25] =	ssyncadd.s32 $0xFFFFD800  }
0xf7: {  	[tilespmem:$0x0] =	vst v7  }
0xf8: {  	[tilespmem:$0x10] =	vst v8  }
0xf9: {  	[tilespmem:$0x20] =	vst v9  }
0xfa: {  	[tilespmem:$0x30] =	vst v10  }
0xfb: {  	[tilespmem:$0x40] =	vst v11  }
0xfc: {  	[tilespmem:s24], [sflag:$0x1] =	stream.indirect.gather [spmem:s1], $0x10, s2, s23, $0xb8;
	[tilespmem:$0x7790] =	vst v63  }
0xfd: {  	_ =	swait.ge [sflag:s28], $0x500  }
0xfe: {  	[sflag:s28] =	ssyncset.done $0x0  }
0xff: {  	[sflag:s28] =	ssyncadd.s32 $0xFFFFFB00  }
0x100: {  	[hbm4b:s6+s2] =	stream.linear.scatter [tilespmem:s24], [sflag:$0x2], $0x2800, $0x38;
	[tilespmem:$0x7790] =	vst v63  }
0x101: {  	_ =	swait.ge [sflag:s25], $0x2800  }
0x102: {  	[sflag:s25] =	ssyncset.done $0x0  }
0x103: {  	[sflag:s25] =	ssyncadd.s32 $0xFFFFD800  }
0x104: {  	[tilespmem:$0x0] =	vst v12  }
0x105: {  	[tilespmem:$0x10] =	vst v13  }
0x106: {  	[tilespmem:$0x20] =	vst v14  }
0x107: {  	[tilespmem:$0x30] =	vst v15  }
0x108: {  	[tilespmem:$0x40] =	vst v16  }
0x109: {  	[tilespmem:s24], [sflag:$0x1] =	stream.indirect.gather [spmem:s1], $0x10, s2, s23, $0xb8;
	[tilespmem:$0x7790] =	vst v63  }
0x10a: {  	_ =	swait.ge [sflag:s28], $0x500  }
0x10b: {  	[sflag:s28] =	ssyncset.done $0x0  }
0x10c: {  	[sflag:s28] =	ssyncadd.s32 $0xFFFFFB00  }
0x10d: {  	[hbm4b:s7+s2] =	stream.linear.scatter [tilespmem:s24], [sflag:$0x2], $0x2800, $0x38;
	[tilespmem:$0x7790] =	vst v63  }
0x10e: {  	_ =	swait.ge [sflag:s25], $0x2800  }
0x10f: {  	[sflag:s25] =	ssyncset.done $0x0  }
0x110: {  	[sflag:s25] =	ssyncadd.s32 $0xFFFFD800  }
0x111: {  	[tilespmem:$0x0] =	vst v17  }
0x112: {  	[tilespmem:$0x10] =	vst v18  }
0x113: {  	[tilespmem:$0x20] =	vst v19  }
0x114: {  	[tilespmem:$0x30] =	vst v20  }
0x115: {  	[tilespmem:$0x40] =	vst v21  }
0x116: {  	[tilespmem:s24], [sflag:$0x1] =	stream.indirect.gather [spmem:s1], $0x10, s2, s23, $0xb8;
	[tilespmem:$0x7790] =	vst v63  }
0x117: {  	_ =	swait.ge [sflag:s28], $0x500  }
0x118: {  	[sflag:s28] =	ssyncset.done $0x0  }
0x119: {  	[sflag:s28] =	ssyncadd.s32 $0xFFFFFB00  }
0x11a: {  	[hbm4b:s8+s2] =	stream.linear.scatter [tilespmem:s24], [sflag:$0x2], $0x2800, $0x38;
	[tilespmem:$0x7790] =	vst v63  }
0x11b: {  	_ =	swait.ge [sflag:s25], $0x2800  }
0x11c: {  	[sflag:s25] =	ssyncset.done $0x0  }
0x11d: {  	[sflag:s25] =	ssyncadd.s32 $0xFFFFD800  }
0x11e: {  	[tilespmem:$0x0] =	vst v22  }
0x11f: {  	[tilespmem:$0x10] =	vst v23  }
0x120: {  	[tilespmem:$0x20] =	vst v24  }
0x121: {  	[tilespmem:$0x30] =	vst v25  }
0x122: {  	[tilespmem:$0x40] =	vst v26  }
0x123: {  	[tilespmem:s24], [sflag:$0x1] =	stream.indirect.gather [spmem:s1], $0x10, s2, s23, $0xb8;
	[tilespmem:$0x7790] =	vst v63  }
0x124: {  	_ =	swait.ge [sflag:s28], $0x500  }
0x125: {  	[sflag:s28] =	ssyncset.done $0x0  }
0x126: {  	[sflag:s28] =	ssyncadd.s32 $0xFFFFFB00  }
0x127: {  	[hbm4b:s9+s2] =	stream.linear.scatter [tilespmem:s24], [sflag:$0x2], $0x2800, $0x38;
	[tilespmem:$0x7790] =	vst v63  }
0x128: {  	_ =	swait.ge [sflag:s25], $0x2800  }
0x129: {  	[sflag:s25] =	ssyncset.done $0x0  }
0x12a: {  	[sflag:s25] =	ssyncadd.s32 $0xFFFFD800  }
0x12b: {  	[tilespmem:$0x0] =	vst v27  }
0x12c: {  	[tilespmem:$0x10] =	vst v28  }
0x12d: {  	[tilespmem:$0x20] =	vst v29  }
0x12e: {  	[tilespmem:$0x30] =	vst v30  }
0x12f: {  	[tilespmem:$0x40] =	vst v31  }
0x130: {  	[tilespmem:s24], [sflag:$0x1] =	stream.indirect.gather [spmem:s1], $0x10, s2, s23, $0xb8;
	[tilespmem:$0x7790] =	vst v63  }
0x131: {  	_ =	swait.ge [sflag:s28], $0x500  }
0x132: {  	[sflag:s28] =	ssyncset.done $0x0  }
0x133: {  	[sflag:s28] =	ssyncadd.s32 $0xFFFFFB00  }
0x134: {  	[hbm4b:s10+s2] =	stream.linear.scatter [tilespmem:s24], [sflag:$0x2], $0x2800, $0x38;
	[tilespmem:$0x7790] =	vst v63  }
0x135: {  	_ =	swait.ge [sflag:s25], $0x2800  }
0x136: {  	[sflag:s25] =	ssyncset.done $0x0  }
0x137: {  	[sflag:s25] =	ssyncadd.s32 $0xFFFFD800  }
0x138: {  	[tilespmem:$0x0] =	vst v32  }
0x139: {  	[tilespmem:$0x10] =	vst v33  }
0x13a: {  	[tilespmem:$0x20] =	vst v34  }
0x13b: {  	[tilespmem:$0x30] =	vst v35  }
0x13c: {  	[tilespmem:$0x40] =	vst v36  }
0x13d: {  	[tilespmem:s24], [sflag:$0x1] =	stream.indirect.gather [spmem:s1], $0x10, s2, s23, $0xb8;
	[tilespmem:$0x7790] =	vst v63  }
0x13e: {  	_ =	swait.ge [sflag:s28], $0x500  }
0x13f: {  	[sflag:s28] =	ssyncset.done $0x0  }
0x140: {  	[sflag:s28] =	ssyncadd.s32 $0xFFFFFB00  }
0x141: {  	[hbm4b:s11+s2] =	stream.linear.scatter [tilespmem:s24], [sflag:$0x2], $0x2800, $0x38;
	[tilespmem:$0x7790] =	vst v63  }
0x142: {  	_ =	swait.ge [sflag:s25], $0x2800  }
0x143: {  	[sflag:s25] =	ssyncset.done $0x0  }
0x144: {  	[sflag:s25] =	ssyncadd.s32 $0xFFFFD800  }
0x145: {  	[tilespmem:$0x0] =	vst v37  }
0x146: {  	[tilespmem:$0x10] =	vst v38  }
0x147: {  	[tilespmem:$0x20] =	vst v39  }
0x148: {  	[tilespmem:$0x30] =	vst v40  }
0x149: {  	[tilespmem:$0x40] =	vst v41  }
0x14a: {  	[tilespmem:s24], [sflag:$0x1] =	stream.indirect.gather [spmem:s1], $0x10, s2, s23, $0xb8;
	[tilespmem:$0x7790] =	vst v63  }
0x14b: {  	_ =	swait.ge [sflag:s28], $0x500  }
0x14c: {  	[sflag:s28] =	ssyncset.done $0x0  }
0x14d: {  	[sflag:s28] =	ssyncadd.s32 $0xFFFFFB00  }
0x14e: {  	[hbm4b:s12+s2] =	stream.linear.scatter [tilespmem:s24], [sflag:$0x2], $0x2000, $0x38;
	[tilespmem:$0x7790] =	vst v63  }
.Ltmp9:
0x14f: {  	_ = 	snop;
	(pc) =	sbr.rel @!p2 .LBB2_13-.Ltmp9, $4  }
.Ltmp10:
0x150: {  	_ = 	snop;
	(pc) =	sbr.rel @p2 .LBB2_12-.Ltmp10, $4  }
0x151: {  	_ =	swait.ge [sflag:s25], $0x2000  }
0x152: {  	[sflag:s25] =	ssyncset.done $0x0  }
0x153: {  	s30 =	smov.u32 s3;
	[sflag:s25] =	ssyncadd.s32 $0xFFFFE000  }
0x154: {  	_ = 	snop  }
.LBB2_14:
0x155: {  	_ =	sfence.sel $0x180000  }
0x156: {  	[bflag:$0x0] =	sbarrier.arrive $0xFFFF  }
0x157: {  	_ =	strace $0x90000047  }
0x158: {  	[bflag:$0x2] =	sbarrier.arrive $0xFFFF  }
0x159: {  	s0 =	rddreg [dreg:$0x2]  }
0x15a: {  	s0 =	sadd.s32 @!p1 $0x100000, s0  }
0x15b: {  	[sflag:s0] =	ssyncadd.tile.s32 @!p1 $0x1;
	_ =	shalt  }
.Lfunc_end2:
_tile_overlayer_lowered:
.L_overlay_start_2:
0x15c: {  	(tag) =	ssettag $0x2  }
0x15d: {  	s0 =	rddreg [dreg:$0x0];
	s2 =	stileid.u32  }
0x15e: {  	s1 =	rddreg [dreg:$0x1];
	p0 =	sne.s32 s2, $0x0  }
0x15f: {  	s3 =	rddreg [dreg:$0x2];
	[bflag:$0x3] =	sbarrier.arrive $0xFFFF;
	s2 =	simm.s32 @!p0 $0x1C02  }
0x160: {  	[timem:s3], [sflag:s2] =	dma.local @!p0 [hbm:s0], s1  }
0x161: {  	s0 =	simm.s32 @!p0 $0x2  }
0x162: {  	_ =	swait.ge @!p0 [sflag:s0], s1  }
0x163: {  	s1 =	ssub.s32 @!p0 $0x0, s1;
	[sflag:s0] =	ssyncset.done @!p0 $0x0  }
0x164: {  	[sflag:s0] =	ssyncadd.s32 @!p0 s1  }
0x165: {  	[bflag:$0x3] =	sbarrier.arrive $0xFFFF  }
0x166: {  	_ =	shalt  }

</sc_bundles>
